<compile_context>
chip_gen: v7x
topology: tpu7x:2x2x1
jax: 0.10.2.dev20260603
libtpu: 0.0.44.dev20260713+nightly
codegen_flags: <defaults>
</compile_context>

<pallas_src>
import functools

import jax
import jax.numpy as jnp
from jax import lax
from jax.experimental import pallas as pl
from jax.experimental.pallas import tpu as pltpu
from jax.experimental.pallas import tpu_sc as plsc

N = 10000
D = 128
H1, C1 = 8, 8
F1 = H1 * C1
NCLS = 7
E = 320000

NT = 10112
BLK = 1264
NW = 32
K = 64
_CPW_RAW = -(-E // (K * NW))
CPW = _CPW_RAW + (_CPW_RAW % 2)
E_PAD = CPW * K * NW
RPS = NT // 16
ROW = 128
AW = 128


def _tc1_body(x_ref, w1_ref, ms_ref, md_ref, rexp_ref, stab_ref, sinit_ref):
    x = x_ref[...]
    h = jnp.dot(x, w1_ref[...], preferred_element_type=jnp.float32)
    a_s = jnp.dot(h, ms_ref[...], preferred_element_type=jnp.float32)
    a_d = jnp.dot(h, md_ref[...], preferred_element_type=jnp.float32)
    z8 = jnp.zeros((x.shape[0], 8), jnp.float32)
    z40 = jnp.zeros((x.shape[0], 40), jnp.float32)
    stab_ref[...] = jnp.concatenate([h, a_s, z8, a_d, z40], axis=1)
    e = a_s + a_d
    ee = jnp.exp(jnp.maximum(e, 0.2 * e))
    ee64 = jnp.dot(ee, rexp_ref[...], preferred_element_type=jnp.float32)
    sinit_ref[...] = jnp.concatenate([h * ee64, ee, z8], axis=1)


def _tc1(x_pad, W1, Ms, Md, Rexp):
    return pl.pallas_call(
        _tc1_body,
        grid=(NT // BLK,),
        in_specs=[
            pl.BlockSpec((BLK, D), lambda i: (i, 0)),
            pl.BlockSpec((D, F1), lambda i: (0, 0)),
            pl.BlockSpec((F1, 8), lambda i: (0, 0)),
            pl.BlockSpec((F1, 8), lambda i: (0, 0)),
            pl.BlockSpec((8, F1), lambda i: (0, 0)),
        ],
        out_specs=[
            pl.BlockSpec((BLK, ROW), lambda i: (i, 0)),
            pl.BlockSpec((BLK, 80), lambda i: (i, 0)),
        ],
        out_shape=[
            jax.ShapeDtypeStruct((NT, ROW), jnp.float32),
            jax.ShapeDtypeStruct((NT, 80), jnp.float32),
        ],
    )(x_pad, W1, Ms, Md, Rexp)


def _make_sc_body(edge_compute, unroll):
    def body(src_hbm, dst_hbm, stab_hbm, out_hbm,
             si0, si1, di0, di1, sx0, sx1, sbuf0, dbuf0, sbuf1, dbuf1,
             obuf0, obuf1, acc,
             is0, is1, gs0, gd0, gs1, gd1, ss0, ss1):
        cid = lax.axis_index("c")
        sid = lax.axis_index("s")
        wid = sid * 2 + cid
        z16 = jnp.zeros((16,), jnp.float32)

        @plsc.parallel_loop(0, K, unroll=2)
        def zrow(e):
            for c8 in range(8):
                obuf0[e, pl.ds(c8 * 16, 16)] = z16
                obuf1[e, pl.ds(c8 * 16, 16)] = z16

        for i in range(RPS // K):
            pltpu.sync_copy(obuf0, acc.at[pl.ds(sid * RPS + i * K, K)])
        rem = RPS % K
        if rem:
            pltpu.sync_copy(obuf0.at[pl.ds(0, rem)],
                            acc.at[pl.ds(sid * RPS + (RPS // K) * K, rem)])
        plsc.subcore_barrier()

        base0 = wid * CPW * K

        def start_idx(j, si, di, isem):
            pltpu.async_copy(src_hbm.at[pl.ds(base0 + j * K, K)], si, isem)
            pltpu.async_copy(dst_hbm.at[pl.ds(base0 + j * K, K)], di, isem)

        def wait_idx(j, si, di, isem):
            pltpu.make_async_copy(
                src_hbm.at[pl.ds(base0 + j * K, K)], si, isem).wait()
            pltpu.make_async_copy(
                dst_hbm.at[pl.ds(base0 + j * K, K)], di, isem).wait()

        def start_g(si, di, sb, db, gs, gd):
            pltpu.async_copy(stab_hbm.at[si], sb, gs)
            pltpu.async_copy(stab_hbm.at[di], db, gd)

        def wait_g(si, di, sb, db, gs, gd):
            pltpu.make_async_copy(stab_hbm.at[si], sb, gs).wait()
            pltpu.make_async_copy(stab_hbm.at[di], db, gd).wait()

        def compute(sb, db, ob):
            @plsc.parallel_loop(0, K, unroll=unroll)
            def edge(e):
                edge_compute(sb, db, ob, e)

        def wait_s(ob, sx, ss):
            pltpu.make_async_copy(ob, acc.at[sx], ss).wait()

        SI = (si0, si1)
        DI = (di0, di1)
        SX = (sx0, sx1)
        SB = (sbuf0, sbuf1)
        DB = (dbuf0, dbuf1)
        OB = (obuf0, obuf1)
        IS = (is0, is1)
        GS = (gs0, gs1)
        GD = (gd0, gd1)
        SS = (ss0, ss1)

        start_idx(0, si0, di0, is0)
        wait_idx(0, si0, di0, is0)
        start_g(si0, di0, sbuf0, dbuf0, gs0, gd0)
        start_idx(1, si1, di1, is1)

        def pipe(i, carry):
            j0 = i * 2
            for b in range(2):
                c = j0 + b
                o = 1 - b

                @pl.when(c + 1 < CPW)
                def _():
                    wait_idx(c + 1, SI[o], DI[o], IS[o])
                    start_g(SI[o], DI[o], SB[o], DB[o], GS[o], GD[o])

                wait_g(SI[b], DI[b], SB[b], DB[b], GS[b], GD[b])

                @pl.when(c >= 2)
                def _():
                    wait_s(OB[b], SX[b], SS[b])

                compute(SB[b], DB[b], OB[b])
                for q in range(K // 16):
                    SX[b][pl.ds(q * 16, 16)] = DI[b][pl.ds(q * 16, 16)]
                pltpu.async_copy(OB[b], acc.at[SX[b]], SS[b], add=True)

                @pl.when(c + 2 < CPW)
                def _():
                    start_idx(c + 2, SI[b], DI[b], IS[b])

            return carry

        lax.fori_loop(0, CPW // 2, pipe, 0)
        wait_s(obuf0, sx0, ss0)
        wait_s(obuf1, sx1, ss1)
        plsc.subcore_barrier()
        pltpu.sync_copy(acc.at[pl.ds(sid * RPS, RPS)],
                        out_hbm.at[cid, pl.ds(sid * RPS, RPS)])

    return body


def _sc_call(body):
    mesh = plsc.VectorSubcoreMesh(core_axis_name="c", subcore_axis_name="s")
    return functools.partial(
        pl.kernel,
        out_type=jax.ShapeDtypeStruct((2, NT, ROW), jnp.float32),
        mesh=mesh,
        scratch_types=[
            pltpu.VMEM((K,), jnp.int32),
            pltpu.VMEM((K,), jnp.int32),
            pltpu.VMEM((K,), jnp.int32),
            pltpu.VMEM((K,), jnp.int32),
            pltpu.VMEM((K,), jnp.int32),
            pltpu.VMEM((K,), jnp.int32),
            pltpu.VMEM((K, ROW), jnp.float32),
            pltpu.VMEM((K, ROW), jnp.float32),
            pltpu.VMEM((K, ROW), jnp.float32),
            pltpu.VMEM((K, ROW), jnp.float32),
            pltpu.VMEM((K, ROW), jnp.float32),
            pltpu.VMEM((K, ROW), jnp.float32),
            pltpu.MemorySpace.VMEM_SHARED((NT, AW), jnp.float32),
            pltpu.SemaphoreType.DMA,
            pltpu.SemaphoreType.DMA,
            pltpu.SemaphoreType.DMA,
            pltpu.SemaphoreType.DMA,
            pltpu.SemaphoreType.DMA,
            pltpu.SemaphoreType.DMA,
            pltpu.SemaphoreType.DMA,
            pltpu.SemaphoreType.DMA,
        ],
    )(body)


def _edge1(lane, g01, g23, g45, g67):
    def f(sb, db, ob, e):
        s4 = sb[e, pl.ds(64, 16)]
        d4 = db[e, pl.ds(80, 16)]
        t = s4 + d4
        ee = jnp.exp(jnp.maximum(t, 0.2 * t))
        m01 = jnp.take_along_axis(ee, g01, axis=0, mode="promise_in_bounds")
        m23 = jnp.take_along_axis(ee, g23, axis=0, mode="promise_in_bounds")
        m45 = jnp.take_along_axis(ee, g45, axis=0, mode="promise_in_bounds")
        m67 = jnp.take_along_axis(ee, g67, axis=0, mode="promise_in_bounds")
        ob[e, pl.ds(0, 16)] = sb[e, pl.ds(0, 16)] * m01
        ob[e, pl.ds(16, 16)] = sb[e, pl.ds(16, 16)] * m23
        ob[e, pl.ds(32, 16)] = sb[e, pl.ds(32, 16)] * m45
        ob[e, pl.ds(48, 16)] = sb[e, pl.ds(48, 16)] * m67
        ob[e, pl.ds(64, 16)] = jnp.where(lane < 8, ee, 0.0)
    return f


def _sc1_body(src_hbm, dst_hbm, stab_hbm, out_hbm, *rest):
    lane = lax.iota(jnp.int32, 16)
    g01 = lane >> 3
    body = _make_sc_body(_edge1(lane, g01, g01 + 2, g01 + 4, g01 + 6),
                         unroll=8)
    return body(src_hbm, dst_hbm, stab_hbm, out_hbm, *rest)


def _sc1(src_p, dst_p, stab):
    return _sc_call(_sc1_body)(src_p, dst_p, stab)


def _tc2_body(acc_ref, sinit_ref, rexp_ref, w2t_ref, b1_ref,
              tab2_ref, sinit2_ref):
    a = acc_ref[0] + acc_ref[1]
    si = sinit_ref[...]
    num = a[:, 0:F1] + si[:, 0:F1]
    den = a[:, F1:F1 + 8] + si[:, F1:F1 + 8]
    dinv = 1.0 / (den + 1e-16)
    d64 = jnp.dot(dinv, rexp_ref[...], preferred_element_type=jnp.float32)
    out1 = num * d64 + b1_ref[...]
    x2 = jnp.where(out1 > 0, out1, jnp.exp(out1) - 1.0)
    t2 = jnp.dot(x2, w2t_ref[...], preferred_element_type=jnp.float32)
    tab2_ref[...] = t2
    a_s = t2[:, 7:8]
    a_d = t2[:, 8:9]
    e = a_s + a_d
    ee = jnp.exp(jnp.maximum(e, 0.2 * e))
    z = jnp.zeros((t2.shape[0], 8), jnp.float32)
    sinit2_ref[...] = jnp.concatenate([t2[:, 0:7] * ee, ee, z], axis=1)


def _tc2(acc1, sinit1, Rexp, W2tab, b1row):
    return pl.pallas_call(
        _tc2_body,
        grid=(NT // BLK,),
        in_specs=[
            pl.BlockSpec((2, BLK, ROW), lambda i: (0, i, 0)),
            pl.BlockSpec((BLK, 80), lambda i: (i, 0)),
            pl.BlockSpec((8, F1), lambda i: (0, 0)),
            pl.BlockSpec((F1, ROW), lambda i: (0, 0)),
            pl.BlockSpec((1, F1), lambda i: (0, 0)),
        ],
        out_specs=[
            pl.BlockSpec((BLK, ROW), lambda i: (i, 0)),
            pl.BlockSpec((BLK, 16), lambda i: (i, 0)),
        ],
        out_shape=[
            jax.ShapeDtypeStruct((NT, ROW), jnp.float32),
            jax.ShapeDtypeStruct((NT, 16), jnp.float32),
        ],
    )(acc1, sinit1, Rexp, W2tab, b1row)


def _edge2(lane, c7, c8v):
    def f(sb, db, ob, e):
        srow = sb[e, pl.ds(0, 16)]
        drow = db[e, pl.ds(0, 16)]
        a_s = jnp.take_along_axis(srow, c7, axis=0, mode="promise_in_bounds")
        a_d = jnp.take_along_axis(drow, c8v, axis=0, mode="promise_in_bounds")
        t = a_s + a_d
        ee = jnp.exp(jnp.maximum(t, 0.2 * t))
        o = jnp.where(lane < 7, srow * ee, jnp.where(lane == 7, ee, 0.0))
        ob[e, pl.ds(0, 16)] = o
    return f


def _sc2_body(src_hbm, dst_hbm, tab_hbm, out_hbm, *rest):
    lane = lax.iota(jnp.int32, 16)
    c7 = jnp.full((16,), 7, jnp.int32)
    c8v = jnp.full((16,), 8, jnp.int32)
    body = _make_sc_body(_edge2(lane, c7, c8v), unroll=8)
    return body(src_hbm, dst_hbm, tab_hbm, out_hbm, *rest)


def _sc2(src_p, dst_p, tab2):
    return _sc_call(_sc2_body)(src_p, dst_p, tab2)


def _tc3_body(acc_ref, sinit_ref, b2_ref, out_ref):
    a = acc_ref[0] + acc_ref[1]
    si = sinit_ref[...]
    num = a[:, 0:NCLS] + si[:, 0:NCLS]
    den = a[:, NCLS:NCLS + 1] + si[:, NCLS:NCLS + 1]
    logits = num / (den + 1e-16) + b2_ref[...]
    m = jnp.max(logits, axis=1, keepdims=True)
    s = logits - m
    lse = jnp.log(jnp.sum(jnp.exp(s), axis=1, keepdims=True))
    out_ref[...] = jnp.concatenate(
        [s - lse, jnp.zeros((a.shape[0], 1), jnp.float32)], axis=1)


def _tc3(acc2, sinit2, b2row):
    return pl.pallas_call(
        _tc3_body,
        grid=(NT // BLK,),
        in_specs=[
            pl.BlockSpec((2, BLK, ROW), lambda i: (0, i, 0)),
            pl.BlockSpec((BLK, 16), lambda i: (i, 0)),
            pl.BlockSpec((1, NCLS), lambda i: (0, 0)),
        ],
        out_specs=pl.BlockSpec((BLK, 8), lambda i: (i, 0)),
        out_shape=jax.ShapeDtypeStruct((NT, 8), jnp.float32),
    )(acc2, sinit2, b2row)


def kernel(x, edge_index, W1, a_src1, a_dst1, b1, W2, a_src2, a_dst2, b2):
    f32 = jnp.float32
    x_pad = jnp.concatenate([x, jnp.zeros((NT - N, D), f32)], axis=0)

    eye8 = jnp.eye(8, dtype=f32)
    Rexp = jnp.kron(eye8, jnp.ones((1, 8), f32))
    Ms = Rexp.T * a_src1.reshape(F1, 1)
    Md = Rexp.T * a_dst1.reshape(F1, 1)

    w2s = W2 @ a_src2.reshape(NCLS, 1)
    w2d = W2 @ a_dst2.reshape(NCLS, 1)
    W2tab = jnp.concatenate(
        [W2, w2s, w2d, jnp.zeros((F1, ROW - 9), f32)], axis=1)

    src = edge_index[0].astype(jnp.int32)
    dst = edge_index[1].astype(jnp.int32)
    pad_idx = N + (jnp.arange(E_PAD - E, dtype=jnp.int32) % 16)
    src_p = jnp.concatenate([src, pad_idx])
    dst_p = jnp.concatenate([dst, pad_idx])
    src_p, dst_p = jax.lax.optimization_barrier((src_p, dst_p))

    b1row = b1.reshape(1, F1)
    b2row = b2.reshape(1, NCLS)

    stab, sinit1 = _tc1(x_pad, W1, Ms, Md, Rexp)
    acc1 = _sc1(src_p, dst_p, stab)
    tab2, sinit2 = _tc2(acc1, sinit1, Rexp, W2tab, b1row)
    acc2 = _sc2(src_p, dst_p, tab2)
    out = _tc3(acc2, sinit2, b2row)
    return out[:N, :NCLS]

# --- scband reference (transcript-rebuilt; emitter-appended) ---
"""Pipeline reference for scband-net-21646635172365 (READ-ONLY COPY).

The authoritative reference and input builder live on the scoring server;
editing this copy changes nothing except your own understanding.
"""

import jax, jax.numpy as jnp
import numpy as np

N = 10000
E = 320000
D = 128
H1, C1 = 8, 8
NUM_CLASSES = 7


def setup_inputs(seed: int = 0):
    key = jax.random.key(seed)
    ks = jax.random.split(key, 12)
    x = jax.random.normal(ks[0], (N, D), dtype=jnp.float32)
    edge_index = jax.random.randint(ks[1], (2, E), 0, N)
    W1 = jax.random.normal(ks[2], (D, H1 * C1), dtype=jnp.float32) * (1.0 / np.sqrt(D))
    a_src1 = jax.random.normal(ks[3], (1, H1, C1), dtype=jnp.float32) * 0.1
    a_dst1 = jax.random.normal(ks[4], (1, H1, C1), dtype=jnp.float32) * 0.1
    b1 = jnp.zeros((H1 * C1,), dtype=jnp.float32)
    W2 = jax.random.normal(ks[5], (H1 * C1, NUM_CLASSES), dtype=jnp.float32) * (1.0 / np.sqrt(H1 * C1))
    a_src2 = jax.random.normal(ks[6], (1, 1, NUM_CLASSES), dtype=jnp.float32) * 0.1
    a_dst2 = jax.random.normal(ks[7], (1, 1, NUM_CLASSES), dtype=jnp.float32) * 0.1
    b2 = jnp.zeros((NUM_CLASSES,), dtype=jnp.float32)
    return {"x": x, "edge_index": edge_index, "W1": W1, "a_src1": a_src1,
            "a_dst1": a_dst1, "b1": b1, "W2": W2, "a_src2": a_src2,
            "a_dst2": a_dst2, "b2": b2}


def gat_conv(x, src, dst, W, a_src, a_dst, bias, H, C):
    n = x.shape[0]
    h = (x @ W).reshape(n, H, C)
    alpha_s = jnp.sum(h * a_src, axis=-1)  # [N, H]
    alpha_d = jnp.sum(h * a_dst, axis=-1)  # [N, H]
    e = alpha_s[src] + alpha_d[dst]        # [E', H] gather
    e = jax.nn.leaky_relu(e, negative_slope=0.2)
    e_max = jax.lax.stop_gradient(jax.ops.segment_max(e, dst, num_segments=n))
    e_exp = jnp.exp(e - e_max[dst])
    denom = jax.ops.segment_sum(e_exp, dst, num_segments=n)
    alpha = e_exp / (denom[dst] + 1e-16)   # per-dst softmax over incoming edges
    msg = h[src] * alpha[:, :, None]       # gather + weight
    out = jax.ops.segment_sum(msg, dst, num_segments=n)  # scatter-add
    return out.reshape(n, H * C) + bias


def reference(x, edge_index, W1, a_src1, a_dst1, b1, W2, a_src2, a_dst2, b2):
    n = x.shape[0]
    # GATConv default add_self_loops=True
    loop = jnp.arange(n, dtype=edge_index.dtype)
    src = jnp.concatenate([edge_index[0], loop])
    dst = jnp.concatenate([edge_index[1], loop])
    # dropout layers are identity in eval mode (training=False)
    h = gat_conv(x, src, dst, W1, a_src1, a_dst1, b1, H1, C1)
    h = jax.nn.elu(h)
    h = gat_conv(h, src, dst, W2, a_src2, a_dst2, b2, 1, NUM_CLASSES)
    return jax.nn.log_softmax(h, axis=1)

if __name__ == "__main__":
    import jax
    _d = setup_inputs()
    print(jax.jit(kernel)(*tuple(_d.values())))

</pallas_src>

<mosaic_0001>
#map = affine_map<(d0, d1) -> (0)>
#map1 = affine_map<(d0, d1) -> (0, 0)>
#map2 = affine_map<(d0, d1) -> (0, 0, 0)>
module attributes {stable_mosaic.version = 14 : i64} {
  func.func @_sc2_body(%arg0: i32, %arg1: i32, %arg2: memref<323584xi32, #tpu.memory_space<hbm>>, %arg3: memref<323584xi32, #tpu.memory_space<hbm>>, %arg4: memref<10112x128xf32, #tpu.memory_space<hbm>>, %arg5: memref<2x10112x128xf32, #tpu.memory_space<hbm>>, %arg6: memref<64xi32, #tpu.memory_space<vmem>>, %arg7: memref<64xi32, #tpu.memory_space<vmem>>, %arg8: memref<64xi32, #tpu.memory_space<vmem>>, %arg9: memref<64xi32, #tpu.memory_space<vmem>>, %arg10: memref<64xi32, #tpu.memory_space<vmem>>, %arg11: memref<64xi32, #tpu.memory_space<vmem>>, %arg12: memref<64x128xf32, #tpu.memory_space<vmem>>, %arg13: memref<64x128xf32, #tpu.memory_space<vmem>>, %arg14: memref<64x128xf32, #tpu.memory_space<vmem>>, %arg15: memref<64x128xf32, #tpu.memory_space<vmem>>, %arg16: memref<64x128xf32, #tpu.memory_space<vmem>>, %arg17: memref<64x128xf32, #tpu.memory_space<vmem>>, %arg18: memref<10112x128xf32, #tpu.memory_space<vmem_shared>>, %arg19: memref<!tpu.dma_semaphore, #tpu.memory_space<semaphore_mem>>, %arg20: memref<!tpu.dma_semaphore, #tpu.memory_space<semaphore_mem>>, %arg21: memref<!tpu.dma_semaphore, #tpu.memory_space<semaphore_mem>>, %arg22: memref<!tpu.dma_semaphore, #tpu.memory_space<semaphore_mem>>, %arg23: memref<!tpu.dma_semaphore, #tpu.memory_space<semaphore_mem>>, %arg24: memref<!tpu.dma_semaphore, #tpu.memory_space<semaphore_mem>>, %arg25: memref<!tpu.dma_semaphore, #tpu.memory_space<semaphore_mem>>, %arg26: memref<!tpu.dma_semaphore, #tpu.memory_space<semaphore_mem>>) attributes {dimension_semantics = [#tpu.dimension_semantics<core_parallel>, #tpu.dimension_semantics<subcore_parallel>], iteration_bounds = array<i64: 2, 16>, scalar_prefetch = 0 : i64, scratch_operands = 21 : i64, tpu.core_type = #tpu.core_type<sc_vector_subcore>, window_params = [{transform_indices = #map}, {transform_indices = #map}, {transform_indices = #map1}, {transform_indices = #map2}]} {
    %iota3A = tpu.iota {dimensions = array<i32: 0>} : vector<16xi32>
    %broadcast_in_dim3A = arith.constant 7 : i32
    %broadcast_in_dim3A_0 = vector.broadcast %broadcast_in_dim3A : i32 to vector<16xi32>
    %broadcast_in_dim3A_1 = arith.constant 8 : i32
    %broadcast_in_dim3A_2 = vector.broadcast %broadcast_in_dim3A_1 : i32 to vector<16xi32>
    %mul3A = arith.constant 2 : i32
    %mul3A_3 = arith.muli %arg1, %mul3A : i32
    %add3A = arith.addi %mul3A_3, %arg0 : i32
    %broadcast_in_dim3A_4 = arith.constant 0.000000e+00 : f32
    %broadcast_in_dim3A_5 = vector.broadcast %broadcast_in_dim3A_4 : f32 to vector<16xf32>
    %parallel_loop3A = arith.constant 0 : i32
    %parallel_loop3A_6 = arith.constant 64 : i32
    %parallel_loop3A_7 = arith.constant 1 : i32
    scf.for %parallel_loop3A_96 = %parallel_loop3A to %parallel_loop3A_6 step %parallel_loop3A_7  : i32 {
      %parallel_loop3A_97 = arith.index_cast %parallel_loop3A_96 : i32 to index
      %parallel_loop3A_98 = arith.constant 0 : index
      %parallel_loop3A_99 = tpu.vector_load %arg16[%parallel_loop3A_97, %parallel_loop3A_98] {strides = array<i32>} : memref<64x128xf32, #tpu.memory_space<vmem>>, vector<1x16xf32>,
      %parallel_loop3A_100 = vector.shape_cast %parallel_loop3A_99 : vector<1x16xf32> to vector<16xf32>
      %parallel_loop3A_101 = vector.shape_cast %broadcast_in_dim3A_5 : vector<16xf32> to vector<1x16xf32>
      tpu.vector_store %arg16[%parallel_loop3A_97, %parallel_loop3A_98], %parallel_loop3A_101 {strides = array<i32>} : memref<64x128xf32, #tpu.memory_space<vmem>>, vector<1x16xf32>,
      %parallel_loop3A_102 = arith.index_cast %parallel_loop3A_96 : i32 to index
      %parallel_loop3A_103 = arith.constant 0 : index
      %parallel_loop3A_104 = tpu.vector_load %arg17[%parallel_loop3A_102, %parallel_loop3A_103] {strides = array<i32>} : memref<64x128xf32, #tpu.memory_space<vmem>>, vector<1x16xf32>,
      %parallel_loop3A_105 = vector.shape_cast %parallel_loop3A_104 : vector<1x16xf32> to vector<16xf32>
      %parallel_loop3A_106 = vector.shape_cast %broadcast_in_dim3A_5 : vector<16xf32> to vector<1x16xf32>
      tpu.vector_store %arg17[%parallel_loop3A_102, %parallel_loop3A_103], %parallel_loop3A_106 {strides = array<i32>} : memref<64x128xf32, #tpu.memory_space<vmem>>, vector<1x16xf32>,
      %parallel_loop3A_107 = arith.index_cast %parallel_loop3A_96 : i32 to index
      %parallel_loop3A_108 = arith.constant 16 : index
      %parallel_loop3A_109 = tpu.vector_load %arg16[%parallel_loop3A_107, %parallel_loop3A_108] {strides = array<i32>} : memref<64x128xf32, #tpu.memory_space<vmem>>, vector<1x16xf32>,
      %parallel_loop3A_110 = vector.shape_cast %parallel_loop3A_109 : vector<1x16xf32> to vector<16xf32>
      %parallel_loop3A_111 = vector.shape_cast %broadcast_in_dim3A_5 : vector<16xf32> to vector<1x16xf32>
      tpu.vector_store %arg16[%parallel_loop3A_107, %parallel_loop3A_108], %parallel_loop3A_111 {strides = array<i32>} : memref<64x128xf32, #tpu.memory_space<vmem>>, vector<1x16xf32>,
      %parallel_loop3A_112 = arith.index_cast %parallel_loop3A_96 : i32 to index
      %parallel_loop3A_113 = arith.constant 16 : index
      %parallel_loop3A_114 = tpu.vector_load %arg17[%parallel_loop3A_112, %parallel_loop3A_113] {strides = array<i32>} : memref<64x128xf32, #tpu.memory_space<vmem>>, vector<1x16xf32>,
      %parallel_loop3A_115 = vector.shape_cast %parallel_loop3A_114 : vector<1x16xf32> to vector<16xf32>
      %parallel_loop3A_116 = vector.shape_cast %broadcast_in_dim3A_5 : vector<16xf32> to vector<1x16xf32>
      tpu.vector_store %arg17[%parallel_loop3A_112, %parallel_loop3A_113], %parallel_loop3A_116 {strides = array<i32>} : memref<64x128xf32, #tpu.memory_space<vmem>>, vector<1x16xf32>,
      %parallel_loop3A_117 = arith.index_cast %parallel_loop3A_96 : i32 to index
      %parallel_loop3A_118 = arith.constant 32 : index
      %parallel_loop3A_119 = tpu.vector_load %arg16[%parallel_loop3A_117, %parallel_loop3A_118] {strides = array<i32>} : memref<64x128xf32, #tpu.memory_space<vmem>>, vector<1x16xf32>,
      %parallel_loop3A_120 = vector.shape_cast %parallel_loop3A_119 : vector<1x16xf32> to vector<16xf32>
      %parallel_loop3A_121 = vector.shape_cast %broadcast_in_dim3A_5 : vector<16xf32> to vector<1x16xf32>
      tpu.vector_store %arg16[%parallel_loop3A_117, %parallel_loop3A_118], %parallel_loop3A_121 {strides = array<i32>} : memref<64x128xf32, #tpu.memory_space<vmem>>, vector<1x16xf32>,
      %parallel_loop3A_122 = arith.index_cast %parallel_loop3A_96 : i32 to index
      %parallel_loop3A_123 = arith.constant 32 : index
      %parallel_loop3A_124 = tpu.vector_load %arg17[%parallel_loop3A_122, %parallel_loop3A_123] {strides = array<i32>} : memref<64x128xf32, #tpu.memory_space<vmem>>, vector<1x16xf32>,
      %parallel_loop3A_125 = vector.shape_cast %parallel_loop3A_124 : vector<1x16xf32> to vector<16xf32>
      %parallel_loop3A_126 = vector.shape_cast %broadcast_in_dim3A_5 : vector<16xf32> to vector<1x16xf32>
      tpu.vector_store %arg17[%parallel_loop3A_122, %parallel_loop3A_123], %parallel_loop3A_126 {strides = array<i32>} : memref<64x128xf32, #tpu.memory_space<vmem>>, vector<1x16xf32>,
      %parallel_loop3A_127 = arith.index_cast %parallel_loop3A_96 : i32 to index
      %parallel_loop3A_128 = arith.constant 48 : index
      %parallel_loop3A_129 = tpu.vector_load %arg16[%parallel_loop3A_127, %parallel_loop3A_128] {strides = array<i32>} : memref<64x128xf32, #tpu.memory_space<vmem>>, vector<1x16xf32>,
      %parallel_loop3A_130 = vector.shape_cast %parallel_loop3A_129 : vector<1x16xf32> to vector<16xf32>
      %parallel_loop3A_131 = vector.shape_cast %broadcast_in_dim3A_5 : vector<16xf32> to vector<1x16xf32>
      tpu.vector_store %arg16[%parallel_loop3A_127, %parallel_loop3A_128], %parallel_loop3A_131 {strides = array<i32>} : memref<64x128xf32, #tpu.memory_space<vmem>>, vector<1x16xf32>,
      %parallel_loop3A_132 = arith.index_cast %parallel_loop3A_96 : i32 to index
      %parallel_loop3A_133 = arith.constant 48 : index
      %parallel_loop3A_134 = tpu.vector_load %arg17[%parallel_loop3A_132, %parallel_loop3A_133] {strides = array<i32>} : memref<64x128xf32, #tpu.memory_space<vmem>>, vector<1x16xf32>,
      %parallel_loop3A_135 = vector.shape_cast %parallel_loop3A_134 : vector<1x16xf32> to vector<16xf32>
      %parallel_loop3A_136 = vector.shape_cast %broadcast_in_dim3A_5 : vector<16xf32> to vector<1x16xf32>
      tpu.vector_store %arg17[%parallel_loop3A_132, %parallel_loop3A_133], %parallel_loop3A_136 {strides = array<i32>} : memref<64x128xf32, #tpu.memory_space<vmem>>, vector<1x16xf32>,
      %parallel_loop3A_137 = arith.index_cast %parallel_loop3A_96 : i32 to index
      %parallel_loop3A_138 = arith.constant 64 : index
      %parallel_loop3A_139 = tpu.vector_load %arg16[%parallel_loop3A_137, %parallel_loop3A_138] {strides = array<i32>} : memref<64x128xf32, #tpu.memory_space<vmem>>, vector<1x16xf32>,
      %parallel_loop3A_140 = vector.shape_cast %parallel_loop3A_139 : vector<1x16xf32> to vector<16xf32>
      %parallel_loop3A_141 = vector.shape_cast %broadcast_in_dim3A_5 : vector<16xf32> to vector<1x16xf32>
      tpu.vector_store %arg16[%parallel_loop3A_137, %parallel_loop3A_138], %parallel_loop3A_141 {strides = array<i32>} : memref<64x128xf32, #tpu.memory_space<vmem>>, vector<1x16xf32>,
      %parallel_loop3A_142 = arith.index_cast %parallel_loop3A_96 : i32 to index
      %parallel_loop3A_143 = arith.constant 64 : index
      %parallel_loop3A_144 = tpu.vector_load %arg17[%parallel_loop3A_142, %parallel_loop3A_143] {strides = array<i32>} : memref<64x128xf32, #tpu.memory_space<vmem>>, vector<1x16xf32>,
      %parallel_loop3A_145 = vector.shape_cast %parallel_loop3A_144 : vector<1x16xf32> to vector<16xf32>
      %parallel_loop3A_146 = vector.shape_cast %broadcast_in_dim3A_5 : vector<16xf32> to vector<1x16xf32>
      tpu.vector_store %arg17[%parallel_loop3A_142, %parallel_loop3A_143], %parallel_loop3A_146 {strides = array<i32>} : memref<64x128xf32, #tpu.memory_space<vmem>>, vector<1x16xf32>,
      %parallel_loop3A_147 = arith.index_cast %parallel_loop3A_96 : i32 to index
      %parallel_loop3A_148 = arith.constant 80 : index
      %parallel_loop3A_149 = tpu.vector_load %arg16[%parallel_loop3A_147, %parallel_loop3A_148] {strides = array<i32>} : memref<64x128xf32, #tpu.memory_space<vmem>>, vector<1x16xf32>,
      %parallel_loop3A_150 = vector.shape_cast %parallel_loop3A_149 : vector<1x16xf32> to vector<16xf32>
      %parallel_loop3A_151 = vector.shape_cast %broadcast_in_dim3A_5 : vector<16xf32> to vector<1x16xf32>
      tpu.vector_store %arg16[%parallel_loop3A_147, %parallel_loop3A_148], %parallel_loop3A_151 {strides = array<i32>} : memref<64x128xf32, #tpu.memory_space<vmem>>, vector<1x16xf32>,
      %parallel_loop3A_152 = arith.index_cast %parallel_loop3A_96 : i32 to index
      %parallel_loop3A_153 = arith.constant 80 : index
      %parallel_loop3A_154 = tpu.vector_load %arg17[%parallel_loop3A_152, %parallel_loop3A_153] {strides = array<i32>} : memref<64x128xf32, #tpu.memory_space<vmem>>, vector<1x16xf32>,
      %parallel_loop3A_155 = vector.shape_cast %parallel_loop3A_154 : vector<1x16xf32> to vector<16xf32>
      %parallel_loop3A_156 = vector.shape_cast %broadcast_in_dim3A_5 : vector<16xf32> to vector<1x16xf32>
      tpu.vector_store %arg17[%parallel_loop3A_152, %parallel_loop3A_153], %parallel_loop3A_156 {strides = array<i32>} : memref<64x128xf32, #tpu.memory_space<vmem>>, vector<1x16xf32>,
      %parallel_loop3A_157 = arith.index_cast %parallel_loop3A_96 : i32 to index
      %parallel_loop3A_158 = arith.constant 96 : index
      %parallel_loop3A_159 = tpu.vector_load %arg16[%parallel_loop3A_157, %parallel_loop3A_158] {strides = array<i32>} : memref<64x128xf32, #tpu.memory_space<vmem>>, vector<1x16xf32>,
      %parallel_loop3A_160 = vector.shape_cast %parallel_loop3A_159 : vector<1x16xf32> to vector<16xf32>
      %parallel_loop3A_161 = vector.shape_cast %broadcast_in_dim3A_5 : vector<16xf32> to vector<1x16xf32>
      tpu.vector_store %arg16[%parallel_loop3A_157, %parallel_loop3A_158], %parallel_loop3A_161 {strides = array<i32>} : memref<64x128xf32, #tpu.memory_space<vmem>>, vector<1x16xf32>,
      %parallel_loop3A_162 = arith.index_cast %parallel_loop3A_96 : i32 to index
      %parallel_loop3A_163 = arith.constant 96 : index
      %parallel_loop3A_164 = tpu.vector_load %arg17[%parallel_loop3A_162, %parallel_loop3A_163] {strides = array<i32>} : memref<64x128xf32, #tpu.memory_space<vmem>>, vector<1x16xf32>,
      %parallel_loop3A_165 = vector.shape_cast %parallel_loop3A_164 : vector<1x16xf32> to vector<16xf32>
      %parallel_loop3A_166 = vector.shape_cast %broadcast_in_dim3A_5 : vector<16xf32> to vector<1x16xf32>
      tpu.vector_store %arg17[%parallel_loop3A_162, %parallel_loop3A_163], %parallel_loop3A_166 {strides = array<i32>} : memref<64x128xf32, #tpu.memory_space<vmem>>, vector<1x16xf32>,
      %parallel_loop3A_167 = arith.index_cast %parallel_loop3A_96 : i32 to index
      %parallel_loop3A_168 = arith.constant 112 : index
      %parallel_loop3A_169 = tpu.vector_load %arg16[%parallel_loop3A_167, %parallel_loop3A_168] {strides = array<i32>} : memref<64x128xf32, #tpu.memory_space<vmem>>, vector<1x16xf32>,
      %parallel_loop3A_170 = vector.shape_cast %parallel_loop3A_169 : vector<1x16xf32> to vector<16xf32>
      %parallel_loop3A_171 = vector.shape_cast %broadcast_in_dim3A_5 : vector<16xf32> to vector<1x16xf32>
      tpu.vector_store %arg16[%parallel_loop3A_167, %parallel_loop3A_168], %parallel_loop3A_171 {strides = array<i32>} : memref<64x128xf32, #tpu.memory_space<vmem>>, vector<1x16xf32>,
      %parallel_loop3A_172 = arith.index_cast %parallel_loop3A_96 : i32 to index
      %parallel_loop3A_173 = arith.constant 112 : index
      %parallel_loop3A_174 = tpu.vector_load %arg17[%parallel_loop3A_172, %parallel_loop3A_173] {strides = array<i32>} : memref<64x128xf32, #tpu.memory_space<vmem>>, vector<1x16xf32>,
      %parallel_loop3A_175 = vector.shape_cast %parallel_loop3A_174 : vector<1x16xf32> to vector<16xf32>
      %parallel_loop3A_176 = vector.shape_cast %broadcast_in_dim3A_5 : vector<16xf32> to vector<1x16xf32>
      tpu.vector_store %arg17[%parallel_loop3A_172, %parallel_loop3A_173], %parallel_loop3A_176 {strides = array<i32>} : memref<64x128xf32, #tpu.memory_space<vmem>>, vector<1x16xf32>,
    } {sc.loop_unroll_factor = 2 : i64, sc.parallel_access}
    %mul3A_8 = arith.constant 632 : i32
    %mul3A_9 = arith.muli %arg1, %mul3A_8 : i32
    %add3A_10 = arith.constant 0 : i32
    %add3A_11 = arith.addi %mul3A_9, %add3A_10 : i32
    "tpu.region"() ({
      %run_scoped3A = tpu.sem_alloc : memref<!tpu.dma_semaphore, #tpu.memory_space<semaphore_mem>>
      %dma_start3A_96 = arith.constant 0 : i32
      %dma_start3A_97 = tpu.memref_slice %arg18[%add3A_11, %dma_start3A_96] : memref<10112x128xf32, #tpu.memory_space<vmem_shared>> -> memref<64x128xf32, #tpu.memory_space<vmem_shared>>
      %dma_start3A_98 = arith.constant 0 : i32
      %dma_start3A_99 = tpu.memref_slice %arg18[%add3A_11, %dma_start3A_98] : memref<10112x128xf32, #tpu.memory_space<vmem_shared>> -> memref<64x128xf32, #tpu.memory_space<vmem_shared>>
      tpu.enqueue_dma source(%arg16 : memref<64x128xf32, #tpu.memory_space<vmem>>) target(%dma_start3A_99 : memref<64x128xf32, #tpu.memory_space<vmem_shared>>) target_semaphore(%run_scoped3A : memref<!tpu.dma_semaphore, #tpu.memory_space<semaphore_mem>>)
      %dma_wait3A_100 = arith.constant 0 : i32
      %dma_wait3A_101 = tpu.memref_slice %arg18[%add3A_11, %dma_wait3A_100] : memref<10112x128xf32, #tpu.memory_space<vmem_shared>> -> memref<64x128xf32, #tpu.memory_space<vmem_shared>>
      %dma_wait3A_102 = arith.constant 0 : i32
      %dma_wait3A_103 = tpu.memref_slice %arg18[%add3A_11, %dma_wait3A_102] : memref<10112x128xf32, #tpu.memory_space<vmem_shared>> -> memref<64x128xf32, #tpu.memory_space<vmem_shared>>
      tpu.wait_dma2 semaphore(%run_scoped3A : memref<!tpu.dma_semaphore, #tpu.memory_space<semaphore_mem>>) src(%arg16 : memref<64x128xf32, #tpu.memory_space<vmem>>) dst(%dma_wait3A_103 : memref<64x128xf32, #tpu.memory_space<vmem_shared>>)
      tpu.yield
    }) : () -> ()
    %mul3A_12 = arith.constant 632 : i32
    %mul3A_13 = arith.muli %arg1, %mul3A_12 : i32
    %add3A_14 = arith.constant 64 : i32
    %add3A_15 = arith.addi %mul3A_13, %add3A_14 : i32
    "tpu.region"() ({
      %run_scoped3A = tpu.sem_alloc : memref<!tpu.dma_semaphore, #tpu.memory_space<semaphore_mem>>
      %dma_start3A_96 = arith.constant 0 : i32
      %dma_start3A_97 = tpu.memref_slice %arg18[%add3A_15, %dma_start3A_96] : memref<10112x128xf32, #tpu.memory_space<vmem_shared>> -> memref<64x128xf32, #tpu.memory_space<vmem_shared>>
      %dma_start3A_98 = arith.constant 0 : i32
      %dma_start3A_99 = tpu.memref_slice %arg18[%add3A_15, %dma_start3A_98] : memref<10112x128xf32, #tpu.memory_space<vmem_shared>> -> memref<64x128xf32, #tpu.memory_space<vmem_shared>>
      tpu.enqueue_dma source(%arg16 : memref<64x128xf32, #tpu.memory_space<vmem>>) target(%dma_start3A_99 : memref<64x128xf32, #tpu.memory_space<vmem_shared>>) target_semaphore(%run_scoped3A : memref<!tpu.dma_semaphore, #tpu.memory_space<semaphore_mem>>)
      %dma_wait3A_100 = arith.constant 0 : i32
      %dma_wait3A_101 = tpu.memref_slice %arg18[%add3A_15, %dma_wait3A_100] : memref<10112x128xf32, #tpu.memory_space<vmem_shared>> -> memref<64x128xf32, #tpu.memory_space<vmem_shared>>
      %dma_wait3A_102 = arith.constant 0 : i32
      %dma_wait3A_103 = tpu.memref_slice %arg18[%add3A_15, %dma_wait3A_102] : memref<10112x128xf32, #tpu.memory_space<vmem_shared>> -> memref<64x128xf32, #tpu.memory_space<vmem_shared>>
      tpu.wait_dma2 semaphore(%run_scoped3A : memref<!tpu.dma_semaphore, #tpu.memory_space<semaphore_mem>>) src(%arg16 : memref<64x128xf32, #tpu.memory_space<vmem>>) dst(%dma_wait3A_103 : memref<64x128xf32, #tpu.memory_space<vmem_shared>>)
      tpu.yield
    }) : () -> ()
    %mul3A_16 = arith.constant 632 : i32
    %mul3A_17 = arith.muli %arg1, %mul3A_16 : i32
    %add3A_18 = arith.constant 128 : i32
    %add3A_19 = arith.addi %mul3A_17, %add3A_18 : i32
    "tpu.region"() ({
      %run_scoped3A = tpu.sem_alloc : memref<!tpu.dma_semaphore, #tpu.memory_space<semaphore_mem>>
      %dma_start3A_96 = arith.constant 0 : i32
      %dma_start3A_97 = tpu.memref_slice %arg18[%add3A_19, %dma_start3A_96] : memref<10112x128xf32, #tpu.memory_space<vmem_shared>> -> memref<64x128xf32, #tpu.memory_space<vmem_shared>>
      %dma_start3A_98 = arith.constant 0 : i32
      %dma_start3A_99 = tpu.memref_slice %arg18[%add3A_19, %dma_start3A_98] : memref<10112x128xf32, #tpu.memory_space<vmem_shared>> -> memref<64x128xf32, #tpu.memory_space<vmem_shared>>
      tpu.enqueue_dma source(%arg16 : memref<64x128xf32, #tpu.memory_space<vmem>>) target(%dma_start3A_99 : memref<64x128xf32, #tpu.memory_space<vmem_shared>>) target_semaphore(%run_scoped3A : memref<!tpu.dma_semaphore, #tpu.memory_space<semaphore_mem>>)
      %dma_wait3A_100 = arith.constant 0 : i32
      %dma_wait3A_101 = tpu.memref_slice %arg18[%add3A_19, %dma_wait3A_100] : memref<10112x128xf32, #tpu.memory_space<vmem_shared>> -> memref<64x128xf32, #tpu.memory_space<vmem_shared>>
      %dma_wait3A_102 = arith.constant 0 : i32
      %dma_wait3A_103 = tpu.memref_slice %arg18[%add3A_19, %dma_wait3A_102] : memref<10112x128xf32, #tpu.memory_space<vmem_shared>> -> memref<64x128xf32, #tpu.memory_space<vmem_shared>>
      tpu.wait_dma2 semaphore(%run_scoped3A : memref<!tpu.dma_semaphore, #tpu.memory_space<semaphore_mem>>) src(%arg16 : memref<64x128xf32, #tpu.memory_space<vmem>>) dst(%dma_wait3A_103 : memref<64x128xf32, #tpu.memory_space<vmem_shared>>)
      tpu.yield
    }) : () -> ()
    %mul3A_20 = arith.constant 632 : i32
    %mul3A_21 = arith.muli %arg1, %mul3A_20 : i32
    %add3A_22 = arith.constant 192 : i32
    %add3A_23 = arith.addi %mul3A_21, %add3A_22 : i32
    "tpu.region"() ({
      %run_scoped3A = tpu.sem_alloc : memref<!tpu.dma_semaphore, #tpu.memory_space<semaphore_mem>>
      %dma_start3A_96 = arith.constant 0 : i32
      %dma_start3A_97 = tpu.memref_slice %arg18[%add3A_23, %dma_start3A_96] : memref<10112x128xf32, #tpu.memory_space<vmem_shared>> -> memref<64x128xf32, #tpu.memory_space<vmem_shared>>
      %dma_start3A_98 = arith.constant 0 : i32
      %dma_start3A_99 = tpu.memref_slice %arg18[%add3A_23, %dma_start3A_98] : memref<10112x128xf32, #tpu.memory_space<vmem_shared>> -> memref<64x128xf32, #tpu.memory_space<vmem_shared>>
      tpu.enqueue_dma source(%arg16 : memref<64x128xf32, #tpu.memory_space<vmem>>) target(%dma_start3A_99 : memref<64x128xf32, #tpu.memory_space<vmem_shared>>) target_semaphore(%run_scoped3A : memref<!tpu.dma_semaphore, #tpu.memory_space<semaphore_mem>>)
      %dma_wait3A_100 = arith.constant 0 : i32
      %dma_wait3A_101 = tpu.memref_slice %arg18[%add3A_23, %dma_wait3A_100] : memref<10112x128xf32, #tpu.memory_space<vmem_shared>> -> memref<64x128xf32, #tpu.memory_space<vmem_shared>>
      %dma_wait3A_102 = arith.constant 0 : i32
      %dma_wait3A_103 = tpu.memref_slice %arg18[%add3A_23, %dma_wait3A_102] : memref<10112x128xf32, #tpu.memory_space<vmem_shared>> -> memref<64x128xf32, #tpu.memory_space<vmem_shared>>
      tpu.wait_dma2 semaphore(%run_scoped3A : memref<!tpu.dma_semaphore, #tpu.memory_space<semaphore_mem>>) src(%arg16 : memref<64x128xf32, #tpu.memory_space<vmem>>) dst(%dma_wait3A_103 : memref<64x128xf32, #tpu.memory_space<vmem_shared>>)
      tpu.yield
    }) : () -> ()
    %mul3A_24 = arith.constant 632 : i32
    %mul3A_25 = arith.muli %arg1, %mul3A_24 : i32
    %add3A_26 = arith.constant 256 : i32
    %add3A_27 = arith.addi %mul3A_25, %add3A_26 : i32
    "tpu.region"() ({
      %run_scoped3A = tpu.sem_alloc : memref<!tpu.dma_semaphore, #tpu.memory_space<semaphore_mem>>
      %dma_start3A_96 = arith.constant 0 : i32
      %dma_start3A_97 = tpu.memref_slice %arg18[%add3A_27, %dma_start3A_96] : memref<10112x128xf32, #tpu.memory_space<vmem_shared>> -> memref<64x128xf32, #tpu.memory_space<vmem_shared>>
      %dma_start3A_98 = arith.constant 0 : i32
      %dma_start3A_99 = tpu.memref_slice %arg18[%add3A_27, %dma_start3A_98] : memref<10112x128xf32, #tpu.memory_space<vmem_shared>> -> memref<64x128xf32, #tpu.memory_space<vmem_shared>>
      tpu.enqueue_dma source(%arg16 : memref<64x128xf32, #tpu.memory_space<vmem>>) target(%dma_start3A_99 : memref<64x128xf32, #tpu.memory_space<vmem_shared>>) target_semaphore(%run_scoped3A : memref<!tpu.dma_semaphore, #tpu.memory_space<semaphore_mem>>)
      %dma_wait3A_100 = arith.constant 0 : i32
      %dma_wait3A_101 = tpu.memref_slice %arg18[%add3A_27, %dma_wait3A_100] : memref<10112x128xf32, #tpu.memory_space<vmem_shared>> -> memref<64x128xf32, #tpu.memory_space<vmem_shared>>
      %dma_wait3A_102 = arith.constant 0 : i32
      %dma_wait3A_103 = tpu.memref_slice %arg18[%add3A_27, %dma_wait3A_102] : memref<10112x128xf32, #tpu.memory_space<vmem_shared>> -> memref<64x128xf32, #tpu.memory_space<vmem_shared>>
      tpu.wait_dma2 semaphore(%run_scoped3A : memref<!tpu.dma_semaphore, #tpu.memory_space<semaphore_mem>>) src(%arg16 : memref<64x128xf32, #tpu.memory_space<vmem>>) dst(%dma_wait3A_103 : memref<64x128xf32, #tpu.memory_space<vmem_shared>>)
      tpu.yield
    }) : () -> ()
    %mul3A_28 = arith.constant 632 : i32
    %mul3A_29 = arith.muli %arg1, %mul3A_28 : i32
    %add3A_30 = arith.constant 320 : i32
    %add3A_31 = arith.addi %mul3A_29, %add3A_30 : i32
    "tpu.region"() ({
      %run_scoped3A = tpu.sem_alloc : memref<!tpu.dma_semaphore, #tpu.memory_space<semaphore_mem>>
      %dma_start3A_96 = arith.constant 0 : i32
      %dma_start3A_97 = tpu.memref_slice %arg18[%add3A_31, %dma_start3A_96] : memref<10112x128xf32, #tpu.memory_space<vmem_shared>> -> memref<64x128xf32, #tpu.memory_space<vmem_shared>>
      %dma_start3A_98 = arith.constant 0 : i32
      %dma_start3A_99 = tpu.memref_slice %arg18[%add3A_31, %dma_start3A_98] : memref<10112x128xf32, #tpu.memory_space<vmem_shared>> -> memref<64x128xf32, #tpu.memory_space<vmem_shared>>
      tpu.enqueue_dma source(%arg16 : memref<64x128xf32, #tpu.memory_space<vmem>>) target(%dma_start3A_99 : memref<64x128xf32, #tpu.memory_space<vmem_shared>>) target_semaphore(%run_scoped3A : memref<!tpu.dma_semaphore, #tpu.memory_space<semaphore_mem>>)
      %dma_wait3A_100 = arith.constant 0 : i32
      %dma_wait3A_101 = tpu.memref_slice %arg18[%add3A_31, %dma_wait3A_100] : memref<10112x128xf32, #tpu.memory_space<vmem_shared>> -> memref<64x128xf32, #tpu.memory_space<vmem_shared>>
      %dma_wait3A_102 = arith.constant 0 : i32
      %dma_wait3A_103 = tpu.memref_slice %arg18[%add3A_31, %dma_wait3A_102] : memref<10112x128xf32, #tpu.memory_space<vmem_shared>> -> memref<64x128xf32, #tpu.memory_space<vmem_shared>>
      tpu.wait_dma2 semaphore(%run_scoped3A : memref<!tpu.dma_semaphore, #tpu.memory_space<semaphore_mem>>) src(%arg16 : memref<64x128xf32, #tpu.memory_space<vmem>>) dst(%dma_wait3A_103 : memref<64x128xf32, #tpu.memory_space<vmem_shared>>)
      tpu.yield
    }) : () -> ()
    %mul3A_32 = arith.constant 632 : i32
    %mul3A_33 = arith.muli %arg1, %mul3A_32 : i32
    %add3A_34 = arith.constant 384 : i32
    %add3A_35 = arith.addi %mul3A_33, %add3A_34 : i32
    "tpu.region"() ({
      %run_scoped3A = tpu.sem_alloc : memref<!tpu.dma_semaphore, #tpu.memory_space<semaphore_mem>>
      %dma_start3A_96 = arith.constant 0 : i32
      %dma_start3A_97 = tpu.memref_slice %arg18[%add3A_35, %dma_start3A_96] : memref<10112x128xf32, #tpu.memory_space<vmem_shared>> -> memref<64x128xf32, #tpu.memory_space<vmem_shared>>
      %dma_start3A_98 = arith.constant 0 : i32
      %dma_start3A_99 = tpu.memref_slice %arg18[%add3A_35, %dma_start3A_98] : memref<10112x128xf32, #tpu.memory_space<vmem_shared>> -> memref<64x128xf32, #tpu.memory_space<vmem_shared>>
      tpu.enqueue_dma source(%arg16 : memref<64x128xf32, #tpu.memory_space<vmem>>) target(%dma_start3A_99 : memref<64x128xf32, #tpu.memory_space<vmem_shared>>) target_semaphore(%run_scoped3A : memref<!tpu.dma_semaphore, #tpu.memory_space<semaphore_mem>>)
      %dma_wait3A_100 = arith.constant 0 : i32
      %dma_wait3A_101 = tpu.memref_slice %arg18[%add3A_35, %dma_wait3A_100] : memref<10112x128xf32, #tpu.memory_space<vmem_shared>> -> memref<64x128xf32, #tpu.memory_space<vmem_shared>>
      %dma_wait3A_102 = arith.constant 0 : i32
      %dma_wait3A_103 = tpu.memref_slice %arg18[%add3A_35, %dma_wait3A_102] : memref<10112x128xf32, #tpu.memory_space<vmem_shared>> -> memref<64x128xf32, #tpu.memory_space<vmem_shared>>
      tpu.wait_dma2 semaphore(%run_scoped3A : memref<!tpu.dma_semaphore, #tpu.memory_space<semaphore_mem>>) src(%arg16 : memref<64x128xf32, #tpu.memory_space<vmem>>) dst(%dma_wait3A_103 : memref<64x128xf32, #tpu.memory_space<vmem_shared>>)
      tpu.yield
    }) : () -> ()
    %mul3A_36 = arith.constant 632 : i32
    %mul3A_37 = arith.muli %arg1, %mul3A_36 : i32
    %add3A_38 = arith.constant 448 : i32
    %add3A_39 = arith.addi %mul3A_37, %add3A_38 : i32
    "tpu.region"() ({
      %run_scoped3A = tpu.sem_alloc : memref<!tpu.dma_semaphore, #tpu.memory_space<semaphore_mem>>
      %dma_start3A_96 = arith.constant 0 : i32
      %dma_start3A_97 = tpu.memref_slice %arg18[%add3A_39, %dma_start3A_96] : memref<10112x128xf32, #tpu.memory_space<vmem_shared>> -> memref<64x128xf32, #tpu.memory_space<vmem_shared>>
      %dma_start3A_98 = arith.constant 0 : i32
      %dma_start3A_99 = tpu.memref_slice %arg18[%add3A_39, %dma_start3A_98] : memref<10112x128xf32, #tpu.memory_space<vmem_shared>> -> memref<64x128xf32, #tpu.memory_space<vmem_shared>>
      tpu.enqueue_dma source(%arg16 : memref<64x128xf32, #tpu.memory_space<vmem>>) target(%dma_start3A_99 : memref<64x128xf32, #tpu.memory_space<vmem_shared>>) target_semaphore(%run_scoped3A : memref<!tpu.dma_semaphore, #tpu.memory_space<semaphore_mem>>)
      %dma_wait3A_100 = arith.constant 0 : i32
      %dma_wait3A_101 = tpu.memref_slice %arg18[%add3A_39, %dma_wait3A_100] : memref<10112x128xf32, #tpu.memory_space<vmem_shared>> -> memref<64x128xf32, #tpu.memory_space<vmem_shared>>
      %dma_wait3A_102 = arith.constant 0 : i32
      %dma_wait3A_103 = tpu.memref_slice %arg18[%add3A_39, %dma_wait3A_102] : memref<10112x128xf32, #tpu.memory_space<vmem_shared>> -> memref<64x128xf32, #tpu.memory_space<vmem_shared>>
      tpu.wait_dma2 semaphore(%run_scoped3A : memref<!tpu.dma_semaphore, #tpu.memory_space<semaphore_mem>>) src(%arg16 : memref<64x128xf32, #tpu.memory_space<vmem>>) dst(%dma_wait3A_103 : memref<64x128xf32, #tpu.memory_space<vmem_shared>>)
      tpu.yield
    }) : () -> ()
    %mul3A_40 = arith.constant 632 : i32
    %mul3A_41 = arith.muli %arg1, %mul3A_40 : i32
    %add3A_42 = arith.constant 512 : i32
    %add3A_43 = arith.addi %mul3A_41, %add3A_42 : i32
    "tpu.region"() ({
      %run_scoped3A = tpu.sem_alloc : memref<!tpu.dma_semaphore, #tpu.memory_space<semaphore_mem>>
      %dma_start3A_96 = arith.constant 0 : i32
      %dma_start3A_97 = tpu.memref_slice %arg18[%add3A_43, %dma_start3A_96] : memref<10112x128xf32, #tpu.memory_space<vmem_shared>> -> memref<64x128xf32, #tpu.memory_space<vmem_shared>>
      %dma_start3A_98 = arith.constant 0 : i32
      %dma_start3A_99 = tpu.memref_slice %arg18[%add3A_43, %dma_start3A_98] : memref<10112x128xf32, #tpu.memory_space<vmem_shared>> -> memref<64x128xf32, #tpu.memory_space<vmem_shared>>
      tpu.enqueue_dma source(%arg16 : memref<64x128xf32, #tpu.memory_space<vmem>>) target(%dma_start3A_99 : memref<64x128xf32, #tpu.memory_space<vmem_shared>>) target_semaphore(%run_scoped3A : memref<!tpu.dma_semaphore, #tpu.memory_space<semaphore_mem>>)
      %dma_wait3A_100 = arith.constant 0 : i32
      %dma_wait3A_101 = tpu.memref_slice %arg18[%add3A_43, %dma_wait3A_100] : memref<10112x128xf32, #tpu.memory_space<vmem_shared>> -> memref<64x128xf32, #tpu.memory_space<vmem_shared>>
      %dma_wait3A_102 = arith.constant 0 : i32
      %dma_wait3A_103 = tpu.memref_slice %arg18[%add3A_43, %dma_wait3A_102] : memref<10112x128xf32, #tpu.memory_space<vmem_shared>> -> memref<64x128xf32, #tpu.memory_space<vmem_shared>>
      tpu.wait_dma2 semaphore(%run_scoped3A : memref<!tpu.dma_semaphore, #tpu.memory_space<semaphore_mem>>) src(%arg16 : memref<64x128xf32, #tpu.memory_space<vmem>>) dst(%dma_wait3A_103 : memref<64x128xf32, #tpu.memory_space<vmem_shared>>)
      tpu.yield
    }) : () -> ()
    %mul3A_44 = arith.constant 632 : i32
    %mul3A_45 = arith.muli %arg1, %mul3A_44 : i32
    %add3A_46 = arith.constant 576 : i32
    %add3A_47 = arith.addi %mul3A_45, %add3A_46 : i32
    "tpu.region"() ({
      %run_scoped3A = tpu.sem_alloc : memref<!tpu.dma_semaphore, #tpu.memory_space<semaphore_mem>>
      %dma_start3A_96 = arith.constant 0 : i32
      %dma_start3A_97 = arith.constant 0 : i32
      %dma_start3A_98 = tpu.memref_slice %arg16[%dma_start3A_96, %dma_start3A_97] : memref<64x128xf32, #tpu.memory_space<vmem>> -> memref<56x128xf32, #tpu.memory_space<vmem>>
      %dma_start3A_99 = arith.constant 0 : i32
      %dma_start3A_100 = tpu.memref_slice %arg18[%add3A_47, %dma_start3A_99] : memref<10112x128xf32, #tpu.memory_space<vmem_shared>> -> memref<56x128xf32, #tpu.memory_space<vmem_shared>>
      %dma_start3A_101 = arith.constant 0 : i32
      %dma_start3A_102 = tpu.memref_slice %arg18[%add3A_47, %dma_start3A_101] : memref<10112x128xf32, #tpu.memory_space<vmem_shared>> -> memref<56x128xf32, #tpu.memory_space<vmem_shared>>
      %dma_start3A_103 = arith.constant 0 : i32
      %dma_start3A_104 = arith.constant 0 : i32
      %dma_start3A_105 = tpu.memref_slice %arg16[%dma_start3A_103, %dma_start3A_104] : memref<64x128xf32, #tpu.memory_space<vmem>> -> memref<56x128xf32, #tpu.memory_space<vmem>>
      tpu.enqueue_dma source(%dma_start3A_105 : memref<56x128xf32, #tpu.memory_space<vmem>>) target(%dma_start3A_102 : memref<56x128xf32, #tpu.memory_space<vmem_shared>>) target_semaphore(%run_scoped3A : memref<!tpu.dma_semaphore, #tpu.memory_space<semaphore_mem>>)
      %dma_wait3A_106 = arith.constant 0 : i32
      %dma_wait3A_107 = arith.constant 0 : i32
      %dma_wait3A_108 = tpu.memref_slice %arg16[%dma_wait3A_106, %dma_wait3A_107] : memref<64x128xf32, #tpu.memory_space<vmem>> -> memref<56x128xf32, #tpu.memory_space<vmem>>
      %dma_wait3A_109 = arith.constant 0 : i32
      %dma_wait3A_110 = tpu.memref_slice %arg18[%add3A_47, %dma_wait3A_109] : memref<10112x128xf32, #tpu.memory_space<vmem_shared>> -> memref<56x128xf32, #tpu.memory_space<vmem_shared>>
      %dma_wait3A_111 = arith.constant 0 : i32
      %dma_wait3A_112 = tpu.memref_slice %arg18[%add3A_47, %dma_wait3A_111] : memref<10112x128xf32, #tpu.memory_space<vmem_shared>> -> memref<56x128xf32, #tpu.memory_space<vmem_shared>>
      %dma_wait3A_113 = arith.constant 0 : i32
      %dma_wait3A_114 = arith.constant 0 : i32
      %dma_wait3A_115 = tpu.memref_slice %arg16[%dma_wait3A_113, %dma_wait3A_114] : memref<64x128xf32, #tpu.memory_space<vmem>> -> memref<56x128xf32, #tpu.memory_space<vmem>>
      tpu.wait_dma2 semaphore(%run_scoped3A : memref<!tpu.dma_semaphore, #tpu.memory_space<semaphore_mem>>) src(%dma_wait3A_115 : memref<56x128xf32, #tpu.memory_space<vmem>>) dst(%dma_wait3A_112 : memref<56x128xf32, #tpu.memory_space<vmem_shared>>)
      tpu.yield
    }) : () -> ()
    %barrier3A = arith.constant 0 : index
    tpu.barrier barrier_id(%barrier3A)
    %mul3A_48 = arith.constant 158 : i32
    %mul3A_49 = arith.muli %add3A, %mul3A_48 : i32
    %mul3A_50 = arith.constant 64 : i32
    %mul3A_51 = arith.muli %mul3A_49, %mul3A_50 : i32
    %add3A_52 = arith.constant 0 : i32
    %add3A_53 = arith.addi %mul3A_51, %add3A_52 : i32
    %dma_start3A = tpu.memref_slice %arg2[%add3A_53] : memref<323584xi32, #tpu.memory_space<hbm>> -> memref<64xi32, #tpu.memory_space<hbm>>
    %dma_start3A_54 = tpu.memref_slice %arg2[%add3A_53] : memref<323584xi32, #tpu.memory_space<hbm>> -> memref<64xi32, #tpu.memory_space<hbm>>
    tpu.enqueue_dma source(%dma_start3A_54 : memref<64xi32, #tpu.memory_space<hbm>>) target(%arg6 : memref<64xi32, #tpu.memory_space<vmem>>) target_semaphore(%arg19 : memref<!tpu.dma_semaphore, #tpu.memory_space<semaphore_mem>>)
    %add3A_55 = arith.constant 0 : i32
    %add3A_56 = arith.addi %mul3A_51, %add3A_55 : i32
    %dma_start3A_57 = tpu.memref_slice %arg3[%add3A_56] : memref<323584xi32, #tpu.memory_space<hbm>> -> memref<64xi32, #tpu.memory_space<hbm>>
    %dma_start3A_58 = tpu.memref_slice %arg3[%add3A_56] : memref<323584xi32, #tpu.memory_space<hbm>> -> memref<64xi32, #tpu.memory_space<hbm>>
    tpu.enqueue_dma source(%dma_start3A_58 : memref<64xi32, #tpu.memory_space<hbm>>) target(%arg8 : memref<64xi32, #tpu.memory_space<vmem>>) target_semaphore(%arg19 : memref<!tpu.dma_semaphore, #tpu.memory_space<semaphore_mem>>)
    %add3A_59 = arith.constant 0 : i32
    %add3A_60 = arith.addi %mul3A_51, %add3A_59 : i32
    %dma_wait3A = tpu.memref_slice %arg2[%add3A_60] : memref<323584xi32, #tpu.memory_space<hbm>> -> memref<64xi32, #tpu.memory_space<hbm>>
    %dma_wait3A_61 = tpu.memref_slice %arg2[%add3A_60] : memref<323584xi32, #tpu.memory_space<hbm>> -> memref<64xi32, #tpu.memory_space<hbm>>
    tpu.wait_dma2 semaphore(%arg19 : memref<!tpu.dma_semaphore, #tpu.memory_space<semaphore_mem>>) src(%dma_wait3A_61 : memref<64xi32, #tpu.memory_space<hbm>>) dst(%arg6 : memref<64xi32, #tpu.memory_space<vmem>>)
    %add3A_62 = arith.constant 0 : i32
    %add3A_63 = arith.addi %mul3A_51, %add3A_62 : i32
    %dma_wait3A_64 = tpu.memref_slice %arg3[%add3A_63] : memref<323584xi32, #tpu.memory_space<hbm>> -> memref<64xi32, #tpu.memory_space<hbm>>
    %dma_wait3A_65 = tpu.memref_slice %arg3[%add3A_63] : memref<323584xi32, #tpu.memory_space<hbm>> -> memref<64xi32, #tpu.memory_space<hbm>>
    tpu.wait_dma2 semaphore(%arg19 : memref<!tpu.dma_semaphore, #tpu.memory_space<semaphore_mem>>) src(%dma_wait3A_65 : memref<64xi32, #tpu.memory_space<hbm>>) dst(%arg8 : memref<64xi32, #tpu.memory_space<vmem>>)
    %dma_start3A_66 = arith.constant 0 : i32
    %dma_start3A_67 = arith.constant 0 : i32
    %dma_start3A_68 = tpu.memref_slice %arg4[%dma_start3A_66, %dma_start3A_67] : memref<10112x128xf32, #tpu.memory_space<hbm>> -> memref<10112x128xf32, #tpu.memory_space<hbm>>
    tpu.enqueue_indirect_dma source(%dma_start3A_68 : memref<10112x128xf32, #tpu.memory_space<hbm>>) target(%arg12 : memref<64x128xf32, #tpu.memory_space<vmem>>) offsets(%arg6 : memref<64xi32, #tpu.memory_space<vmem>>) semaphore(%arg21 : memref<!tpu.dma_semaphore, #tpu.memory_space<semaphore_mem>>)
    %dma_start3A_69 = arith.constant 0 : i32
    %dma_start3A_70 = arith.constant 0 : i32
    %dma_start3A_71 = tpu.memref_slice %arg4[%dma_start3A_69, %dma_start3A_70] : memref<10112x128xf32, #tpu.memory_space<hbm>> -> memref<10112x128xf32, #tpu.memory_space<hbm>>
    tpu.enqueue_indirect_dma source(%dma_start3A_71 : memref<10112x128xf32, #tpu.memory_space<hbm>>) target(%arg13 : memref<64x128xf32, #tpu.memory_space<vmem>>) offsets(%arg8 : memref<64xi32, #tpu.memory_space<vmem>>) semaphore(%arg22 : memref<!tpu.dma_semaphore, #tpu.memory_space<semaphore_mem>>)
    %add3A_72 = arith.constant 64 : i32
    %add3A_73 = arith.addi %mul3A_51, %add3A_72 : i32
    %dma_start3A_74 = tpu.memref_slice %arg2[%add3A_73] : memref<323584xi32, #tpu.memory_space<hbm>> -> memref<64xi32, #tpu.memory_space<hbm>>
    %dma_start3A_75 = tpu.memref_slice %arg2[%add3A_73] : memref<323584xi32, #tpu.memory_space<hbm>> -> memref<64xi32, #tpu.memory_space<hbm>>
    tpu.enqueue_dma source(%dma_start3A_75 : memref<64xi32, #tpu.memory_space<hbm>>) target(%arg7 : memref<64xi32, #tpu.memory_space<vmem>>) target_semaphore(%arg20 : memref<!tpu.dma_semaphore, #tpu.memory_space<semaphore_mem>>)
    %add3A_76 = arith.constant 64 : i32
    %add3A_77 = arith.addi %mul3A_51, %add3A_76 : i32
    %dma_start3A_78 = tpu.memref_slice %arg3[%add3A_77] : memref<323584xi32, #tpu.memory_space<hbm>> -> memref<64xi32, #tpu.memory_space<hbm>>
    %dma_start3A_79 = tpu.memref_slice %arg3[%add3A_77] : memref<323584xi32, #tpu.memory_space<hbm>> -> memref<64xi32, #tpu.memory_space<hbm>>
    tpu.enqueue_dma source(%dma_start3A_79 : memref<64xi32, #tpu.memory_space<hbm>>) target(%arg9 : memref<64xi32, #tpu.memory_space<vmem>>) target_semaphore(%arg20 : memref<!tpu.dma_semaphore, #tpu.memory_space<semaphore_mem>>)
    %scan3A = arith.constant 0 : i32
    %scan3A_80 = arith.constant 0 : i32
    %scan3A_81 = arith.constant 79 : i32
    %scan3A_82 = arith.addi %scan3A_80, %scan3A_81 : i32
    %scan3A_83 = arith.constant 1 : i32
    scf.for %scan3A_96 = %scan3A_80 to %scan3A_82 step %scan3A_83  : i32 {
      %mul3A_97 = arith.constant 2 : i32
      %mul3A_98 = arith.muli %scan3A_96, %mul3A_97 : i32
      %add3A_99 = arith.constant 0 : i32
      %add3A_100 = arith.addi %mul3A_98, %add3A_99 : i32
      %add3A_101 = arith.constant 1 : i32
      %add3A_102 = arith.addi %add3A_100, %add3A_101 : i32
      %lt3A = arith.constant 158 : i32
      %lt3A_103 = arith.cmpi slt, %add3A_102, %lt3A : i32
      %convert_element_type3A = arith.extui %lt3A_103 : i1 to i32
      %cond3A = arith.constant 0 : i32
      %cond3A_104 = arith.cmpi ne, %convert_element_type3A, %cond3A : i32
      scf.if %cond3A_104 {
        %add3A_215 = arith.constant 1 : i32
        %add3A_216 = arith.addi %add3A_100, %add3A_215 : i32
        %mul3A_217 = arith.constant 64 : i32
        %mul3A_218 = arith.muli %add3A_216, %mul3A_217 : i32
        %add3A_219 = arith.addi %mul3A_51, %mul3A_218 : i32
        %dma_wait3A_220 = tpu.memref_slice %arg2[%add3A_219] : memref<323584xi32, #tpu.memory_space<hbm>> -> memref<64xi32, #tpu.memory_space<hbm>>
        %dma_wait3A_221 = tpu.memref_slice %arg2[%add3A_219] : memref<323584xi32, #tpu.memory_space<hbm>> -> memref<64xi32, #tpu.memory_space<hbm>>
        tpu.wait_dma2 semaphore(%arg20 : memref<!tpu.dma_semaphore, #tpu.memory_space<semaphore_mem>>) src(%dma_wait3A_221 : memref<64xi32, #tpu.memory_space<hbm>>) dst(%arg7 : memref<64xi32, #tpu.memory_space<vmem>>)
        %mul3A_222 = arith.constant 64 : i32
        %mul3A_223 = arith.muli %add3A_216, %mul3A_222 : i32
        %add3A_224 = arith.addi %mul3A_51, %mul3A_223 : i32
        %dma_wait3A_225 = tpu.memref_slice %arg3[%add3A_224] : memref<323584xi32, #tpu.memory_space<hbm>> -> memref<64xi32, #tpu.memory_space<hbm>>
        %dma_wait3A_226 = tpu.memref_slice %arg3[%add3A_224] : memref<323584xi32, #tpu.memory_space<hbm>> -> memref<64xi32, #tpu.memory_space<hbm>>
        tpu.wait_dma2 semaphore(%arg20 : memref<!tpu.dma_semaphore, #tpu.memory_space<semaphore_mem>>) src(%dma_wait3A_226 : memref<64xi32, #tpu.memory_space<hbm>>) dst(%arg9 : memref<64xi32, #tpu.memory_space<vmem>>)
        %dma_start3A_227 = arith.constant 0 : i32
        %dma_start3A_228 = arith.constant 0 : i32
        %dma_start3A_229 = tpu.memref_slice %arg4[%dma_start3A_227, %dma_start3A_228] : memref<10112x128xf32, #tpu.memory_space<hbm>> -> memref<10112x128xf32, #tpu.memory_space<hbm>>
        tpu.enqueue_indirect_dma source(%dma_start3A_229 : memref<10112x128xf32, #tpu.memory_space<hbm>>) target(%arg14 : memref<64x128xf32, #tpu.memory_space<vmem>>) offsets(%arg7 : memref<64xi32, #tpu.memory_space<vmem>>) semaphore(%arg23 : memref<!tpu.dma_semaphore, #tpu.memory_space<semaphore_mem>>)
        %dma_start3A_230 = arith.constant 0 : i32
        %dma_start3A_231 = arith.constant 0 : i32
        %dma_start3A_232 = tpu.memref_slice %arg4[%dma_start3A_230, %dma_start3A_231] : memref<10112x128xf32, #tpu.memory_space<hbm>> -> memref<10112x128xf32, #tpu.memory_space<hbm>>
        tpu.enqueue_indirect_dma source(%dma_start3A_232 : memref<10112x128xf32, #tpu.memory_space<hbm>>) target(%arg15 : memref<64x128xf32, #tpu.memory_space<vmem>>) offsets(%arg9 : memref<64xi32, #tpu.memory_space<vmem>>) semaphore(%arg24 : memref<!tpu.dma_semaphore, #tpu.memory_space<semaphore_mem>>)
      } else {
      }
      %dma_wait3A_105 = arith.constant 0 : i32
      %dma_wait3A_106 = arith.constant 0 : i32
      %dma_wait3A_107 = tpu.memref_slice %arg4[%dma_wait3A_105, %dma_wait3A_106] : memref<10112x128xf32, #tpu.memory_space<hbm>> -> memref<10112x128xf32, #tpu.memory_space<hbm>>
      tpu.wait_indirect_dma semaphore(%arg21 : memref<!tpu.dma_semaphore, #tpu.memory_space<semaphore_mem>>) src(%dma_wait3A_107 : memref<10112x128xf32, #tpu.memory_space<hbm>>) dst(%arg12 : memref<64x128xf32, #tpu.memory_space<vmem>>)
      %dma_wait3A_108 = arith.constant 0 : i32
      %dma_wait3A_109 = arith.constant 0 : i32
      %dma_wait3A_110 = tpu.memref_slice %arg4[%dma_wait3A_108, %dma_wait3A_109] : memref<10112x128xf32, #tpu.memory_space<hbm>> -> memref<10112x128xf32, #tpu.memory_space<hbm>>
      tpu.wait_indirect_dma semaphore(%arg22 : memref<!tpu.dma_semaphore, #tpu.memory_space<semaphore_mem>>) src(%dma_wait3A_110 : memref<10112x128xf32, #tpu.memory_space<hbm>>) dst(%arg13 : memref<64x128xf32, #tpu.memory_space<vmem>>)
      %ge3A = arith.constant 2 : i32
      %ge3A_111 = arith.cmpi sge, %add3A_100, %ge3A : i32
      %convert_element_type3A_112 = arith.extui %ge3A_111 : i1 to i32
      %cond3A_113 = arith.constant 0 : i32
      %cond3A_114 = arith.cmpi ne, %convert_element_type3A_112, %cond3A_113 : i32
      scf.if %cond3A_114 {
        %dma_wait3A_215 = arith.constant 0 : i32
        %dma_wait3A_216 = arith.constant 0 : i32
        %dma_wait3A_217 = tpu.memref_slice %arg18[%dma_wait3A_215, %dma_wait3A_216] : memref<10112x128xf32, #tpu.memory_space<vmem_shared>> -> memref<10112x128xf32, #tpu.memory_space<vmem_shared>>
        tpu.wait_indirect_dma semaphore(%arg25 : memref<!tpu.dma_semaphore, #tpu.memory_space<semaphore_mem>>) src(%arg16 : memref<64x128xf32, #tpu.memory_space<vmem>>) dst(%dma_wait3A_217 : memref<10112x128xf32, #tpu.memory_space<vmem_shared>>)
      } else {
      }
      %parallel_loop3A_115 = arith.constant 0 : i32
      %parallel_loop3A_116 = arith.constant 64 : i32
      %parallel_loop3A_117 = arith.constant 1 : i32
      scf.for %parallel_loop3A_215 = %parallel_loop3A_115 to %parallel_loop3A_116 step %parallel_loop3A_117  : i32 {
        %parallel_loop3A_216 = arith.index_cast %parallel_loop3A_215 : i32 to index
        %parallel_loop3A_217 = arith.constant 0 : index
        %parallel_loop3A_218 = tpu.vector_load %arg12[%parallel_loop3A_216, %parallel_loop3A_217] {strides = array<i32>} : memref<64x128xf32, #tpu.memory_space<vmem>>, vector<1x16xf32>,
        %parallel_loop3A_219 = vector.shape_cast %parallel_loop3A_218 : vector<1x16xf32> to vector<16xf32>
        %parallel_loop3A_220 = arith.index_cast %parallel_loop3A_215 : i32 to index
        %parallel_loop3A_221 = arith.constant 0 : index
        %parallel_loop3A_222 = tpu.vector_load %arg13[%parallel_loop3A_220, %parallel_loop3A_221] {strides = array<i32>} : memref<64x128xf32, #tpu.memory_space<vmem>>, vector<1x16xf32>,
        %parallel_loop3A_223 = vector.shape_cast %parallel_loop3A_222 : vector<1x16xf32> to vector<16xf32>
        %parallel_loop3A_224 = vector.shape_cast %broadcast_in_dim3A_0 : vector<16xi32> to vector<16x1xi32>
        %parallel_loop3A_225 = vector.shape_cast %parallel_loop3A_224 : vector<16x1xi32> to vector<16xi32>
        %parallel_loop3A_226 = tpu.dynamic_gather %parallel_loop3A_219[%parallel_loop3A_225] in [0] : vector<16xf32>, vector<16xi32> -> vector<16xf32>
        %parallel_loop3A_227 = vector.shape_cast %broadcast_in_dim3A_2 : vector<16xi32> to vector<16x1xi32>
        %parallel_loop3A_228 = vector.shape_cast %parallel_loop3A_227 : vector<16x1xi32> to vector<16xi32>
        %parallel_loop3A_229 = tpu.dynamic_gather %parallel_loop3A_223[%parallel_loop3A_228] in [0] : vector<16xf32>, vector<16xi32> -> vector<16xf32>
        %parallel_loop3A_230 = arith.addf %parallel_loop3A_226, %parallel_loop3A_229 : vector<16xf32>
        %parallel_loop3A_231 = arith.constant 2.000000e-01 : f32
        %parallel_loop3A_232 = vector.broadcast %parallel_loop3A_231 : f32 to vector<16xf32>
        %parallel_loop3A_233 = arith.mulf %parallel_loop3A_232, %parallel_loop3A_230 : vector<16xf32>
        %parallel_loop3A_234 = arith.maximumf %parallel_loop3A_230, %parallel_loop3A_233 : vector<16xf32>
        %parallel_loop3A_235 = math.exp %parallel_loop3A_234 : vector<16xf32>
        %parallel_loop3A_236 = arith.constant 7 : i32
        %parallel_loop3A_237 = vector.broadcast %parallel_loop3A_236 : i32 to vector<16xi32>
        %parallel_loop3A_238 = arith.cmpi slt, %iota3A, %parallel_loop3A_237 : vector<16xi32>
        %parallel_loop3A_239 = arith.mulf %parallel_loop3A_219, %parallel_loop3A_235 : vector<16xf32>
        %parallel_loop3A_240 = arith.constant 7 : i32
        %parallel_loop3A_241 = vector.broadcast %parallel_loop3A_240 : i32 to vector<16xi32>
        %parallel_loop3A_242 = arith.cmpi eq, %iota3A, %parallel_loop3A_241 : vector<16xi32>
        %parallel_loop3A_243 = arith.constant 0.000000e+00 : f32
        %parallel_loop3A_244 = vector.broadcast %parallel_loop3A_243 : f32 to vector<16xf32>
        %parallel_loop3A_245 = arith.select %parallel_loop3A_242, %parallel_loop3A_235, %parallel_loop3A_244 : vector<16xi1>, vector<16xf32>
        %parallel_loop3A_246 = arith.select %parallel_loop3A_238, %parallel_loop3A_239, %parallel_loop3A_245 : vector<16xi1>, vector<16xf32>
        %parallel_loop3A_247 = arith.index_cast %parallel_loop3A_215 : i32 to index
        %parallel_loop3A_248 = arith.constant 0 : index
        %parallel_loop3A_249 = tpu.vector_load %arg16[%parallel_loop3A_247, %parallel_loop3A_248] {strides = array<i32>} : memref<64x128xf32, #tpu.memory_space<vmem>>, vector<1x16xf32>,
        %parallel_loop3A_250 = vector.shape_cast %parallel_loop3A_249 : vector<1x16xf32> to vector<16xf32>
        %parallel_loop3A_251 = vector.shape_cast %parallel_loop3A_246 : vector<16xf32> to vector<1x16xf32>
        tpu.vector_store %arg16[%parallel_loop3A_247, %parallel_loop3A_248], %parallel_loop3A_251 {strides = array<i32>} : memref<64x128xf32, #tpu.memory_space<vmem>>, vector<1x16xf32>,
      } {sc.loop_unroll_factor = 8 : i64, sc.parallel_access}
      %get3A = arith.constant 0 : index
      %get3A_118 = tpu.vector_load %arg8[%get3A] {strides = array<i32>} : memref<64xi32, #tpu.memory_space<vmem>>, vector<16xi32>,
      %get3A_119 = vector.shape_cast %get3A_118 : vector<16xi32> to vector<16xi32>
      %swap3A = arith.constant 0 : index
      %swap3A_120 = tpu.vector_load %arg10[%swap3A] {strides = array<i32>} : memref<64xi32, #tpu.memory_space<vmem>>, vector<16xi32>,
      %swap3A_121 = vector.shape_cast %swap3A_120 : vector<16xi32> to vector<16xi32>
      %swap3A_122 = vector.shape_cast %get3A_119 : vector<16xi32> to vector<16xi32>
      tpu.vector_store %arg10[%swap3A], %swap3A_122 {strides = array<i32>} : memref<64xi32, #tpu.memory_space<vmem>>, vector<16xi32>,
      %get3A_123 = arith.constant 16 : index
      %get3A_124 = tpu.vector_load %arg8[%get3A_123] {strides = array<i32>} : memref<64xi32, #tpu.memory_space<vmem>>, vector<16xi32>,
      %get3A_125 = vector.shape_cast %get3A_124 : vector<16xi32> to vector<16xi32>
      %swap3A_126 = arith.constant 16 : index
      %swap3A_127 = tpu.vector_load %arg10[%swap3A_126] {strides = array<i32>} : memref<64xi32, #tpu.memory_space<vmem>>, vector<16xi32>,
      %swap3A_128 = vector.shape_cast %swap3A_127 : vector<16xi32> to vector<16xi32>
      %swap3A_129 = vector.shape_cast %get3A_125 : vector<16xi32> to vector<16xi32>
      tpu.vector_store %arg10[%swap3A_126], %swap3A_129 {strides = array<i32>} : memref<64xi32, #tpu.memory_space<vmem>>, vector<16xi32>,
      %get3A_130 = arith.constant 32 : index
      %get3A_131 = tpu.vector_load %arg8[%get3A_130] {strides = array<i32>} : memref<64xi32, #tpu.memory_space<vmem>>, vector<16xi32>,
      %get3A_132 = vector.shape_cast %get3A_131 : vector<16xi32> to vector<16xi32>
      %swap3A_133 = arith.constant 32 : index
      %swap3A_134 = tpu.vector_load %arg10[%swap3A_133] {strides = array<i32>} : memref<64xi32, #tpu.memory_space<vmem>>, vector<16xi32>,
      %swap3A_135 = vector.shape_cast %swap3A_134 : vector<16xi32> to vector<16xi32>
      %swap3A_136 = vector.shape_cast %get3A_132 : vector<16xi32> to vector<16xi32>
      tpu.vector_store %arg10[%swap3A_133], %swap3A_136 {strides = array<i32>} : memref<64xi32, #tpu.memory_space<vmem>>, vector<16xi32>,
      %get3A_137 = arith.constant 48 : index
      %get3A_138 = tpu.vector_load %arg8[%get3A_137] {strides = array<i32>} : memref<64xi32, #tpu.memory_space<vmem>>, vector<16xi32>,
      %get3A_139 = vector.shape_cast %get3A_138 : vector<16xi32> to vector<16xi32>
      %swap3A_140 = arith.constant 48 : index
      %swap3A_141 = tpu.vector_load %arg10[%swap3A_140] {strides = array<i32>} : memref<64xi32, #tpu.memory_space<vmem>>, vector<16xi32>,
      %swap3A_142 = vector.shape_cast %swap3A_141 : vector<16xi32> to vector<16xi32>
      %swap3A_143 = vector.shape_cast %get3A_139 : vector<16xi32> to vector<16xi32>
      tpu.vector_store %arg10[%swap3A_140], %swap3A_143 {strides = array<i32>} : memref<64xi32, #tpu.memory_space<vmem>>, vector<16xi32>,
      %dma_start3A_144 = arith.constant 0 : i32
      %dma_start3A_145 = arith.constant 0 : i32
      %dma_start3A_146 = tpu.memref_slice %arg18[%dma_start3A_144, %dma_start3A_145] : memref<10112x128xf32, #tpu.memory_space<vmem_shared>> -> memref<10112x128xf32, #tpu.memory_space<vmem_shared>>
      tpu.enqueue_indirect_dma source(%arg16 : memref<64x128xf32, #tpu.memory_space<vmem>>) target(%dma_start3A_146 : memref<10112x128xf32, #tpu.memory_space<vmem_shared>>) offsets(%arg10 : memref<64xi32, #tpu.memory_space<vmem>>) semaphore(%arg25 : memref<!tpu.dma_semaphore, #tpu.memory_space<semaphore_mem>>) {add = true}
      %add3A_147 = arith.constant 2 : i32
      %add3A_148 = arith.addi %add3A_100, %add3A_147 : i32
      %lt3A_149 = arith.constant 158 : i32
      %lt3A_150 = arith.cmpi slt, %add3A_148, %lt3A_149 : i32
      %convert_element_type3A_151 = arith.extui %lt3A_150 : i1 to i32
      %cond3A_152 = arith.constant 0 : i32
      %cond3A_153 = arith.cmpi ne, %convert_element_type3A_151, %cond3A_152 : i32
      scf.if %cond3A_153 {
        %add3A_215 = arith.constant 2 : i32
        %add3A_216 = arith.addi %add3A_100, %add3A_215 : i32
        %mul3A_217 = arith.constant 64 : i32
        %mul3A_218 = arith.muli %add3A_216, %mul3A_217 : i32
        %add3A_219 = arith.addi %mul3A_51, %mul3A_218 : i32
        %dma_start3A_220 = tpu.memref_slice %arg2[%add3A_219] : memref<323584xi32, #tpu.memory_space<hbm>> -> memref<64xi32, #tpu.memory_space<hbm>>
        %dma_start3A_221 = tpu.memref_slice %arg2[%add3A_219] : memref<323584xi32, #tpu.memory_space<hbm>> -> memref<64xi32, #tpu.memory_space<hbm>>
        tpu.enqueue_dma source(%dma_start3A_221 : memref<64xi32, #tpu.memory_space<hbm>>) target(%arg6 : memref<64xi32, #tpu.memory_space<vmem>>) target_semaphore(%arg19 : memref<!tpu.dma_semaphore, #tpu.memory_space<semaphore_mem>>)
        %mul3A_222 = arith.constant 64 : i32
        %mul3A_223 = arith.muli %add3A_216, %mul3A_222 : i32
        %add3A_224 = arith.addi %mul3A_51, %mul3A_223 : i32
        %dma_start3A_225 = tpu.memref_slice %arg3[%add3A_224] : memref<323584xi32, #tpu.memory_space<hbm>> -> memref<64xi32, #tpu.memory_space<hbm>>
        %dma_start3A_226 = tpu.memref_slice %arg3[%add3A_224] : memref<323584xi32, #tpu.memory_space<hbm>> -> memref<64xi32, #tpu.memory_space<hbm>>
        tpu.enqueue_dma source(%dma_start3A_226 : memref<64xi32, #tpu.memory_space<hbm>>) target(%arg8 : memref<64xi32, #tpu.memory_space<vmem>>) target_semaphore(%arg19 : memref<!tpu.dma_semaphore, #tpu.memory_space<semaphore_mem>>)
      } else {
      }
      %add3A_154 = arith.constant 1 : i32
      %add3A_155 = arith.addi %mul3A_98, %add3A_154 : i32
      %add3A_156 = arith.constant 1 : i32
      %add3A_157 = arith.addi %add3A_155, %add3A_156 : i32
      %lt3A_158 = arith.constant 158 : i32
      %lt3A_159 = arith.cmpi slt, %add3A_157, %lt3A_158 : i32
      %convert_element_type3A_160 = arith.extui %lt3A_159 : i1 to i32
      %cond3A_161 = arith.constant 0 : i32
      %cond3A_162 = arith.cmpi ne, %convert_element_type3A_160, %cond3A_161 : i32
      scf.if %cond3A_162 {
        %add3A_215 = arith.constant 1 : i32
        %add3A_216 = arith.addi %add3A_155, %add3A_215 : i32
        %mul3A_217 = arith.constant 64 : i32
        %mul3A_218 = arith.muli %add3A_216, %mul3A_217 : i32
        %add3A_219 = arith.addi %mul3A_51, %mul3A_218 : i32
        %dma_wait3A_220 = tpu.memref_slice %arg2[%add3A_219] : memref<323584xi32, #tpu.memory_space<hbm>> -> memref<64xi32, #tpu.memory_space<hbm>>
        %dma_wait3A_221 = tpu.memref_slice %arg2[%add3A_219] : memref<323584xi32, #tpu.memory_space<hbm>> -> memref<64xi32, #tpu.memory_space<hbm>>
        tpu.wait_dma2 semaphore(%arg19 : memref<!tpu.dma_semaphore, #tpu.memory_space<semaphore_mem>>) src(%dma_wait3A_221 : memref<64xi32, #tpu.memory_space<hbm>>) dst(%arg6 : memref<64xi32, #tpu.memory_space<vmem>>)
        %mul3A_222 = arith.constant 64 : i32
        %mul3A_223 = arith.muli %add3A_216, %mul3A_222 : i32
        %add3A_224 = arith.addi %mul3A_51, %mul3A_223 : i32
        %dma_wait3A_225 = tpu.memref_slice %arg3[%add3A_224] : memref<323584xi32, #tpu.memory_space<hbm>> -> memref<64xi32, #tpu.memory_space<hbm>>
        %dma_wait3A_226 = tpu.memref_slice %arg3[%add3A_224] : memref<323584xi32, #tpu.memory_space<hbm>> -> memref<64xi32, #tpu.memory_space<hbm>>
        tpu.wait_dma2 semaphore(%arg19 : memref<!tpu.dma_semaphore, #tpu.memory_space<semaphore_mem>>) src(%dma_wait3A_226 : memref<64xi32, #tpu.memory_space<hbm>>) dst(%arg8 : memref<64xi32, #tpu.memory_space<vmem>>)
        %dma_start3A_227 = arith.constant 0 : i32
        %dma_start3A_228 = arith.constant 0 : i32
        %dma_start3A_229 = tpu.memref_slice %arg4[%dma_start3A_227, %dma_start3A_228] : memref<10112x128xf32, #tpu.memory_space<hbm>> -> memref<10112x128xf32, #tpu.memory_space<hbm>>
        tpu.enqueue_indirect_dma source(%dma_start3A_229 : memref<10112x128xf32, #tpu.memory_space<hbm>>) target(%arg12 : memref<64x128xf32, #tpu.memory_space<vmem>>) offsets(%arg6 : memref<64xi32, #tpu.memory_space<vmem>>) semaphore(%arg21 : memref<!tpu.dma_semaphore, #tpu.memory_space<semaphore_mem>>)
        %dma_start3A_230 = arith.constant 0 : i32
        %dma_start3A_231 = arith.constant 0 : i32
        %dma_start3A_232 = tpu.memref_slice %arg4[%dma_start3A_230, %dma_start3A_231] : memref<10112x128xf32, #tpu.memory_space<hbm>> -> memref<10112x128xf32, #tpu.memory_space<hbm>>
        tpu.enqueue_indirect_dma source(%dma_start3A_232 : memref<10112x128xf32, #tpu.memory_space<hbm>>) target(%arg13 : memref<64x128xf32, #tpu.memory_space<vmem>>) offsets(%arg8 : memref<64xi32, #tpu.memory_space<vmem>>) semaphore(%arg22 : memref<!tpu.dma_semaphore, #tpu.memory_space<semaphore_mem>>)
      } else {
      }
      %dma_wait3A_163 = arith.constant 0 : i32
      %dma_wait3A_164 = arith.constant 0 : i32
      %dma_wait3A_165 = tpu.memref_slice %arg4[%dma_wait3A_163, %dma_wait3A_164] : memref<10112x128xf32, #tpu.memory_space<hbm>> -> memref<10112x128xf32, #tpu.memory_space<hbm>>
      tpu.wait_indirect_dma semaphore(%arg23 : memref<!tpu.dma_semaphore, #tpu.memory_space<semaphore_mem>>) src(%dma_wait3A_165 : memref<10112x128xf32, #tpu.memory_space<hbm>>) dst(%arg14 : memref<64x128xf32, #tpu.memory_space<vmem>>)
      %dma_wait3A_166 = arith.constant 0 : i32
      %dma_wait3A_167 = arith.constant 0 : i32
      %dma_wait3A_168 = tpu.memref_slice %arg4[%dma_wait3A_166, %dma_wait3A_167] : memref<10112x128xf32, #tpu.memory_space<hbm>> -> memref<10112x128xf32, #tpu.memory_space<hbm>>
      tpu.wait_indirect_dma semaphore(%arg24 : memref<!tpu.dma_semaphore, #tpu.memory_space<semaphore_mem>>) src(%dma_wait3A_168 : memref<10112x128xf32, #tpu.memory_space<hbm>>) dst(%arg15 : memref<64x128xf32, #tpu.memory_space<vmem>>)
      %ge3A_169 = arith.constant 2 : i32
      %ge3A_170 = arith.cmpi sge, %add3A_155, %ge3A_169 : i32
      %convert_element_type3A_171 = arith.extui %ge3A_170 : i1 to i32
      %cond3A_172 = arith.constant 0 : i32
      %cond3A_173 = arith.cmpi ne, %convert_element_type3A_171, %cond3A_172 : i32
      scf.if %cond3A_173 {
        %dma_wait3A_215 = arith.constant 0 : i32
        %dma_wait3A_216 = arith.constant 0 : i32
        %dma_wait3A_217 = tpu.memref_slice %arg18[%dma_wait3A_215, %dma_wait3A_216] : memref<10112x128xf32, #tpu.memory_space<vmem_shared>> -> memref<10112x128xf32, #tpu.memory_space<vmem_shared>>
        tpu.wait_indirect_dma semaphore(%arg26 : memref<!tpu.dma_semaphore, #tpu.memory_space<semaphore_mem>>) src(%arg17 : memref<64x128xf32, #tpu.memory_space<vmem>>) dst(%dma_wait3A_217 : memref<10112x128xf32, #tpu.memory_space<vmem_shared>>)
      } else {
      }
      %parallel_loop3A_174 = arith.constant 0 : i32
      %parallel_loop3A_175 = arith.constant 64 : i32
      %parallel_loop3A_176 = arith.constant 1 : i32
      scf.for %parallel_loop3A_215 = %parallel_loop3A_174 to %parallel_loop3A_175 step %parallel_loop3A_176  : i32 {
        %parallel_loop3A_216 = arith.index_cast %parallel_loop3A_215 : i32 to index
        %parallel_loop3A_217 = arith.constant 0 : index
        %parallel_loop3A_218 = tpu.vector_load %arg14[%parallel_loop3A_216, %parallel_loop3A_217] {strides = array<i32>} : memref<64x128xf32, #tpu.memory_space<vmem>>, vector<1x16xf32>,
        %parallel_loop3A_219 = vector.shape_cast %parallel_loop3A_218 : vector<1x16xf32> to vector<16xf32>
        %parallel_loop3A_220 = arith.index_cast %parallel_loop3A_215 : i32 to index
        %parallel_loop3A_221 = arith.constant 0 : index
        %parallel_loop3A_222 = tpu.vector_load %arg15[%parallel_loop3A_220, %parallel_loop3A_221] {strides = array<i32>} : memref<64x128xf32, #tpu.memory_space<vmem>>, vector<1x16xf32>,
        %parallel_loop3A_223 = vector.shape_cast %parallel_loop3A_222 : vector<1x16xf32> to vector<16xf32>
        %parallel_loop3A_224 = vector.shape_cast %broadcast_in_dim3A_0 : vector<16xi32> to vector<16x1xi32>
        %parallel_loop3A_225 = vector.shape_cast %parallel_loop3A_224 : vector<16x1xi32> to vector<16xi32>
        %parallel_loop3A_226 = tpu.dynamic_gather %parallel_loop3A_219[%parallel_loop3A_225] in [0] : vector<16xf32>, vector<16xi32> -> vector<16xf32>
        %parallel_loop3A_227 = vector.shape_cast %broadcast_in_dim3A_2 : vector<16xi32> to vector<16x1xi32>
        %parallel_loop3A_228 = vector.shape_cast %parallel_loop3A_227 : vector<16x1xi32> to vector<16xi32>
        %parallel_loop3A_229 = tpu.dynamic_gather %parallel_loop3A_223[%parallel_loop3A_228] in [0] : vector<16xf32>, vector<16xi32> -> vector<16xf32>
        %parallel_loop3A_230 = arith.addf %parallel_loop3A_226, %parallel_loop3A_229 : vector<16xf32>
        %parallel_loop3A_231 = arith.constant 2.000000e-01 : f32
        %parallel_loop3A_232 = vector.broadcast %parallel_loop3A_231 : f32 to vector<16xf32>
        %parallel_loop3A_233 = arith.mulf %parallel_loop3A_232, %parallel_loop3A_230 : vector<16xf32>
        %parallel_loop3A_234 = arith.maximumf %parallel_loop3A_230, %parallel_loop3A_233 : vector<16xf32>
        %parallel_loop3A_235 = math.exp %parallel_loop3A_234 : vector<16xf32>
        %parallel_loop3A_236 = arith.constant 7 : i32
        %parallel_loop3A_237 = vector.broadcast %parallel_loop3A_236 : i32 to vector<16xi32>
        %parallel_loop3A_238 = arith.cmpi slt, %iota3A, %parallel_loop3A_237 : vector<16xi32>
        %parallel_loop3A_239 = arith.mulf %parallel_loop3A_219, %parallel_loop3A_235 : vector<16xf32>
        %parallel_loop3A_240 = arith.constant 7 : i32
        %parallel_loop3A_241 = vector.broadcast %parallel_loop3A_240 : i32 to vector<16xi32>
        %parallel_loop3A_242 = arith.cmpi eq, %iota3A, %parallel_loop3A_241 : vector<16xi32>
        %parallel_loop3A_243 = arith.constant 0.000000e+00 : f32
        %parallel_loop3A_244 = vector.broadcast %parallel_loop3A_243 : f32 to vector<16xf32>
        %parallel_loop3A_245 = arith.select %parallel_loop3A_242, %parallel_loop3A_235, %parallel_loop3A_244 : vector<16xi1>, vector<16xf32>
        %parallel_loop3A_246 = arith.select %parallel_loop3A_238, %parallel_loop3A_239, %parallel_loop3A_245 : vector<16xi1>, vector<16xf32>
        %parallel_loop3A_247 = arith.index_cast %parallel_loop3A_215 : i32 to index
        %parallel_loop3A_248 = arith.constant 0 : index
        %parallel_loop3A_249 = tpu.vector_load %arg17[%parallel_loop3A_247, %parallel_loop3A_248] {strides = array<i32>} : memref<64x128xf32, #tpu.memory_space<vmem>>, vector<1x16xf32>,
        %parallel_loop3A_250 = vector.shape_cast %parallel_loop3A_249 : vector<1x16xf32> to vector<16xf32>
        %parallel_loop3A_251 = vector.shape_cast %parallel_loop3A_246 : vector<16xf32> to vector<1x16xf32>
        tpu.vector_store %arg17[%parallel_loop3A_247, %parallel_loop3A_248], %parallel_loop3A_251 {strides = array<i32>} : memref<64x128xf32, #tpu.memory_space<vmem>>, vector<1x16xf32>,
      } {sc.loop_unroll_factor = 8 : i64, sc.parallel_access}
      %get3A_177 = arith.constant 0 : index
      %get3A_178 = tpu.vector_load %arg9[%get3A_177] {strides = array<i32>} : memref<64xi32, #tpu.memory_space<vmem>>, vector<16xi32>,
      %get3A_179 = vector.shape_cast %get3A_178 : vector<16xi32> to vector<16xi32>
      %swap3A_180 = arith.constant 0 : index
      %swap3A_181 = tpu.vector_load %arg11[%swap3A_180] {strides = array<i32>} : memref<64xi32, #tpu.memory_space<vmem>>, vector<16xi32>,
      %swap3A_182 = vector.shape_cast %swap3A_181 : vector<16xi32> to vector<16xi32>
      %swap3A_183 = vector.shape_cast %get3A_179 : vector<16xi32> to vector<16xi32>
      tpu.vector_store %arg11[%swap3A_180], %swap3A_183 {strides = array<i32>} : memref<64xi32, #tpu.memory_space<vmem>>, vector<16xi32>,
      %get3A_184 = arith.constant 16 : index
      %get3A_185 = tpu.vector_load %arg9[%get3A_184] {strides = array<i32>} : memref<64xi32, #tpu.memory_space<vmem>>, vector<16xi32>,
      %get3A_186 = vector.shape_cast %get3A_185 : vector<16xi32> to vector<16xi32>
      %swap3A_187 = arith.constant 16 : index
      %swap3A_188 = tpu.vector_load %arg11[%swap3A_187] {strides = array<i32>} : memref<64xi32, #tpu.memory_space<vmem>>, vector<16xi32>,
      %swap3A_189 = vector.shape_cast %swap3A_188 : vector<16xi32> to vector<16xi32>
      %swap3A_190 = vector.shape_cast %get3A_186 : vector<16xi32> to vector<16xi32>
      tpu.vector_store %arg11[%swap3A_187], %swap3A_190 {strides = array<i32>} : memref<64xi32, #tpu.memory_space<vmem>>, vector<16xi32>,
      %get3A_191 = arith.constant 32 : index
      %get3A_192 = tpu.vector_load %arg9[%get3A_191] {strides = array<i32>} : memref<64xi32, #tpu.memory_space<vmem>>, vector<16xi32>,
      %get3A_193 = vector.shape_cast %get3A_192 : vector<16xi32> to vector<16xi32>
      %swap3A_194 = arith.constant 32 : index
      %swap3A_195 = tpu.vector_load %arg11[%swap3A_194] {strides = array<i32>} : memref<64xi32, #tpu.memory_space<vmem>>, vector<16xi32>,
      %swap3A_196 = vector.shape_cast %swap3A_195 : vector<16xi32> to vector<16xi32>
      %swap3A_197 = vector.shape_cast %get3A_193 : vector<16xi32> to vector<16xi32>
      tpu.vector_store %arg11[%swap3A_194], %swap3A_197 {strides = array<i32>} : memref<64xi32, #tpu.memory_space<vmem>>, vector<16xi32>,
      %get3A_198 = arith.constant 48 : index
      %get3A_199 = tpu.vector_load %arg9[%get3A_198] {strides = array<i32>} : memref<64xi32, #tpu.memory_space<vmem>>, vector<16xi32>,
      %get3A_200 = vector.shape_cast %get3A_199 : vector<16xi32> to vector<16xi32>
      %swap3A_201 = arith.constant 48 : index
      %swap3A_202 = tpu.vector_load %arg11[%swap3A_201] {strides = array<i32>} : memref<64xi32, #tpu.memory_space<vmem>>, vector<16xi32>,
      %swap3A_203 = vector.shape_cast %swap3A_202 : vector<16xi32> to vector<16xi32>
      %swap3A_204 = vector.shape_cast %get3A_200 : vector<16xi32> to vector<16xi32>
      tpu.vector_store %arg11[%swap3A_201], %swap3A_204 {strides = array<i32>} : memref<64xi32, #tpu.memory_space<vmem>>, vector<16xi32>,
      %dma_start3A_205 = arith.constant 0 : i32
      %dma_start3A_206 = arith.constant 0 : i32
      %dma_start3A_207 = tpu.memref_slice %arg18[%dma_start3A_205, %dma_start3A_206] : memref<10112x128xf32, #tpu.memory_space<vmem_shared>> -> memref<10112x128xf32, #tpu.memory_space<vmem_shared>>
      tpu.enqueue_indirect_dma source(%arg17 : memref<64x128xf32, #tpu.memory_space<vmem>>) target(%dma_start3A_207 : memref<10112x128xf32, #tpu.memory_space<vmem_shared>>) offsets(%arg11 : memref<64xi32, #tpu.memory_space<vmem>>) semaphore(%arg26 : memref<!tpu.dma_semaphore, #tpu.memory_space<semaphore_mem>>) {add = true}
      %add3A_208 = arith.constant 2 : i32
      %add3A_209 = arith.addi %add3A_155, %add3A_208 : i32
      %lt3A_210 = arith.constant 158 : i32
      %lt3A_211 = arith.cmpi slt, %add3A_209, %lt3A_210 : i32
      %convert_element_type3A_212 = arith.extui %lt3A_211 : i1 to i32
      %cond3A_213 = arith.constant 0 : i32
      %cond3A_214 = arith.cmpi ne, %convert_element_type3A_212, %cond3A_213 : i32
      scf.if %cond3A_214 {
        %add3A_215 = arith.constant 2 : i32
        %add3A_216 = arith.addi %add3A_155, %add3A_215 : i32
        %mul3A_217 = arith.constant 64 : i32
        %mul3A_218 = arith.muli %add3A_216, %mul3A_217 : i32
        %add3A_219 = arith.addi %mul3A_51, %mul3A_218 : i32
        %dma_start3A_220 = tpu.memref_slice %arg2[%add3A_219] : memref<323584xi32, #tpu.memory_space<hbm>> -> memref<64xi32, #tpu.memory_space<hbm>>
        %dma_start3A_221 = tpu.memref_slice %arg2[%add3A_219] : memref<323584xi32, #tpu.memory_space<hbm>> -> memref<64xi32, #tpu.memory_space<hbm>>
        tpu.enqueue_dma source(%dma_start3A_221 : memref<64xi32, #tpu.memory_space<hbm>>) target(%arg7 : memref<64xi32, #tpu.memory_space<vmem>>) target_semaphore(%arg20 : memref<!tpu.dma_semaphore, #tpu.memory_space<semaphore_mem>>)
        %mul3A_222 = arith.constant 64 : i32
        %mul3A_223 = arith.muli %add3A_216, %mul3A_222 : i32
        %add3A_224 = arith.addi %mul3A_51, %mul3A_223 : i32
        %dma_start3A_225 = tpu.memref_slice %arg3[%add3A_224] : memref<323584xi32, #tpu.memory_space<hbm>> -> memref<64xi32, #tpu.memory_space<hbm>>
        %dma_start3A_226 = tpu.memref_slice %arg3[%add3A_224] : memref<323584xi32, #tpu.memory_space<hbm>> -> memref<64xi32, #tpu.memory_space<hbm>>
        tpu.enqueue_dma source(%dma_start3A_226 : memref<64xi32, #tpu.memory_space<hbm>>) target(%arg9 : memref<64xi32, #tpu.memory_space<vmem>>) target_semaphore(%arg20 : memref<!tpu.dma_semaphore, #tpu.memory_space<semaphore_mem>>)
      } else {
      }
    }
    %scan3A_84 = arith.constant 79 : i32
    %dma_wait3A_85 = arith.constant 0 : i32
    %dma_wait3A_86 = arith.constant 0 : i32
    %dma_wait3A_87 = tpu.memref_slice %arg18[%dma_wait3A_85, %dma_wait3A_86] : memref<10112x128xf32, #tpu.memory_space<vmem_shared>> -> memref<10112x128xf32, #tpu.memory_space<vmem_shared>>
    tpu.wait_indirect_dma semaphore(%arg25 : memref<!tpu.dma_semaphore, #tpu.memory_space<semaphore_mem>>) src(%arg16 : memref<64x128xf32, #tpu.memory_space<vmem>>) dst(%dma_wait3A_87 : memref<10112x128xf32, #tpu.memory_space<vmem_shared>>)
    %dma_wait3A_88 = arith.constant 0 : i32
    %dma_wait3A_89 = arith.constant 0 : i32
    %dma_wait3A_90 = tpu.memref_slice %arg18[%dma_wait3A_88, %dma_wait3A_89] : memref<10112x128xf32, #tpu.memory_space<vmem_shared>> -> memref<10112x128xf32, #tpu.memory_space<vmem_shared>>
    tpu.wait_indirect_dma semaphore(%arg26 : memref<!tpu.dma_semaphore, #tpu.memory_space<semaphore_mem>>) src(%arg17 : memref<64x128xf32, #tpu.memory_space<vmem>>) dst(%dma_wait3A_90 : memref<10112x128xf32, #tpu.memory_space<vmem_shared>>)
    %barrier3A_91 = arith.constant 0 : index
    tpu.barrier barrier_id(%barrier3A_91)
    %mul3A_92 = arith.constant 632 : i32
    %mul3A_93 = arith.muli %arg1, %mul3A_92 : i32
    %mul3A_94 = arith.constant 632 : i32
    %mul3A_95 = arith.muli %arg1, %mul3A_94 : i32
    "tpu.region"() ({
      %run_scoped3A = tpu.sem_alloc : memref<!tpu.dma_semaphore, #tpu.memory_space<semaphore_mem>>
      %dma_start3A_96 = arith.constant 0 : i32
      %dma_start3A_97 = tpu.memref_slice %arg5[%arg0, %mul3A_95, %dma_start3A_96] : memref<2x10112x128xf32, #tpu.memory_space<hbm>> -> memref<1x632x128xf32, #tpu.memory_space<hbm>>
      %dma_start3A_98 = tpu.memref_squeeze %dma_start3A_97 : memref<1x632x128xf32, #tpu.memory_space<hbm>> -> memref<632x128xf32, #tpu.memory_space<hbm>>
      %dma_start3A_99 = arith.constant 0 : i32
      %dma_start3A_100 = tpu.memref_slice %arg18[%mul3A_93, %dma_start3A_99] : memref<10112x128xf32, #tpu.memory_space<vmem_shared>> -> memref<632x128xf32, #tpu.memory_space<vmem_shared>>
      tpu.enqueue_dma source(%dma_start3A_100 : memref<632x128xf32, #tpu.memory_space<vmem_shared>>) target(%dma_start3A_98 : memref<632x128xf32, #tpu.memory_space<hbm>>) target_semaphore(%run_scoped3A : memref<!tpu.dma_semaphore, #tpu.memory_space<semaphore_mem>>)
      %dma_wait3A_101 = arith.constant 0 : i32
      %dma_wait3A_102 = tpu.memref_slice %arg5[%arg0, %mul3A_95, %dma_wait3A_101] : memref<2x10112x128xf32, #tpu.memory_space<hbm>> -> memref<1x632x128xf32, #tpu.memory_space<hbm>>
      %dma_wait3A_103 = tpu.memref_squeeze %dma_wait3A_102 : memref<1x632x128xf32, #tpu.memory_space<hbm>> -> memref<632x128xf32, #tpu.memory_space<hbm>>
      %dma_wait3A_104 = arith.constant 0 : i32
      %dma_wait3A_105 = tpu.memref_slice %arg18[%mul3A_93, %dma_wait3A_104] : memref<10112x128xf32, #tpu.memory_space<vmem_shared>> -> memref<632x128xf32, #tpu.memory_space<vmem_shared>>
      tpu.wait_dma2 semaphore(%run_scoped3A : memref<!tpu.dma_semaphore, #tpu.memory_space<semaphore_mem>>) src(%dma_wait3A_105 : memref<632x128xf32, #tpu.memory_space<vmem_shared>>) dst(%dma_wait3A_103 : memref<632x128xf32, #tpu.memory_space<hbm>>)
      tpu.yield
    }) : () -> ()
    return
  }
}

#map = affine_map<(d0, d1) -> (0)>
#map1 = affine_map<(d0, d1) -> (0, 0)>
#map2 = affine_map<(d0, d1) -> (0, 0, 0)>
module attributes {stable_mosaic.version = 14 : i64} {
  func.func @_sc1_body(%arg0: i32, %arg1: i32, %arg2: memref<323584xi32, #tpu.memory_space<hbm>>, %arg3: memref<323584xi32, #tpu.memory_space<hbm>>, %arg4: memref<10112x128xf32, #tpu.memory_space<hbm>>, %arg5: memref<2x10112x128xf32, #tpu.memory_space<hbm>>, %arg6: memref<64xi32, #tpu.memory_space<vmem>>, %arg7: memref<64xi32, #tpu.memory_space<vmem>>, %arg8: memref<64xi32, #tpu.memory_space<vmem>>, %arg9: memref<64xi32, #tpu.memory_space<vmem>>, %arg10: memref<64xi32, #tpu.memory_space<vmem>>, %arg11: memref<64xi32, #tpu.memory_space<vmem>>, %arg12: memref<64x128xf32, #tpu.memory_space<vmem>>, %arg13: memref<64x128xf32, #tpu.memory_space<vmem>>, %arg14: memref<64x128xf32, #tpu.memory_space<vmem>>, %arg15: memref<64x128xf32, #tpu.memory_space<vmem>>, %arg16: memref<64x128xf32, #tpu.memory_space<vmem>>, %arg17: memref<64x128xf32, #tpu.memory_space<vmem>>, %arg18: memref<10112x128xf32, #tpu.memory_space<vmem_shared>>, %arg19: memref<!tpu.dma_semaphore, #tpu.memory_space<semaphore_mem>>, %arg20: memref<!tpu.dma_semaphore, #tpu.memory_space<semaphore_mem>>, %arg21: memref<!tpu.dma_semaphore, #tpu.memory_space<semaphore_mem>>, %arg22: memref<!tpu.dma_semaphore, #tpu.memory_space<semaphore_mem>>, %arg23: memref<!tpu.dma_semaphore, #tpu.memory_space<semaphore_mem>>, %arg24: memref<!tpu.dma_semaphore, #tpu.memory_space<semaphore_mem>>, %arg25: memref<!tpu.dma_semaphore, #tpu.memory_space<semaphore_mem>>, %arg26: memref<!tpu.dma_semaphore, #tpu.memory_space<semaphore_mem>>) attributes {dimension_semantics = [#tpu.dimension_semantics<core_parallel>, #tpu.dimension_semantics<subcore_parallel>], iteration_bounds = array<i64: 2, 16>, scalar_prefetch = 0 : i64, scratch_operands = 21 : i64, tpu.core_type = #tpu.core_type<sc_vector_subcore>, window_params = [{transform_indices = #map}, {transform_indices = #map}, {transform_indices = #map1}, {transform_indices = #map2}]} {
    %iota3A = tpu.iota {dimensions = array<i32: 0>} : vector<16xi32>
    %shift_right_arithmetic3A = arith.constant 3 : i32
    %shift_right_arithmetic3A_0 = vector.broadcast %shift_right_arithmetic3A : i32 to vector<16xi32>
    %shift_right_arithmetic3A_1 = arith.shrsi %iota3A, %shift_right_arithmetic3A_0 : vector<16xi32>
    %add3A = arith.constant 2 : i32
    %add3A_2 = vector.broadcast %add3A : i32 to vector<16xi32>
    %add3A_3 = arith.addi %shift_right_arithmetic3A_1, %add3A_2 : vector<16xi32>
    %add3A_4 = arith.constant 4 : i32
    %add3A_5 = vector.broadcast %add3A_4 : i32 to vector<16xi32>
    %add3A_6 = arith.addi %shift_right_arithmetic3A_1, %add3A_5 : vector<16xi32>
    %add3A_7 = arith.constant 6 : i32
    %add3A_8 = vector.broadcast %add3A_7 : i32 to vector<16xi32>
    %add3A_9 = arith.addi %shift_right_arithmetic3A_1, %add3A_8 : vector<16xi32>
    %mul3A = arith.constant 2 : i32
    %mul3A_10 = arith.muli %arg1, %mul3A : i32
    %add3A_11 = arith.addi %mul3A_10, %arg0 : i32
    %broadcast_in_dim3A = arith.constant 0.000000e+00 : f32
    %broadcast_in_dim3A_12 = vector.broadcast %broadcast_in_dim3A : f32 to vector<16xf32>
    %parallel_loop3A = arith.constant 0 : i32
    %parallel_loop3A_13 = arith.constant 64 : i32
    %parallel_loop3A_14 = arith.constant 1 : i32
    scf.for %parallel_loop3A_103 = %parallel_loop3A to %parallel_loop3A_13 step %parallel_loop3A_14  : i32 {
      %parallel_loop3A_104 = arith.index_cast %parallel_loop3A_103 : i32 to index
      %parallel_loop3A_105 = arith.constant 0 : index
      %parallel_loop3A_106 = tpu.vector_load %arg16[%parallel_loop3A_104, %parallel_loop3A_105] {strides = array<i32>} : memref<64x128xf32, #tpu.memory_space<vmem>>, vector<1x16xf32>,
      %parallel_loop3A_107 = vector.shape_cast %parallel_loop3A_106 : vector<1x16xf32> to vector<16xf32>
      %parallel_loop3A_108 = vector.shape_cast %broadcast_in_dim3A_12 : vector<16xf32> to vector<1x16xf32>
      tpu.vector_store %arg16[%parallel_loop3A_104, %parallel_loop3A_105], %parallel_loop3A_108 {strides = array<i32>} : memref<64x128xf32, #tpu.memory_space<vmem>>, vector<1x16xf32>,
      %parallel_loop3A_109 = arith.index_cast %parallel_loop3A_103 : i32 to index
      %parallel_loop3A_110 = arith.constant 0 : index
      %parallel_loop3A_111 = tpu.vector_load %arg17[%parallel_loop3A_109, %parallel_loop3A_110] {strides = array<i32>} : memref<64x128xf32, #tpu.memory_space<vmem>>, vector<1x16xf32>,
      %parallel_loop3A_112 = vector.shape_cast %parallel_loop3A_111 : vector<1x16xf32> to vector<16xf32>
      %parallel_loop3A_113 = vector.shape_cast %broadcast_in_dim3A_12 : vector<16xf32> to vector<1x16xf32>
      tpu.vector_store %arg17[%parallel_loop3A_109, %parallel_loop3A_110], %parallel_loop3A_113 {strides = array<i32>} : memref<64x128xf32, #tpu.memory_space<vmem>>, vector<1x16xf32>,
      %parallel_loop3A_114 = arith.index_cast %parallel_loop3A_103 : i32 to index
      %parallel_loop3A_115 = arith.constant 16 : index
      %parallel_loop3A_116 = tpu.vector_load %arg16[%parallel_loop3A_114, %parallel_loop3A_115] {strides = array<i32>} : memref<64x128xf32, #tpu.memory_space<vmem>>, vector<1x16xf32>,
      %parallel_loop3A_117 = vector.shape_cast %parallel_loop3A_116 : vector<1x16xf32> to vector<16xf32>
      %parallel_loop3A_118 = vector.shape_cast %broadcast_in_dim3A_12 : vector<16xf32> to vector<1x16xf32>
      tpu.vector_store %arg16[%parallel_loop3A_114, %parallel_loop3A_115], %parallel_loop3A_118 {strides = array<i32>} : memref<64x128xf32, #tpu.memory_space<vmem>>, vector<1x16xf32>,
      %parallel_loop3A_119 = arith.index_cast %parallel_loop3A_103 : i32 to index
      %parallel_loop3A_120 = arith.constant 16 : index
      %parallel_loop3A_121 = tpu.vector_load %arg17[%parallel_loop3A_119, %parallel_loop3A_120] {strides = array<i32>} : memref<64x128xf32, #tpu.memory_space<vmem>>, vector<1x16xf32>,
      %parallel_loop3A_122 = vector.shape_cast %parallel_loop3A_121 : vector<1x16xf32> to vector<16xf32>
      %parallel_loop3A_123 = vector.shape_cast %broadcast_in_dim3A_12 : vector<16xf32> to vector<1x16xf32>
      tpu.vector_store %arg17[%parallel_loop3A_119, %parallel_loop3A_120], %parallel_loop3A_123 {strides = array<i32>} : memref<64x128xf32, #tpu.memory_space<vmem>>, vector<1x16xf32>,
      %parallel_loop3A_124 = arith.index_cast %parallel_loop3A_103 : i32 to index
      %parallel_loop3A_125 = arith.constant 32 : index
      %parallel_loop3A_126 = tpu.vector_load %arg16[%parallel_loop3A_124, %parallel_loop3A_125] {strides = array<i32>} : memref<64x128xf32, #tpu.memory_space<vmem>>, vector<1x16xf32>,
      %parallel_loop3A_127 = vector.shape_cast %parallel_loop3A_126 : vector<1x16xf32> to vector<16xf32>
      %parallel_loop3A_128 = vector.shape_cast %broadcast_in_dim3A_12 : vector<16xf32> to vector<1x16xf32>
      tpu.vector_store %arg16[%parallel_loop3A_124, %parallel_loop3A_125], %parallel_loop3A_128 {strides = array<i32>} : memref<64x128xf32, #tpu.memory_space<vmem>>, vector<1x16xf32>,
      %parallel_loop3A_129 = arith.index_cast %parallel_loop3A_103 : i32 to index
      %parallel_loop3A_130 = arith.constant 32 : index
      %parallel_loop3A_131 = tpu.vector_load %arg17[%parallel_loop3A_129, %parallel_loop3A_130] {strides = array<i32>} : memref<64x128xf32, #tpu.memory_space<vmem>>, vector<1x16xf32>,
      %parallel_loop3A_132 = vector.shape_cast %parallel_loop3A_131 : vector<1x16xf32> to vector<16xf32>
      %parallel_loop3A_133 = vector.shape_cast %broadcast_in_dim3A_12 : vector<16xf32> to vector<1x16xf32>
      tpu.vector_store %arg17[%parallel_loop3A_129, %parallel_loop3A_130], %parallel_loop3A_133 {strides = array<i32>} : memref<64x128xf32, #tpu.memory_space<vmem>>, vector<1x16xf32>,
      %parallel_loop3A_134 = arith.index_cast %parallel_loop3A_103 : i32 to index
      %parallel_loop3A_135 = arith.constant 48 : index
      %parallel_loop3A_136 = tpu.vector_load %arg16[%parallel_loop3A_134, %parallel_loop3A_135] {strides = array<i32>} : memref<64x128xf32, #tpu.memory_space<vmem>>, vector<1x16xf32>,
      %parallel_loop3A_137 = vector.shape_cast %parallel_loop3A_136 : vector<1x16xf32> to vector<16xf32>
      %parallel_loop3A_138 = vector.shape_cast %broadcast_in_dim3A_12 : vector<16xf32> to vector<1x16xf32>
      tpu.vector_store %arg16[%parallel_loop3A_134, %parallel_loop3A_135], %parallel_loop3A_138 {strides = array<i32>} : memref<64x128xf32, #tpu.memory_space<vmem>>, vector<1x16xf32>,
      %parallel_loop3A_139 = arith.index_cast %parallel_loop3A_103 : i32 to index
      %parallel_loop3A_140 = arith.constant 48 : index
      %parallel_loop3A_141 = tpu.vector_load %arg17[%parallel_loop3A_139, %parallel_loop3A_140] {strides = array<i32>} : memref<64x128xf32, #tpu.memory_space<vmem>>, vector<1x16xf32>,
      %parallel_loop3A_142 = vector.shape_cast %parallel_loop3A_141 : vector<1x16xf32> to vector<16xf32>
      %parallel_loop3A_143 = vector.shape_cast %broadcast_in_dim3A_12 : vector<16xf32> to vector<1x16xf32>
      tpu.vector_store %arg17[%parallel_loop3A_139, %parallel_loop3A_140], %parallel_loop3A_143 {strides = array<i32>} : memref<64x128xf32, #tpu.memory_space<vmem>>, vector<1x16xf32>,
      %parallel_loop3A_144 = arith.index_cast %parallel_loop3A_103 : i32 to index
      %parallel_loop3A_145 = arith.constant 64 : index
      %parallel_loop3A_146 = tpu.vector_load %arg16[%parallel_loop3A_144, %parallel_loop3A_145] {strides = array<i32>} : memref<64x128xf32, #tpu.memory_space<vmem>>, vector<1x16xf32>,
      %parallel_loop3A_147 = vector.shape_cast %parallel_loop3A_146 : vector<1x16xf32> to vector<16xf32>
      %parallel_loop3A_148 = vector.shape_cast %broadcast_in_dim3A_12 : vector<16xf32> to vector<1x16xf32>
      tpu.vector_store %arg16[%parallel_loop3A_144, %parallel_loop3A_145], %parallel_loop3A_148 {strides = array<i32>} : memref<64x128xf32, #tpu.memory_space<vmem>>, vector<1x16xf32>,
      %parallel_loop3A_149 = arith.index_cast %parallel_loop3A_103 : i32 to index
      %parallel_loop3A_150 = arith.constant 64 : index
      %parallel_loop3A_151 = tpu.vector_load %arg17[%parallel_loop3A_149, %parallel_loop3A_150] {strides = array<i32>} : memref<64x128xf32, #tpu.memory_space<vmem>>, vector<1x16xf32>,
      %parallel_loop3A_152 = vector.shape_cast %parallel_loop3A_151 : vector<1x16xf32> to vector<16xf32>
      %parallel_loop3A_153 = vector.shape_cast %broadcast_in_dim3A_12 : vector<16xf32> to vector<1x16xf32>
      tpu.vector_store %arg17[%parallel_loop3A_149, %parallel_loop3A_150], %parallel_loop3A_153 {strides = array<i32>} : memref<64x128xf32, #tpu.memory_space<vmem>>, vector<1x16xf32>,
      %parallel_loop3A_154 = arith.index_cast %parallel_loop3A_103 : i32 to index
      %parallel_loop3A_155 = arith.constant 80 : index
      %parallel_loop3A_156 = tpu.vector_load %arg16[%parallel_loop3A_154, %parallel_loop3A_155] {strides = array<i32>} : memref<64x128xf32, #tpu.memory_space<vmem>>, vector<1x16xf32>,
      %parallel_loop3A_157 = vector.shape_cast %parallel_loop3A_156 : vector<1x16xf32> to vector<16xf32>
      %parallel_loop3A_158 = vector.shape_cast %broadcast_in_dim3A_12 : vector<16xf32> to vector<1x16xf32>
      tpu.vector_store %arg16[%parallel_loop3A_154, %parallel_loop3A_155], %parallel_loop3A_158 {strides = array<i32>} : memref<64x128xf32, #tpu.memory_space<vmem>>, vector<1x16xf32>,
      %parallel_loop3A_159 = arith.index_cast %parallel_loop3A_103 : i32 to index
      %parallel_loop3A_160 = arith.constant 80 : index
      %parallel_loop3A_161 = tpu.vector_load %arg17[%parallel_loop3A_159, %parallel_loop3A_160] {strides = array<i32>} : memref<64x128xf32, #tpu.memory_space<vmem>>, vector<1x16xf32>,
      %parallel_loop3A_162 = vector.shape_cast %parallel_loop3A_161 : vector<1x16xf32> to vector<16xf32>
      %parallel_loop3A_163 = vector.shape_cast %broadcast_in_dim3A_12 : vector<16xf32> to vector<1x16xf32>
      tpu.vector_store %arg17[%parallel_loop3A_159, %parallel_loop3A_160], %parallel_loop3A_163 {strides = array<i32>} : memref<64x128xf32, #tpu.memory_space<vmem>>, vector<1x16xf32>,
      %parallel_loop3A_164 = arith.index_cast %parallel_loop3A_103 : i32 to index
      %parallel_loop3A_165 = arith.constant 96 : index
      %parallel_loop3A_166 = tpu.vector_load %arg16[%parallel_loop3A_164, %parallel_loop3A_165] {strides = array<i32>} : memref<64x128xf32, #tpu.memory_space<vmem>>, vector<1x16xf32>,
      %parallel_loop3A_167 = vector.shape_cast %parallel_loop3A_166 : vector<1x16xf32> to vector<16xf32>
      %parallel_loop3A_168 = vector.shape_cast %broadcast_in_dim3A_12 : vector<16xf32> to vector<1x16xf32>
      tpu.vector_store %arg16[%parallel_loop3A_164, %parallel_loop3A_165], %parallel_loop3A_168 {strides = array<i32>} : memref<64x128xf32, #tpu.memory_space<vmem>>, vector<1x16xf32>,
      %parallel_loop3A_169 = arith.index_cast %parallel_loop3A_103 : i32 to index
      %parallel_loop3A_170 = arith.constant 96 : index
      %parallel_loop3A_171 = tpu.vector_load %arg17[%parallel_loop3A_169, %parallel_loop3A_170] {strides = array<i32>} : memref<64x128xf32, #tpu.memory_space<vmem>>, vector<1x16xf32>,
      %parallel_loop3A_172 = vector.shape_cast %parallel_loop3A_171 : vector<1x16xf32> to vector<16xf32>
      %parallel_loop3A_173 = vector.shape_cast %broadcast_in_dim3A_12 : vector<16xf32> to vector<1x16xf32>
      tpu.vector_store %arg17[%parallel_loop3A_169, %parallel_loop3A_170], %parallel_loop3A_173 {strides = array<i32>} : memref<64x128xf32, #tpu.memory_space<vmem>>, vector<1x16xf32>,
      %parallel_loop3A_174 = arith.index_cast %parallel_loop3A_103 : i32 to index
      %parallel_loop3A_175 = arith.constant 112 : index
      %parallel_loop3A_176 = tpu.vector_load %arg16[%parallel_loop3A_174, %parallel_loop3A_175] {strides = array<i32>} : memref<64x128xf32, #tpu.memory_space<vmem>>, vector<1x16xf32>,
      %parallel_loop3A_177 = vector.shape_cast %parallel_loop3A_176 : vector<1x16xf32> to vector<16xf32>
      %parallel_loop3A_178 = vector.shape_cast %broadcast_in_dim3A_12 : vector<16xf32> to vector<1x16xf32>
      tpu.vector_store %arg16[%parallel_loop3A_174, %parallel_loop3A_175], %parallel_loop3A_178 {strides = array<i32>} : memref<64x128xf32, #tpu.memory_space<vmem>>, vector<1x16xf32>,
      %parallel_loop3A_179 = arith.index_cast %parallel_loop3A_103 : i32 to index
      %parallel_loop3A_180 = arith.constant 112 : index
      %parallel_loop3A_181 = tpu.vector_load %arg17[%parallel_loop3A_179, %parallel_loop3A_180] {strides = array<i32>} : memref<64x128xf32, #tpu.memory_space<vmem>>, vector<1x16xf32>,
      %parallel_loop3A_182 = vector.shape_cast %parallel_loop3A_181 : vector<1x16xf32> to vector<16xf32>
      %parallel_loop3A_183 = vector.shape_cast %broadcast_in_dim3A_12 : vector<16xf32> to vector<1x16xf32>
      tpu.vector_store %arg17[%parallel_loop3A_179, %parallel_loop3A_180], %parallel_loop3A_183 {strides = array<i32>} : memref<64x128xf32, #tpu.memory_space<vmem>>, vector<1x16xf32>,
    } {sc.loop_unroll_factor = 2 : i64, sc.parallel_access}
    %mul3A_15 = arith.constant 632 : i32
    %mul3A_16 = arith.muli %arg1, %mul3A_15 : i32
    %add3A_17 = arith.constant 0 : i32
    %add3A_18 = arith.addi %mul3A_16, %add3A_17 : i32
    "tpu.region"() ({
      %run_scoped3A = tpu.sem_alloc : memref<!tpu.dma_semaphore, #tpu.memory_space<semaphore_mem>>
      %dma_start3A_103 = arith.constant 0 : i32
      %dma_start3A_104 = tpu.memref_slice %arg18[%add3A_18, %dma_start3A_103] : memref<10112x128xf32, #tpu.memory_space<vmem_shared>> -> memref<64x128xf32, #tpu.memory_space<vmem_shared>>
      %dma_start3A_105 = arith.constant 0 : i32
      %dma_start3A_106 = tpu.memref_slice %arg18[%add3A_18, %dma_start3A_105] : memref<10112x128xf32, #tpu.memory_space<vmem_shared>> -> memref<64x128xf32, #tpu.memory_space<vmem_shared>>
      tpu.enqueue_dma source(%arg16 : memref<64x128xf32, #tpu.memory_space<vmem>>) target(%dma_start3A_106 : memref<64x128xf32, #tpu.memory_space<vmem_shared>>) target_semaphore(%run_scoped3A : memref<!tpu.dma_semaphore, #tpu.memory_space<semaphore_mem>>)
      %dma_wait3A_107 = arith.constant 0 : i32
      %dma_wait3A_108 = tpu.memref_slice %arg18[%add3A_18, %dma_wait3A_107] : memref<10112x128xf32, #tpu.memory_space<vmem_shared>> -> memref<64x128xf32, #tpu.memory_space<vmem_shared>>
      %dma_wait3A_109 = arith.constant 0 : i32
      %dma_wait3A_110 = tpu.memref_slice %arg18[%add3A_18, %dma_wait3A_109] : memref<10112x128xf32, #tpu.memory_space<vmem_shared>> -> memref<64x128xf32, #tpu.memory_space<vmem_shared>>
      tpu.wait_dma2 semaphore(%run_scoped3A : memref<!tpu.dma_semaphore, #tpu.memory_space<semaphore_mem>>) src(%arg16 : memref<64x128xf32, #tpu.memory_space<vmem>>) dst(%dma_wait3A_110 : memref<64x128xf32, #tpu.memory_space<vmem_shared>>)
      tpu.yield
    }) : () -> ()
    %mul3A_19 = arith.constant 632 : i32
    %mul3A_20 = arith.muli %arg1, %mul3A_19 : i32
    %add3A_21 = arith.constant 64 : i32
    %add3A_22 = arith.addi %mul3A_20, %add3A_21 : i32
    "tpu.region"() ({
      %run_scoped3A = tpu.sem_alloc : memref<!tpu.dma_semaphore, #tpu.memory_space<semaphore_mem>>
      %dma_start3A_103 = arith.constant 0 : i32
      %dma_start3A_104 = tpu.memref_slice %arg18[%add3A_22, %dma_start3A_103] : memref<10112x128xf32, #tpu.memory_space<vmem_shared>> -> memref<64x128xf32, #tpu.memory_space<vmem_shared>>
      %dma_start3A_105 = arith.constant 0 : i32
      %dma_start3A_106 = tpu.memref_slice %arg18[%add3A_22, %dma_start3A_105] : memref<10112x128xf32, #tpu.memory_space<vmem_shared>> -> memref<64x128xf32, #tpu.memory_space<vmem_shared>>
      tpu.enqueue_dma source(%arg16 : memref<64x128xf32, #tpu.memory_space<vmem>>) target(%dma_start3A_106 : memref<64x128xf32, #tpu.memory_space<vmem_shared>>) target_semaphore(%run_scoped3A : memref<!tpu.dma_semaphore, #tpu.memory_space<semaphore_mem>>)
      %dma_wait3A_107 = arith.constant 0 : i32
      %dma_wait3A_108 = tpu.memref_slice %arg18[%add3A_22, %dma_wait3A_107] : memref<10112x128xf32, #tpu.memory_space<vmem_shared>> -> memref<64x128xf32, #tpu.memory_space<vmem_shared>>
      %dma_wait3A_109 = arith.constant 0 : i32
      %dma_wait3A_110 = tpu.memref_slice %arg18[%add3A_22, %dma_wait3A_109] : memref<10112x128xf32, #tpu.memory_space<vmem_shared>> -> memref<64x128xf32, #tpu.memory_space<vmem_shared>>
      tpu.wait_dma2 semaphore(%run_scoped3A : memref<!tpu.dma_semaphore, #tpu.memory_space<semaphore_mem>>) src(%arg16 : memref<64x128xf32, #tpu.memory_space<vmem>>) dst(%dma_wait3A_110 : memref<64x128xf32, #tpu.memory_space<vmem_shared>>)
      tpu.yield
    }) : () -> ()
    %mul3A_23 = arith.constant 632 : i32
    %mul3A_24 = arith.muli %arg1, %mul3A_23 : i32
    %add3A_25 = arith.constant 128 : i32
    %add3A_26 = arith.addi %mul3A_24, %add3A_25 : i32
    "tpu.region"() ({
      %run_scoped3A = tpu.sem_alloc : memref<!tpu.dma_semaphore, #tpu.memory_space<semaphore_mem>>
      %dma_start3A_103 = arith.constant 0 : i32
      %dma_start3A_104 = tpu.memref_slice %arg18[%add3A_26, %dma_start3A_103] : memref<10112x128xf32, #tpu.memory_space<vmem_shared>> -> memref<64x128xf32, #tpu.memory_space<vmem_shared>>
      %dma_start3A_105 = arith.constant 0 : i32
      %dma_start3A_106 = tpu.memref_slice %arg18[%add3A_26, %dma_start3A_105] : memref<10112x128xf32, #tpu.memory_space<vmem_shared>> -> memref<64x128xf32, #tpu.memory_space<vmem_shared>>
      tpu.enqueue_dma source(%arg16 : memref<64x128xf32, #tpu.memory_space<vmem>>) target(%dma_start3A_106 : memref<64x128xf32, #tpu.memory_space<vmem_shared>>) target_semaphore(%run_scoped3A : memref<!tpu.dma_semaphore, #tpu.memory_space<semaphore_mem>>)
      %dma_wait3A_107 = arith.constant 0 : i32
      %dma_wait3A_108 = tpu.memref_slice %arg18[%add3A_26, %dma_wait3A_107] : memref<10112x128xf32, #tpu.memory_space<vmem_shared>> -> memref<64x128xf32, #tpu.memory_space<vmem_shared>>
      %dma_wait3A_109 = arith.constant 0 : i32
      %dma_wait3A_110 = tpu.memref_slice %arg18[%add3A_26, %dma_wait3A_109] : memref<10112x128xf32, #tpu.memory_space<vmem_shared>> -> memref<64x128xf32, #tpu.memory_space<vmem_shared>>
      tpu.wait_dma2 semaphore(%run_scoped3A : memref<!tpu.dma_semaphore, #tpu.memory_space<semaphore_mem>>) src(%arg16 : memref<64x128xf32, #tpu.memory_space<vmem>>) dst(%dma_wait3A_110 : memref<64x128xf32, #tpu.memory_space<vmem_shared>>)
      tpu.yield
    }) : () -> ()
    %mul3A_27 = arith.constant 632 : i32
    %mul3A_28 = arith.muli %arg1, %mul3A_27 : i32
    %add3A_29 = arith.constant 192 : i32
    %add3A_30 = arith.addi %mul3A_28, %add3A_29 : i32
    "tpu.region"() ({
      %run_scoped3A = tpu.sem_alloc : memref<!tpu.dma_semaphore, #tpu.memory_space<semaphore_mem>>
      %dma_start3A_103 = arith.constant 0 : i32
      %dma_start3A_104 = tpu.memref_slice %arg18[%add3A_30, %dma_start3A_103] : memref<10112x128xf32, #tpu.memory_space<vmem_shared>> -> memref<64x128xf32, #tpu.memory_space<vmem_shared>>
      %dma_start3A_105 = arith.constant 0 : i32
      %dma_start3A_106 = tpu.memref_slice %arg18[%add3A_30, %dma_start3A_105] : memref<10112x128xf32, #tpu.memory_space<vmem_shared>> -> memref<64x128xf32, #tpu.memory_space<vmem_shared>>
      tpu.enqueue_dma source(%arg16 : memref<64x128xf32, #tpu.memory_space<vmem>>) target(%dma_start3A_106 : memref<64x128xf32, #tpu.memory_space<vmem_shared>>) target_semaphore(%run_scoped3A : memref<!tpu.dma_semaphore, #tpu.memory_space<semaphore_mem>>)
      %dma_wait3A_107 = arith.constant 0 : i32
      %dma_wait3A_108 = tpu.memref_slice %arg18[%add3A_30, %dma_wait3A_107] : memref<10112x128xf32, #tpu.memory_space<vmem_shared>> -> memref<64x128xf32, #tpu.memory_space<vmem_shared>>
      %dma_wait3A_109 = arith.constant 0 : i32
      %dma_wait3A_110 = tpu.memref_slice %arg18[%add3A_30, %dma_wait3A_109] : memref<10112x128xf32, #tpu.memory_space<vmem_shared>> -> memref<64x128xf32, #tpu.memory_space<vmem_shared>>
      tpu.wait_dma2 semaphore(%run_scoped3A : memref<!tpu.dma_semaphore, #tpu.memory_space<semaphore_mem>>) src(%arg16 : memref<64x128xf32, #tpu.memory_space<vmem>>) dst(%dma_wait3A_110 : memref<64x128xf32, #tpu.memory_space<vmem_shared>>)
      tpu.yield
    }) : () -> ()
    %mul3A_31 = arith.constant 632 : i32
    %mul3A_32 = arith.muli %arg1, %mul3A_31 : i32
    %add3A_33 = arith.constant 256 : i32
    %add3A_34 = arith.addi %mul3A_32, %add3A_33 : i32
    "tpu.region"() ({
      %run_scoped3A = tpu.sem_alloc : memref<!tpu.dma_semaphore, #tpu.memory_space<semaphore_mem>>
      %dma_start3A_103 = arith.constant 0 : i32
      %dma_start3A_104 = tpu.memref_slice %arg18[%add3A_34, %dma_start3A_103] : memref<10112x128xf32, #tpu.memory_space<vmem_shared>> -> memref<64x128xf32, #tpu.memory_space<vmem_shared>>
      %dma_start3A_105 = arith.constant 0 : i32
      %dma_start3A_106 = tpu.memref_slice %arg18[%add3A_34, %dma_start3A_105] : memref<10112x128xf32, #tpu.memory_space<vmem_shared>> -> memref<64x128xf32, #tpu.memory_space<vmem_shared>>
      tpu.enqueue_dma source(%arg16 : memref<64x128xf32, #tpu.memory_space<vmem>>) target(%dma_start3A_106 : memref<64x128xf32, #tpu.memory_space<vmem_shared>>) target_semaphore(%run_scoped3A : memref<!tpu.dma_semaphore, #tpu.memory_space<semaphore_mem>>)
      %dma_wait3A_107 = arith.constant 0 : i32
      %dma_wait3A_108 = tpu.memref_slice %arg18[%add3A_34, %dma_wait3A_107] : memref<10112x128xf32, #tpu.memory_space<vmem_shared>> -> memref<64x128xf32, #tpu.memory_space<vmem_shared>>
      %dma_wait3A_109 = arith.constant 0 : i32
      %dma_wait3A_110 = tpu.memref_slice %arg18[%add3A_34, %dma_wait3A_109] : memref<10112x128xf32, #tpu.memory_space<vmem_shared>> -> memref<64x128xf32, #tpu.memory_space<vmem_shared>>
      tpu.wait_dma2 semaphore(%run_scoped3A : memref<!tpu.dma_semaphore, #tpu.memory_space<semaphore_mem>>) src(%arg16 : memref<64x128xf32, #tpu.memory_space<vmem>>) dst(%dma_wait3A_110 : memref<64x128xf32, #tpu.memory_space<vmem_shared>>)
      tpu.yield
    }) : () -> ()
    %mul3A_35 = arith.constant 632 : i32
    %mul3A_36 = arith.muli %arg1, %mul3A_35 : i32
    %add3A_37 = arith.constant 320 : i32
    %add3A_38 = arith.addi %mul3A_36, %add3A_37 : i32
    "tpu.region"() ({
      %run_scoped3A = tpu.sem_alloc : memref<!tpu.dma_semaphore, #tpu.memory_space<semaphore_mem>>
      %dma_start3A_103 = arith.constant 0 : i32
      %dma_start3A_104 = tpu.memref_slice %arg18[%add3A_38, %dma_start3A_103] : memref<10112x128xf32, #tpu.memory_space<vmem_shared>> -> memref<64x128xf32, #tpu.memory_space<vmem_shared>>
      %dma_start3A_105 = arith.constant 0 : i32
      %dma_start3A_106 = tpu.memref_slice %arg18[%add3A_38, %dma_start3A_105] : memref<10112x128xf32, #tpu.memory_space<vmem_shared>> -> memref<64x128xf32, #tpu.memory_space<vmem_shared>>
      tpu.enqueue_dma source(%arg16 : memref<64x128xf32, #tpu.memory_space<vmem>>) target(%dma_start3A_106 : memref<64x128xf32, #tpu.memory_space<vmem_shared>>) target_semaphore(%run_scoped3A : memref<!tpu.dma_semaphore, #tpu.memory_space<semaphore_mem>>)
      %dma_wait3A_107 = arith.constant 0 : i32
      %dma_wait3A_108 = tpu.memref_slice %arg18[%add3A_38, %dma_wait3A_107] : memref<10112x128xf32, #tpu.memory_space<vmem_shared>> -> memref<64x128xf32, #tpu.memory_space<vmem_shared>>
      %dma_wait3A_109 = arith.constant 0 : i32
      %dma_wait3A_110 = tpu.memref_slice %arg18[%add3A_38, %dma_wait3A_109] : memref<10112x128xf32, #tpu.memory_space<vmem_shared>> -> memref<64x128xf32, #tpu.memory_space<vmem_shared>>
      tpu.wait_dma2 semaphore(%run_scoped3A : memref<!tpu.dma_semaphore, #tpu.memory_space<semaphore_mem>>) src(%arg16 : memref<64x128xf32, #tpu.memory_space<vmem>>) dst(%dma_wait3A_110 : memref<64x128xf32, #tpu.memory_space<vmem_shared>>)
      tpu.yield
    }) : () -> ()
    %mul3A_39 = arith.constant 632 : i32
    %mul3A_40 = arith.muli %arg1, %mul3A_39 : i32
    %add3A_41 = arith.constant 384 : i32
    %add3A_42 = arith.addi %mul3A_40, %add3A_41 : i32
    "tpu.region"() ({
      %run_scoped3A = tpu.sem_alloc : memref<!tpu.dma_semaphore, #tpu.memory_space<semaphore_mem>>
      %dma_start3A_103 = arith.constant 0 : i32
      %dma_start3A_104 = tpu.memref_slice %arg18[%add3A_42, %dma_start3A_103] : memref<10112x128xf32, #tpu.memory_space<vmem_shared>> -> memref<64x128xf32, #tpu.memory_space<vmem_shared>>
      %dma_start3A_105 = arith.constant 0 : i32
      %dma_start3A_106 = tpu.memref_slice %arg18[%add3A_42, %dma_start3A_105] : memref<10112x128xf32, #tpu.memory_space<vmem_shared>> -> memref<64x128xf32, #tpu.memory_space<vmem_shared>>
      tpu.enqueue_dma source(%arg16 : memref<64x128xf32, #tpu.memory_space<vmem>>) target(%dma_start3A_106 : memref<64x128xf32, #tpu.memory_space<vmem_shared>>) target_semaphore(%run_scoped3A : memref<!tpu.dma_semaphore, #tpu.memory_space<semaphore_mem>>)
      %dma_wait3A_107 = arith.constant 0 : i32
      %dma_wait3A_108 = tpu.memref_slice %arg18[%add3A_42, %dma_wait3A_107] : memref<10112x128xf32, #tpu.memory_space<vmem_shared>> -> memref<64x128xf32, #tpu.memory_space<vmem_shared>>
      %dma_wait3A_109 = arith.constant 0 : i32
      %dma_wait3A_110 = tpu.memref_slice %arg18[%add3A_42, %dma_wait3A_109] : memref<10112x128xf32, #tpu.memory_space<vmem_shared>> -> memref<64x128xf32, #tpu.memory_space<vmem_shared>>
      tpu.wait_dma2 semaphore(%run_scoped3A : memref<!tpu.dma_semaphore, #tpu.memory_space<semaphore_mem>>) src(%arg16 : memref<64x128xf32, #tpu.memory_space<vmem>>) dst(%dma_wait3A_110 : memref<64x128xf32, #tpu.memory_space<vmem_shared>>)
      tpu.yield
    }) : () -> ()
    %mul3A_43 = arith.constant 632 : i32
    %mul3A_44 = arith.muli %arg1, %mul3A_43 : i32
    %add3A_45 = arith.constant 448 : i32
    %add3A_46 = arith.addi %mul3A_44, %add3A_45 : i32
    "tpu.region"() ({
      %run_scoped3A = tpu.sem_alloc : memref<!tpu.dma_semaphore, #tpu.memory_space<semaphore_mem>>
      %dma_start3A_103 = arith.constant 0 : i32
      %dma_start3A_104 = tpu.memref_slice %arg18[%add3A_46, %dma_start3A_103] : memref<10112x128xf32, #tpu.memory_space<vmem_shared>> -> memref<64x128xf32, #tpu.memory_space<vmem_shared>>
      %dma_start3A_105 = arith.constant 0 : i32
      %dma_start3A_106 = tpu.memref_slice %arg18[%add3A_46, %dma_start3A_105] : memref<10112x128xf32, #tpu.memory_space<vmem_shared>> -> memref<64x128xf32, #tpu.memory_space<vmem_shared>>
      tpu.enqueue_dma source(%arg16 : memref<64x128xf32, #tpu.memory_space<vmem>>) target(%dma_start3A_106 : memref<64x128xf32, #tpu.memory_space<vmem_shared>>) target_semaphore(%run_scoped3A : memref<!tpu.dma_semaphore, #tpu.memory_space<semaphore_mem>>)
      %dma_wait3A_107 = arith.constant 0 : i32
      %dma_wait3A_108 = tpu.memref_slice %arg18[%add3A_46, %dma_wait3A_107] : memref<10112x128xf32, #tpu.memory_space<vmem_shared>> -> memref<64x128xf32, #tpu.memory_space<vmem_shared>>
      %dma_wait3A_109 = arith.constant 0 : i32
      %dma_wait3A_110 = tpu.memref_slice %arg18[%add3A_46, %dma_wait3A_109] : memref<10112x128xf32, #tpu.memory_space<vmem_shared>> -> memref<64x128xf32, #tpu.memory_space<vmem_shared>>
      tpu.wait_dma2 semaphore(%run_scoped3A : memref<!tpu.dma_semaphore, #tpu.memory_space<semaphore_mem>>) src(%arg16 : memref<64x128xf32, #tpu.memory_space<vmem>>) dst(%dma_wait3A_110 : memref<64x128xf32, #tpu.memory_space<vmem_shared>>)
      tpu.yield
    }) : () -> ()
    %mul3A_47 = arith.constant 632 : i32
    %mul3A_48 = arith.muli %arg1, %mul3A_47 : i32
    %add3A_49 = arith.constant 512 : i32
    %add3A_50 = arith.addi %mul3A_48, %add3A_49 : i32
    "tpu.region"() ({
      %run_scoped3A = tpu.sem_alloc : memref<!tpu.dma_semaphore, #tpu.memory_space<semaphore_mem>>
      %dma_start3A_103 = arith.constant 0 : i32
      %dma_start3A_104 = tpu.memref_slice %arg18[%add3A_50, %dma_start3A_103] : memref<10112x128xf32, #tpu.memory_space<vmem_shared>> -> memref<64x128xf32, #tpu.memory_space<vmem_shared>>
      %dma_start3A_105 = arith.constant 0 : i32
      %dma_start3A_106 = tpu.memref_slice %arg18[%add3A_50, %dma_start3A_105] : memref<10112x128xf32, #tpu.memory_space<vmem_shared>> -> memref<64x128xf32, #tpu.memory_space<vmem_shared>>
      tpu.enqueue_dma source(%arg16 : memref<64x128xf32, #tpu.memory_space<vmem>>) target(%dma_start3A_106 : memref<64x128xf32, #tpu.memory_space<vmem_shared>>) target_semaphore(%run_scoped3A : memref<!tpu.dma_semaphore, #tpu.memory_space<semaphore_mem>>)
      %dma_wait3A_107 = arith.constant 0 : i32
      %dma_wait3A_108 = tpu.memref_slice %arg18[%add3A_50, %dma_wait3A_107] : memref<10112x128xf32, #tpu.memory_space<vmem_shared>> -> memref<64x128xf32, #tpu.memory_space<vmem_shared>>
      %dma_wait3A_109 = arith.constant 0 : i32
      %dma_wait3A_110 = tpu.memref_slice %arg18[%add3A_50, %dma_wait3A_109] : memref<10112x128xf32, #tpu.memory_space<vmem_shared>> -> memref<64x128xf32, #tpu.memory_space<vmem_shared>>
      tpu.wait_dma2 semaphore(%run_scoped3A : memref<!tpu.dma_semaphore, #tpu.memory_space<semaphore_mem>>) src(%arg16 : memref<64x128xf32, #tpu.memory_space<vmem>>) dst(%dma_wait3A_110 : memref<64x128xf32, #tpu.memory_space<vmem_shared>>)
      tpu.yield
    }) : () -> ()
    %mul3A_51 = arith.constant 632 : i32
    %mul3A_52 = arith.muli %arg1, %mul3A_51 : i32
    %add3A_53 = arith.constant 576 : i32
    %add3A_54 = arith.addi %mul3A_52, %add3A_53 : i32
    "tpu.region"() ({
      %run_scoped3A = tpu.sem_alloc : memref<!tpu.dma_semaphore, #tpu.memory_space<semaphore_mem>>
      %dma_start3A_103 = arith.constant 0 : i32
      %dma_start3A_104 = arith.constant 0 : i32
      %dma_start3A_105 = tpu.memref_slice %arg16[%dma_start3A_103, %dma_start3A_104] : memref<64x128xf32, #tpu.memory_space<vmem>> -> memref<56x128xf32, #tpu.memory_space<vmem>>
      %dma_start3A_106 = arith.constant 0 : i32
      %dma_start3A_107 = tpu.memref_slice %arg18[%add3A_54, %dma_start3A_106] : memref<10112x128xf32, #tpu.memory_space<vmem_shared>> -> memref<56x128xf32, #tpu.memory_space<vmem_shared>>
      %dma_start3A_108 = arith.constant 0 : i32
      %dma_start3A_109 = tpu.memref_slice %arg18[%add3A_54, %dma_start3A_108] : memref<10112x128xf32, #tpu.memory_space<vmem_shared>> -> memref<56x128xf32, #tpu.memory_space<vmem_shared>>
      %dma_start3A_110 = arith.constant 0 : i32
      %dma_start3A_111 = arith.constant 0 : i32
      %dma_start3A_112 = tpu.memref_slice %arg16[%dma_start3A_110, %dma_start3A_111] : memref<64x128xf32, #tpu.memory_space<vmem>> -> memref<56x128xf32, #tpu.memory_space<vmem>>
      tpu.enqueue_dma source(%dma_start3A_112 : memref<56x128xf32, #tpu.memory_space<vmem>>) target(%dma_start3A_109 : memref<56x128xf32, #tpu.memory_space<vmem_shared>>) target_semaphore(%run_scoped3A : memref<!tpu.dma_semaphore, #tpu.memory_space<semaphore_mem>>)
      %dma_wait3A_113 = arith.constant 0 : i32
      %dma_wait3A_114 = arith.constant 0 : i32
      %dma_wait3A_115 = tpu.memref_slice %arg16[%dma_wait3A_113, %dma_wait3A_114] : memref<64x128xf32, #tpu.memory_space<vmem>> -> memref<56x128xf32, #tpu.memory_space<vmem>>
      %dma_wait3A_116 = arith.constant 0 : i32
      %dma_wait3A_117 = tpu.memref_slice %arg18[%add3A_54, %dma_wait3A_116] : memref<10112x128xf32, #tpu.memory_space<vmem_shared>> -> memref<56x128xf32, #tpu.memory_space<vmem_shared>>
      %dma_wait3A_118 = arith.constant 0 : i32
      %dma_wait3A_119 = tpu.memref_slice %arg18[%add3A_54, %dma_wait3A_118] : memref<10112x128xf32, #tpu.memory_space<vmem_shared>> -> memref<56x128xf32, #tpu.memory_space<vmem_shared>>
      %dma_wait3A_120 = arith.constant 0 : i32
      %dma_wait3A_121 = arith.constant 0 : i32
      %dma_wait3A_122 = tpu.memref_slice %arg16[%dma_wait3A_120, %dma_wait3A_121] : memref<64x128xf32, #tpu.memory_space<vmem>> -> memref<56x128xf32, #tpu.memory_space<vmem>>
      tpu.wait_dma2 semaphore(%run_scoped3A : memref<!tpu.dma_semaphore, #tpu.memory_space<semaphore_mem>>) src(%dma_wait3A_122 : memref<56x128xf32, #tpu.memory_space<vmem>>) dst(%dma_wait3A_119 : memref<56x128xf32, #tpu.memory_space<vmem_shared>>)
      tpu.yield
    }) : () -> ()
    %barrier3A = arith.constant 0 : index
    tpu.barrier barrier_id(%barrier3A)
    %mul3A_55 = arith.constant 158 : i32
    %mul3A_56 = arith.muli %add3A_11, %mul3A_55 : i32
    %mul3A_57 = arith.constant 64 : i32
    %mul3A_58 = arith.muli %mul3A_56, %mul3A_57 : i32
    %add3A_59 = arith.constant 0 : i32
    %add3A_60 = arith.addi %mul3A_58, %add3A_59 : i32
    %dma_start3A = tpu.memref_slice %arg2[%add3A_60] : memref<323584xi32, #tpu.memory_space<hbm>> -> memref<64xi32, #tpu.memory_space<hbm>>
    %dma_start3A_61 = tpu.memref_slice %arg2[%add3A_60] : memref<323584xi32, #tpu.memory_space<hbm>> -> memref<64xi32, #tpu.memory_space<hbm>>
    tpu.enqueue_dma source(%dma_start3A_61 : memref<64xi32, #tpu.memory_space<hbm>>) target(%arg6 : memref<64xi32, #tpu.memory_space<vmem>>) target_semaphore(%arg19 : memref<!tpu.dma_semaphore, #tpu.memory_space<semaphore_mem>>)
    %add3A_62 = arith.constant 0 : i32
    %add3A_63 = arith.addi %mul3A_58, %add3A_62 : i32
    %dma_start3A_64 = tpu.memref_slice %arg3[%add3A_63] : memref<323584xi32, #tpu.memory_space<hbm>> -> memref<64xi32, #tpu.memory_space<hbm>>
    %dma_start3A_65 = tpu.memref_slice %arg3[%add3A_63] : memref<323584xi32, #tpu.memory_space<hbm>> -> memref<64xi32, #tpu.memory_space<hbm>>
    tpu.enqueue_dma source(%dma_start3A_65 : memref<64xi32, #tpu.memory_space<hbm>>) target(%arg8 : memref<64xi32, #tpu.memory_space<vmem>>) target_semaphore(%arg19 : memref<!tpu.dma_semaphore, #tpu.memory_space<semaphore_mem>>)
    %add3A_66 = arith.constant 0 : i32
    %add3A_67 = arith.addi %mul3A_58, %add3A_66 : i32
    %dma_wait3A = tpu.memref_slice %arg2[%add3A_67] : memref<323584xi32, #tpu.memory_space<hbm>> -> memref<64xi32, #tpu.memory_space<hbm>>
    %dma_wait3A_68 = tpu.memref_slice %arg2[%add3A_67] : memref<323584xi32, #tpu.memory_space<hbm>> -> memref<64xi32, #tpu.memory_space<hbm>>
    tpu.wait_dma2 semaphore(%arg19 : memref<!tpu.dma_semaphore, #tpu.memory_space<semaphore_mem>>) src(%dma_wait3A_68 : memref<64xi32, #tpu.memory_space<hbm>>) dst(%arg6 : memref<64xi32, #tpu.memory_space<vmem>>)
    %add3A_69 = arith.constant 0 : i32
    %add3A_70 = arith.addi %mul3A_58, %add3A_69 : i32
    %dma_wait3A_71 = tpu.memref_slice %arg3[%add3A_70] : memref<323584xi32, #tpu.memory_space<hbm>> -> memref<64xi32, #tpu.memory_space<hbm>>
    %dma_wait3A_72 = tpu.memref_slice %arg3[%add3A_70] : memref<323584xi32, #tpu.memory_space<hbm>> -> memref<64xi32, #tpu.memory_space<hbm>>
    tpu.wait_dma2 semaphore(%arg19 : memref<!tpu.dma_semaphore, #tpu.memory_space<semaphore_mem>>) src(%dma_wait3A_72 : memref<64xi32, #tpu.memory_space<hbm>>) dst(%arg8 : memref<64xi32, #tpu.memory_space<vmem>>)
    %dma_start3A_73 = arith.constant 0 : i32
    %dma_start3A_74 = arith.constant 0 : i32
    %dma_start3A_75 = tpu.memref_slice %arg4[%dma_start3A_73, %dma_start3A_74] : memref<10112x128xf32, #tpu.memory_space<hbm>> -> memref<10112x128xf32, #tpu.memory_space<hbm>>
    tpu.enqueue_indirect_dma source(%dma_start3A_75 : memref<10112x128xf32, #tpu.memory_space<hbm>>) target(%arg12 : memref<64x128xf32, #tpu.memory_space<vmem>>) offsets(%arg6 : memref<64xi32, #tpu.memory_space<vmem>>) semaphore(%arg21 : memref<!tpu.dma_semaphore, #tpu.memory_space<semaphore_mem>>)
    %dma_start3A_76 = arith.constant 0 : i32
    %dma_start3A_77 = arith.constant 0 : i32
    %dma_start3A_78 = tpu.memref_slice %arg4[%dma_start3A_76, %dma_start3A_77] : memref<10112x128xf32, #tpu.memory_space<hbm>> -> memref<10112x128xf32, #tpu.memory_space<hbm>>
    tpu.enqueue_indirect_dma source(%dma_start3A_78 : memref<10112x128xf32, #tpu.memory_space<hbm>>) target(%arg13 : memref<64x128xf32, #tpu.memory_space<vmem>>) offsets(%arg8 : memref<64xi32, #tpu.memory_space<vmem>>) semaphore(%arg22 : memref<!tpu.dma_semaphore, #tpu.memory_space<semaphore_mem>>)
    %add3A_79 = arith.constant 64 : i32
    %add3A_80 = arith.addi %mul3A_58, %add3A_79 : i32
    %dma_start3A_81 = tpu.memref_slice %arg2[%add3A_80] : memref<323584xi32, #tpu.memory_space<hbm>> -> memref<64xi32, #tpu.memory_space<hbm>>
    %dma_start3A_82 = tpu.memref_slice %arg2[%add3A_80] : memref<323584xi32, #tpu.memory_space<hbm>> -> memref<64xi32, #tpu.memory_space<hbm>>
    tpu.enqueue_dma source(%dma_start3A_82 : memref<64xi32, #tpu.memory_space<hbm>>) target(%arg7 : memref<64xi32, #tpu.memory_space<vmem>>) target_semaphore(%arg20 : memref<!tpu.dma_semaphore, #tpu.memory_space<semaphore_mem>>)
    %add3A_83 = arith.constant 64 : i32
    %add3A_84 = arith.addi %mul3A_58, %add3A_83 : i32
    %dma_start3A_85 = tpu.memref_slice %arg3[%add3A_84] : memref<323584xi32, #tpu.memory_space<hbm>> -> memref<64xi32, #tpu.memory_space<hbm>>
    %dma_start3A_86 = tpu.memref_slice %arg3[%add3A_84] : memref<323584xi32, #tpu.memory_space<hbm>> -> memref<64xi32, #tpu.memory_space<hbm>>
    tpu.enqueue_dma source(%dma_start3A_86 : memref<64xi32, #tpu.memory_space<hbm>>) target(%arg9 : memref<64xi32, #tpu.memory_space<vmem>>) target_semaphore(%arg20 : memref<!tpu.dma_semaphore, #tpu.memory_space<semaphore_mem>>)
    %scan3A = arith.constant 0 : i32
    %scan3A_87 = arith.constant 0 : i32
    %scan3A_88 = arith.constant 79 : i32
    %scan3A_89 = arith.addi %scan3A_87, %scan3A_88 : i32
    %scan3A_90 = arith.constant 1 : i32
    scf.for %scan3A_103 = %scan3A_87 to %scan3A_89 step %scan3A_90  : i32 {
      %mul3A_104 = arith.constant 2 : i32
      %mul3A_105 = arith.muli %scan3A_103, %mul3A_104 : i32
      %add3A_106 = arith.constant 0 : i32
      %add3A_107 = arith.addi %mul3A_105, %add3A_106 : i32
      %add3A_108 = arith.constant 1 : i32
      %add3A_109 = arith.addi %add3A_107, %add3A_108 : i32
      %lt3A = arith.constant 158 : i32
      %lt3A_110 = arith.cmpi slt, %add3A_109, %lt3A : i32
      %convert_element_type3A = arith.extui %lt3A_110 : i1 to i32
      %cond3A = arith.constant 0 : i32
      %cond3A_111 = arith.cmpi ne, %convert_element_type3A, %cond3A : i32
      scf.if %cond3A_111 {
        %add3A_222 = arith.constant 1 : i32
        %add3A_223 = arith.addi %add3A_107, %add3A_222 : i32
        %mul3A_224 = arith.constant 64 : i32
        %mul3A_225 = arith.muli %add3A_223, %mul3A_224 : i32
        %add3A_226 = arith.addi %mul3A_58, %mul3A_225 : i32
        %dma_wait3A_227 = tpu.memref_slice %arg2[%add3A_226] : memref<323584xi32, #tpu.memory_space<hbm>> -> memref<64xi32, #tpu.memory_space<hbm>>
        %dma_wait3A_228 = tpu.memref_slice %arg2[%add3A_226] : memref<323584xi32, #tpu.memory_space<hbm>> -> memref<64xi32, #tpu.memory_space<hbm>>
        tpu.wait_dma2 semaphore(%arg20 : memref<!tpu.dma_semaphore, #tpu.memory_space<semaphore_mem>>) src(%dma_wait3A_228 : memref<64xi32, #tpu.memory_space<hbm>>) dst(%arg7 : memref<64xi32, #tpu.memory_space<vmem>>)
        %mul3A_229 = arith.constant 64 : i32
        %mul3A_230 = arith.muli %add3A_223, %mul3A_229 : i32
        %add3A_231 = arith.addi %mul3A_58, %mul3A_230 : i32
        %dma_wait3A_232 = tpu.memref_slice %arg3[%add3A_231] : memref<323584xi32, #tpu.memory_space<hbm>> -> memref<64xi32, #tpu.memory_space<hbm>>
        %dma_wait3A_233 = tpu.memref_slice %arg3[%add3A_231] : memref<323584xi32, #tpu.memory_space<hbm>> -> memref<64xi32, #tpu.memory_space<hbm>>
        tpu.wait_dma2 semaphore(%arg20 : memref<!tpu.dma_semaphore, #tpu.memory_space<semaphore_mem>>) src(%dma_wait3A_233 : memref<64xi32, #tpu.memory_space<hbm>>) dst(%arg9 : memref<64xi32, #tpu.memory_space<vmem>>)
        %dma_start3A_234 = arith.constant 0 : i32
        %dma_start3A_235 = arith.constant 0 : i32
        %dma_start3A_236 = tpu.memref_slice %arg4[%dma_start3A_234, %dma_start3A_235] : memref<10112x128xf32, #tpu.memory_space<hbm>> -> memref<10112x128xf32, #tpu.memory_space<hbm>>
        tpu.enqueue_indirect_dma source(%dma_start3A_236 : memref<10112x128xf32, #tpu.memory_space<hbm>>) target(%arg14 : memref<64x128xf32, #tpu.memory_space<vmem>>) offsets(%arg7 : memref<64xi32, #tpu.memory_space<vmem>>) semaphore(%arg23 : memref<!tpu.dma_semaphore, #tpu.memory_space<semaphore_mem>>)
        %dma_start3A_237 = arith.constant 0 : i32
        %dma_start3A_238 = arith.constant 0 : i32
        %dma_start3A_239 = tpu.memref_slice %arg4[%dma_start3A_237, %dma_start3A_238] : memref<10112x128xf32, #tpu.memory_space<hbm>> -> memref<10112x128xf32, #tpu.memory_space<hbm>>
        tpu.enqueue_indirect_dma source(%dma_start3A_239 : memref<10112x128xf32, #tpu.memory_space<hbm>>) target(%arg15 : memref<64x128xf32, #tpu.memory_space<vmem>>) offsets(%arg9 : memref<64xi32, #tpu.memory_space<vmem>>) semaphore(%arg24 : memref<!tpu.dma_semaphore, #tpu.memory_space<semaphore_mem>>)
      } else {
      }
      %dma_wait3A_112 = arith.constant 0 : i32
      %dma_wait3A_113 = arith.constant 0 : i32
      %dma_wait3A_114 = tpu.memref_slice %arg4[%dma_wait3A_112, %dma_wait3A_113] : memref<10112x128xf32, #tpu.memory_space<hbm>> -> memref<10112x128xf32, #tpu.memory_space<hbm>>
      tpu.wait_indirect_dma semaphore(%arg21 : memref<!tpu.dma_semaphore, #tpu.memory_space<semaphore_mem>>) src(%dma_wait3A_114 : memref<10112x128xf32, #tpu.memory_space<hbm>>) dst(%arg12 : memref<64x128xf32, #tpu.memory_space<vmem>>)
      %dma_wait3A_115 = arith.constant 0 : i32
      %dma_wait3A_116 = arith.constant 0 : i32
      %dma_wait3A_117 = tpu.memref_slice %arg4[%dma_wait3A_115, %dma_wait3A_116] : memref<10112x128xf32, #tpu.memory_space<hbm>> -> memref<10112x128xf32, #tpu.memory_space<hbm>>
      tpu.wait_indirect_dma semaphore(%arg22 : memref<!tpu.dma_semaphore, #tpu.memory_space<semaphore_mem>>) src(%dma_wait3A_117 : memref<10112x128xf32, #tpu.memory_space<hbm>>) dst(%arg13 : memref<64x128xf32, #tpu.memory_space<vmem>>)
      %ge3A = arith.constant 2 : i32
      %ge3A_118 = arith.cmpi sge, %add3A_107, %ge3A : i32
      %convert_element_type3A_119 = arith.extui %ge3A_118 : i1 to i32
      %cond3A_120 = arith.constant 0 : i32
      %cond3A_121 = arith.cmpi ne, %convert_element_type3A_119, %cond3A_120 : i32
      scf.if %cond3A_121 {
        %dma_wait3A_222 = arith.constant 0 : i32
        %dma_wait3A_223 = arith.constant 0 : i32
        %dma_wait3A_224 = tpu.memref_slice %arg18[%dma_wait3A_222, %dma_wait3A_223] : memref<10112x128xf32, #tpu.memory_space<vmem_shared>> -> memref<10112x128xf32, #tpu.memory_space<vmem_shared>>
        tpu.wait_indirect_dma semaphore(%arg25 : memref<!tpu.dma_semaphore, #tpu.memory_space<semaphore_mem>>) src(%arg16 : memref<64x128xf32, #tpu.memory_space<vmem>>) dst(%dma_wait3A_224 : memref<10112x128xf32, #tpu.memory_space<vmem_shared>>)
      } else {
      }
      %parallel_loop3A_122 = arith.constant 0 : i32
      %parallel_loop3A_123 = arith.constant 64 : i32
      %parallel_loop3A_124 = arith.constant 1 : i32
      scf.for %parallel_loop3A_222 = %parallel_loop3A_122 to %parallel_loop3A_123 step %parallel_loop3A_124  : i32 {
        %parallel_loop3A_223 = arith.index_cast %parallel_loop3A_222 : i32 to index
        %parallel_loop3A_224 = arith.constant 64 : index
        %parallel_loop3A_225 = tpu.vector_load %arg12[%parallel_loop3A_223, %parallel_loop3A_224] {strides = array<i32>} : memref<64x128xf32, #tpu.memory_space<vmem>>, vector<1x16xf32>,
        %parallel_loop3A_226 = vector.shape_cast %parallel_loop3A_225 : vector<1x16xf32> to vector<16xf32>
        %parallel_loop3A_227 = arith.index_cast %parallel_loop3A_222 : i32 to index
        %parallel_loop3A_228 = arith.constant 80 : index
        %parallel_loop3A_229 = tpu.vector_load %arg13[%parallel_loop3A_227, %parallel_loop3A_228] {strides = array<i32>} : memref<64x128xf32, #tpu.memory_space<vmem>>, vector<1x16xf32>,
        %parallel_loop3A_230 = vector.shape_cast %parallel_loop3A_229 : vector<1x16xf32> to vector<16xf32>
        %parallel_loop3A_231 = arith.addf %parallel_loop3A_226, %parallel_loop3A_230 : vector<16xf32>
        %parallel_loop3A_232 = arith.constant 2.000000e-01 : f32
        %parallel_loop3A_233 = vector.broadcast %parallel_loop3A_232 : f32 to vector<16xf32>
        %parallel_loop3A_234 = arith.mulf %parallel_loop3A_233, %parallel_loop3A_231 : vector<16xf32>
        %parallel_loop3A_235 = arith.maximumf %parallel_loop3A_231, %parallel_loop3A_234 : vector<16xf32>
        %parallel_loop3A_236 = math.exp %parallel_loop3A_235 : vector<16xf32>
        %parallel_loop3A_237 = vector.shape_cast %shift_right_arithmetic3A_1 : vector<16xi32> to vector<16x1xi32>
        %parallel_loop3A_238 = vector.shape_cast %parallel_loop3A_237 : vector<16x1xi32> to vector<16xi32>
        %parallel_loop3A_239 = tpu.dynamic_gather %parallel_loop3A_236[%parallel_loop3A_238] in [0] : vector<16xf32>, vector<16xi32> -> vector<16xf32>
        %parallel_loop3A_240 = vector.shape_cast %add3A_3 : vector<16xi32> to vector<16x1xi32>
        %parallel_loop3A_241 = vector.shape_cast %parallel_loop3A_240 : vector<16x1xi32> to vector<16xi32>
        %parallel_loop3A_242 = tpu.dynamic_gather %parallel_loop3A_236[%parallel_loop3A_241] in [0] : vector<16xf32>, vector<16xi32> -> vector<16xf32>
        %parallel_loop3A_243 = vector.shape_cast %add3A_6 : vector<16xi32> to vector<16x1xi32>
        %parallel_loop3A_244 = vector.shape_cast %parallel_loop3A_243 : vector<16x1xi32> to vector<16xi32>
        %parallel_loop3A_245 = tpu.dynamic_gather %parallel_loop3A_236[%parallel_loop3A_244] in [0] : vector<16xf32>, vector<16xi32> -> vector<16xf32>
        %parallel_loop3A_246 = vector.shape_cast %add3A_9 : vector<16xi32> to vector<16x1xi32>
        %parallel_loop3A_247 = vector.shape_cast %parallel_loop3A_246 : vector<16x1xi32> to vector<16xi32>
        %parallel_loop3A_248 = tpu.dynamic_gather %parallel_loop3A_236[%parallel_loop3A_247] in [0] : vector<16xf32>, vector<16xi32> -> vector<16xf32>
        %parallel_loop3A_249 = arith.index_cast %parallel_loop3A_222 : i32 to index
        %parallel_loop3A_250 = arith.constant 0 : index
        %parallel_loop3A_251 = tpu.vector_load %arg12[%parallel_loop3A_249, %parallel_loop3A_250] {strides = array<i32>} : memref<64x128xf32, #tpu.memory_space<vmem>>, vector<1x16xf32>,
        %parallel_loop3A_252 = vector.shape_cast %parallel_loop3A_251 : vector<1x16xf32> to vector<16xf32>
        %parallel_loop3A_253 = arith.mulf %parallel_loop3A_252, %parallel_loop3A_239 : vector<16xf32>
        %parallel_loop3A_254 = arith.index_cast %parallel_loop3A_222 : i32 to index
        %parallel_loop3A_255 = arith.constant 0 : index
        %parallel_loop3A_256 = tpu.vector_load %arg16[%parallel_loop3A_254, %parallel_loop3A_255] {strides = array<i32>} : memref<64x128xf32, #tpu.memory_space<vmem>>, vector<1x16xf32>,
        %parallel_loop3A_257 = vector.shape_cast %parallel_loop3A_256 : vector<1x16xf32> to vector<16xf32>
        %parallel_loop3A_258 = vector.shape_cast %parallel_loop3A_253 : vector<16xf32> to vector<1x16xf32>
        tpu.vector_store %arg16[%parallel_loop3A_254, %parallel_loop3A_255], %parallel_loop3A_258 {strides = array<i32>} : memref<64x128xf32, #tpu.memory_space<vmem>>, vector<1x16xf32>,
        %parallel_loop3A_259 = arith.index_cast %parallel_loop3A_222 : i32 to index
        %parallel_loop3A_260 = arith.constant 16 : index
        %parallel_loop3A_261 = tpu.vector_load %arg12[%parallel_loop3A_259, %parallel_loop3A_260] {strides = array<i32>} : memref<64x128xf32, #tpu.memory_space<vmem>>, vector<1x16xf32>,
        %parallel_loop3A_262 = vector.shape_cast %parallel_loop3A_261 : vector<1x16xf32> to vector<16xf32>
        %parallel_loop3A_263 = arith.mulf %parallel_loop3A_262, %parallel_loop3A_242 : vector<16xf32>
        %parallel_loop3A_264 = arith.index_cast %parallel_loop3A_222 : i32 to index
        %parallel_loop3A_265 = arith.constant 16 : index
        %parallel_loop3A_266 = tpu.vector_load %arg16[%parallel_loop3A_264, %parallel_loop3A_265] {strides = array<i32>} : memref<64x128xf32, #tpu.memory_space<vmem>>, vector<1x16xf32>,
        %parallel_loop3A_267 = vector.shape_cast %parallel_loop3A_266 : vector<1x16xf32> to vector<16xf32>
        %parallel_loop3A_268 = vector.shape_cast %parallel_loop3A_263 : vector<16xf32> to vector<1x16xf32>
        tpu.vector_store %arg16[%parallel_loop3A_264, %parallel_loop3A_265], %parallel_loop3A_268 {strides = array<i32>} : memref<64x128xf32, #tpu.memory_space<vmem>>, vector<1x16xf32>,
        %parallel_loop3A_269 = arith.index_cast %parallel_loop3A_222 : i32 to index
        %parallel_loop3A_270 = arith.constant 32 : index
        %parallel_loop3A_271 = tpu.vector_load %arg12[%parallel_loop3A_269, %parallel_loop3A_270] {strides = array<i32>} : memref<64x128xf32, #tpu.memory_space<vmem>>, vector<1x16xf32>,
        %parallel_loop3A_272 = vector.shape_cast %parallel_loop3A_271 : vector<1x16xf32> to vector<16xf32>
        %parallel_loop3A_273 = arith.mulf %parallel_loop3A_272, %parallel_loop3A_245 : vector<16xf32>
        %parallel_loop3A_274 = arith.index_cast %parallel_loop3A_222 : i32 to index
        %parallel_loop3A_275 = arith.constant 32 : index
        %parallel_loop3A_276 = tpu.vector_load %arg16[%parallel_loop3A_274, %parallel_loop3A_275] {strides = array<i32>} : memref<64x128xf32, #tpu.memory_space<vmem>>, vector<1x16xf32>,
        %parallel_loop3A_277 = vector.shape_cast %parallel_loop3A_276 : vector<1x16xf32> to vector<16xf32>
        %parallel_loop3A_278 = vector.shape_cast %parallel_loop3A_273 : vector<16xf32> to vector<1x16xf32>
        tpu.vector_store %arg16[%parallel_loop3A_274, %parallel_loop3A_275], %parallel_loop3A_278 {strides = array<i32>} : memref<64x128xf32, #tpu.memory_space<vmem>>, vector<1x16xf32>,
        %parallel_loop3A_279 = arith.index_cast %parallel_loop3A_222 : i32 to index
        %parallel_loop3A_280 = arith.constant 48 : index
        %parallel_loop3A_281 = tpu.vector_load %arg12[%parallel_loop3A_279, %parallel_loop3A_280] {strides = array<i32>} : memref<64x128xf32, #tpu.memory_space<vmem>>, vector<1x16xf32>,
        %parallel_loop3A_282 = vector.shape_cast %parallel_loop3A_281 : vector<1x16xf32> to vector<16xf32>
        %parallel_loop3A_283 = arith.mulf %parallel_loop3A_282, %parallel_loop3A_248 : vector<16xf32>
        %parallel_loop3A_284 = arith.index_cast %parallel_loop3A_222 : i32 to index
        %parallel_loop3A_285 = arith.constant 48 : index
        %parallel_loop3A_286 = tpu.vector_load %arg16[%parallel_loop3A_284, %parallel_loop3A_285] {strides = array<i32>} : memref<64x128xf32, #tpu.memory_space<vmem>>, vector<1x16xf32>,
        %parallel_loop3A_287 = vector.shape_cast %parallel_loop3A_286 : vector<1x16xf32> to vector<16xf32>
        %parallel_loop3A_288 = vector.shape_cast %parallel_loop3A_283 : vector<16xf32> to vector<1x16xf32>
        tpu.vector_store %arg16[%parallel_loop3A_284, %parallel_loop3A_285], %parallel_loop3A_288 {strides = array<i32>} : memref<64x128xf32, #tpu.memory_space<vmem>>, vector<1x16xf32>,
        %parallel_loop3A_289 = arith.constant 8 : i32
        %parallel_loop3A_290 = vector.broadcast %parallel_loop3A_289 : i32 to vector<16xi32>
        %parallel_loop3A_291 = arith.cmpi slt, %iota3A, %parallel_loop3A_290 : vector<16xi32>
        %parallel_loop3A_292 = arith.constant 0.000000e+00 : f32
        %parallel_loop3A_293 = vector.broadcast %parallel_loop3A_292 : f32 to vector<16xf32>
        %parallel_loop3A_294 = arith.select %parallel_loop3A_291, %parallel_loop3A_236, %parallel_loop3A_293 : vector<16xi1>, vector<16xf32>
        %parallel_loop3A_295 = arith.index_cast %parallel_loop3A_222 : i32 to index
        %parallel_loop3A_296 = arith.constant 64 : index
        %parallel_loop3A_297 = tpu.vector_load %arg16[%parallel_loop3A_295, %parallel_loop3A_296] {strides = array<i32>} : memref<64x128xf32, #tpu.memory_space<vmem>>, vector<1x16xf32>,
        %parallel_loop3A_298 = vector.shape_cast %parallel_loop3A_297 : vector<1x16xf32> to vector<16xf32>
        %parallel_loop3A_299 = vector.shape_cast %parallel_loop3A_294 : vector<16xf32> to vector<1x16xf32>
        tpu.vector_store %arg16[%parallel_loop3A_295, %parallel_loop3A_296], %parallel_loop3A_299 {strides = array<i32>} : memref<64x128xf32, #tpu.memory_space<vmem>>, vector<1x16xf32>,
      } {sc.loop_unroll_factor = 8 : i64, sc.parallel_access}
      %get3A = arith.constant 0 : index
      %get3A_125 = tpu.vector_load %arg8[%get3A] {strides = array<i32>} : memref<64xi32, #tpu.memory_space<vmem>>, vector<16xi32>,
      %get3A_126 = vector.shape_cast %get3A_125 : vector<16xi32> to vector<16xi32>
      %swap3A = arith.constant 0 : index
      %swap3A_127 = tpu.vector_load %arg10[%swap3A] {strides = array<i32>} : memref<64xi32, #tpu.memory_space<vmem>>, vector<16xi32>,
      %swap3A_128 = vector.shape_cast %swap3A_127 : vector<16xi32> to vector<16xi32>
      %swap3A_129 = vector.shape_cast %get3A_126 : vector<16xi32> to vector<16xi32>
      tpu.vector_store %arg10[%swap3A], %swap3A_129 {strides = array<i32>} : memref<64xi32, #tpu.memory_space<vmem>>, vector<16xi32>,
      %get3A_130 = arith.constant 16 : index
      %get3A_131 = tpu.vector_load %arg8[%get3A_130] {strides = array<i32>} : memref<64xi32, #tpu.memory_space<vmem>>, vector<16xi32>,
      %get3A_132 = vector.shape_cast %get3A_131 : vector<16xi32> to vector<16xi32>
      %swap3A_133 = arith.constant 16 : index
      %swap3A_134 = tpu.vector_load %arg10[%swap3A_133] {strides = array<i32>} : memref<64xi32, #tpu.memory_space<vmem>>, vector<16xi32>,
      %swap3A_135 = vector.shape_cast %swap3A_134 : vector<16xi32> to vector<16xi32>
      %swap3A_136 = vector.shape_cast %get3A_132 : vector<16xi32> to vector<16xi32>
      tpu.vector_store %arg10[%swap3A_133], %swap3A_136 {strides = array<i32>} : memref<64xi32, #tpu.memory_space<vmem>>, vector<16xi32>,
      %get3A_137 = arith.constant 32 : index
      %get3A_138 = tpu.vector_load %arg8[%get3A_137] {strides = array<i32>} : memref<64xi32, #tpu.memory_space<vmem>>, vector<16xi32>,
      %get3A_139 = vector.shape_cast %get3A_138 : vector<16xi32> to vector<16xi32>
      %swap3A_140 = arith.constant 32 : index
      %swap3A_141 = tpu.vector_load %arg10[%swap3A_140] {strides = array<i32>} : memref<64xi32, #tpu.memory_space<vmem>>, vector<16xi32>,
      %swap3A_142 = vector.shape_cast %swap3A_141 : vector<16xi32> to vector<16xi32>
      %swap3A_143 = vector.shape_cast %get3A_139 : vector<16xi32> to vector<16xi32>
      tpu.vector_store %arg10[%swap3A_140], %swap3A_143 {strides = array<i32>} : memref<64xi32, #tpu.memory_space<vmem>>, vector<16xi32>,
      %get3A_144 = arith.constant 48 : index
      %get3A_145 = tpu.vector_load %arg8[%get3A_144] {strides = array<i32>} : memref<64xi32, #tpu.memory_space<vmem>>, vector<16xi32>,
      %get3A_146 = vector.shape_cast %get3A_145 : vector<16xi32> to vector<16xi32>
      %swap3A_147 = arith.constant 48 : index
      %swap3A_148 = tpu.vector_load %arg10[%swap3A_147] {strides = array<i32>} : memref<64xi32, #tpu.memory_space<vmem>>, vector<16xi32>,
      %swap3A_149 = vector.shape_cast %swap3A_148 : vector<16xi32> to vector<16xi32>
      %swap3A_150 = vector.shape_cast %get3A_146 : vector<16xi32> to vector<16xi32>
      tpu.vector_store %arg10[%swap3A_147], %swap3A_150 {strides = array<i32>} : memref<64xi32, #tpu.memory_space<vmem>>, vector<16xi32>,
      %dma_start3A_151 = arith.constant 0 : i32
      %dma_start3A_152 = arith.constant 0 : i32
      %dma_start3A_153 = tpu.memref_slice %arg18[%dma_start3A_151, %dma_start3A_152] : memref<10112x128xf32, #tpu.memory_space<vmem_shared>> -> memref<10112x128xf32, #tpu.memory_space<vmem_shared>>
      tpu.enqueue_indirect_dma source(%arg16 : memref<64x128xf32, #tpu.memory_space<vmem>>) target(%dma_start3A_153 : memref<10112x128xf32, #tpu.memory_space<vmem_shared>>) offsets(%arg10 : memref<64xi32, #tpu.memory_space<vmem>>) semaphore(%arg25 : memref<!tpu.dma_semaphore, #tpu.memory_space<semaphore_mem>>) {add = true}
      %add3A_154 = arith.constant 2 : i32
      %add3A_155 = arith.addi %add3A_107, %add3A_154 : i32
      %lt3A_156 = arith.constant 158 : i32
      %lt3A_157 = arith.cmpi slt, %add3A_155, %lt3A_156 : i32
      %convert_element_type3A_158 = arith.extui %lt3A_157 : i1 to i32
      %cond3A_159 = arith.constant 0 : i32
      %cond3A_160 = arith.cmpi ne, %convert_element_type3A_158, %cond3A_159 : i32
      scf.if %cond3A_160 {
        %add3A_222 = arith.constant 2 : i32
        %add3A_223 = arith.addi %add3A_107, %add3A_222 : i32
        %mul3A_224 = arith.constant 64 : i32
        %mul3A_225 = arith.muli %add3A_223, %mul3A_224 : i32
        %add3A_226 = arith.addi %mul3A_58, %mul3A_225 : i32
        %dma_start3A_227 = tpu.memref_slice %arg2[%add3A_226] : memref<323584xi32, #tpu.memory_space<hbm>> -> memref<64xi32, #tpu.memory_space<hbm>>
        %dma_start3A_228 = tpu.memref_slice %arg2[%add3A_226] : memref<323584xi32, #tpu.memory_space<hbm>> -> memref<64xi32, #tpu.memory_space<hbm>>
        tpu.enqueue_dma source(%dma_start3A_228 : memref<64xi32, #tpu.memory_space<hbm>>) target(%arg6 : memref<64xi32, #tpu.memory_space<vmem>>) target_semaphore(%arg19 : memref<!tpu.dma_semaphore, #tpu.memory_space<semaphore_mem>>)
        %mul3A_229 = arith.constant 64 : i32
        %mul3A_230 = arith.muli %add3A_223, %mul3A_229 : i32
        %add3A_231 = arith.addi %mul3A_58, %mul3A_230 : i32
        %dma_start3A_232 = tpu.memref_slice %arg3[%add3A_231] : memref<323584xi32, #tpu.memory_space<hbm>> -> memref<64xi32, #tpu.memory_space<hbm>>
        %dma_start3A_233 = tpu.memref_slice %arg3[%add3A_231] : memref<323584xi32, #tpu.memory_space<hbm>> -> memref<64xi32, #tpu.memory_space<hbm>>
        tpu.enqueue_dma source(%dma_start3A_233 : memref<64xi32, #tpu.memory_space<hbm>>) target(%arg8 : memref<64xi32, #tpu.memory_space<vmem>>) target_semaphore(%arg19 : memref<!tpu.dma_semaphore, #tpu.memory_space<semaphore_mem>>)
      } else {
      }
      %add3A_161 = arith.constant 1 : i32
      %add3A_162 = arith.addi %mul3A_105, %add3A_161 : i32
      %add3A_163 = arith.constant 1 : i32
      %add3A_164 = arith.addi %add3A_162, %add3A_163 : i32
      %lt3A_165 = arith.constant 158 : i32
      %lt3A_166 = arith.cmpi slt, %add3A_164, %lt3A_165 : i32
      %convert_element_type3A_167 = arith.extui %lt3A_166 : i1 to i32
      %cond3A_168 = arith.constant 0 : i32
      %cond3A_169 = arith.cmpi ne, %convert_element_type3A_167, %cond3A_168 : i32
      scf.if %cond3A_169 {
        %add3A_222 = arith.constant 1 : i32
        %add3A_223 = arith.addi %add3A_162, %add3A_222 : i32
        %mul3A_224 = arith.constant 64 : i32
        %mul3A_225 = arith.muli %add3A_223, %mul3A_224 : i32
        %add3A_226 = arith.addi %mul3A_58, %mul3A_225 : i32
        %dma_wait3A_227 = tpu.memref_slice %arg2[%add3A_226] : memref<323584xi32, #tpu.memory_space<hbm>> -> memref<64xi32, #tpu.memory_space<hbm>>
        %dma_wait3A_228 = tpu.memref_slice %arg2[%add3A_226] : memref<323584xi32, #tpu.memory_space<hbm>> -> memref<64xi32, #tpu.memory_space<hbm>>
        tpu.wait_dma2 semaphore(%arg19 : memref<!tpu.dma_semaphore, #tpu.memory_space<semaphore_mem>>) src(%dma_wait3A_228 : memref<64xi32, #tpu.memory_space<hbm>>) dst(%arg6 : memref<64xi32, #tpu.memory_space<vmem>>)
        %mul3A_229 = arith.constant 64 : i32
        %mul3A_230 = arith.muli %add3A_223, %mul3A_229 : i32
        %add3A_231 = arith.addi %mul3A_58, %mul3A_230 : i32
        %dma_wait3A_232 = tpu.memref_slice %arg3[%add3A_231] : memref<323584xi32, #tpu.memory_space<hbm>> -> memref<64xi32, #tpu.memory_space<hbm>>
        %dma_wait3A_233 = tpu.memref_slice %arg3[%add3A_231] : memref<323584xi32, #tpu.memory_space<hbm>> -> memref<64xi32, #tpu.memory_space<hbm>>
        tpu.wait_dma2 semaphore(%arg19 : memref<!tpu.dma_semaphore, #tpu.memory_space<semaphore_mem>>) src(%dma_wait3A_233 : memref<64xi32, #tpu.memory_space<hbm>>) dst(%arg8 : memref<64xi32, #tpu.memory_space<vmem>>)
        %dma_start3A_234 = arith.constant 0 : i32
        %dma_start3A_235 = arith.constant 0 : i32
        %dma_start3A_236 = tpu.memref_slice %arg4[%dma_start3A_234, %dma_start3A_235] : memref<10112x128xf32, #tpu.memory_space<hbm>> -> memref<10112x128xf32, #tpu.memory_space<hbm>>
        tpu.enqueue_indirect_dma source(%dma_start3A_236 : memref<10112x128xf32, #tpu.memory_space<hbm>>) target(%arg12 : memref<64x128xf32, #tpu.memory_space<vmem>>) offsets(%arg6 : memref<64xi32, #tpu.memory_space<vmem>>) semaphore(%arg21 : memref<!tpu.dma_semaphore, #tpu.memory_space<semaphore_mem>>)
        %dma_start3A_237 = arith.constant 0 : i32
        %dma_start3A_238 = arith.constant 0 : i32
        %dma_start3A_239 = tpu.memref_slice %arg4[%dma_start3A_237, %dma_start3A_238] : memref<10112x128xf32, #tpu.memory_space<hbm>> -> memref<10112x128xf32, #tpu.memory_space<hbm>>
        tpu.enqueue_indirect_dma source(%dma_start3A_239 : memref<10112x128xf32, #tpu.memory_space<hbm>>) target(%arg13 : memref<64x128xf32, #tpu.memory_space<vmem>>) offsets(%arg8 : memref<64xi32, #tpu.memory_space<vmem>>) semaphore(%arg22 : memref<!tpu.dma_semaphore, #tpu.memory_space<semaphore_mem>>)
      } else {
      }
      %dma_wait3A_170 = arith.constant 0 : i32
      %dma_wait3A_171 = arith.constant 0 : i32
      %dma_wait3A_172 = tpu.memref_slice %arg4[%dma_wait3A_170, %dma_wait3A_171] : memref<10112x128xf32, #tpu.memory_space<hbm>> -> memref<10112x128xf32, #tpu.memory_space<hbm>>
      tpu.wait_indirect_dma semaphore(%arg23 : memref<!tpu.dma_semaphore, #tpu.memory_space<semaphore_mem>>) src(%dma_wait3A_172 : memref<10112x128xf32, #tpu.memory_space<hbm>>) dst(%arg14 : memref<64x128xf32, #tpu.memory_space<vmem>>)
      %dma_wait3A_173 = arith.constant 0 : i32
      %dma_wait3A_174 = arith.constant 0 : i32
      %dma_wait3A_175 = tpu.memref_slice %arg4[%dma_wait3A_173, %dma_wait3A_174] : memref<10112x128xf32, #tpu.memory_space<hbm>> -> memref<10112x128xf32, #tpu.memory_space<hbm>>
      tpu.wait_indirect_dma semaphore(%arg24 : memref<!tpu.dma_semaphore, #tpu.memory_space<semaphore_mem>>) src(%dma_wait3A_175 : memref<10112x128xf32, #tpu.memory_space<hbm>>) dst(%arg15 : memref<64x128xf32, #tpu.memory_space<vmem>>)
      %ge3A_176 = arith.constant 2 : i32
      %ge3A_177 = arith.cmpi sge, %add3A_162, %ge3A_176 : i32
      %convert_element_type3A_178 = arith.extui %ge3A_177 : i1 to i32
      %cond3A_179 = arith.constant 0 : i32
      %cond3A_180 = arith.cmpi ne, %convert_element_type3A_178, %cond3A_179 : i32
      scf.if %cond3A_180 {
        %dma_wait3A_222 = arith.constant 0 : i32
        %dma_wait3A_223 = arith.constant 0 : i32
        %dma_wait3A_224 = tpu.memref_slice %arg18[%dma_wait3A_222, %dma_wait3A_223] : memref<10112x128xf32, #tpu.memory_space<vmem_shared>> -> memref<10112x128xf32, #tpu.memory_space<vmem_shared>>
        tpu.wait_indirect_dma semaphore(%arg26 : memref<!tpu.dma_semaphore, #tpu.memory_space<semaphore_mem>>) src(%arg17 : memref<64x128xf32, #tpu.memory_space<vmem>>) dst(%dma_wait3A_224 : memref<10112x128xf32, #tpu.memory_space<vmem_shared>>)
      } else {
      }
      %parallel_loop3A_181 = arith.constant 0 : i32
      %parallel_loop3A_182 = arith.constant 64 : i32
      %parallel_loop3A_183 = arith.constant 1 : i32
      scf.for %parallel_loop3A_222 = %parallel_loop3A_181 to %parallel_loop3A_182 step %parallel_loop3A_183  : i32 {
        %parallel_loop3A_223 = arith.index_cast %parallel_loop3A_222 : i32 to index
        %parallel_loop3A_224 = arith.constant 64 : index
        %parallel_loop3A_225 = tpu.vector_load %arg14[%parallel_loop3A_223, %parallel_loop3A_224] {strides = array<i32>} : memref<64x128xf32, #tpu.memory_space<vmem>>, vector<1x16xf32>,
        %parallel_loop3A_226 = vector.shape_cast %parallel_loop3A_225 : vector<1x16xf32> to vector<16xf32>
        %parallel_loop3A_227 = arith.index_cast %parallel_loop3A_222 : i32 to index
        %parallel_loop3A_228 = arith.constant 80 : index
        %parallel_loop3A_229 = tpu.vector_load %arg15[%parallel_loop3A_227, %parallel_loop3A_228] {strides = array<i32>} : memref<64x128xf32, #tpu.memory_space<vmem>>, vector<1x16xf32>,
        %parallel_loop3A_230 = vector.shape_cast %parallel_loop3A_229 : vector<1x16xf32> to vector<16xf32>
        %parallel_loop3A_231 = arith.addf %parallel_loop3A_226, %parallel_loop3A_230 : vector<16xf32>
        %parallel_loop3A_232 = arith.constant 2.000000e-01 : f32
        %parallel_loop3A_233 = vector.broadcast %parallel_loop3A_232 : f32 to vector<16xf32>
        %parallel_loop3A_234 = arith.mulf %parallel_loop3A_233, %parallel_loop3A_231 : vector<16xf32>
        %parallel_loop3A_235 = arith.maximumf %parallel_loop3A_231, %parallel_loop3A_234 : vector<16xf32>
        %parallel_loop3A_236 = math.exp %parallel_loop3A_235 : vector<16xf32>
        %parallel_loop3A_237 = vector.shape_cast %shift_right_arithmetic3A_1 : vector<16xi32> to vector<16x1xi32>
        %parallel_loop3A_238 = vector.shape_cast %parallel_loop3A_237 : vector<16x1xi32> to vector<16xi32>
        %parallel_loop3A_239 = tpu.dynamic_gather %parallel_loop3A_236[%parallel_loop3A_238] in [0] : vector<16xf32>, vector<16xi32> -> vector<16xf32>
        %parallel_loop3A_240 = vector.shape_cast %add3A_3 : vector<16xi32> to vector<16x1xi32>
        %parallel_loop3A_241 = vector.shape_cast %parallel_loop3A_240 : vector<16x1xi32> to vector<16xi32>
        %parallel_loop3A_242 = tpu.dynamic_gather %parallel_loop3A_236[%parallel_loop3A_241] in [0] : vector<16xf32>, vector<16xi32> -> vector<16xf32>
        %parallel_loop3A_243 = vector.shape_cast %add3A_6 : vector<16xi32> to vector<16x1xi32>
        %parallel_loop3A_244 = vector.shape_cast %parallel_loop3A_243 : vector<16x1xi32> to vector<16xi32>
        %parallel_loop3A_245 = tpu.dynamic_gather %parallel_loop3A_236[%parallel_loop3A_244] in [0] : vector<16xf32>, vector<16xi32> -> vector<16xf32>
        %parallel_loop3A_246 = vector.shape_cast %add3A_9 : vector<16xi32> to vector<16x1xi32>
        %parallel_loop3A_247 = vector.shape_cast %parallel_loop3A_246 : vector<16x1xi32> to vector<16xi32>
        %parallel_loop3A_248 = tpu.dynamic_gather %parallel_loop3A_236[%parallel_loop3A_247] in [0] : vector<16xf32>, vector<16xi32> -> vector<16xf32>
        %parallel_loop3A_249 = arith.index_cast %parallel_loop3A_222 : i32 to index
        %parallel_loop3A_250 = arith.constant 0 : index
        %parallel_loop3A_251 = tpu.vector_load %arg14[%parallel_loop3A_249, %parallel_loop3A_250] {strides = array<i32>} : memref<64x128xf32, #tpu.memory_space<vmem>>, vector<1x16xf32>,
        %parallel_loop3A_252 = vector.shape_cast %parallel_loop3A_251 : vector<1x16xf32> to vector<16xf32>
        %parallel_loop3A_253 = arith.mulf %parallel_loop3A_252, %parallel_loop3A_239 : vector<16xf32>
        %parallel_loop3A_254 = arith.index_cast %parallel_loop3A_222 : i32 to index
        %parallel_loop3A_255 = arith.constant 0 : index
        %parallel_loop3A_256 = tpu.vector_load %arg17[%parallel_loop3A_254, %parallel_loop3A_255] {strides = array<i32>} : memref<64x128xf32, #tpu.memory_space<vmem>>, vector<1x16xf32>,
        %parallel_loop3A_257 = vector.shape_cast %parallel_loop3A_256 : vector<1x16xf32> to vector<16xf32>
        %parallel_loop3A_258 = vector.shape_cast %parallel_loop3A_253 : vector<16xf32> to vector<1x16xf32>
        tpu.vector_store %arg17[%parallel_loop3A_254, %parallel_loop3A_255], %parallel_loop3A_258 {strides = array<i32>} : memref<64x128xf32, #tpu.memory_space<vmem>>, vector<1x16xf32>,
        %parallel_loop3A_259 = arith.index_cast %parallel_loop3A_222 : i32 to index
        %parallel_loop3A_260 = arith.constant 16 : index
        %parallel_loop3A_261 = tpu.vector_load %arg14[%parallel_loop3A_259, %parallel_loop3A_260] {strides = array<i32>} : memref<64x128xf32, #tpu.memory_space<vmem>>, vector<1x16xf32>,
        %parallel_loop3A_262 = vector.shape_cast %parallel_loop3A_261 : vector<1x16xf32> to vector<16xf32>
        %parallel_loop3A_263 = arith.mulf %parallel_loop3A_262, %parallel_loop3A_242 : vector<16xf32>
        %parallel_loop3A_264 = arith.index_cast %parallel_loop3A_222 : i32 to index
        %parallel_loop3A_265 = arith.constant 16 : index
        %parallel_loop3A_266 = tpu.vector_load %arg17[%parallel_loop3A_264, %parallel_loop3A_265] {strides = array<i32>} : memref<64x128xf32, #tpu.memory_space<vmem>>, vector<1x16xf32>,
        %parallel_loop3A_267 = vector.shape_cast %parallel_loop3A_266 : vector<1x16xf32> to vector<16xf32>
        %parallel_loop3A_268 = vector.shape_cast %parallel_loop3A_263 : vector<16xf32> to vector<1x16xf32>
        tpu.vector_store %arg17[%parallel_loop3A_264, %parallel_loop3A_265], %parallel_loop3A_268 {strides = array<i32>} : memref<64x128xf32, #tpu.memory_space<vmem>>, vector<1x16xf32>,
        %parallel_loop3A_269 = arith.index_cast %parallel_loop3A_222 : i32 to index
        %parallel_loop3A_270 = arith.constant 32 : index
        %parallel_loop3A_271 = tpu.vector_load %arg14[%parallel_loop3A_269, %parallel_loop3A_270] {strides = array<i32>} : memref<64x128xf32, #tpu.memory_space<vmem>>, vector<1x16xf32>,
        %parallel_loop3A_272 = vector.shape_cast %parallel_loop3A_271 : vector<1x16xf32> to vector<16xf32>
        %parallel_loop3A_273 = arith.mulf %parallel_loop3A_272, %parallel_loop3A_245 : vector<16xf32>
        %parallel_loop3A_274 = arith.index_cast %parallel_loop3A_222 : i32 to index
        %parallel_loop3A_275 = arith.constant 32 : index
        %parallel_loop3A_276 = tpu.vector_load %arg17[%parallel_loop3A_274, %parallel_loop3A_275] {strides = array<i32>} : memref<64x128xf32, #tpu.memory_space<vmem>>, vector<1x16xf32>,
        %parallel_loop3A_277 = vector.shape_cast %parallel_loop3A_276 : vector<1x16xf32> to vector<16xf32>
        %parallel_loop3A_278 = vector.shape_cast %parallel_loop3A_273 : vector<16xf32> to vector<1x16xf32>
        tpu.vector_store %arg17[%parallel_loop3A_274, %parallel_loop3A_275], %parallel_loop3A_278 {strides = array<i32>} : memref<64x128xf32, #tpu.memory_space<vmem>>, vector<1x16xf32>,
        %parallel_loop3A_279 = arith.index_cast %parallel_loop3A_222 : i32 to index
        %parallel_loop3A_280 = arith.constant 48 : index
        %parallel_loop3A_281 = tpu.vector_load %arg14[%parallel_loop3A_279, %parallel_loop3A_280] {strides = array<i32>} : memref<64x128xf32, #tpu.memory_space<vmem>>, vector<1x16xf32>,
        %parallel_loop3A_282 = vector.shape_cast %parallel_loop3A_281 : vector<1x16xf32> to vector<16xf32>
        %parallel_loop3A_283 = arith.mulf %parallel_loop3A_282, %parallel_loop3A_248 : vector<16xf32>
        %parallel_loop3A_284 = arith.index_cast %parallel_loop3A_222 : i32 to index
        %parallel_loop3A_285 = arith.constant 48 : index
        %parallel_loop3A_286 = tpu.vector_load %arg17[%parallel_loop3A_284, %parallel_loop3A_285] {strides = array<i32>} : memref<64x128xf32, #tpu.memory_space<vmem>>, vector<1x16xf32>,
        %parallel_loop3A_287 = vector.shape_cast %parallel_loop3A_286 : vector<1x16xf32> to vector<16xf32>
        %parallel_loop3A_288 = vector.shape_cast %parallel_loop3A_283 : vector<16xf32> to vector<1x16xf32>
        tpu.vector_store %arg17[%parallel_loop3A_284, %parallel_loop3A_285], %parallel_loop3A_288 {strides = array<i32>} : memref<64x128xf32, #tpu.memory_space<vmem>>, vector<1x16xf32>,
        %parallel_loop3A_289 = arith.constant 8 : i32
        %parallel_loop3A_290 = vector.broadcast %parallel_loop3A_289 : i32 to vector<16xi32>
        %parallel_loop3A_291 = arith.cmpi slt, %iota3A, %parallel_loop3A_290 : vector<16xi32>
        %parallel_loop3A_292 = arith.constant 0.000000e+00 : f32
        %parallel_loop3A_293 = vector.broadcast %parallel_loop3A_292 : f32 to vector<16xf32>
        %parallel_loop3A_294 = arith.select %parallel_loop3A_291, %parallel_loop3A_236, %parallel_loop3A_293 : vector<16xi1>, vector<16xf32>
        %parallel_loop3A_295 = arith.index_cast %parallel_loop3A_222 : i32 to index
        %parallel_loop3A_296 = arith.constant 64 : index
        %parallel_loop3A_297 = tpu.vector_load %arg17[%parallel_loop3A_295, %parallel_loop3A_296] {strides = array<i32>} : memref<64x128xf32, #tpu.memory_space<vmem>>, vector<1x16xf32>,
        %parallel_loop3A_298 = vector.shape_cast %parallel_loop3A_297 : vector<1x16xf32> to vector<16xf32>
        %parallel_loop3A_299 = vector.shape_cast %parallel_loop3A_294 : vector<16xf32> to vector<1x16xf32>
        tpu.vector_store %arg17[%parallel_loop3A_295, %parallel_loop3A_296], %parallel_loop3A_299 {strides = array<i32>} : memref<64x128xf32, #tpu.memory_space<vmem>>, vector<1x16xf32>,
      } {sc.loop_unroll_factor = 8 : i64, sc.parallel_access}
      %get3A_184 = arith.constant 0 : index
      %get3A_185 = tpu.vector_load %arg9[%get3A_184] {strides = array<i32>} : memref<64xi32, #tpu.memory_space<vmem>>, vector<16xi32>,
      %get3A_186 = vector.shape_cast %get3A_185 : vector<16xi32> to vector<16xi32>
      %swap3A_187 = arith.constant 0 : index
      %swap3A_188 = tpu.vector_load %arg11[%swap3A_187] {strides = array<i32>} : memref<64xi32, #tpu.memory_space<vmem>>, vector<16xi32>,
      %swap3A_189 = vector.shape_cast %swap3A_188 : vector<16xi32> to vector<16xi32>
      %swap3A_190 = vector.shape_cast %get3A_186 : vector<16xi32> to vector<16xi32>
      tpu.vector_store %arg11[%swap3A_187], %swap3A_190 {strides = array<i32>} : memref<64xi32, #tpu.memory_space<vmem>>, vector<16xi32>,
      %get3A_191 = arith.constant 16 : index
      %get3A_192 = tpu.vector_load %arg9[%get3A_191] {strides = array<i32>} : memref<64xi32, #tpu.memory_space<vmem>>, vector<16xi32>,
      %get3A_193 = vector.shape_cast %get3A_192 : vector<16xi32> to vector<16xi32>
      %swap3A_194 = arith.constant 16 : index
      %swap3A_195 = tpu.vector_load %arg11[%swap3A_194] {strides = array<i32>} : memref<64xi32, #tpu.memory_space<vmem>>, vector<16xi32>,
      %swap3A_196 = vector.shape_cast %swap3A_195 : vector<16xi32> to vector<16xi32>
      %swap3A_197 = vector.shape_cast %get3A_193 : vector<16xi32> to vector<16xi32>
      tpu.vector_store %arg11[%swap3A_194], %swap3A_197 {strides = array<i32>} : memref<64xi32, #tpu.memory_space<vmem>>, vector<16xi32>,
      %get3A_198 = arith.constant 32 : index
      %get3A_199 = tpu.vector_load %arg9[%get3A_198] {strides = array<i32>} : memref<64xi32, #tpu.memory_space<vmem>>, vector<16xi32>,
      %get3A_200 = vector.shape_cast %get3A_199 : vector<16xi32> to vector<16xi32>
      %swap3A_201 = arith.constant 32 : index
      %swap3A_202 = tpu.vector_load %arg11[%swap3A_201] {strides = array<i32>} : memref<64xi32, #tpu.memory_space<vmem>>, vector<16xi32>,
      %swap3A_203 = vector.shape_cast %swap3A_202 : vector<16xi32> to vector<16xi32>
      %swap3A_204 = vector.shape_cast %get3A_200 : vector<16xi32> to vector<16xi32>
      tpu.vector_store %arg11[%swap3A_201], %swap3A_204 {strides = array<i32>} : memref<64xi32, #tpu.memory_space<vmem>>, vector<16xi32>,
      %get3A_205 = arith.constant 48 : index
      %get3A_206 = tpu.vector_load %arg9[%get3A_205] {strides = array<i32>} : memref<64xi32, #tpu.memory_space<vmem>>, vector<16xi32>,
      %get3A_207 = vector.shape_cast %get3A_206 : vector<16xi32> to vector<16xi32>
      %swap3A_208 = arith.constant 48 : index
      %swap3A_209 = tpu.vector_load %arg11[%swap3A_208] {strides = array<i32>} : memref<64xi32, #tpu.memory_space<vmem>>, vector<16xi32>,
      %swap3A_210 = vector.shape_cast %swap3A_209 : vector<16xi32> to vector<16xi32>
      %swap3A_211 = vector.shape_cast %get3A_207 : vector<16xi32> to vector<16xi32>
      tpu.vector_store %arg11[%swap3A_208], %swap3A_211 {strides = array<i32>} : memref<64xi32, #tpu.memory_space<vmem>>, vector<16xi32>,
      %dma_start3A_212 = arith.constant 0 : i32
      %dma_start3A_213 = arith.constant 0 : i32
      %dma_start3A_214 = tpu.memref_slice %arg18[%dma_start3A_212, %dma_start3A_213] : memref<10112x128xf32, #tpu.memory_space<vmem_shared>> -> memref<10112x128xf32, #tpu.memory_space<vmem_shared>>
      tpu.enqueue_indirect_dma source(%arg17 : memref<64x128xf32, #tpu.memory_space<vmem>>) target(%dma_start3A_214 : memref<10112x128xf32, #tpu.memory_space<vmem_shared>>) offsets(%arg11 : memref<64xi32, #tpu.memory_space<vmem>>) semaphore(%arg26 : memref<!tpu.dma_semaphore, #tpu.memory_space<semaphore_mem>>) {add = true}
      %add3A_215 = arith.constant 2 : i32
      %add3A_216 = arith.addi %add3A_162, %add3A_215 : i32
      %lt3A_217 = arith.constant 158 : i32
      %lt3A_218 = arith.cmpi slt, %add3A_216, %lt3A_217 : i32
      %convert_element_type3A_219 = arith.extui %lt3A_218 : i1 to i32
      %cond3A_220 = arith.constant 0 : i32
      %cond3A_221 = arith.cmpi ne, %convert_element_type3A_219, %cond3A_220 : i32
      scf.if %cond3A_221 {
        %add3A_222 = arith.constant 2 : i32
        %add3A_223 = arith.addi %add3A_162, %add3A_222 : i32
        %mul3A_224 = arith.constant 64 : i32
        %mul3A_225 = arith.muli %add3A_223, %mul3A_224 : i32
        %add3A_226 = arith.addi %mul3A_58, %mul3A_225 : i32
        %dma_start3A_227 = tpu.memref_slice %arg2[%add3A_226] : memref<323584xi32, #tpu.memory_space<hbm>> -> memref<64xi32, #tpu.memory_space<hbm>>
        %dma_start3A_228 = tpu.memref_slice %arg2[%add3A_226] : memref<323584xi32, #tpu.memory_space<hbm>> -> memref<64xi32, #tpu.memory_space<hbm>>
        tpu.enqueue_dma source(%dma_start3A_228 : memref<64xi32, #tpu.memory_space<hbm>>) target(%arg7 : memref<64xi32, #tpu.memory_space<vmem>>) target_semaphore(%arg20 : memref<!tpu.dma_semaphore, #tpu.memory_space<semaphore_mem>>)
        %mul3A_229 = arith.constant 64 : i32
        %mul3A_230 = arith.muli %add3A_223, %mul3A_229 : i32
        %add3A_231 = arith.addi %mul3A_58, %mul3A_230 : i32
        %dma_start3A_232 = tpu.memref_slice %arg3[%add3A_231] : memref<323584xi32, #tpu.memory_space<hbm>> -> memref<64xi32, #tpu.memory_space<hbm>>
        %dma_start3A_233 = tpu.memref_slice %arg3[%add3A_231] : memref<323584xi32, #tpu.memory_space<hbm>> -> memref<64xi32, #tpu.memory_space<hbm>>
        tpu.enqueue_dma source(%dma_start3A_233 : memref<64xi32, #tpu.memory_space<hbm>>) target(%arg9 : memref<64xi32, #tpu.memory_space<vmem>>) target_semaphore(%arg20 : memref<!tpu.dma_semaphore, #tpu.memory_space<semaphore_mem>>)
      } else {
      }
    }
    %scan3A_91 = arith.constant 79 : i32
    %dma_wait3A_92 = arith.constant 0 : i32
    %dma_wait3A_93 = arith.constant 0 : i32
    %dma_wait3A_94 = tpu.memref_slice %arg18[%dma_wait3A_92, %dma_wait3A_93] : memref<10112x128xf32, #tpu.memory_space<vmem_shared>> -> memref<10112x128xf32, #tpu.memory_space<vmem_shared>>
    tpu.wait_indirect_dma semaphore(%arg25 : memref<!tpu.dma_semaphore, #tpu.memory_space<semaphore_mem>>) src(%arg16 : memref<64x128xf32, #tpu.memory_space<vmem>>) dst(%dma_wait3A_94 : memref<10112x128xf32, #tpu.memory_space<vmem_shared>>)
    %dma_wait3A_95 = arith.constant 0 : i32
    %dma_wait3A_96 = arith.constant 0 : i32
    %dma_wait3A_97 = tpu.memref_slice %arg18[%dma_wait3A_95, %dma_wait3A_96] : memref<10112x128xf32, #tpu.memory_space<vmem_shared>> -> memref<10112x128xf32, #tpu.memory_space<vmem_shared>>
    tpu.wait_indirect_dma semaphore(%arg26 : memref<!tpu.dma_semaphore, #tpu.memory_space<semaphore_mem>>) src(%arg17 : memref<64x128xf32, #tpu.memory_space<vmem>>) dst(%dma_wait3A_97 : memref<10112x128xf32, #tpu.memory_space<vmem_shared>>)
    %barrier3A_98 = arith.constant 0 : index
    tpu.barrier barrier_id(%barrier3A_98)
    %mul3A_99 = arith.constant 632 : i32
    %mul3A_100 = arith.muli %arg1, %mul3A_99 : i32
    %mul3A_101 = arith.constant 632 : i32
    %mul3A_102 = arith.muli %arg1, %mul3A_101 : i32
    "tpu.region"() ({
      %run_scoped3A = tpu.sem_alloc : memref<!tpu.dma_semaphore, #tpu.memory_space<semaphore_mem>>
      %dma_start3A_103 = arith.constant 0 : i32
      %dma_start3A_104 = tpu.memref_slice %arg5[%arg0, %mul3A_102, %dma_start3A_103] : memref<2x10112x128xf32, #tpu.memory_space<hbm>> -> memref<1x632x128xf32, #tpu.memory_space<hbm>>
      %dma_start3A_105 = tpu.memref_squeeze %dma_start3A_104 : memref<1x632x128xf32, #tpu.memory_space<hbm>> -> memref<632x128xf32, #tpu.memory_space<hbm>>
      %dma_start3A_106 = arith.constant 0 : i32
      %dma_start3A_107 = tpu.memref_slice %arg18[%mul3A_100, %dma_start3A_106] : memref<10112x128xf32, #tpu.memory_space<vmem_shared>> -> memref<632x128xf32, #tpu.memory_space<vmem_shared>>
      tpu.enqueue_dma source(%dma_start3A_107 : memref<632x128xf32, #tpu.memory_space<vmem_shared>>) target(%dma_start3A_105 : memref<632x128xf32, #tpu.memory_space<hbm>>) target_semaphore(%run_scoped3A : memref<!tpu.dma_semaphore, #tpu.memory_space<semaphore_mem>>)
      %dma_wait3A_108 = arith.constant 0 : i32
      %dma_wait3A_109 = tpu.memref_slice %arg5[%arg0, %mul3A_102, %dma_wait3A_108] : memref<2x10112x128xf32, #tpu.memory_space<hbm>> -> memref<1x632x128xf32, #tpu.memory_space<hbm>>
      %dma_wait3A_110 = tpu.memref_squeeze %dma_wait3A_109 : memref<1x632x128xf32, #tpu.memory_space<hbm>> -> memref<632x128xf32, #tpu.memory_space<hbm>>
      %dma_wait3A_111 = arith.constant 0 : i32
      %dma_wait3A_112 = tpu.memref_slice %arg18[%mul3A_100, %dma_wait3A_111] : memref<10112x128xf32, #tpu.memory_space<vmem_shared>> -> memref<632x128xf32, #tpu.memory_space<vmem_shared>>
      tpu.wait_dma2 semaphore(%run_scoped3A : memref<!tpu.dma_semaphore, #tpu.memory_space<semaphore_mem>>) src(%dma_wait3A_112 : memref<632x128xf32, #tpu.memory_space<vmem_shared>>) dst(%dma_wait3A_110 : memref<632x128xf32, #tpu.memory_space<hbm>>)
      tpu.yield
    }) : () -> ()
    return
  }
}

module attributes {stable_mosaic.version = 14 : i64} {
  func.func @_tc1_body(%arg0: i32, %arg1: memref<1264x128xf32, #tpu.memory_space<vmem>>, %arg2: memref<128x64xf32, #tpu.memory_space<vmem>>, %arg3: memref<64x8xf32, #tpu.memory_space<vmem>>, %arg4: memref<64x8xf32, #tpu.memory_space<vmem>>, %arg5: memref<8x64xf32, #tpu.memory_space<vmem>>, %arg6: memref<1264x128xf32, #tpu.memory_space<vmem>>, %arg7: memref<1264x80xf32, #tpu.memory_space<vmem>>) attributes {dimension_semantics = [#tpu.dimension_semantics<arbitrary>], iteration_bounds = array<i64: 8>, scalar_prefetch = 0 : i64, scratch_operands = 0 : i64, tpu.core_type = #tpu.core_type<tc>, window_params = [{transform_indices = @transform_0, window_bounds = array<i64: 1264, 128>}, {pipeline_mode = #tpu.pipeline_mode<synchronous>, transform_indices = @transform_1, window_bounds = array<i64: 128, 64>}, {pipeline_mode = #tpu.pipeline_mode<synchronous>, transform_indices = @transform_2, window_bounds = array<i64: 64, 8>}, {pipeline_mode = #tpu.pipeline_mode<synchronous>, transform_indices = @transform_3, window_bounds = array<i64: 64, 8>}, {pipeline_mode = #tpu.pipeline_mode<synchronous>, transform_indices = @transform_4, window_bounds = array<i64: 8, 64>}, {transform_indices = @transform_5, window_bounds = array<i64: 1264, 128>}, {transform_indices = @transform_6, window_bounds = array<i64: 1264, 80>}]} {
    %get3A = arith.constant 0 : index
    %get3A_0 = arith.constant 0 : index
    %get3A_1 = vector.load %arg1[%get3A, %get3A_0] : memref<1264x128xf32, #tpu.memory_space<vmem>>, vector<1264x128xf32>
    %get3A_2 = arith.constant 0 : index
    %get3A_3 = arith.constant 0 : index
    %get3A_4 = vector.load %arg2[%get3A_2, %get3A_3] : memref<128x64xf32, #tpu.memory_space<vmem>>, vector<128x64xf32>
    %dot_general3A = arith.constant dense<0.000000e+00> : vector<1264x64xf32>
    %dot_general3A_5 = tpu.matmul %get3A_1, %get3A_4, %dot_general3A {dimension_numbers = #tpu.dot_dimension_numbers<[1], [0], [0], [1], [0, 0, 1, 1], [], []>, transpose_lhs_hint = false} : vector<1264x128xf32>, vector<128x64xf32>, vector<1264x64xf32> -> vector<1264x64xf32>
    %get3A_6 = arith.constant 0 : index
    %get3A_7 = arith.constant 0 : index
    %get3A_8 = vector.load %arg3[%get3A_6, %get3A_7] : memref<64x8xf32, #tpu.memory_space<vmem>>, vector<64x8xf32>
    %dot_general3A_9 = arith.constant dense<0.000000e+00> : vector<1264x8xf32>
    %dot_general3A_10 = tpu.matmul %dot_general3A_5, %get3A_8, %dot_general3A_9 {dimension_numbers = #tpu.dot_dimension_numbers<[1], [0], [0], [1], [0, 0, 1, 1], [], []>, transpose_lhs_hint = false} : vector<1264x64xf32>, vector<64x8xf32>, vector<1264x8xf32> -> vector<1264x8xf32>
    %get3A_11 = arith.constant 0 : index
    %get3A_12 = arith.constant 0 : index
    %get3A_13 = vector.load %arg4[%get3A_11, %get3A_12] : memref<64x8xf32, #tpu.memory_space<vmem>>, vector<64x8xf32>
    %dot_general3A_14 = arith.constant dense<0.000000e+00> : vector<1264x8xf32>
    %dot_general3A_15 = tpu.matmul %dot_general3A_5, %get3A_13, %dot_general3A_14 {dimension_numbers = #tpu.dot_dimension_numbers<[1], [0], [0], [1], [0, 0, 1, 1], [], []>, transpose_lhs_hint = false} : vector<1264x64xf32>, vector<64x8xf32>, vector<1264x8xf32> -> vector<1264x8xf32>
    %broadcast_in_dim3A = arith.constant 0.000000e+00 : f32
    %broadcast_in_dim3A_16 = vector.broadcast %broadcast_in_dim3A : f32 to vector<1264x8xf32>
    %broadcast_in_dim3A_17 = arith.constant 0.000000e+00 : f32
    %broadcast_in_dim3A_18 = vector.broadcast %broadcast_in_dim3A_17 : f32 to vector<1264x40xf32>
    %concatenate3A = tpu.concatenate %dot_general3A_5, %dot_general3A_10, %broadcast_in_dim3A_16, %dot_general3A_15, %broadcast_in_dim3A_18 in 1 : vector<1264x64xf32>, vector<1264x8xf32>, vector<1264x8xf32>, vector<1264x8xf32>, vector<1264x40xf32> -> vector<1264x128xf32>
    %swap3A = arith.constant 0 : index
    %swap3A_19 = arith.constant 0 : index
    %swap3A_20 = vector.load %arg6[%swap3A, %swap3A_19] : memref<1264x128xf32, #tpu.memory_space<vmem>>, vector<1264x128xf32>
    tpu.vector_store %arg6[%swap3A, %swap3A_19], %concatenate3A {strides = array<i32>} : memref<1264x128xf32, #tpu.memory_space<vmem>>, vector<1264x128xf32>,
    %add3A = arith.addf %dot_general3A_10, %dot_general3A_15 : vector<1264x8xf32>
    %mul3A = arith.constant 2.000000e-01 : f32
    %mul3A_21 = vector.broadcast %mul3A : f32 to vector<1264x8xf32>
    %mul3A_22 = arith.mulf %mul3A_21, %add3A : vector<1264x8xf32>
    %max3A = arith.maximumf %add3A, %mul3A_22 : vector<1264x8xf32>
    %exp3A = math.exp %max3A : vector<1264x8xf32>
    %get3A_23 = arith.constant 0 : index
    %get3A_24 = arith.constant 0 : index
    %get3A_25 = vector.load %arg5[%get3A_23, %get3A_24] : memref<8x64xf32, #tpu.memory_space<vmem>>, vector<8x64xf32>
    %dot_general3A_26 = arith.constant dense<0.000000e+00> : vector<1264x64xf32>
    %dot_general3A_27 = tpu.matmul %exp3A, %get3A_25, %dot_general3A_26 {dimension_numbers = #tpu.dot_dimension_numbers<[1], [0], [0], [1], [0, 0, 1, 1], [], []>, transpose_lhs_hint = false} : vector<1264x8xf32>, vector<8x64xf32>, vector<1264x64xf32> -> vector<1264x64xf32>
    %mul3A_28 = arith.mulf %dot_general3A_5, %dot_general3A_27 : vector<1264x64xf32>
    %concatenate3A_29 = tpu.concatenate %mul3A_28, %exp3A, %broadcast_in_dim3A_16 in 1 : vector<1264x64xf32>, vector<1264x8xf32>, vector<1264x8xf32> -> vector<1264x80xf32>
    %swap3A_30 = arith.constant 0 : index
    %swap3A_31 = arith.constant 0 : index
    %swap3A_32 = vector.load %arg7[%swap3A_30, %swap3A_31] : memref<1264x80xf32, #tpu.memory_space<vmem>>, vector<1264x80xf32>
    tpu.vector_store %arg7[%swap3A_30, %swap3A_31], %concatenate3A_29 {strides = array<i32>} : memref<1264x80xf32, #tpu.memory_space<vmem>>, vector<1264x80xf32>,
    return
  }
  func.func @transform_0(%arg0: i32) -> (i32, i32) {
    %c0_i32 = arith.constant 0 : i32
    %c0_i32_0 = arith.constant 0 : i32
    return %arg0, %c0_i32 : i32, i32
  }
  func.func @transform_1(%arg0: i32) -> (i32, i32) {
    %c0_i32 = arith.constant 0 : i32
    %c0_i32_0 = arith.constant 0 : i32
    %c0_i32_1 = arith.constant 0 : i32
    return %c0_i32, %c0_i32_0 : i32, i32
  }
  func.func @transform_2(%arg0: i32) -> (i32, i32) {
    %c0_i32 = arith.constant 0 : i32
    %c0_i32_0 = arith.constant 0 : i32
    %c0_i32_1 = arith.constant 0 : i32
    return %c0_i32, %c0_i32_0 : i32, i32
  }
  func.func @transform_3(%arg0: i32) -> (i32, i32) {
    %c0_i32 = arith.constant 0 : i32
    %c0_i32_0 = arith.constant 0 : i32
    %c0_i32_1 = arith.constant 0 : i32
    return %c0_i32, %c0_i32_0 : i32, i32
  }
  func.func @transform_4(%arg0: i32) -> (i32, i32) {
    %c0_i32 = arith.constant 0 : i32
    %c0_i32_0 = arith.constant 0 : i32
    %c0_i32_1 = arith.constant 0 : i32
    return %c0_i32, %c0_i32_0 : i32, i32
  }
  func.func @transform_5(%arg0: i32) -> (i32, i32) {
    %c0_i32 = arith.constant 0 : i32
    %c0_i32_0 = arith.constant 0 : i32
    return %arg0, %c0_i32 : i32, i32
  }
  func.func @transform_6(%arg0: i32) -> (i32, i32) {
    %c0_i32 = arith.constant 0 : i32
    %c0_i32_0 = arith.constant 0 : i32
    return %arg0, %c0_i32 : i32, i32
  }
}

module attributes {stable_mosaic.version = 14 : i64} {
  func.func @_tc2_body(%arg0: i32, %arg1: memref<2x1264x128xf32, #tpu.memory_space<vmem>>, %arg2: memref<1264x80xf32, #tpu.memory_space<vmem>>, %arg3: memref<8x64xf32, #tpu.memory_space<vmem>>, %arg4: memref<64x128xf32, #tpu.memory_space<vmem>>, %arg5: memref<1x64xf32, #tpu.memory_space<vmem>>, %arg6: memref<1264x128xf32, #tpu.memory_space<vmem>>, %arg7: memref<1264x16xf32, #tpu.memory_space<vmem>>) attributes {dimension_semantics = [#tpu.dimension_semantics<arbitrary>], iteration_bounds = array<i64: 8>, scalar_prefetch = 0 : i64, scratch_operands = 0 : i64, tpu.core_type = #tpu.core_type<tc>, window_params = [{transform_indices = @transform_0, window_bounds = array<i64: 2, 1264, 128>}, {transform_indices = @transform_1, window_bounds = array<i64: 1264, 80>}, {pipeline_mode = #tpu.pipeline_mode<synchronous>, transform_indices = @transform_2, window_bounds = array<i64: 8, 64>}, {pipeline_mode = #tpu.pipeline_mode<synchronous>, transform_indices = @transform_3, window_bounds = array<i64: 64, 128>}, {pipeline_mode = #tpu.pipeline_mode<synchronous>, transform_indices = @transform_4, window_bounds = array<i64: 1, 64>}, {transform_indices = @transform_5, window_bounds = array<i64: 1264, 128>}, {transform_indices = @transform_6, window_bounds = array<i64: 1264, 16>}]} {
    %get3A = arith.constant 0 : index
    %get3A_0 = arith.constant 0 : index
    %get3A_1 = arith.constant 0 : index
    %get3A_2 = vector.load %arg1[%get3A, %get3A_0, %get3A_1] : memref<2x1264x128xf32, #tpu.memory_space<vmem>>, vector<1x1264x128xf32>
    %get3A_3 = vector.shape_cast %get3A_2 : vector<1x1264x128xf32> to vector<1264x128xf32>
    %get3A_4 = arith.constant 1 : index
    %get3A_5 = arith.constant 0 : index
    %get3A_6 = arith.constant 0 : index
    %get3A_7 = vector.load %arg1[%get3A_4, %get3A_5, %get3A_6] : memref<2x1264x128xf32, #tpu.memory_space<vmem>>, vector<1x1264x128xf32>
    %get3A_8 = vector.shape_cast %get3A_7 : vector<1x1264x128xf32> to vector<1264x128xf32>
    %add3A = arith.addf %get3A_3, %get3A_8 : vector<1264x128xf32>
    %get3A_9 = arith.constant 0 : index
    %get3A_10 = arith.constant 0 : index
    %get3A_11 = vector.load %arg2[%get3A_9, %get3A_10] : memref<1264x80xf32, #tpu.memory_space<vmem>>, vector<1264x80xf32>
    %slice3A = vector.extract_strided_slice %add3A {offsets = [0, 0], sizes = [1264, 64], strides = [1, 1]} : vector<1264x128xf32> to vector<1264x64xf32>
    %slice3A_12 = vector.extract_strided_slice %get3A_11 {offsets = [0, 0], sizes = [1264, 64], strides = [1, 1]} : vector<1264x80xf32> to vector<1264x64xf32>
    %add3A_13 = arith.addf %slice3A, %slice3A_12 : vector<1264x64xf32>
    %slice3A_14 = vector.extract_strided_slice %add3A {offsets = [0, 64], sizes = [1264, 8], strides = [1, 1]} : vector<1264x128xf32> to vector<1264x8xf32>
    %slice3A_15 = vector.extract_strided_slice %get3A_11 {offsets = [0, 64], sizes = [1264, 8], strides = [1, 1]} : vector<1264x80xf32> to vector<1264x8xf32>
    %add3A_16 = arith.addf %slice3A_14, %slice3A_15 : vector<1264x8xf32>
    %add3A_17 = arith.constant 1.000000e-16 : f32
    %add3A_18 = vector.broadcast %add3A_17 : f32 to vector<1264x8xf32>
    %add3A_19 = arith.addf %add3A_16, %add3A_18 : vector<1264x8xf32>
    %div3A = arith.constant 1.000000e+00 : f32
    %div3A_20 = vector.broadcast %div3A : f32 to vector<1264x8xf32>
    %div3A_21 = arith.divf %div3A_20, %add3A_19 : vector<1264x8xf32>
    %get3A_22 = arith.constant 0 : index
    %get3A_23 = arith.constant 0 : index
    %get3A_24 = vector.load %arg3[%get3A_22, %get3A_23] : memref<8x64xf32, #tpu.memory_space<vmem>>, vector<8x64xf32>
    %dot_general3A = arith.constant dense<0.000000e+00> : vector<1264x64xf32>
    %dot_general3A_25 = tpu.matmul %div3A_21, %get3A_24, %dot_general3A {dimension_numbers = #tpu.dot_dimension_numbers<[1], [0], [0], [1], [0, 0, 1, 1], [], []>, transpose_lhs_hint = false} : vector<1264x8xf32>, vector<8x64xf32>, vector<1264x64xf32> -> vector<1264x64xf32>
    %mul3A = arith.mulf %add3A_13, %dot_general3A_25 : vector<1264x64xf32>
    %get3A_26 = arith.constant 0 : index
    %get3A_27 = arith.constant 0 : index
    %get3A_28 = vector.load %arg5[%get3A_26, %get3A_27] : memref<1x64xf32, #tpu.memory_space<vmem>>, vector<1x64xf32>
    %add3A_29 = vector.broadcast %get3A_28 : vector<1x64xf32> to vector<1264x64xf32>
    %add3A_30 = arith.addf %mul3A, %add3A_29 : vector<1264x64xf32>
    %gt3A = arith.constant 0.000000e+00 : f32
    %gt3A_31 = vector.broadcast %gt3A : f32 to vector<1264x64xf32>
    %gt3A_32 = arith.cmpf ogt, %add3A_30, %gt3A_31 : vector<1264x64xf32>
    %exp3A = math.exp %add3A_30 : vector<1264x64xf32>
    %sub3A = arith.constant 1.000000e+00 : f32
    %sub3A_33 = vector.broadcast %sub3A : f32 to vector<1264x64xf32>
    %sub3A_34 = arith.subf %exp3A, %sub3A_33 : vector<1264x64xf32>
    %select_n3A = arith.select %gt3A_32, %add3A_30, %sub3A_34 : vector<1264x64xi1>, vector<1264x64xf32>
    %get3A_35 = arith.constant 0 : index
    %get3A_36 = arith.constant 0 : index
    %get3A_37 = vector.load %arg4[%get3A_35, %get3A_36] : memref<64x128xf32, #tpu.memory_space<vmem>>, vector<64x128xf32>
    %dot_general3A_38 = arith.constant dense<0.000000e+00> : vector<1264x128xf32>
    %dot_general3A_39 = tpu.matmul %select_n3A, %get3A_37, %dot_general3A_38 {dimension_numbers = #tpu.dot_dimension_numbers<[1], [0], [0], [1], [0, 0, 1, 1], [], []>, transpose_lhs_hint = false} : vector<1264x64xf32>, vector<64x128xf32>, vector<1264x128xf32> -> vector<1264x128xf32>
    %swap3A = arith.constant 0 : index
    %swap3A_40 = arith.constant 0 : index
    %swap3A_41 = vector.load %arg6[%swap3A, %swap3A_40] : memref<1264x128xf32, #tpu.memory_space<vmem>>, vector<1264x128xf32>
    tpu.vector_store %arg6[%swap3A, %swap3A_40], %dot_general3A_39 {strides = array<i32>} : memref<1264x128xf32, #tpu.memory_space<vmem>>, vector<1264x128xf32>,
    %slice3A_42 = vector.extract_strided_slice %dot_general3A_39 {offsets = [0, 7], sizes = [1264, 1], strides = [1, 1]} : vector<1264x128xf32> to vector<1264x1xf32>
    %slice3A_43 = vector.extract_strided_slice %dot_general3A_39 {offsets = [0, 8], sizes = [1264, 1], strides = [1, 1]} : vector<1264x128xf32> to vector<1264x1xf32>
    %add3A_44 = arith.addf %slice3A_42, %slice3A_43 : vector<1264x1xf32>
    %mul3A_45 = arith.constant 2.000000e-01 : f32
    %mul3A_46 = vector.broadcast %mul3A_45 : f32 to vector<1264x1xf32>
    %mul3A_47 = arith.mulf %mul3A_46, %add3A_44 : vector<1264x1xf32>
    %max3A = arith.maximumf %add3A_44, %mul3A_47 : vector<1264x1xf32>
    %exp3A_48 = math.exp %max3A : vector<1264x1xf32>
    %broadcast_in_dim3A = arith.constant 0.000000e+00 : f32
    %broadcast_in_dim3A_49 = vector.broadcast %broadcast_in_dim3A : f32 to vector<1264x8xf32>
    %slice3A_50 = vector.extract_strided_slice %dot_general3A_39 {offsets = [0, 0], sizes = [1264, 7], strides = [1, 1]} : vector<1264x128xf32> to vector<1264x7xf32>
    %mul3A_51 = vector.broadcast %exp3A_48 : vector<1264x1xf32> to vector<1264x7xf32>
    %mul3A_52 = arith.mulf %slice3A_50, %mul3A_51 : vector<1264x7xf32>
    %concatenate3A = tpu.concatenate %mul3A_52, %exp3A_48, %broadcast_in_dim3A_49 in 1 : vector<1264x7xf32>, vector<1264x1xf32>, vector<1264x8xf32> -> vector<1264x16xf32>
    %swap3A_53 = arith.constant 0 : index
    %swap3A_54 = arith.constant 0 : index
    %swap3A_55 = vector.load %arg7[%swap3A_53, %swap3A_54] : memref<1264x16xf32, #tpu.memory_space<vmem>>, vector<1264x16xf32>
    tpu.vector_store %arg7[%swap3A_53, %swap3A_54], %concatenate3A {strides = array<i32>} : memref<1264x16xf32, #tpu.memory_space<vmem>>, vector<1264x16xf32>,
    return
  }
  func.func @transform_0(%arg0: i32) -> (i32, i32, i32) {
    %c0_i32 = arith.constant 0 : i32
    %c0_i32_0 = arith.constant 0 : i32
    %c0_i32_1 = arith.constant 0 : i32
    return %c0_i32, %arg0, %c0_i32_0 : i32, i32, i32
  }
  func.func @transform_1(%arg0: i32) -> (i32, i32) {
    %c0_i32 = arith.constant 0 : i32
    %c0_i32_0 = arith.constant 0 : i32
    return %arg0, %c0_i32 : i32, i32
  }
  func.func @transform_2(%arg0: i32) -> (i32, i32) {
    %c0_i32 = arith.constant 0 : i32
    %c0_i32_0 = arith.constant 0 : i32
    %c0_i32_1 = arith.constant 0 : i32
    return %c0_i32, %c0_i32_0 : i32, i32
  }
  func.func @transform_3(%arg0: i32) -> (i32, i32) {
    %c0_i32 = arith.constant 0 : i32
    %c0_i32_0 = arith.constant 0 : i32
    %c0_i32_1 = arith.constant 0 : i32
    return %c0_i32, %c0_i32_0 : i32, i32
  }
  func.func @transform_4(%arg0: i32) -> (i32, i32) {
    %c0_i32 = arith.constant 0 : i32
    %c0_i32_0 = arith.constant 0 : i32
    %c0_i32_1 = arith.constant 0 : i32
    return %c0_i32, %c0_i32_0 : i32, i32
  }
  func.func @transform_5(%arg0: i32) -> (i32, i32) {
    %c0_i32 = arith.constant 0 : i32
    %c0_i32_0 = arith.constant 0 : i32
    return %arg0, %c0_i32 : i32, i32
  }
  func.func @transform_6(%arg0: i32) -> (i32, i32) {
    %c0_i32 = arith.constant 0 : i32
    %c0_i32_0 = arith.constant 0 : i32
    return %arg0, %c0_i32 : i32, i32
  }
}

module attributes {stable_mosaic.version = 14 : i64} {
  func.func @_tc3_body(%arg0: i32, %arg1: memref<2x1264x128xf32, #tpu.memory_space<vmem>>, %arg2: memref<1264x16xf32, #tpu.memory_space<vmem>>, %arg3: memref<1x7xf32, #tpu.memory_space<vmem>>, %arg4: memref<1264x8xf32, #tpu.memory_space<vmem>>) attributes {dimension_semantics = [#tpu.dimension_semantics<arbitrary>], iteration_bounds = array<i64: 8>, scalar_prefetch = 0 : i64, scratch_operands = 0 : i64, tpu.core_type = #tpu.core_type<tc>, window_params = [{transform_indices = @transform_0, window_bounds = array<i64: 2, 1264, 128>}, {transform_indices = @transform_1, window_bounds = array<i64: 1264, 16>}, {pipeline_mode = #tpu.pipeline_mode<synchronous>, transform_indices = @transform_2, window_bounds = array<i64: 1, 7>}, {transform_indices = @transform_3, window_bounds = array<i64: 1264, 8>}]} {
    %get3A = arith.constant 0 : index
    %get3A_0 = arith.constant 0 : index
    %get3A_1 = arith.constant 0 : index
    %get3A_2 = vector.load %arg1[%get3A, %get3A_0, %get3A_1] : memref<2x1264x128xf32, #tpu.memory_space<vmem>>, vector<1x1264x128xf32>
    %get3A_3 = vector.shape_cast %get3A_2 : vector<1x1264x128xf32> to vector<1264x128xf32>
    %get3A_4 = arith.constant 1 : index
    %get3A_5 = arith.constant 0 : index
    %get3A_6 = arith.constant 0 : index
    %get3A_7 = vector.load %arg1[%get3A_4, %get3A_5, %get3A_6] : memref<2x1264x128xf32, #tpu.memory_space<vmem>>, vector<1x1264x128xf32>
    %get3A_8 = vector.shape_cast %get3A_7 : vector<1x1264x128xf32> to vector<1264x128xf32>
    %add3A = arith.addf %get3A_3, %get3A_8 : vector<1264x128xf32>
    %get3A_9 = arith.constant 0 : index
    %get3A_10 = arith.constant 0 : index
    %get3A_11 = vector.load %arg2[%get3A_9, %get3A_10] : memref<1264x16xf32, #tpu.memory_space<vmem>>, vector<1264x16xf32>
    %slice3A = vector.extract_strided_slice %add3A {offsets = [0, 0], sizes = [1264, 7], strides = [1, 1]} : vector<1264x128xf32> to vector<1264x7xf32>
    %slice3A_12 = vector.extract_strided_slice %get3A_11 {offsets = [0, 0], sizes = [1264, 7], strides = [1, 1]} : vector<1264x16xf32> to vector<1264x7xf32>
    %add3A_13 = arith.addf %slice3A, %slice3A_12 : vector<1264x7xf32>
    %slice3A_14 = vector.extract_strided_slice %add3A {offsets = [0, 7], sizes = [1264, 1], strides = [1, 1]} : vector<1264x128xf32> to vector<1264x1xf32>
    %slice3A_15 = vector.extract_strided_slice %get3A_11 {offsets = [0, 7], sizes = [1264, 1], strides = [1, 1]} : vector<1264x16xf32> to vector<1264x1xf32>
    %add3A_16 = arith.addf %slice3A_14, %slice3A_15 : vector<1264x1xf32>
    %add3A_17 = arith.constant 1.000000e-16 : f32
    %add3A_18 = vector.broadcast %add3A_17 : f32 to vector<1264x1xf32>
    %add3A_19 = arith.addf %add3A_16, %add3A_18 : vector<1264x1xf32>
    %div3A = vector.broadcast %add3A_19 : vector<1264x1xf32> to vector<1264x7xf32>
    %div3A_20 = arith.divf %add3A_13, %div3A : vector<1264x7xf32>
    %get3A_21 = arith.constant 0 : index
    %get3A_22 = arith.constant 0 : index
    %get3A_23 = vector.load %arg3[%get3A_21, %get3A_22] : memref<1x7xf32, #tpu.memory_space<vmem>>, vector<1x7xf32>
    %add3A_24 = vector.broadcast %get3A_23 : vector<1x7xf32> to vector<1264x7xf32>
    %add3A_25 = arith.addf %div3A_20, %add3A_24 : vector<1264x7xf32>
    %reduce_max3A = arith.constant dense<0xFF800000> : vector<1264xf32>
    %reduce_max3A_26 = vector.multi_reduction <maximumf>, %add3A_25, %reduce_max3A [1] : vector<1264x7xf32> to vector<1264xf32>
    %broadcast_in_dim3A = vector.shape_cast %reduce_max3A_26 : vector<1264xf32> to vector<1264x1xf32>
    %sub3A = vector.broadcast %broadcast_in_dim3A : vector<1264x1xf32> to vector<1264x7xf32>
    %sub3A_27 = arith.subf %add3A_25, %sub3A : vector<1264x7xf32>
    %exp3A = math.exp %sub3A_27 : vector<1264x7xf32>
    %reduce_sum3A = arith.constant dense<0.000000e+00> : vector<1264xf32>
    %reduce_sum3A_28 = vector.multi_reduction <add>, %exp3A, %reduce_sum3A [1] : vector<1264x7xf32> to vector<1264xf32>
    %broadcast_in_dim3A_29 = vector.shape_cast %reduce_sum3A_28 : vector<1264xf32> to vector<1264x1xf32>
    %log3A = math.log %broadcast_in_dim3A_29 : vector<1264x1xf32>
    %sub3A_30 = vector.broadcast %log3A : vector<1264x1xf32> to vector<1264x7xf32>
    %sub3A_31 = arith.subf %sub3A_27, %sub3A_30 : vector<1264x7xf32>
    %broadcast_in_dim3A_32 = arith.constant 0.000000e+00 : f32
    %broadcast_in_dim3A_33 = vector.broadcast %broadcast_in_dim3A_32 : f32 to vector<1264x1xf32>
    %concatenate3A = tpu.concatenate %sub3A_31, %broadcast_in_dim3A_33 in 1 : vector<1264x7xf32>, vector<1264x1xf32> -> vector<1264x8xf32>
    %swap3A = arith.constant 0 : index
    %swap3A_34 = arith.constant 0 : index
    %swap3A_35 = vector.load %arg4[%swap3A, %swap3A_34] : memref<1264x8xf32, #tpu.memory_space<vmem>>, vector<1264x8xf32>
    tpu.vector_store %arg4[%swap3A, %swap3A_34], %concatenate3A {strides = array<i32>} : memref<1264x8xf32, #tpu.memory_space<vmem>>, vector<1264x8xf32>,
    return
  }
  func.func @transform_0(%arg0: i32) -> (i32, i32, i32) {
    %c0_i32 = arith.constant 0 : i32
    %c0_i32_0 = arith.constant 0 : i32
    %c0_i32_1 = arith.constant 0 : i32
    return %c0_i32, %arg0, %c0_i32_0 : i32, i32, i32
  }
  func.func @transform_1(%arg0: i32) -> (i32, i32) {
    %c0_i32 = arith.constant 0 : i32
    %c0_i32_0 = arith.constant 0 : i32
    return %arg0, %c0_i32 : i32, i32
  }
  func.func @transform_2(%arg0: i32) -> (i32, i32) {
    %c0_i32 = arith.constant 0 : i32
    %c0_i32_0 = arith.constant 0 : i32
    %c0_i32_1 = arith.constant 0 : i32
    return %c0_i32, %c0_i32_0 : i32, i32
  }
  func.func @transform_3(%arg0: i32) -> (i32, i32) {
    %c0_i32 = arith.constant 0 : i32
    %c0_i32_0 = arith.constant 0 : i32
    return %arg0, %c0_i32 : i32, i32
  }
}

</mosaic_0001>

<sc_bundles>
// kernel: kernel.10.cloned.1.call-start
scs
__scs_entry_jumppad:
0x0: {  	(pc) =	sbr.rel $0x88, $3  }
0x1: {  	(tag) =	ssettag $0x0;
	lr =	simm.s32 $0x1  }
0x2: {  	[smem:$0x3F97] =	sst lr;
	_ =	strace $0xD0000000  }
0x3: {  	_ = 	snop  }
0x4: {  	_ = 	snop  }
0x5: {  	_ = 	snop  }
0x6: {  	_ = 	snop  }
0x7: {  	_ = 	snop  }
__scs_overlays_trampoline_lowered:
0x8: {  	[smem:$0x3FA6] =	sst s0  }
0x9: {  	[smem:$0x3FA7] =	sst s1  }
0xa: {  	[smem:$0x3FA8] =	sst s2  }
0xb: {  	[smem:$0x3FA9] =	sst s3  }
0xc: {  	[smem:$0x3FAA] =	sst s4  }
0xd: {  	[smem:$0x3FAB] =	sst s5  }
0xe: {  	[smem:$0x3FAC] =	sst s6  }
0xf: {  	[smem:$0x3FAD] =	sst s7  }
0x10: {  	[smem:$0x3FAE] =	sst s8  }
0x11: {  	[smem:$0x3FAF] =	sst s9;
	s0 =	simm.s32 @!p0 $0x0  }
0x12: {  	s1 =	sld [smem:$0x3F95];
	s0 =	simm.s32 @p0 $0x1  }
0x13: {  	[smem:$0x3FB0] =	sst s0;
	s0 =	simm.s32 @!p1 $0x0  }
0x14: {  	s2 =	sld [smem:$0x3F94];
	s0 =	simm.s32 @p1 $0x1  }
0x15: {  	[smem:$0x3FB1] =	sst s0;
	s0 =	simm.s32 @!p2 $0x0  }
0x16: {  	s3 =	sld [smem:$0x3FDB];
	s0 =	simm.s32 @p2 $0x1  }
0x17: {  	s4 =	simm.s32 $0x1BF5;
	[smem:$0x3FB3] =	sst s0  }
0x18: {  	s0 =	sld [smem:$0x3F96];
	_ =	swait.ge [sflag:s4], $0x0  }
0x19: {  	s7 =	sld [smem:$0x3F97]  }
0x1a: {  	s8 =	sadd.s32 $0xFFFFE003, lr  }
0x1b: {  	s9 =	sadd.s32 $0xFFFFFEF7, lr;
	s5 =	simm.s32 $0xFFFFFFFF;
	p2 =	slt.u32 s8, $0xFFFFF086  }
0x1c: {  	p1 =	slt.u32 s9, $0xF7A;
	s5 =	simm.s32 @!p2 $0x0  }
0x1d: {  	s5 =	simm.s32 @p1 $0x1;
	p0 =	seq.s32 s7, s2  }
0x1e: {  	s7 =	smul.u32 @!p0 $0xF7A, s2;
	p2 =	seq.s32 @!p0 s5, $0x0  }
0x1f: {  	s9 =	smul.u32 $0xF7A, s1;
	s8 =	simm.s32 @!p0 $0x1BF5;
	p2 =	por !p2, p0  }
0x20: {  	[sflag:s8] =	ssyncset.s32 @!p0 $0xFFFFF086;
	s6 =	sadd.s32 @!p0 s3, s7;
	s7 =	simm.s32 @!p0 $0x108  }
0x21: {  	s3 =	sadd.s32 s3, s9;
	s6 =	sadd.s32 @!p0 $0x88, s6;
	s7 =	simm.s32 @p2 $0x1082  }
0x22: {  	[simem:s7], [sflag:s8] =	dma.local @!p0 [hbm:s6], $0xF7A  }
0x23: {  	s9 =	sor.u32 $0xD0000000, s2;
	s6 =	simm.s32 $0x108;
	_ =	swait.ge @!p0 [sflag:s8], $0x0  }
0x24: {  	s3 =	sadd.s32 $0x88, s3;
	s6 =	simm.s32 @!p1 $0x1082;
	[sflag:s4] =	ssyncset.s32 $0xFFFFF086  }
0x25: {  	[simem:s6], [sflag:s4] =	dma.local [hbm:s3], $0xF7A  }
0x26: {  	[smem:$0x3F97] =	sst s1;
	(tag) =	ssettag s2;
	_ =	strace s9  }
0x27: {  	s1 =	sld [smem:$0x3FA7]  }
0x28: {  	s2 =	sld [smem:$0x3FA8]  }
0x29: {  	s4 =	sld [smem:$0x3FAA]  }
0x2a: {  	p0 =	seq.s32 s5, $0x0;
	s5 =	sld [smem:$0x3FAB]  }
0x2b: {  	s6 =	sld [smem:$0x3FAC]  }
0x2c: {  	s7 =	sld [smem:$0x3FAD]  }
0x2d: {  	s3 =	simm.s32 $0x108;
	s8 =	sld [smem:$0x3FAE]  }
0x2e: {  	s3 =	simm.s32 @!p0 $0x1082;
	s9 =	sld [smem:$0x3FAF]  }
0x2f: {  	lr =	sadd.s32 s0, s3;
	s0 =	sld [smem:$0x3FA6]  }
0x30: {  	s3 =	sld [smem:$0x3FA9]  }
0x31: {  	[smem:$0x3FB2] =	sst s10  }
0x32: {  	s10 =	sld [smem:$0x3FB0];
	_ =	sdelay $0x3  }
0x33: {  	p0 =	seq.s32 s10, $0x1;
	s10 =	sld [smem:$0x3FB2];
	_ =	sdelay $0x3  }
0x34: {  	[smem:$0x3FB2] =	sst s10  }
0x35: {  	s10 =	sld [smem:$0x3FB1];
	_ =	sdelay $0x3  }
0x36: {  	p1 =	seq.s32 s10, $0x1;
	s10 =	sld [smem:$0x3FB2];
	_ =	sdelay $0x3  }
0x37: {  	[smem:$0x3FB2] =	sst s10  }
0x38: {  	s10 =	sld [smem:$0x3FB3]  }
0x39: {  	_ = 	snop;
	(pc) =	sbr.ind lr, $3  }
0x3a: {  	_ = 	snop  }
0x3b: {  	_ = 	snop  }
0x3c: {  	p2 =	seq.s32 s10, $0x1;
	s10 =	sld [smem:$0x3FB2]  }
0x3d: {  	_ =	shalt  }
0x3e: {  	_ =	shalt  }
0x3f: {  	_ =	shalt  }
0x40: {  	_ =	shalt  }
0x41: {  	_ =	shalt  }
0x42: {  	_ =	shalt  }
0x43: {  	_ =	shalt  }
0x44: {  	_ =	shalt  }
0x45: {  	_ =	shalt  }
0x46: {  	_ =	shalt  }
0x47: {  	_ =	shalt  }
0x48: {  	_ =	shalt  }
0x49: {  	_ =	shalt  }
0x4a: {  	_ =	shalt  }
0x4b: {  	_ =	shalt  }
0x4c: {  	_ =	shalt  }
0x4d: {  	_ =	shalt  }
0x4e: {  	_ =	shalt  }
0x4f: {  	_ =	shalt  }
0x50: {  	_ =	shalt  }
0x51: {  	_ =	shalt  }
0x52: {  	_ =	shalt  }
0x53: {  	_ =	shalt  }
0x54: {  	_ =	shalt  }
0x55: {  	_ =	shalt  }
0x56: {  	_ =	shalt  }
0x57: {  	_ =	shalt  }
0x58: {  	_ =	shalt  }
0x59: {  	_ =	shalt  }
0x5a: {  	_ =	shalt  }
0x5b: {  	_ =	shalt  }
0x5c: {  	_ =	shalt  }
0x5d: {  	_ =	shalt  }
0x5e: {  	_ =	shalt  }
0x5f: {  	_ =	shalt  }
0x60: {  	_ =	shalt  }
0x61: {  	_ =	shalt  }
0x62: {  	_ =	shalt  }
0x63: {  	_ =	shalt  }
0x64: {  	_ =	shalt  }
0x65: {  	_ =	shalt  }
0x66: {  	_ =	shalt  }
0x67: {  	_ =	shalt  }
0x68: {  	_ =	shalt  }
0x69: {  	_ =	shalt  }
0x6a: {  	_ =	shalt  }
0x6b: {  	_ =	shalt  }
0x6c: {  	_ =	shalt  }
0x6d: {  	_ =	shalt  }
0x6e: {  	_ =	shalt  }
0x6f: {  	_ =	shalt  }
0x70: {  	_ =	shalt  }
0x71: {  	_ =	shalt  }
0x72: {  	_ =	shalt  }
0x73: {  	_ =	shalt  }
0x74: {  	_ =	shalt  }
0x75: {  	_ =	shalt  }
0x76: {  	_ =	shalt  }
0x77: {  	_ =	shalt  }
0x78: {  	_ =	shalt  }
0x79: {  	_ =	shalt  }
0x7a: {  	_ =	shalt  }
0x7b: {  	_ =	shalt  }
0x7c: {  	_ =	shalt  }
0x7d: {  	_ =	shalt  }
0x7e: {  	_ =	shalt  }
0x7f: {  	_ =	shalt  }
0x80: {  	_ =	shalt  }
0x81: {  	_ =	shalt  }
0x82: {  	_ =	shalt  }
0x83: {  	_ =	shalt  }
0x84: {  	_ =	shalt  }
0x85: {  	_ =	shalt  }
0x86: {  	_ =	shalt  }
0x87: {  	_ =	shalt  }
.Lfunc_end0:
.L_simem_size_0:
called_computation.1_lowered:
.L_overlay_start_0:
0x88: {  	s2 =	sld [smem:$0x3FD9]  }
0x89: {  	s3 =	sld [smem:$0x3FFE];
	_ =	sdelay $0x1  }
0x8a: {  	s1 =	srdreg.scid  }
0x8b: {  	s0 =	sand.u32 $0x1, s1  }
0x8c: {  	s16 =	sshll.u32 s0, $0xA;
	s2 =	sadd.s32 s3, s2  }
0x8d: {  	s2 =	sadd.s32 s2, s16  }
0x8e: {  	[smem:$0x3FBE] =	sst s2  }
0x8f: {  	_ = 	snop  }
0x90: {  	(tm) =	ssettm $0x1  }
0x91: {  	s17 =	sld [smem:$0x3FFB];
	_ =	sdelay $0x3  }
0x92: {  	_ =	strace s17  }
0x93: {  	s2 =	sld [smem:$0x3FFC];
	_ =	sdelay $0x3  }
0x94: {  	_ =	strace s2  }
0x95: {  	s2 =	sld [smem:$0x3FFD];
	_ =	sdelay $0x3  }
0x96: {  	_ =	strace s2  }
0x97: {  	_ =	strace $0x8FFFFFFF  }
0x98: {  	s18 =	sld [smem:$0x3FDB];
	_ =	sdelay $0x1  }
0x99: {  	s19 =	simm.s32 $_scs_section_size  }
0x9a: {  	s4 =	simm.s32 $_size__tile_overlayer_lowered;
	s5 =	simm.s32 $_tile_overlayer_lowered  }
0x9b: {  	s22 =	simm.s32 $0x1BFF;
	s21 =	sshll.u32 s5, $0x1;
	s2 =	sadd.s32 s19, s18  }
0x9c: {  	s6 =	simm.s32 $0x0;
	s20 =	sshll.u32 s4, $0x1;
	s4 =	sadd.s32 s21, s2  }
0x9d: {  	[timem:s6], [sflag:s22] =	dma.local [hbm:s4], s20  }
0x9e: {  	_ =	swait.ge [sflag:s22], s20  }
0x9f: {  	s3 =	ssub.s32 $0x0, s20;
	[sflag:s22] =	ssyncset.done $0x0  }
0xa0: {  	[sflag:s22] =	ssyncadd.s32 s3;
	_ =	sdelay $0x1  }
0xa1: {  	s23 =	simm.s32 $0x1B8B  }
0xa2: {  	_ =	swait.ge [sflag:s23], $0x1  }
0xa3: {  	[sflag:s23] =	ssyncset.done $0x0  }
0xa4: {  	s25 =	simm.s32 $0x1B8E;
	s24 =	sld [smem:$0x3FFE];
	[sflag:s23] =	ssyncadd.s32 $0xFFFFFFFF  }
0xa5: {  	s26 =	simm.s32 $execute0_lowered;
	[smem:$0x3FD2] =	sst s25  }
0xa6: {  	s4 =	sshll.u32 s26, $0x1;
	_ =	strace $0x80000049;
	[dreg:$0x1] =	wrdreg $0xFFFFFFFF  }
0xa7: {  	s28 =	simm.s32 $_size_execute0_lowered;
	s2 =	sadd.s32 s2, s4;
	[dreg:$0x0] =	wrdreg $0x0  }
0xa8: {  	s4 =	sshll.u32 s28, $0x1;
	[dreg:$0x2] =	wrdreg s2  }
0xa9: {  	[dreg:$0x3] =	wrdreg s4  }
0xaa: {  	[dreg:$0x4] =	wrdreg $0xC0  }
0xab: {  	_ =	task [dreg:s6], $0x5FFFF  }
0xac: {  	[dreg:$0x1] =	wrdreg $0xFFFFFFFF  }
0xad: {  	[dreg:$0x0] =	wrdreg $0x60  }
0xae: {  	[dreg:$0x2] =	wrdreg s24  }
0xaf: {  	[dreg:$0x3] =	wrdreg $0xC3000  }
0xb0: {  	[dreg:$0x4] =	wrdreg $0x9  }
0xb1: {  	_ =	task.clear_ibuf [dreg:s6], $0x5FFFF;
	_ =	strace $0x90000049  }
0xb2: {  	s29 =	simm.s32 $0x9;
	_ =	strace $0x8000004B  }
0xb3: {  	_ =	swait.ge [sflag:s29], $0x1  }
0xb4: {  	[sflag:s29] =	ssyncadd.s32 $0xFFFFFFFF  }
0xb5: {  	_ =	strace $0x9000004B  }
0xb6: {  	_ =	sfence  }
0xb7: {  	s30 =	sld [smem:$0x0];
	_ =	sdelay $0x2  }
0xb8: {  	s31 =	sshll.u32 s1, $0xD;
	s1 =	sshrl.u32 s1, $0x2  }
0xb9: {  	s3 =	sand.u32 $0x4000, s31;
	s1 =	sadd.s32 s1, s30  }
0xba: {  	s0 =	sor.u32 s3, s0;
	s1 =	sshll.u32 s1, $0x11  }
0xbb: {  	s0 =	sor.u32 s1, s0  }
0xbc: {  	s0 =	sadd.s32 $0x8F2B, s0  }
0xbd: {  	[sflag:s0] =	ssyncadd.remote.s32 $0x1  }
0xbe: {  	_ =	sfence.sel $0xFFFF  }
0xbf: {  	[dreg:$0x0] =	wrdreg $0xFFFFFFFF;
	(pc) =	sbr.abs _section_cstart, $3  }
0xc0: {  	[dreg:$0x1] =	wrdreg $0xFFFFFFFF  }
0xc1: {  	_ =	task.clear_ibuf [dreg:s6], $0x2FFFF;
	_ =	strace $0x9FFFFFFF  }
0xc2: {  	(tm) =	ssettm $0x7FFFFFFF  }
0xc3: {  	_ =	shalt  }
tec
execute0_lowered:
.L_overlay_start_1:
0x0: {  	(tag) =	ssettag $0x1  }
0x1: {  	s0 =	rddreg [dreg:$0x0]  }
0x2: {  	s1 =	srdreg.scid;
	s2 =	rddreg [dreg:$0x1]  }
0x3: {  	s10 =	stileid.u32;
	s3 =	simm.s32 $0x0;
	s29 =	simm.s32 $0x1  }
0x4: {  	s30 =	simm.s32 $0x40;
	s31 =	simm.s32 $0x80;
	s6 =	smul.u32 $0x13C00, s10  }
0x5: {  	s28 =	simm.s32 $0x5;
	s1 =	sand.u32 $0x1, s1;
	s8 =	smul.u32 $0x4F000, s10  }
0x6: {  	[smem:$0x7FF] =	sst s3;
	s4 =	sadd.s32 $0xC000, s0;
	s10 =	sshll.u32 s10, $0x1  }
0x7: {  	s5 =	smul.u32 $0x13C000, s1;
	_ =	strace $0x8000004A;
	s8 =	sshrl.u32 s8, $0x2  }
0x8: {  	s11 =	ssub.s32 $0x2, s1;
	s1 =	sor.u32 s1, s10;
	s19 =	sadd.s32 s8, s2  }
0x9: {  	s10 =	simm.s32 $0x3;
	s8 =	sadd.s32 $0x2000, s19;
	[dreg:$0x3] =	wrdreg s19  }
0xa: {  	s9 =	sshrl.u32 s11, $0x1;
	s12 =	sadd.s32 $0x4000, s19;
	[dreg:$0x4] =	wrdreg s8  }
0xb: {  	s1 =	smul.u32 $0x2780, s1;
	s13 =	sadd.s32 $0x6000, s19;
	[dreg:$0x5] =	wrdreg s12  }
0xc: {  	s6 =	sadd.s32 s6, s5;
	s14 =	sadd.s32 $0x8000, s19;
	[dreg:$0x6] =	wrdreg s13  }
0xd: {  	s5 =	sadd.s32 $0x2200, s0;
	s15 =	sadd.s32 $0xA000, s19;
	[dreg:$0x7] =	wrdreg s14  }
0xe: {  	s7 =	sshrl.u32 s6, $0x3;
	s16 =	sadd.s32 $0xC000, s19;
	[dreg:$0x8] =	wrdreg s15  }
0xf: {  	s6 =	sadd.s32 $0x15E00, s0;
	s17 =	sadd.s32 $0xE000, s19;
	[dreg:$0x9] =	wrdreg s16  }
0x10: {  	s18 =	sshrl.u32 s1, $0x3;
	s20 =	sadd.s32 $0x10000, s19;
	[dreg:$0xa] =	wrdreg s17  }
0x11: {  	s21 =	sadd.s32 $0x12000, s19;
	s0 =	sadd.s32 s7, s0;
	[dreg:$0xb] =	wrdreg s20  }
0x12: {  	s7 =	ssub.s32 s11, s9;
	[dreg:$0xc] =	wrdreg s21;
	s22 =	sor.u32 $0x8, s18  }
0x13: {  	s23 =	sadd.s32 s4, s18;
	s8 =	sadd.s32 s5, s18;
	s21 =	sadd.s32 $0x80, s1  }
0x14: {  	s9 =	simm.s32 $0x6300;
	s11 =	simm.s32 $0x4;
	s12 =	simm.s32 $0x200  }
0x15: {  	s13 =	simm.s32 $0x6;
	s14 =	simm.s32 $0x280;
	[dreg:$0xd] =	wrdreg s23  }
0x16: {  	s15 =	simm.s32 $0xA300;
	[dreg:$0xe] =	wrdreg s8;
	s24 =	sadd.s32 s4, s22  }
.Ltmp0:
0x17: {  	s25 =	sadd.s32 s5, s22;
	[dreg:$0xf] =	wrdreg s24;
	(pc) =	sbr.rel .LBB2_1-.Ltmp0, $4  }
0x18: {  	s18 =	simm.s32 $0x0;
	s0 =	sadd.s32 $0x3D600, s0;
	[dreg:$0x10] =	wrdreg s25  }
0x19: {  	s22 =	sadd.s32 $0xC0, s1;
	s26 =	smax.u32 s7, $0x1;
	[dreg:$0x11] =	wrdreg s0  }
0x1a: {  	v0 =	vimm.f32 $0.0e+00;
	v1 =	vimm.s32 $0x7;
	s1 =	simm.s32 $0x2;
	s8 =	simm.s32 $0x4300;
	[dreg:$0x12] =	wrdreg s26  }
0x1b: {  	v2 =	vimm.s32 $0x8;
	vm0 =	vcmask $0x3F20;
	vm1 =	vmmov $0x7f;
	s25 =	simm.s32 $0x8300;
	s26 =	simm.s32 $0x9;
	s0 =	simm.s32 $0x180  }
.LBB2_10:
0x1c: {  	s7 =	simm.s32 $0x7  }
0x1d: {  	_ =	swait.ge [sflag:s7], $0x2000  }
0x1e: {  	[sflag:s7] =	ssyncset.done $0x0  }
0x1f: {  	s20 =	simm.s32 $0x8;
	[sflag:s7] =	ssyncadd.s32 $0xFFFFE000  }
0x20: {  	_ =	swait.ge [sflag:s20], $0x2000  }
0x21: {  	[sflag:s20] =	ssyncset.done $0x0  }
0x22: {  	[sflag:s20] =	ssyncadd.s32 $0xFFFFE000  }
0x23: {  	s23 =	stileid.u32;
	[bflag:$0x0] =	sbarrier.arrive $0xFFFF  }
0x24: {  	s7 =	sshll.u32 s23, $0x6;
	s19 =	rddreg [dreg:$0x3]  }
0x25: {  	s7 =	sor.u32 $0x1C09, s7;
	s17 =	rddreg [dreg:$0x11];
	s16 =	sshrl.u32 s19, $0x3  }
0x26: {  	[hbm:s17], [sflag:s7] =	dma.local [spmem:s16], $0x2780  }
0x27: {  	_ =	swait.ge [sflag:s26], $0x2780  }
0x28: {  	s18 =	sadd.s32 $0x1, s18;
	s24 =	rddreg [dreg:$0x12]  }
0x29: {  	p0 =	sne.s32 s18, s24  }
.Ltmp1:
0x2a: {  	_ = 	snop;
	(pc) =	sbr.rel @!p0 .LBB2_11-.Ltmp1, $3  }
0x2b: {  	_ =	sdelay $0x1  }
0x2c: {  	[sflag:s26] =	ssyncset.done $0x0  }
0x2d: {  	[sflag:s26] =	ssyncadd.s32 $0xFFFFD880  }
.LBB2_1:
0x2e: {  	s16 =	simm.s32 $0x8380  }
0x2f: {  	[tilespmem:s16+$0x0] =	vst v0  }
0x30: {  	s7 =	simm.s32 $0xA380;
	[tilespmem:s16+$0xFFFFFF80] =	vst v0  }
0x31: {  	[tilespmem:s7+$0x0] =	vst v0  }
0x32: {  	[tilespmem:s7+$0xFFFFFF80] =	vst v0  }
0x33: {  	[tilespmem:s16+$0x10] =	vst v0  }
0x34: {  	[tilespmem:s16+$0xFFFFFF90] =	vst v0  }
0x35: {  	[tilespmem:s7+$0x10] =	vst v0  }
0x36: {  	[tilespmem:s7+$0xFFFFFF90] =	vst v0  }
0x37: {  	[tilespmem:s16+$0x20] =	vst v0  }
0x38: {  	[tilespmem:s16+$0xFFFFFFA0] =	vst v0  }
0x39: {  	[tilespmem:s7+$0x20] =	vst v0  }
0x3a: {  	[tilespmem:s7+$0xFFFFFFA0] =	vst v0  }
0x3b: {  	[tilespmem:s16+$0x30] =	vst v0  }
0x3c: {  	[tilespmem:s16+$0xFFFFFFB0] =	vst v0  }
0x3d: {  	[tilespmem:s7+$0x30] =	vst v0  }
0x3e: {  	[tilespmem:s7+$0xFFFFFFB0] =	vst v0  }
0x3f: {  	[tilespmem:s16+$0x40] =	vst v0  }
0x40: {  	[tilespmem:s16+$0xFFFFFFC0] =	vst v0  }
0x41: {  	[tilespmem:s7+$0x40] =	vst v0  }
0x42: {  	[tilespmem:s7+$0xFFFFFFC0] =	vst v0  }
0x43: {  	[tilespmem:s16+$0x50] =	vst v0  }
0x44: {  	[tilespmem:s16+$0xFFFFFFD0] =	vst v0  }
0x45: {  	[tilespmem:s7+$0x50] =	vst v0  }
0x46: {  	[tilespmem:s7+$0xFFFFFFD0] =	vst v0  }
0x47: {  	[tilespmem:s16+$0x60] =	vst v0  }
0x48: {  	[tilespmem:s16+$0xFFFFFFE0] =	vst v0  }
0x49: {  	[tilespmem:s7+$0x60] =	vst v0  }
0x4a: {  	[tilespmem:s7+$0xFFFFFFE0] =	vst v0  }
0x4b: {  	[tilespmem:s16+$0x70] =	vst v0  }
0x4c: {  	[tilespmem:s16+$0xFFFFFFF0] =	vst v0  }
0x4d: {  	[tilespmem:s7+$0x70] =	vst v0  }
0x4e: {  	s17 =	simm.s32 $0x8480;
	s16 =	simm.s32 $0x0;
	[tilespmem:s7+$0xFFFFFFF0] =	vst v0  }
.LBB2_2:
0x4f: {  	[tilespmem:s17+$0x0] =	vst v0;
	s7 =	sadd.s32 $0x100, s7  }
0x50: {  	[tilespmem:s7+$0x0] =	vst v0  }
0x51: {  	[tilespmem:s17+$0x10] =	vst v0  }
0x52: {  	[tilespmem:s7+$0x10] =	vst v0  }
0x53: {  	[tilespmem:s17+$0x20] =	vst v0  }
0x54: {  	[tilespmem:s7+$0x20] =	vst v0  }
0x55: {  	[tilespmem:s17+$0x30] =	vst v0  }
0x56: {  	[tilespmem:s7+$0x30] =	vst v0  }
0x57: {  	[tilespmem:s17+$0x40] =	vst v0  }
0x58: {  	[tilespmem:s7+$0x40] =	vst v0  }
0x59: {  	[tilespmem:s17+$0x50] =	vst v0  }
0x5a: {  	[tilespmem:s7+$0x50] =	vst v0  }
0x5b: {  	[tilespmem:s17+$0x60] =	vst v0  }
0x5c: {  	[tilespmem:s7+$0x60] =	vst v0  }
0x5d: {  	[tilespmem:s17+$0x70] =	vst v0  }
0x5e: {  	[tilespmem:s7+$0x70] =	vst v0  }
0x5f: {  	[tilespmem:s17+$0xFFFFFF80] =	vst v0  }
0x60: {  	[tilespmem:s7+$0xFFFFFF80] =	vst v0  }
0x61: {  	[tilespmem:s17+$0xFFFFFF90] =	vst v0  }
0x62: {  	[tilespmem:s7+$0xFFFFFF90] =	vst v0  }
0x63: {  	[tilespmem:s17+$0xFFFFFFA0] =	vst v0  }
0x64: {  	[tilespmem:s7+$0xFFFFFFA0] =	vst v0  }
0x65: {  	[tilespmem:s17+$0xFFFFFFB0] =	vst v0  }
0x66: {  	[tilespmem:s7+$0xFFFFFFB0] =	vst v0  }
0x67: {  	[tilespmem:s17+$0xFFFFFFC0] =	vst v0  }
0x68: {  	s16 =	sadd.s32 $0x2, s16;
	[tilespmem:s7+$0xFFFFFFC0] =	vst v0  }
0x69: {  	p0 =	slt.u32 s16, $0x3E;
	[tilespmem:s17+$0xFFFFFFD0] =	vst v0  }
.Ltmp2:
0x6a: {  	[tilespmem:s7+$0xFFFFFFD0] =	vst v0;
	(pc) =	sbr.rel @p0 .LBB2_2-.Ltmp2, $4  }
0x6b: {  	[tilespmem:s17+$0xFFFFFFE0] =	vst v0  }
0x6c: {  	[tilespmem:s7+$0xFFFFFFE0] =	vst v0  }
0x6d: {  	[tilespmem:s17+$0xFFFFFFF0] =	vst v0  }
0x6e: {  	s17 =	sadd.s32 $0x100, s17;
	[tilespmem:s7+$0xFFFFFFF0] =	vst v0  }
0x6f: {  	[spmem:s19] =	stream.linear.scatter [tilespmem:s25], [sflag:$0x9], $0x2000, $0x38;
	[tilespmem:$0x1FF00] =	vst v63  }
0x70: {  	_ =	swait.ge [sflag:s26], $0x2000  }
0x71: {  	[sflag:s26] =	ssyncset.done $0x0  }
0x72: {  	s7 =	rddreg [dreg:$0x4];
	[sflag:s26] =	ssyncadd.s32 $0xFFFFE000  }
0x73: {  	[spmem:s7] =	stream.linear.scatter [tilespmem:s25], [sflag:$0x9], $0x2000, $0x38;
	[tilespmem:$0x1FF00] =	vst v63  }
0x74: {  	_ =	swait.ge [sflag:s26], $0x2000  }
0x75: {  	[sflag:s26] =	ssyncset.done $0x0  }
0x76: {  	s19 =	rddreg [dreg:$0x5];
	[sflag:s26] =	ssyncadd.s32 $0xFFFFE000  }
0x77: {  	[spmem:s19] =	stream.linear.scatter [tilespmem:s25], [sflag:$0x9], $0x2000, $0x38;
	[tilespmem:$0x1FF00] =	vst v63  }
0x78: {  	_ =	swait.ge [sflag:s26], $0x2000  }
0x79: {  	[sflag:s26] =	ssyncset.done $0x0  }
0x7a: {  	s20 =	rddreg [dreg:$0x6];
	[sflag:s26] =	ssyncadd.s32 $0xFFFFE000  }
0x7b: {  	[spmem:s20] =	stream.linear.scatter [tilespmem:s25], [sflag:$0x9], $0x2000, $0x38;
	[tilespmem:$0x1FF00] =	vst v63  }
0x7c: {  	_ =	swait.ge [sflag:s26], $0x2000  }
0x7d: {  	[sflag:s26] =	ssyncset.done $0x0  }
0x7e: {  	s23 =	rddreg [dreg:$0x7];
	[sflag:s26] =	ssyncadd.s32 $0xFFFFE000  }
0x7f: {  	[spmem:s23] =	stream.linear.scatter [tilespmem:s25], [sflag:$0x9], $0x2000, $0x38;
	[tilespmem:$0x1FF00] =	vst v63  }
0x80: {  	_ =	swait.ge [sflag:s26], $0x2000  }
0x81: {  	[sflag:s26] =	ssyncset.done $0x0  }
0x82: {  	s24 =	rddreg [dreg:$0x8];
	[sflag:s26] =	ssyncadd.s32 $0xFFFFE000  }
0x83: {  	[spmem:s24] =	stream.linear.scatter [tilespmem:s25], [sflag:$0x9], $0x2000, $0x38;
	[tilespmem:$0x1FF00] =	vst v63  }
0x84: {  	_ =	swait.ge [sflag:s26], $0x2000  }
0x85: {  	[sflag:s26] =	ssyncset.done $0x0  }
0x86: {  	s16 =	rddreg [dreg:$0x9];
	[sflag:s26] =	ssyncadd.s32 $0xFFFFE000  }
0x87: {  	[spmem:s16] =	stream.linear.scatter [tilespmem:s25], [sflag:$0x9], $0x2000, $0x38;
	[tilespmem:$0x1FF00] =	vst v63  }
0x88: {  	_ =	swait.ge [sflag:s26], $0x2000  }
0x89: {  	[sflag:s26] =	ssyncset.done $0x0  }
0x8a: {  	s17 =	rddreg [dreg:$0xa];
	[sflag:s26] =	ssyncadd.s32 $0xFFFFE000  }
0x8b: {  	[spmem:s17] =	stream.linear.scatter [tilespmem:s25], [sflag:$0x9], $0x2000, $0x38;
	[tilespmem:$0x1FF00] =	vst v63  }
0x8c: {  	_ =	swait.ge [sflag:s26], $0x2000  }
0x8d: {  	[sflag:s26] =	ssyncset.done $0x0  }
0x8e: {  	s19 =	rddreg [dreg:$0xb];
	[sflag:s26] =	ssyncadd.s32 $0xFFFFE000  }
0x8f: {  	[spmem:s19] =	stream.linear.scatter [tilespmem:s25], [sflag:$0x9], $0x2000, $0x38;
	[tilespmem:$0x1FF00] =	vst v63  }
0x90: {  	_ =	swait.ge [sflag:s26], $0x2000  }
0x91: {  	[sflag:s26] =	ssyncset.done $0x0  }
0x92: {  	s20 =	rddreg [dreg:$0xc];
	[sflag:s26] =	ssyncadd.s32 $0xFFFFE000  }
0x93: {  	[spmem:s20] =	stream.linear.scatter [tilespmem:s25], [sflag:$0x9], $0x1C00, $0x38;
	[tilespmem:$0x1FF00] =	vst v63  }
0x94: {  	_ =	swait.ge [sflag:s26], $0x1C00  }
0x95: {  	[sflag:s26] =	ssyncset.done $0x0  }
0x96: {  	[sflag:s26] =	ssyncadd.s32 $0xFFFFE400  }
0x97: {  	[bflag:$0x0] =	sbarrier.arrive $0xFFFF  }
0x98: {  	s19 =	simm.s32 $0x0;
	s23 =	rddreg [dreg:$0xd]  }
0x99: {  	[tilespmem:s19], [sflag:$0x1] =	stream.linear.gather [hbm4b:s23+s19], $0x40, $0x38;
	[tilespmem:$0x1FF00] =	vst v63  }
0x9a: {  	s16 =	simm.s32 $0x100;
	s24 =	rddreg [dreg:$0xe]  }
0x9b: {  	[tilespmem:s16], [sflag:$0x1] =	stream.linear.gather [hbm4b:s24+s19], $0x40, $0x38;
	[tilespmem:$0x1FF00] =	vst v63  }
0x9c: {  	_ =	swait.ge [sflag:s29], $0x40  }
0x9d: {  	[sflag:s29] =	ssyncset.done $0x0  }
0x9e: {  	[sflag:s29] =	ssyncadd.s32 $0xFFFFFFC0  }
0x9f: {  	_ =	swait.ge [sflag:s29], $0x40  }
0xa0: {  	[sflag:s29] =	ssyncset.done $0x0  }
0xa1: {  	s17 =	simm.s32 $0x300;
	[sflag:s29] =	ssyncadd.s32 $0xFFFFFFC0  }
0xa2: {  	[tilespmem:s17], [sflag:$0x3] =	stream.indirect.gather [hbm4b:s6+s30], $0x80, s19, s30, $0xb8;
	[tilespmem:$0x1FF00] =	vst v63  }
0xa3: {  	s20 =	simm.s32 $0x2300  }
0xa4: {  	[tilespmem:s20], [sflag:$0x4] =	stream.indirect.gather [hbm4b:s6+s30], $0x80, s16, s30, $0xb8;
	[tilespmem:$0x1FF00] =	vst v63  }
0xa5: {  	s23 =	rddreg [dreg:$0xf]  }
0xa6: {  	[tilespmem:s31], [sflag:$0x2] =	stream.linear.gather [hbm4b:s23+s19], $0x40, $0x38;
	[tilespmem:$0x1FF00] =	vst v63  }
0xa7: {  	s24 =	rddreg [dreg:$0x10]  }
0xa8: {  	[tilespmem:s0], [sflag:$0x2] =	stream.linear.gather [hbm4b:s24+s19], $0x40, $0x38;
	[tilespmem:$0x1FF00] =	vst v63  }
.LBB2_4:
0xa9: {  	_ =	swait.ge [sflag:s1], $0x40  }
0xaa: {  	[sflag:s1] =	ssyncset.done $0x0  }
0xab: {  	[sflag:s1] =	ssyncadd.s32 $0xFFFFFFC0  }
0xac: {  	_ =	swait.ge [sflag:s1], $0x40  }
0xad: {  	[sflag:s1] =	ssyncset.done $0x0  }
0xae: {  	[sflag:s1] =	ssyncadd.s32 $0xFFFFFFC0  }
0xaf: {  	[tilespmem:s8], [sflag:$0x5] =	stream.indirect.gather [hbm4b:s6+s30], $0x80, s31, s30, $0xb8;
	[tilespmem:$0x1FF00] =	vst v63  }
0xb0: {  	_ = 	snop  }
0xb1: {  	[tilespmem:s9], [sflag:$0x6] =	stream.indirect.gather [hbm4b:s6+s30], $0x80, s0, s30, $0xb8;
	[tilespmem:$0x1FF00] =	vst v63  }
0xb2: {  	_ =	swait.ge [sflag:s10], $0x2000  }
0xb3: {  	[sflag:s10] =	ssyncset.done $0x0  }
0xb4: {  	[sflag:s10] =	ssyncadd.s32 $0xFFFFE000  }
0xb5: {  	_ =	swait.ge [sflag:s11], $0x2000  }
0xb6: {  	p0 =	seq.s32 s19, $0x0;
	[sflag:s11] =	ssyncset.done $0x0  }
0xb7: {  	s7 =	simm.s32 @!p0 $0x7;
	[sflag:s11] =	ssyncadd.s32 $0xFFFFE000  }
0xb8: {  	_ =	swait.ge @!p0 [sflag:s7], $0x2000  }
0xb9: {  	[sflag:s7] =	ssyncset.done @!p0 $0x0  }
0xba: {  	s23 =	simm.s32 $0x500;
	[sflag:s7] =	ssyncadd.s32 @!p0 $0xFFFFE000  }
0xbb: {  	s16 =	simm.s32 $0x2500;
	v6 =	vld [tilespmem:s23+$0x180]  }
0xbc: {  	v3 =	vld [tilespmem:s16+$0x180]  }
0xbd: {  	v4 =	vld [tilespmem:s16+$0xFFFFFE00]  }
0xbe: {  	v9 =	vld [tilespmem:s23+$0xFFFFFE80]  }
0xbf: {  	v5 =	vld [tilespmem:s16+$0xFFFFFE80]  }
0xc0: {  	v10 =	vld [tilespmem:s23+$0xFFFFFF00]  }
0xc1: {  	v7 =	vld [tilespmem:s16+$0xFFFFFF00]  }
0xc2: {  	v12 =	vld [tilespmem:s16+$0xFFFFFF80]  }
0xc3: {  	v18 =	vld [tilespmem:s16+$0x80]  }
0xc4: {  	v11 =	vld [tilespmem:s23+$0xFFFFFF80]  }
0xc5: {  	v21 =	vld [tilespmem:s16+$0x100];
	v8 =	vperm.xlane v6, v1;
	v3 =	vperm.xlane v3, v2  }
0xc6: {  	v14 =	vld [tilespmem:s16+$0x0];
	v13 =	vperm.xlane v9, v1;
	v5 =	vperm.xlane v5, v2  }
0xc7: {  	v16 =	vperm.xlane v4, v2;
	v17 =	vperm.xlane v10, v1;
	v8 =	vadd.f32 v3, v8;
	v3 =	vld [tilespmem:s23+$0x0]  }
0xc8: {  	v4 =	vld [tilespmem:s23+$0x80];
	v12 =	vperm.xlane v12, v2;
	v18 =	vperm.xlane v18, v2  }
0xc9: {  	v19 =	vld [tilespmem:s23+$0xFFFFFE00];
	v13 =	vadd.f32 v5, v13;
	v5 =	vperm.xlane v7, v2;
	v15 =	vmul.f32 $2.000000030e-01, v8  }
0xca: {  	v21 =	vperm.xlane v21, v2;
	v7 =	vperm.xlane v11, v1  }
0xcb: {  	v8 =	vmax.f32 v8, v15;
	v15 =	vadd.f32 v5, v17;
	v17 =	vmul.f32 $2.000000030e-01, v13  }
0xcc: {  	v7 =	vadd.f32 v12, v7;
	v12 =	vperm.xlane v14, v2;
	v5 =	vld [tilespmem:s23+$0x100];
	v20 =	vperm.xlane v3, v1  }
0xcd: {  	v14 =	vperm.xlane v4, v1;
	v8 =	vmul.f32 $1.442695020e+00, v8;
	v13 =	vmax.f32 v13, v17  }
0xce: {  	v17 =	vmul.f32 $2.000000030e-01, v7;
	v12 =	vadd.f32 v12, v20;
	v20 =	vperm.xlane v19, v1  }
0xcf: {  	v14 =	vadd.f32 v18, v14;
	(erf) = vpow2.f32 v8;
	v8 =	vmul.f32 $2.000000030e-01, v15  }
0xd0: {  	v13 =	vmul.f32 $1.442695020e+00, v13;
	v7 =	vmax.f32 v7, v17;
	v16 =	vadd.f32 v16, v20  }
0xd1: {  	v17 =	vmul.f32 $2.000000030e-01, v14;
	v8 =	vmax.f32 v15, v8;
	v15 =	vperm.xlane v5, v1  }
0xd2: {  	(erf) = vpow2.f32 v13;
	v13 =	vmul.f32 $2.000000030e-01, v16  }
0xd3: {  	s24 =	simm.s32 $0x900;
	v18 =	vmul.f32 $2.000000030e-01, v12;
	v8 =	vmul.f32 $1.442695020e+00, v8  }
0xd4: {  	v27 =	vld [tilespmem:s24+$0x180];
	s23 =	simm.s32 $0x2900;
	v7 =	vmul.f32 $1.442695020e+00, v7;
	v15 =	vadd.f32 v21, v15;
	v13 =	vmax.f32 v16, v13  }
0xd5: {  	v22 =	vld [tilespmem:s23+$0xFFFFFF80];
	v12 =	vmax.f32 v12, v18;
	(erf) = vpow2.f32 v8;
	v13 =	vmul.f32 $1.442695020e+00, v13  }
0xd6: {  	v31 =	vld [tilespmem:s23+$0x80];
	v8 =	vmul.f32 $1.442695020e+00, v12;
	v12 =	vmul.f32 $2.000000030e-01, v15  }
0xd7: {  	(erf) = vpow2.f32 v7;
	v7 =	vmax.f32 v14, v17;
	v14 =	vld [tilespmem:s23+$0x180]  }
0xd8: {  	v16 =	vld [tilespmem:s23+$0xFFFFFE80];
	(erf) = vpow2.f32 v8;
	v7 =	vmul.f32 $1.442695020e+00, v7;
	v8 =	vmax.f32 v15, v12  }
0xd9: {  	v12 =	vld [tilespmem:s23+$0xFFFFFE00];
	(erf) = vpow2.f32 v13;
	v15 =	vmul.f32 $1.442695020e+00, v8;
	v13 =	vpop (erf)  }
0xda: {  	v8 =	vld [tilespmem:s24+$0xFFFFFE80];
	(erf) = vpow2.f32 v7;
	v6 =	vmul.f32 v13, v6;
	v13 =	vsel vm0, $0x0, v13  }
0xdb: {  	v22 =	vperm.xlane v22, v2;
	v7 =	vld [tilespmem:s24+$0xFFFFFF00];
	(erf) = vpow2.f32 v15  }
0xdc: {  	v18 =	vld [tilespmem:s23+$0xFFFFFF00];
	v15 =	vperm.xlane v27, v1;
	v14 =	vperm.xlane v14, v2  }
0xdd: {  	v31 =	vperm.xlane v31, v2;
	v16 =	vperm.xlane v16, v2;
	v28 =	vsel vm1, v6, v13;
	v13 =	vpop (erf)  }
0xde: {  	v21 =	vperm.xlane v12, v2;
	v14 =	vadd.f32 v14, v15;
	v6 =	vld [tilespmem:s24+$0xFFFFFF80];
	v17 =	vsel vm0, $0x0, v13  }
0xdf: {  	v25 =	vld [tilespmem:s23+$0x0];
	v20 =	vperm.xlane v8, v1;
	v12 =	vmul.f32 v13, v9;
	v13 =	vpop (erf)  }
0xe0: {  	v24 =	vperm.xlane v7, v1;
	v26 =	vmul.f32 $2.000000030e-01, v14;
	v9 =	vld [tilespmem:s24+$0x0];
	v23 =	vpop (erf)  }
0xe1: {  	v30 =	vadd.f32 v16, v20;
	v20 =	vperm.xlane v18, v2;
	v29 =	vsel vm1, v12, v17;
	v17 =	vpop (erf)  }
0xe2: {  	v10 =	vmul.f32 v13, v10;
	v26 =	vmax.f32 v14, v26;
	v12 =	vld [tilespmem:s24+$0x80];
	v16 =	vmul.f32 v23, v11;
	v11 =	vpop (erf)  }
0xe3: {  	v15 =	vsel vm0, $0x0, v23;
	v23 =	vperm.xlane v6, v1;
	v18 =	vmul.f32 v11, v19  }
0xe4: {  	v14 =	vld [tilespmem:s24+$0x100];
	v19 =	vadd.f32 v20, v24;
	v24 =	vmul.f32 $1.442695020e+00, v26;
	v26 =	vmul.f32 $2.000000030e-01, v30  }
0xe5: {  	v33 =	vld [tilespmem:s23+$0x100];
	v32 =	vperm.xlane v9, v1;
	v22 =	vadd.f32 v22, v23;
	v23 =	vperm.xlane v25, v2  }
0xe6: {  	v20 =	vsel vm0, $0x0, v11;
	v11 =	vld [tilespmem:s24+$0xFFFFFE00];
	(erf) = vpow2.f32 v24;
	v24 =	vmax.f32 v30, v26  }
0xe7: {  	v25 =	vmul.f32 $2.000000030e-01, v19;
	v26 =	vperm.xlane v12, v1;
	v23 =	vadd.f32 v23, v32  }
0xe8: {  	v30 =	vmul.f32 $2.000000030e-01, v22;
	v24 =	vmul.f32 $1.442695020e+00, v24  }
0xe9: {  	v19 =	vmax.f32 v19, v25;
	v25 =	vperm.xlane v14, v1;
	v32 =	vmul.f32 $2.000000030e-01, v23  }
0xea: {  	v31 =	vadd.f32 v31, v26;
	v26 =	vperm.xlane v33, v2;
	v30 =	vmax.f32 v22, v30  }
0xeb: {  	v61 =	vperm.xlane v11, v1;
	v19 =	vmul.f32 $1.442695020e+00, v19;
	v23 =	vmax.f32 v23, v32  }
0xec: {  	v22 =	vpop (erf);
	v62 =	vmul.f32 $2.000000030e-01, v31;
	v34 =	vadd.f32 v26, v25;
	v26 =	vmul.f32 $1.442695020e+00, v30  }
0xed: {  	v33 =	vadd.f32 v21, v61;
	v25 =	vmul.f32 $1.442695020e+00, v23;
	v21 =	vpop (erf);
	(erf) = vpow2.f32 v24  }
0xee: {  	v23 =	vmax.f32 v31, v62;
	v30 =	vmul.f32 $2.000000030e-01, v34;
	(erf) = vpow2.f32 v19  }
0xef: {  	s16 =	simm.s32 $0x8500;
	v13 =	vsel vm0, $0x0, v13;
	v31 =	vmul.f32 $2.000000030e-01, v33;
	v24 =	vmul.f32 $1.442695020e+00, v23;
	v63 =	vpop (erf)  }
0xf0: {  	s20 =	sshll.u32 s19, $0x7;
	[tilespmem:s16+$0x180] =	vst v28;
	v23 =	vsel vm0, $0x0, v17;
	v34 =	vmax.f32 v34, v30;
	v28 =	vmul.f32 v63, v27  }
0xf1: {  	s17 =	simm.s32 $0x8;
	s7 =	simm.s32 $0xD00;
	[tilespmem:s16+$0xFFFFFE80] =	vst v29;
	s24 =	simm.s32 $0x8500;
	v30 =	vmax.f32 v33, v31;
	v27 =	vmul.f32 $1.442695020e+00, v34;
	v29 =	vsel vm0, $0x0, v63  }
.LBB2_5:
0xf2: {  	v19 =	vld [tilespmem:s7+$0x180];
	v30 =	vmul.f32 $1.442695020e+00, v30;
	v28 =	vsel vm1, v28, v29;
	s23 =	sadd.s32 $0x400, s23;
	(erf) = vpow2.f32 v26;
	s16 =	sadd.s32 $0x400, s16  }
0xf3: {  	s17 =	sadd.s32 $0x8, s17;
	v17 =	vmul.f32 v17, v3;
	v3 =	vmovc v9;
	v26 =	vld [tilespmem:s23+$0x180];
	[tilespmem:s16+$0x180] =	vst v28;
	(erf) = vpow2.f32 v25;
	v25 =	vsel vm0, $0x0, v22  }
0xf4: {  	p1 =	slt.u32 s17, $0x38;
	v22 =	vmul.f32 v22, v4;
	v28 =	vsel vm0, $0x0, v21;
	v4 =	vmovc v12;
	v9 =	vld [tilespmem:s23+$0xFFFFFE00];
	(erf) = vpow2.f32 v30  }
0xf5: {  	v12 =	vsel vm1, v18, v20;
	v18 =	vmul.f32 v21, v5;
	v5 =	vmovc v14;
	v29 =	vld [tilespmem:s7+$0xFFFFFE80];
	(erf) = vpow2.f32 v24  }
0xf6: {  	v10 =	vsel vm1, v10, v13;
	v14 =	vld [tilespmem:s23+$0xFFFFFE80];
	(erf) = vpow2.f32 v27;
	[tilespmem:s24+$0xFFFFFE00] =	vst v12;
	v12 =	vsel vm1, v16, v15  }
0xf7: {  	v15 =	vsel vm1, v22, v25;
	v16 =	vsel vm1, v18, v28;
	v24 =	vld [tilespmem:s7+$0xFFFFFF00];
	v13 =	vpop (erf);
	[tilespmem:s24+$0xFFFFFF00] =	vst v10;
	v10 =	vsel vm1, v17, v23  }
0xf8: {  	v17 =	vperm.xlane v19, v1;
	v18 =	vld [tilespmem:s23+$0xFFFFFF00];
	v20 =	vperm.xlane v26, v2;
	v21 =	vsel vm0, $0x0, v13;
	[tilespmem:s24+$0xFFFFFF80] =	vst v12  }
0xf9: {  	v8 =	vmul.f32 v13, v8;
	v23 =	vperm.xlane v9, v2;
	v25 =	vld [tilespmem:s7+$0xFFFFFF80];
	v12 =	vpop (erf);
	[tilespmem:s24+$0x0] =	vst v10  }
0xfa: {  	v22 =	vperm.xlane v29, v1;
	v26 =	vld [tilespmem:s23+$0xFFFFFF80];
	v20 =	vadd.f32 v20, v17;
	v10 =	vmul.f32 v12, v7;
	[tilespmem:s24+$0x80] =	vst v15  }
0xfb: {  	v8 =	vsel vm1, v8, v21;
	v13 =	vsel vm0, $0x0, v12;
	v7 =	vperm.xlane v14, v2;
	v9 =	vld [tilespmem:s7+$0x0];
	v14 =	vpop (erf);
	[tilespmem:s24+$0x100] =	vst v16;
	s24 =	smov.u32 s16  }
0xfc: {  	v34 =	vperm.xlane v24, v1;
	v27 =	vld [tilespmem:s23+$0x0];
	v28 =	vmul.f32 $2.000000030e-01, v20;
	[tilespmem:s16+$0xFFFFFE80] =	vst v8;
	v15 =	vsel vm0, $0x0, v14;
	v17 =	vpop (erf)  }
0xfd: {  	v16 =	vmul.f32 v14, v6;
	v30 =	vadd.f32 v7, v22;
	v38 =	vperm.xlane v18, v2;
	v12 =	vld [tilespmem:s7+$0x80];
	v6 =	vpop (erf)  }
0xfe: {  	v31 =	vperm.xlane v25, v1;
	v32 =	vld [tilespmem:s23+$0x80];
	v37 =	vmax.f32 v20, v28;
	v18 =	vmul.f32 v6, v11;
	v22 =	vpop (erf)  }
0xff: {  	v28 =	vadd.f32 v38, v34;
	v26 =	vperm.xlane v26, v2;
	v14 =	vld [tilespmem:s7+$0x100];
	v33 =	vmul.f32 $1.442695020e+00, v37;
	v21 =	vpop (erf)  }
0x100: {  	v8 =	vmovc v29;
	v20 =	vsel vm0, $0x0, v6;
	v34 =	vmul.f32 $2.000000030e-01, v30;
	v7 =	vmovc v24;
	v35 =	vperm.xlane v9, v1;
	v36 =	vld [tilespmem:s23+$0x100]  }
0x101: {  	v6 =	vmovc v25;
	v11 =	vld [tilespmem:s7+$0xFFFFFE00];
	v24 =	vadd.f32 v26, v31;
	v26 =	vperm.xlane v27, v2;
	(erf) = vpow2.f32 v33  }
0x102: {  	v25 =	vmax.f32 v30, v34;
	v27 =	vmul.f32 $2.000000030e-01, v28;
	v29 =	vperm.xlane v12, v1  }
0x103: {  	v30 =	vmul.f32 $2.000000030e-01, v24;
	v26 =	vadd.f32 v26, v35;
	v31 =	vperm.xlane v32, v2  }
0x104: {  	v32 =	vmul.f32 $1.442695020e+00, v25;
	v25 =	vmax.f32 v28, v27;
	v27 =	vperm.xlane v14, v1  }
0x105: {  	v28 =	vmul.f32 $2.000000030e-01, v26;
	v29 =	vadd.f32 v31, v29;
	v31 =	vperm.xlane v36, v2  }
0x106: {  	v34 =	vmul.f32 $1.442695020e+00, v25;
	v24 =	vmax.f32 v24, v30;
	v33 =	vperm.xlane v11, v1  }
0x107: {  	v25 =	vmax.f32 v26, v28;
	v28 =	vmul.f32 $2.000000030e-01, v29;
	v27 =	vadd.f32 v31, v27  }
.Ltmp3:
0x108: {  	v26 =	vmul.f32 $1.442695020e+00, v24;
	v30 =	vadd.f32 v23, v33;
	v25 =	vmul.f32 $1.442695020e+00, v25;
	(pc) =	sbr.rel @p1 .LBB2_5-.Ltmp3, $4  }
0x109: {  	v23 =	vmax.f32 v29, v28;
	v28 =	vmul.f32 $2.000000030e-01, v27;
	(erf) = vpow2.f32 v32  }
0x10a: {  	v29 =	vmul.f32 $2.000000030e-01, v30;
	v24 =	vmul.f32 $1.442695020e+00, v23;
	v31 =	vpop (erf);
	v23 =	vsel vm0, $0x0, v17  }
0x10b: {  	v27 =	vmax.f32 v27, v28;
	v28 =	vmul.f32 v31, v19;
	(erf) = vpow2.f32 v34  }
0x10c: {  	s7 =	sadd.s32 $0x400, s7;
	v30 =	vmax.f32 v30, v29;
	v27 =	vmul.f32 $1.442695020e+00, v27;
	v29 =	vsel vm0, $0x0, v31  }
0x10d: {  	v19 =	vmul.f32 $1.442695020e+00, v30;
	(erf) = vpow2.f32 v26  }
0x10e: {  	(erf) = vpow2.f32 v25  }
0x10f: {  	(erf) = vpow2.f32 v19;
	_ =	sdelay $0x1  }
0x110: {  	v19 =	vsel vm1, v28, v29;
	_ =	sdelay $0x1  }
0x111: {  	s7 =	sadd.s32 $0x400, s16;
	v3 =	vmul.f32 v17, v3;
	v10 =	vsel vm1, v10, v13;
	(erf) = vpow2.f32 v24  }
0x112: {  	v18 =	vsel vm1, v18, v20;
	v15 =	vsel vm1, v16, v15;
	[tilespmem:s7+$0x180] =	vst v19;
	(erf) = vpow2.f32 v27;
	v19 =	vpop (erf)  }
0x113: {  	[tilespmem:s24+$0xFFFFFE00] =	vst v18;
	v3 =	vsel vm1, v3, v23;
	v13 =	vpop (erf)  }
0x114: {  	v4 =	vmul.f32 v22, v4;
	[tilespmem:s24+$0xFFFFFF00] =	vst v10;
	v10 =	vpop (erf)  }
0x115: {  	v16 =	vsel vm0, $0x0, v22;
	v5 =	vmul.f32 v21, v5;
	[tilespmem:s24+$0xFFFFFF80] =	vst v15;
	v8 =	vmul.f32 v19, v8;
	v15 =	vpop (erf)  }
0x116: {  	v17 =	vsel vm0, $0x0, v21;
	v4 =	vsel vm1, v4, v16;
	[tilespmem:s24+$0x0] =	vst v3;
	v16 =	vsel vm0, $0x0, v19;
	v3 =	vpop (erf)  }
0x117: {  	v5 =	vsel vm1, v5, v17;
	[tilespmem:s24+$0x80] =	vst v4;
	v8 =	vsel vm1, v8, v16;
	v4 =	vmul.f32 v3, v11  }
0x118: {  	[tilespmem:s24+$0x100] =	vst v5;
	v7 =	vmul.f32 v13, v7;
	v5 =	vsel vm0, $0x0, v13;
	v3 =	vsel vm0, $0x0, v3  }
0x119: {  	[tilespmem:s7+$0xFFFFFE80] =	vst v8;
	v6 =	vmul.f32 v10, v6;
	v3 =	vsel vm1, v4, v3  }
0x11a: {  	v9 =	vmul.f32 v15, v9;
	v8 =	vpop (erf);
	v4 =	vsel vm0, $0x0, v10;
	[tilespmem:s7+$0xFFFFFE00] =	vst v3;
	v3 =	vsel vm1, v7, v5  }
0x11b: {  	v10 =	vmul.f32 v8, v12;
	v5 =	vpop (erf);
	v7 =	vsel vm0, $0x0, v15;
	v4 =	vsel vm1, v6, v4;
	[tilespmem:s7+$0xFFFFFF00] =	vst v3  }
0x11c: {  	v3 =	vsel vm0, $0x0, v8;
	v6 =	vmul.f32 v5, v14;
	v7 =	vsel vm1, v9, v7;
	[tilespmem:s7+$0xFFFFFF80] =	vst v4  }
0x11d: {  	v4 =	vsel vm0, $0x0, v5;
	v3 =	vsel vm1, v10, v3;
	[tilespmem:s7+$0x0] =	vst v7  }
0x11e: {  	v4 =	vsel vm1, v6, v4;
	[tilespmem:s7+$0x80] =	vst v3  }
0x11f: {  	[tilespmem:s7+$0x100] =	vst v4  }
0x120: {  	v3 =	vld [tilespmem:$0x100]  }
0x121: {  	v4 =	vld [tilespmem:$0x110]  }
0x122: {  	v5 =	vld [tilespmem:$0x120]  }
0x123: {  	v6 =	vld [tilespmem:$0x130];
	_ =	sdelay $0x1  }
0x124: {  	[tilespmem:$0x200] =	vst v3  }
0x125: {  	p1 =	seq.s32 s19, $0x4E;
	[tilespmem:$0x210] =	vst v4  }
0x126: {  	s7 =	sadd.s32 @!p1 s20, s21;
	[tilespmem:$0x220] =	vst v5  }
0x127: {  	s7 =	sshrl.u32 @!p1 s7, $0x3;
	[tilespmem:$0x230] =	vst v6  }
0x128: {  	[spmem:s2] =	stream.indirect.scatter.add.f32 [tilespmem:s25], [sflag:$0x7], $0x80, s12, s30, $0xb8;
	[tilespmem:$0x1FF00] =	vst v63  }
0x129: {  	s17 =	simm.s32 @!p1 $0x0;
	s16 =	sadd.s32 @!p1 s4, s7  }
0x12a: {  	[tilespmem:s17], [sflag:$0x1] =	stream.linear.gather @!p1 [hbm4b:s16+s17], $0x40, $0x38;
	[tilespmem:$0x1FF00] =	vst v63  }
0x12b: {  	s7 =	sadd.s32 @!p1 s5, s7;
	s16 =	simm.s32 @!p1 $0x100  }
0x12c: {  	[tilespmem:s16], [sflag:$0x1] =	stream.linear.gather @!p1 [hbm4b:s7+s17], $0x40, $0x38;
	[tilespmem:$0x1FF00] =	vst v63  }
0x12d: {  	s7 =	simm.s32 @!p1 $0x1  }
0x12e: {  	_ =	swait.ge @!p1 [sflag:s7], $0x40  }
0x12f: {  	[sflag:s7] =	ssyncset.done @!p1 $0x0  }
0x130: {  	[sflag:s7] =	ssyncadd.s32 @!p1 $0xFFFFFFC0  }
0x131: {  	_ =	swait.ge @!p1 [sflag:s7], $0x40  }
0x132: {  	[sflag:s7] =	ssyncset.done @!p1 $0x0  }
0x133: {  	s23 =	simm.s32 @!p1 $0x300;
	[sflag:s7] =	ssyncadd.s32 @!p1 $0xFFFFFFC0;
	s7 =	simm.s32 @!p1 $0x40  }
0x134: {  	[tilespmem:s23], [sflag:$0x3] =	stream.indirect.gather @!p1 [hbm4b:s6+s7], $0x80, s17, s7, $0xb8;
	[tilespmem:$0x1FF00] =	vst v63  }
0x135: {  	s17 =	simm.s32 @!p1 $0x2300  }
0x136: {  	[tilespmem:s17], [sflag:$0x4] =	stream.indirect.gather @!p1 [hbm4b:s6+s7], $0x80, s16, s7, $0xb8;
	[tilespmem:$0x1FF00] =	vst v63  }
0x137: {  	_ =	swait.ge [sflag:s28], $0x2000  }
0x138: {  	[sflag:s28] =	ssyncset.done $0x0  }
0x139: {  	[sflag:s28] =	ssyncadd.s32 $0xFFFFE000  }
0x13a: {  	_ =	swait.ge [sflag:s13], $0x2000  }
0x13b: {  	[sflag:s13] =	ssyncset.done $0x0  }
0x13c: {  	s7 =	simm.s32 @!p0 $0x8;
	[sflag:s13] =	ssyncadd.s32 $0xFFFFE000  }
0x13d: {  	_ =	swait.ge @!p0 [sflag:s7], $0x2000  }
0x13e: {  	[sflag:s7] =	ssyncset.done @!p0 $0x0  }
0x13f: {  	s17 =	simm.s32 $0x4500;
	[sflag:s7] =	ssyncadd.s32 @!p0 $0xFFFFE000  }
0x140: {  	s23 =	simm.s32 $0x6500;
	v6 =	vld [tilespmem:s17+$0x180]  }
0x141: {  	v3 =	vld [tilespmem:s23+$0x180]  }
0x142: {  	v4 =	vld [tilespmem:s23+$0xFFFFFE00]  }
0x143: {  	v9 =	vld [tilespmem:s17+$0xFFFFFE80]  }
0x144: {  	v5 =	vld [tilespmem:s23+$0xFFFFFE80]  }
0x145: {  	v10 =	vld [tilespmem:s17+$0xFFFFFF00]  }
0x146: {  	v7 =	vld [tilespmem:s23+$0xFFFFFF00]  }
0x147: {  	v11 =	vld [tilespmem:s17+$0xFFFFFF80]  }
0x148: {  	v12 =	vld [tilespmem:s23+$0xFFFFFF80]  }
0x149: {  	v18 =	vld [tilespmem:s23+$0x80];
	v8 =	vperm.xlane v6, v1;
	v3 =	vperm.xlane v3, v2  }
0x14a: {  	v21 =	vld [tilespmem:s23+$0x100]  }
0x14b: {  	v14 =	vld [tilespmem:s23+$0x0];
	v13 =	vperm.xlane v9, v1;
	v5 =	vperm.xlane v5, v2;
	v8 =	vadd.f32 v3, v8  }
0x14c: {  	v16 =	vperm.xlane v4, v2;
	v17 =	vperm.xlane v10, v1;
	v3 =	vld [tilespmem:s17+$0x0]  }
0x14d: {  	v4 =	vld [tilespmem:s17+$0x80];
	v12 =	vperm.xlane v12, v2;
	v15 =	vmul.f32 $2.000000030e-01, v8  }
0x14e: {  	v19 =	vld [tilespmem:s17+$0xFFFFFE00];
	v18 =	vperm.xlane v18, v2;
	v13 =	vadd.f32 v5, v13;
	v5 =	vperm.xlane v7, v2  }
0x14f: {  	v21 =	vperm.xlane v21, v2;
	v7 =	vperm.xlane v11, v1;
	v8 =	vmax.f32 v8, v15  }
0x150: {  	v15 =	vadd.f32 v5, v17;
	v5 =	vld [tilespmem:s17+$0x100];
	v17 =	vmul.f32 $2.000000030e-01, v13;
	v8 =	vmul.f32 $1.442695020e+00, v8  }
0x151: {  	v7 =	vadd.f32 v12, v7;
	v12 =	vperm.xlane v14, v2;
	v20 =	vperm.xlane v3, v1  }
0x152: {  	v14 =	vperm.xlane v4, v1;
	v13 =	vmax.f32 v13, v17;
	(erf) = vpow2.f32 v8  }
0x153: {  	v8 =	vmul.f32 $2.000000030e-01, v15;
	v12 =	vadd.f32 v12, v20;
	v20 =	vperm.xlane v19, v1  }
0x154: {  	v17 =	vmul.f32 $2.000000030e-01, v7;
	v13 =	vmul.f32 $1.442695020e+00, v13  }
0x155: {  	v8 =	vmax.f32 v15, v8;
	v15 =	vperm.xlane v5, v1;
	v16 =	vadd.f32 v16, v20  }
0x156: {  	v14 =	vadd.f32 v18, v14;
	v18 =	vmul.f32 $2.000000030e-01, v12;
	(erf) = vpow2.f32 v13  }
0x157: {  	v7 =	vmax.f32 v7, v17;
	v8 =	vmul.f32 $1.442695020e+00, v8;
	v13 =	vmul.f32 $2.000000030e-01, v16  }
0x158: {  	s24 =	simm.s32 $0x4900;
	v17 =	vmul.f32 $2.000000030e-01, v14;
	v7 =	vmul.f32 $1.442695020e+00, v7;
	v15 =	vadd.f32 v21, v15  }
0x159: {  	v27 =	vld [tilespmem:s24+$0x180];
	s23 =	simm.s32 $0x6900;
	v12 =	vmax.f32 v12, v18;
	(erf) = vpow2.f32 v8;
	v13 =	vmax.f32 v16, v13  }
0x15a: {  	v22 =	vld [tilespmem:s23+$0xFFFFFF80];
	v8 =	vmul.f32 $1.442695020e+00, v12;
	v13 =	vmul.f32 $1.442695020e+00, v13  }
0x15b: {  	v12 =	vmul.f32 $2.000000030e-01, v15;
	(erf) = vpow2.f32 v7;
	v7 =	vmax.f32 v14, v17;
	v14 =	vld [tilespmem:s23+$0x180]  }
0x15c: {  	v31 =	vld [tilespmem:s23+$0x80]  }
0x15d: {  	v16 =	vld [tilespmem:s23+$0xFFFFFE80];
	(erf) = vpow2.f32 v8;
	v7 =	vmul.f32 $1.442695020e+00, v7;
	v8 =	vmax.f32 v15, v12  }
0x15e: {  	(erf) = vpow2.f32 v13;
	v15 =	vmul.f32 $1.442695020e+00, v8;
	v8 =	vld [tilespmem:s24+$0xFFFFFE80];
	v13 =	vpop (erf)  }
0x15f: {  	v22 =	vperm.xlane v22, v2;
	v12 =	vld [tilespmem:s23+$0xFFFFFE00];
	v6 =	vmul.f32 v13, v6;
	v13 =	vsel vm0, $0x0, v13  }
0x160: {  	(erf) = vpow2.f32 v7;
	v7 =	vld [tilespmem:s24+$0xFFFFFF00];
	v14 =	vperm.xlane v14, v2  }
0x161: {  	v18 =	vld [tilespmem:s23+$0xFFFFFF00];
	(erf) = vpow2.f32 v15;
	v15 =	vperm.xlane v27, v1  }
0x162: {  	v31 =	vperm.xlane v31, v2;
	v16 =	vperm.xlane v16, v2;
	v28 =	vsel vm1, v6, v13;
	v6 =	vld [tilespmem:s24+$0xFFFFFF80];
	v13 =	vpop (erf)  }
0x163: {  	v20 =	vperm.xlane v8, v1;
	v14 =	vadd.f32 v14, v15;
	v17 =	vsel vm0, $0x0, v13  }
0x164: {  	v21 =	vperm.xlane v12, v2;
	v12 =	vmul.f32 v13, v9;
	v13 =	vpop (erf);
	v9 =	vld [tilespmem:s24+$0x0]  }
0x165: {  	v25 =	vld [tilespmem:s23+$0x0];
	v24 =	vperm.xlane v7, v1;
	v26 =	vmul.f32 $2.000000030e-01, v14;
	v30 =	vadd.f32 v16, v20;
	v23 =	vpop (erf)  }
0x166: {  	v20 =	vperm.xlane v18, v2;
	v29 =	vsel vm1, v12, v17;
	v15 =	vsel vm0, $0x0, v23;
	v17 =	vpop (erf)  }
0x167: {  	v12 =	vld [tilespmem:s24+$0x80];
	v16 =	vmul.f32 v23, v11;
	v26 =	vmax.f32 v14, v26;
	v23 =	vperm.xlane v6, v1;
	v11 =	vpop (erf)  }
0x168: {  	v33 =	vld [tilespmem:s23+$0x100];
	v18 =	vmul.f32 v11, v19;
	v19 =	vadd.f32 v20, v24;
	v24 =	vmul.f32 $1.442695020e+00, v26  }
0x169: {  	v14 =	vld [tilespmem:s24+$0x100];
	v26 =	vmul.f32 $2.000000030e-01, v30;
	v32 =	vperm.xlane v9, v1  }
0x16a: {  	v20 =	vsel vm0, $0x0, v11;
	v11 =	vld [tilespmem:s24+$0xFFFFFE00];
	v22 =	vadd.f32 v22, v23;
	v23 =	vperm.xlane v25, v2  }
0x16b: {  	v10 =	vmul.f32 v13, v10;
	(erf) = vpow2.f32 v24;
	v24 =	vmax.f32 v30, v26  }
0x16c: {  	v25 =	vmul.f32 $2.000000030e-01, v19;
	v26 =	vperm.xlane v12, v1;
	v23 =	vadd.f32 v23, v32  }
0x16d: {  	v30 =	vmul.f32 $2.000000030e-01, v22;
	v24 =	vmul.f32 $1.442695020e+00, v24  }
0x16e: {  	v19 =	vmax.f32 v19, v25;
	v25 =	vperm.xlane v14, v1;
	v32 =	vmul.f32 $2.000000030e-01, v23  }
0x16f: {  	v31 =	vadd.f32 v31, v26;
	v26 =	vperm.xlane v33, v2;
	v61 =	vperm.xlane v11, v1  }
0x170: {  	v30 =	vmax.f32 v22, v30;
	v22 =	vpop (erf);
	v19 =	vmul.f32 $1.442695020e+00, v19;
	(erf) = vpow2.f32 v24  }
0x171: {  	v23 =	vmax.f32 v23, v32;
	v62 =	vmul.f32 $2.000000030e-01, v31;
	v34 =	vadd.f32 v26, v25  }
0x172: {  	v26 =	vmul.f32 $1.442695020e+00, v30;
	v33 =	vadd.f32 v21, v61;
	v25 =	vmul.f32 $1.442695020e+00, v23  }
0x173: {  	v21 =	vpop (erf);
	(erf) = vpow2.f32 v19;
	v23 =	vmax.f32 v31, v62;
	v30 =	vmul.f32 $2.000000030e-01, v34  }
0x174: {  	s16 =	simm.s32 $0xA500;
	v13 =	vsel vm0, $0x0, v13;
	v31 =	vmul.f32 $2.000000030e-01, v33;
	v24 =	vmul.f32 $1.442695020e+00, v23;
	v63 =	vpop (erf)  }
0x175: {  	[tilespmem:s16+$0x180] =	vst v28;
	v23 =	vsel vm0, $0x0, v17;
	v34 =	vmax.f32 v34, v30;
	v28 =	vmul.f32 v63, v27  }
0x176: {  	s7 =	simm.s32 $0x4D00;
	s17 =	simm.s32 $0x8;
	[tilespmem:s16+$0xFFFFFE80] =	vst v29;
	s24 =	simm.s32 $0xA500;
	v30 =	vmax.f32 v33, v31;
	v27 =	vmul.f32 $1.442695020e+00, v34;
	v29 =	vsel vm0, $0x0, v63  }
.LBB2_7:
0x177: {  	v19 =	vld [tilespmem:s7+$0x180];
	v30 =	vmul.f32 $1.442695020e+00, v30;
	v28 =	vsel vm1, v28, v29;
	s23 =	sadd.s32 $0x400, s23;
	(erf) = vpow2.f32 v26;
	s16 =	sadd.s32 $0x400, s16  }
0x178: {  	s17 =	sadd.s32 $0x8, s17;
	v17 =	vmul.f32 v17, v3;
	v3 =	vmovc v9;
	v26 =	vld [tilespmem:s23+$0x180];
	[tilespmem:s16+$0x180] =	vst v28;
	(erf) = vpow2.f32 v25;
	v25 =	vsel vm0, $0x0, v22  }
0x179: {  	p0 =	slt.u32 s17, $0x38;
	v22 =	vmul.f32 v22, v4;
	v28 =	vsel vm0, $0x0, v21;
	v4 =	vmovc v12;
	v9 =	vld [tilespmem:s23+$0xFFFFFE00];
	(erf) = vpow2.f32 v30  }
0x17a: {  	v12 =	vsel vm1, v18, v20;
	v18 =	vmul.f32 v21, v5;
	v5 =	vmovc v14;
	v29 =	vld [tilespmem:s7+$0xFFFFFE80];
	(erf) = vpow2.f32 v24  }
0x17b: {  	v10 =	vsel vm1, v10, v13;
	v14 =	vld [tilespmem:s23+$0xFFFFFE80];
	(erf) = vpow2.f32 v27;
	[tilespmem:s24+$0xFFFFFE00] =	vst v12;
	v12 =	vsel vm1, v16, v15  }
0x17c: {  	v15 =	vsel vm1, v22, v25;
	v16 =	vsel vm1, v18, v28;
	v24 =	vld [tilespmem:s7+$0xFFFFFF00];
	v13 =	vpop (erf);
	[tilespmem:s24+$0xFFFFFF00] =	vst v10;
	v10 =	vsel vm1, v17, v23  }
0x17d: {  	v17 =	vperm.xlane v19, v1;
	v18 =	vld [tilespmem:s23+$0xFFFFFF00];
	v20 =	vperm.xlane v26, v2;
	v21 =	vsel vm0, $0x0, v13;
	[tilespmem:s24+$0xFFFFFF80] =	vst v12  }
0x17e: {  	v8 =	vmul.f32 v13, v8;
	v23 =	vperm.xlane v9, v2;
	v25 =	vld [tilespmem:s7+$0xFFFFFF80];
	v12 =	vpop (erf);
	[tilespmem:s24+$0x0] =	vst v10  }
0x17f: {  	v22 =	vperm.xlane v29, v1;
	v26 =	vld [tilespmem:s23+$0xFFFFFF80];
	v20 =	vadd.f32 v20, v17;
	v10 =	vmul.f32 v12, v7;
	[tilespmem:s24+$0x80] =	vst v15  }
0x180: {  	v8 =	vsel vm1, v8, v21;
	v13 =	vsel vm0, $0x0, v12;
	v7 =	vperm.xlane v14, v2;
	v9 =	vld [tilespmem:s7+$0x0];
	v14 =	vpop (erf);
	[tilespmem:s24+$0x100] =	vst v16;
	s24 =	smov.u32 s16  }
0x181: {  	v34 =	vperm.xlane v24, v1;
	v27 =	vld [tilespmem:s23+$0x0];
	v28 =	vmul.f32 $2.000000030e-01, v20;
	[tilespmem:s16+$0xFFFFFE80] =	vst v8;
	v15 =	vsel vm0, $0x0, v14;
	v17 =	vpop (erf)  }
0x182: {  	v16 =	vmul.f32 v14, v6;
	v30 =	vadd.f32 v7, v22;
	v38 =	vperm.xlane v18, v2;
	v12 =	vld [tilespmem:s7+$0x80];
	v6 =	vpop (erf)  }
0x183: {  	v31 =	vperm.xlane v25, v1;
	v32 =	vld [tilespmem:s23+$0x80];
	v37 =	vmax.f32 v20, v28;
	v18 =	vmul.f32 v6, v11;
	v22 =	vpop (erf)  }
0x184: {  	v28 =	vadd.f32 v38, v34;
	v26 =	vperm.xlane v26, v2;
	v14 =	vld [tilespmem:s7+$0x100];
	v33 =	vmul.f32 $1.442695020e+00, v37;
	v21 =	vpop (erf)  }
0x185: {  	v8 =	vmovc v29;
	v20 =	vsel vm0, $0x0, v6;
	v34 =	vmul.f32 $2.000000030e-01, v30;
	v7 =	vmovc v24;
	v35 =	vperm.xlane v9, v1;
	v36 =	vld [tilespmem:s23+$0x100]  }
0x186: {  	v6 =	vmovc v25;
	v11 =	vld [tilespmem:s7+$0xFFFFFE00];
	v24 =	vadd.f32 v26, v31;
	v26 =	vperm.xlane v27, v2;
	(erf) = vpow2.f32 v33  }
0x187: {  	v25 =	vmax.f32 v30, v34;
	v27 =	vmul.f32 $2.000000030e-01, v28;
	v29 =	vperm.xlane v12, v1  }
0x188: {  	v30 =	vmul.f32 $2.000000030e-01, v24;
	v26 =	vadd.f32 v26, v35;
	v31 =	vperm.xlane v32, v2  }
0x189: {  	v32 =	vmul.f32 $1.442695020e+00, v25;
	v25 =	vmax.f32 v28, v27;
	v27 =	vperm.xlane v14, v1  }
0x18a: {  	v28 =	vmul.f32 $2.000000030e-01, v26;
	v29 =	vadd.f32 v31, v29;
	v31 =	vperm.xlane v36, v2  }
0x18b: {  	v34 =	vmul.f32 $1.442695020e+00, v25;
	v24 =	vmax.f32 v24, v30;
	v33 =	vperm.xlane v11, v1  }
0x18c: {  	v25 =	vmax.f32 v26, v28;
	v28 =	vmul.f32 $2.000000030e-01, v29;
	v27 =	vadd.f32 v31, v27  }
.Ltmp4:
0x18d: {  	v26 =	vmul.f32 $1.442695020e+00, v24;
	v30 =	vadd.f32 v23, v33;
	v25 =	vmul.f32 $1.442695020e+00, v25;
	(pc) =	sbr.rel @p0 .LBB2_7-.Ltmp4, $4  }
0x18e: {  	v23 =	vmax.f32 v29, v28;
	v28 =	vmul.f32 $2.000000030e-01, v27;
	(erf) = vpow2.f32 v32  }
0x18f: {  	v29 =	vmul.f32 $2.000000030e-01, v30;
	v24 =	vmul.f32 $1.442695020e+00, v23;
	v31 =	vpop (erf);
	v23 =	vsel vm0, $0x0, v17  }
0x190: {  	v27 =	vmax.f32 v27, v28;
	v28 =	vmul.f32 v31, v19;
	(erf) = vpow2.f32 v34  }
0x191: {  	s7 =	sadd.s32 $0x400, s7;
	v30 =	vmax.f32 v30, v29;
	v27 =	vmul.f32 $1.442695020e+00, v27;
	v29 =	vsel vm0, $0x0, v31  }
0x192: {  	v19 =	vmul.f32 $1.442695020e+00, v30;
	(erf) = vpow2.f32 v26  }
0x193: {  	(erf) = vpow2.f32 v25  }
0x194: {  	(erf) = vpow2.f32 v19;
	_ =	sdelay $0x1  }
0x195: {  	(erf) = vpow2.f32 v24  }
0x196: {  	v45 =	vsel vm1, v28, v29;
	s7 =	sadd.s32 $0x400, s16;
	(erf) = vpow2.f32 v27  }
0x197: {  	v18 =	vsel vm1, v18, v20;
	v3 =	vmul.f32 v17, v3;
	[tilespmem:s7+$0x180] =	vst v45  }
0x198: {  	v10 =	vsel vm1, v10, v13;
	[tilespmem:s24+$0xFFFFFE00] =	vst v18;
	v46 =	vpop (erf)  }
0x199: {  	v4 =	vmul.f32 v22, v4;
	v15 =	vsel vm1, v16, v15;
	[tilespmem:s24+$0xFFFFFF00] =	vst v10;
	v3 =	vsel vm1, v3, v23;
	v47 =	vpop (erf)  }
0x19a: {  	v49 =	vsel vm0, $0x0, v22;
	v5 =	vmul.f32 v21, v5;
	[tilespmem:s24+$0xFFFFFF80] =	vst v15;
	v48 =	vpop (erf)  }
0x19b: {  	v51 =	vsel vm0, $0x0, v21;
	v4 =	vsel vm1, v4, v49;
	[tilespmem:s24+$0x0] =	vst v3;
	v8 =	vmul.f32 v46, v8;
	v50 =	vpop (erf)  }
0x19c: {  	v5 =	vsel vm1, v5, v51;
	[tilespmem:s24+$0x80] =	vst v4;
	v52 =	vsel vm0, $0x0, v46;
	v6 =	vmul.f32 v48, v6;
	v3 =	vpop (erf)  }
0x19d: {  	[tilespmem:s24+$0x100] =	vst v5;
	v8 =	vsel vm1, v8, v52;
	v55 =	vsel vm0, $0x0, v48;
	v53 =	vmul.f32 v3, v11  }
0x19e: {  	v7 =	vmul.f32 v47, v7;
	[tilespmem:s7+$0xFFFFFE80] =	vst v8;
	v3 =	vsel vm0, $0x0, v3;
	v56 =	vpop (erf);
	v4 =	vsel vm1, v6, v55  }
0x19f: {  	v54 =	vsel vm0, $0x0, v47;
	v9 =	vmul.f32 v50, v9;
	v57 =	vpop (erf);
	[tilespmem:s7+$0xFFFFFF80] =	vst v4;
	v3 =	vsel vm1, v53, v3  }
0x1a0: {  	v58 =	vsel vm0, $0x0, v50;
	v60 =	vmul.f32 v57, v14;
	[tilespmem:s7+$0xFFFFFE00] =	vst v3;
	v3 =	vsel vm1, v7, v54  }
0x1a1: {  	v59 =	vmul.f32 v56, v12;
	v61 =	vsel vm0, $0x0, v57;
	v7 =	vsel vm1, v9, v58;
	[tilespmem:s7+$0xFFFFFF00] =	vst v3  }
0x1a2: {  	v3 =	vsel vm0, $0x0, v56;
	[tilespmem:s7+$0x0] =	vst v7;
	v4 =	vsel vm1, v60, v61  }
0x1a3: {  	v3 =	vsel vm1, v59, v3;
	[tilespmem:s7+$0x100] =	vst v4  }
0x1a4: {  	[tilespmem:s7+$0x80] =	vst v3  }
0x1a5: {  	v3 =	vld [tilespmem:$0x180]  }
0x1a6: {  	v4 =	vld [tilespmem:$0x190]  }
0x1a7: {  	v62 =	vld [tilespmem:$0x1A0]  }
0x1a8: {  	v63 =	vld [tilespmem:$0x1B0];
	_ =	sdelay $0x1  }
.Ltmp5:
0x1a9: {  	[tilespmem:$0x280] =	vst v3;
	(pc) =	sbr.rel @p1 .LBB2_10-.Ltmp5, $4  }
0x1aa: {  	[tilespmem:$0x290] =	vst v4  }
0x1ab: {  	[tilespmem:$0x2A0] =	vst v62  }
0x1ac: {  	[tilespmem:$0x2B0] =	vst v63  }
0x1ad: {  	[spmem:s2] =	stream.indirect.scatter.add.f32 [tilespmem:s15], [sflag:$0x8], $0x80, s14, s30, $0xb8;
	[tilespmem:$0x1FF00] =	vst v63  }
0x1ae: {  	s7 =	sadd.s32 s20, s22  }
.Ltmp6:
0x1af: {  	s7 =	sshrl.u32 s7, $0x3;
	(pc) =	sbr.rel .LBB2_4-.Ltmp6, $4  }
0x1b0: {  	s16 =	sadd.s32 s4, s7  }
0x1b1: {  	[tilespmem:s31], [sflag:$0x2] =	stream.linear.gather [hbm4b:s16+s3], $0x40, $0x38;
	[tilespmem:$0x1FF00] =	vst v63  }
0x1b2: {  	s19 =	sadd.s32 $0x1, s19;
	s7 =	sadd.s32 s5, s7  }
0x1b3: {  	[tilespmem:s0], [sflag:$0x2] =	stream.linear.gather [hbm4b:s7+s3], $0x40, $0x38;
	[tilespmem:$0x1FF00] =	vst v63  }
.LBB2_11:
0x1b4: {  	_ =	sfence.sel $0x180000  }
0x1b5: {  	[bflag:$0x0] =	sbarrier.arrive $0xFFFF  }
0x1b6: {  	_ =	strace $0x9000004A  }
0x1b7: {  	s0 =	stileid.u32;
	[bflag:$0x2] =	sbarrier.arrive $0xFFFF  }
0x1b8: {  	p0 =	sne.s32 s0, $0x0;
	s0 =	rddreg [dreg:$0x2]  }
0x1b9: {  	s0 =	sadd.s32 @!p0 $0x100000, s0  }
0x1ba: {  	[sflag:s0] =	ssyncadd.tile.s32 @!p0 $0x1;
	_ =	shalt  }
.Lfunc_end2:
_tile_overlayer_lowered:
.L_overlay_start_2:
0x1bb: {  	(tag) =	ssettag $0x2  }
0x1bc: {  	s0 =	rddreg [dreg:$0x0];
	s2 =	stileid.u32  }
0x1bd: {  	s1 =	rddreg [dreg:$0x1];
	p0 =	sne.s32 s2, $0x0  }
0x1be: {  	s3 =	rddreg [dreg:$0x2];
	[bflag:$0x3] =	sbarrier.arrive $0xFFFF;
	s2 =	simm.s32 @!p0 $0x1C09  }
0x1bf: {  	[timem:s3], [sflag:s2] =	dma.local @!p0 [hbm:s0], s1  }
0x1c0: {  	s0 =	simm.s32 @!p0 $0x9  }
0x1c1: {  	_ =	swait.ge @!p0 [sflag:s0], s1  }
0x1c2: {  	s1 =	ssub.s32 @!p0 $0x0, s1;
	[sflag:s0] =	ssyncset.done @!p0 $0x0  }
0x1c3: {  	[sflag:s0] =	ssyncadd.s32 @!p0 s1  }
0x1c4: {  	[bflag:$0x3] =	sbarrier.arrive $0xFFFF  }
0x1c5: {  	_ =	shalt  }

// kernel: kernel.7.cloned.1.call-start
scs
__scs_entry_jumppad:
0x0: {  	(pc) =	sbr.rel $0x88, $3  }
0x1: {  	(tag) =	ssettag $0x0;
	lr =	simm.s32 $0x1  }
0x2: {  	[smem:$0x3F97] =	sst lr;
	_ =	strace $0xD0000000  }
0x3: {  	_ = 	snop  }
0x4: {  	_ = 	snop  }
0x5: {  	_ = 	snop  }
0x6: {  	_ = 	snop  }
0x7: {  	_ = 	snop  }
__scs_overlays_trampoline_lowered:
0x8: {  	[smem:$0x3FA6] =	sst s0  }
0x9: {  	[smem:$0x3FA7] =	sst s1  }
0xa: {  	[smem:$0x3FA8] =	sst s2  }
0xb: {  	[smem:$0x3FA9] =	sst s3  }
0xc: {  	[smem:$0x3FAA] =	sst s4  }
0xd: {  	[smem:$0x3FAB] =	sst s5  }
0xe: {  	[smem:$0x3FAC] =	sst s6  }
0xf: {  	[smem:$0x3FAD] =	sst s7  }
0x10: {  	[smem:$0x3FAE] =	sst s8  }
0x11: {  	[smem:$0x3FAF] =	sst s9;
	s0 =	simm.s32 @!p0 $0x0  }
0x12: {  	s1 =	sld [smem:$0x3F95];
	s0 =	simm.s32 @p0 $0x1  }
0x13: {  	[smem:$0x3FB0] =	sst s0;
	s0 =	simm.s32 @!p1 $0x0  }
0x14: {  	s2 =	sld [smem:$0x3F94];
	s0 =	simm.s32 @p1 $0x1  }
0x15: {  	[smem:$0x3FB1] =	sst s0;
	s0 =	simm.s32 @!p2 $0x0  }
0x16: {  	s3 =	sld [smem:$0x3FDB];
	s0 =	simm.s32 @p2 $0x1  }
0x17: {  	s4 =	simm.s32 $0x1BF5;
	[smem:$0x3FB3] =	sst s0  }
0x18: {  	s0 =	sld [smem:$0x3F96];
	_ =	swait.ge [sflag:s4], $0x0  }
0x19: {  	s7 =	sld [smem:$0x3F97]  }
0x1a: {  	s8 =	sadd.s32 $0xFFFFE003, lr  }
0x1b: {  	s9 =	sadd.s32 $0xFFFFFEF7, lr;
	s5 =	simm.s32 $0xFFFFFFFF;
	p2 =	slt.u32 s8, $0xFFFFF086  }
0x1c: {  	p1 =	slt.u32 s9, $0xF7A;
	s5 =	simm.s32 @!p2 $0x0  }
0x1d: {  	s5 =	simm.s32 @p1 $0x1;
	p0 =	seq.s32 s7, s2  }
0x1e: {  	s7 =	smul.u32 @!p0 $0xF7A, s2;
	p2 =	seq.s32 @!p0 s5, $0x0  }
0x1f: {  	s9 =	smul.u32 $0xF7A, s1;
	s8 =	simm.s32 @!p0 $0x1BF5;
	p2 =	por !p2, p0  }
0x20: {  	[sflag:s8] =	ssyncset.s32 @!p0 $0xFFFFF086;
	s6 =	sadd.s32 @!p0 s3, s7;
	s7 =	simm.s32 @!p0 $0x108  }
0x21: {  	s3 =	sadd.s32 s3, s9;
	s6 =	sadd.s32 @!p0 $0x88, s6;
	s7 =	simm.s32 @p2 $0x1082  }
0x22: {  	[simem:s7], [sflag:s8] =	dma.local @!p0 [hbm:s6], $0xF7A  }
0x23: {  	s9 =	sor.u32 $0xD0000000, s2;
	s6 =	simm.s32 $0x108;
	_ =	swait.ge @!p0 [sflag:s8], $0x0  }
0x24: {  	s3 =	sadd.s32 $0x88, s3;
	s6 =	simm.s32 @!p1 $0x1082;
	[sflag:s4] =	ssyncset.s32 $0xFFFFF086  }
0x25: {  	[simem:s6], [sflag:s4] =	dma.local [hbm:s3], $0xF7A  }
0x26: {  	[smem:$0x3F97] =	sst s1;
	(tag) =	ssettag s2;
	_ =	strace s9  }
0x27: {  	s1 =	sld [smem:$0x3FA7]  }
0x28: {  	s2 =	sld [smem:$0x3FA8]  }
0x29: {  	s4 =	sld [smem:$0x3FAA]  }
0x2a: {  	p0 =	seq.s32 s5, $0x0;
	s5 =	sld [smem:$0x3FAB]  }
0x2b: {  	s6 =	sld [smem:$0x3FAC]  }
0x2c: {  	s7 =	sld [smem:$0x3FAD]  }
0x2d: {  	s3 =	simm.s32 $0x108;
	s8 =	sld [smem:$0x3FAE]  }
0x2e: {  	s3 =	simm.s32 @!p0 $0x1082;
	s9 =	sld [smem:$0x3FAF]  }
0x2f: {  	lr =	sadd.s32 s0, s3;
	s0 =	sld [smem:$0x3FA6]  }
0x30: {  	s3 =	sld [smem:$0x3FA9]  }
0x31: {  	[smem:$0x3FB2] =	sst s10  }
0x32: {  	s10 =	sld [smem:$0x3FB0];
	_ =	sdelay $0x3  }
0x33: {  	p0 =	seq.s32 s10, $0x1;
	s10 =	sld [smem:$0x3FB2];
	_ =	sdelay $0x3  }
0x34: {  	[smem:$0x3FB2] =	sst s10  }
0x35: {  	s10 =	sld [smem:$0x3FB1];
	_ =	sdelay $0x3  }
0x36: {  	p1 =	seq.s32 s10, $0x1;
	s10 =	sld [smem:$0x3FB2];
	_ =	sdelay $0x3  }
0x37: {  	[smem:$0x3FB2] =	sst s10  }
0x38: {  	s10 =	sld [smem:$0x3FB3]  }
0x39: {  	_ = 	snop;
	(pc) =	sbr.ind lr, $3  }
0x3a: {  	_ = 	snop  }
0x3b: {  	_ = 	snop  }
0x3c: {  	p2 =	seq.s32 s10, $0x1;
	s10 =	sld [smem:$0x3FB2]  }
0x3d: {  	_ =	shalt  }
0x3e: {  	_ =	shalt  }
0x3f: {  	_ =	shalt  }
0x40: {  	_ =	shalt  }
0x41: {  	_ =	shalt  }
0x42: {  	_ =	shalt  }
0x43: {  	_ =	shalt  }
0x44: {  	_ =	shalt  }
0x45: {  	_ =	shalt  }
0x46: {  	_ =	shalt  }
0x47: {  	_ =	shalt  }
0x48: {  	_ =	shalt  }
0x49: {  	_ =	shalt  }
0x4a: {  	_ =	shalt  }
0x4b: {  	_ =	shalt  }
0x4c: {  	_ =	shalt  }
0x4d: {  	_ =	shalt  }
0x4e: {  	_ =	shalt  }
0x4f: {  	_ =	shalt  }
0x50: {  	_ =	shalt  }
0x51: {  	_ =	shalt  }
0x52: {  	_ =	shalt  }
0x53: {  	_ =	shalt  }
0x54: {  	_ =	shalt  }
0x55: {  	_ =	shalt  }
0x56: {  	_ =	shalt  }
0x57: {  	_ =	shalt  }
0x58: {  	_ =	shalt  }
0x59: {  	_ =	shalt  }
0x5a: {  	_ =	shalt  }
0x5b: {  	_ =	shalt  }
0x5c: {  	_ =	shalt  }
0x5d: {  	_ =	shalt  }
0x5e: {  	_ =	shalt  }
0x5f: {  	_ =	shalt  }
0x60: {  	_ =	shalt  }
0x61: {  	_ =	shalt  }
0x62: {  	_ =	shalt  }
0x63: {  	_ =	shalt  }
0x64: {  	_ =	shalt  }
0x65: {  	_ =	shalt  }
0x66: {  	_ =	shalt  }
0x67: {  	_ =	shalt  }
0x68: {  	_ =	shalt  }
0x69: {  	_ =	shalt  }
0x6a: {  	_ =	shalt  }
0x6b: {  	_ =	shalt  }
0x6c: {  	_ =	shalt  }
0x6d: {  	_ =	shalt  }
0x6e: {  	_ =	shalt  }
0x6f: {  	_ =	shalt  }
0x70: {  	_ =	shalt  }
0x71: {  	_ =	shalt  }
0x72: {  	_ =	shalt  }
0x73: {  	_ =	shalt  }
0x74: {  	_ =	shalt  }
0x75: {  	_ =	shalt  }
0x76: {  	_ =	shalt  }
0x77: {  	_ =	shalt  }
0x78: {  	_ =	shalt  }
0x79: {  	_ =	shalt  }
0x7a: {  	_ =	shalt  }
0x7b: {  	_ =	shalt  }
0x7c: {  	_ =	shalt  }
0x7d: {  	_ =	shalt  }
0x7e: {  	_ =	shalt  }
0x7f: {  	_ =	shalt  }
0x80: {  	_ =	shalt  }
0x81: {  	_ =	shalt  }
0x82: {  	_ =	shalt  }
0x83: {  	_ =	shalt  }
0x84: {  	_ =	shalt  }
0x85: {  	_ =	shalt  }
0x86: {  	_ =	shalt  }
0x87: {  	_ =	shalt  }
.Lfunc_end0:
.L_simem_size_0:
called_computation_lowered:
.L_overlay_start_0:
0x88: {  	s2 =	sld [smem:$0x3FD9]  }
0x89: {  	s3 =	sld [smem:$0x3FFE];
	_ =	sdelay $0x1  }
0x8a: {  	s1 =	srdreg.scid  }
0x8b: {  	s0 =	sand.u32 $0x1, s1  }
0x8c: {  	s16 =	sshll.u32 s0, $0xA;
	s2 =	sadd.s32 s3, s2  }
0x8d: {  	s2 =	sadd.s32 s2, s16  }
0x8e: {  	[smem:$0x3FBE] =	sst s2  }
0x8f: {  	_ = 	snop  }
0x90: {  	(tm) =	ssettm $0x1  }
0x91: {  	s17 =	sld [smem:$0x3FFB];
	_ =	sdelay $0x3  }
0x92: {  	_ =	strace s17  }
0x93: {  	s2 =	sld [smem:$0x3FFC];
	_ =	sdelay $0x3  }
0x94: {  	_ =	strace s2  }
0x95: {  	s2 =	sld [smem:$0x3FFD];
	_ =	sdelay $0x3  }
0x96: {  	_ =	strace s2  }
0x97: {  	_ =	strace $0x8FFFFFFF  }
0x98: {  	s18 =	sld [smem:$0x3FDB];
	_ =	sdelay $0x1  }
0x99: {  	s19 =	simm.s32 $_scs_section_size  }
0x9a: {  	s4 =	simm.s32 $_size__tile_overlayer_lowered;
	s5 =	simm.s32 $_tile_overlayer_lowered  }
0x9b: {  	s22 =	simm.s32 $0x1BFF;
	s21 =	sshll.u32 s5, $0x1;
	s2 =	sadd.s32 s19, s18  }
0x9c: {  	s6 =	simm.s32 $0x0;
	s20 =	sshll.u32 s4, $0x1;
	s4 =	sadd.s32 s21, s2  }
0x9d: {  	[timem:s6], [sflag:s22] =	dma.local [hbm:s4], s20  }
0x9e: {  	_ =	swait.ge [sflag:s22], s20  }
0x9f: {  	s3 =	ssub.s32 $0x0, s20;
	[sflag:s22] =	ssyncset.done $0x0  }
0xa0: {  	[sflag:s22] =	ssyncadd.s32 s3;
	_ =	sdelay $0x1  }
0xa1: {  	s23 =	simm.s32 $0x1B8B  }
0xa2: {  	_ =	swait.ge [sflag:s23], $0x1  }
0xa3: {  	[sflag:s23] =	ssyncset.done $0x0  }
0xa4: {  	s25 =	simm.s32 $0x1B8E;
	s24 =	sld [smem:$0x3FFE];
	[sflag:s23] =	ssyncadd.s32 $0xFFFFFFFF  }
0xa5: {  	s26 =	simm.s32 $execute0_lowered;
	[smem:$0x3FD2] =	sst s25  }
0xa6: {  	s4 =	sshll.u32 s26, $0x1;
	_ =	strace $0x80000046;
	[dreg:$0x1] =	wrdreg $0xFFFFFFFF  }
0xa7: {  	s28 =	simm.s32 $_size_execute0_lowered;
	s2 =	sadd.s32 s2, s4;
	[dreg:$0x0] =	wrdreg $0x0  }
0xa8: {  	s4 =	sshll.u32 s28, $0x1;
	[dreg:$0x2] =	wrdreg s2  }
0xa9: {  	[dreg:$0x3] =	wrdreg s4  }
0xaa: {  	[dreg:$0x4] =	wrdreg $0xC0  }
0xab: {  	_ =	task [dreg:s6], $0x5FFFF  }
0xac: {  	[dreg:$0x1] =	wrdreg $0xFFFFFFFF  }
0xad: {  	[dreg:$0x0] =	wrdreg $0x60  }
0xae: {  	[dreg:$0x2] =	wrdreg s24  }
0xaf: {  	[dreg:$0x3] =	wrdreg $0xC3000  }
0xb0: {  	[dreg:$0x4] =	wrdreg $0x9  }
0xb1: {  	_ =	task.clear_ibuf [dreg:s6], $0x5FFFF;
	_ =	strace $0x90000046  }
0xb2: {  	s29 =	simm.s32 $0x9;
	_ =	strace $0x80000048  }
0xb3: {  	_ =	swait.ge [sflag:s29], $0x1  }
0xb4: {  	[sflag:s29] =	ssyncadd.s32 $0xFFFFFFFF  }
0xb5: {  	_ =	strace $0x90000048  }
0xb6: {  	_ =	sfence  }
0xb7: {  	s30 =	sld [smem:$0x0];
	_ =	sdelay $0x2  }
0xb8: {  	s31 =	sshll.u32 s1, $0xD;
	s1 =	sshrl.u32 s1, $0x2  }
0xb9: {  	s3 =	sand.u32 $0x4000, s31;
	s1 =	sadd.s32 s1, s30  }
0xba: {  	s0 =	sor.u32 s3, s0;
	s1 =	sshll.u32 s1, $0x11  }
0xbb: {  	s0 =	sor.u32 s1, s0  }
0xbc: {  	s0 =	sadd.s32 $0x8F2B, s0  }
0xbd: {  	[sflag:s0] =	ssyncadd.remote.s32 $0x1  }
0xbe: {  	_ =	sfence.sel $0xFFFF  }
0xbf: {  	[dreg:$0x0] =	wrdreg $0xFFFFFFFF;
	(pc) =	sbr.abs _section_cstart, $3  }
0xc0: {  	[dreg:$0x1] =	wrdreg $0xFFFFFFFF  }
0xc1: {  	_ =	task.clear_ibuf [dreg:s6], $0x2FFFF;
	_ =	strace $0x9FFFFFFF  }
0xc2: {  	(tm) =	ssettm $0x7FFFFFFF  }
0xc3: {  	_ =	shalt  }
tec
execute0_lowered:
.L_overlay_start_1:
0x0: {  	(tag) =	ssettag $0x1  }
0x1: {  	s0 =	rddreg [dreg:$0x0];
	s1 =	srdreg.scid  }
0x2: {  	s2 =	rddreg [dreg:$0x1];
	s10 =	stileid.u32  }
0x3: {  	s3 =	simm.s32 $0x0;
	s30 =	simm.s32 $0x40;
	s31 =	simm.s32 $0x80  }
0x4: {  	s11 =	simm.s32 $0x200;
	s12 =	simm.s32 $0x5;
	s6 =	smul.u32 $0x13C00, s10  }
0x5: {  	s1 =	sand.u32 $0x1, s1;
	[smem:$0x7FF] =	sst s3;
	s8 =	smul.u32 $0x4F000, s10  }
0x6: {  	s4 =	sadd.s32 $0xC000, s0;
	s10 =	sshll.u32 s10, $0x1;
	s5 =	smul.u32 $0x13C000, s1  }
0x7: {  	_ =	strace $0x80000047;
	s13 =	ssub.s32 $0x2, s1;
	s8 =	sshrl.u32 s8, $0x2  }
0x8: {  	s1 =	sor.u32 s1, s10;
	s10 =	simm.s32 $0x4;
	s18 =	sadd.s32 s8, s2  }
0x9: {  	s9 =	sshrl.u32 s13, $0x1;
	s8 =	sadd.s32 $0x2000, s18;
	[dreg:$0x3] =	wrdreg s18  }
0xa: {  	s1 =	smul.u32 $0x2780, s1;
	s14 =	sadd.s32 $0x4000, s18;
	[dreg:$0x4] =	wrdreg s8  }
0xb: {  	s6 =	sadd.s32 s6, s5;
	s15 =	sadd.s32 $0x6000, s18;
	[dreg:$0x5] =	wrdreg s14  }
0xc: {  	s5 =	sadd.s32 $0x2200, s0;
	s16 =	sadd.s32 $0x8000, s18;
	[dreg:$0x6] =	wrdreg s15  }
0xd: {  	s7 =	sshrl.u32 s6, $0x3;
	s17 =	sadd.s32 $0xA000, s18;
	[dreg:$0x7] =	wrdreg s16  }
0xe: {  	s6 =	sadd.s32 $0x15E00, s0;
	s19 =	sadd.s32 $0xC000, s18;
	[dreg:$0x8] =	wrdreg s17  }
0xf: {  	s20 =	sadd.s32 $0xE000, s18;
	s21 =	sshrl.u32 s1, $0x3;
	[dreg:$0x9] =	wrdreg s19  }
0x10: {  	s22 =	sadd.s32 $0x10000, s18;
	s23 =	sadd.s32 $0x12000, s18;
	[dreg:$0xa] =	wrdreg s20  }
0x11: {  	s0 =	sadd.s32 s7, s0;
	s7 =	ssub.s32 s13, s9;
	[dreg:$0xb] =	wrdreg s22  }
0x12: {  	[dreg:$0xc] =	wrdreg s23;
	s24 =	sor.u32 $0x8, s21;
	s25 =	sadd.s32 s4, s21  }
0x13: {  	s8 =	sadd.s32 s5, s21;
	s21 =	sadd.s32 $0x80, s1;
	s22 =	sadd.s32 $0xC0, s1  }
0x14: {  	s1 =	simm.s32 $0x2;
	s9 =	simm.s32 $0x3;
	s13 =	simm.s32 $0x6  }
0x15: {  	s14 =	simm.s32 $0x280;
	s15 =	simm.s32 $0xA300;
	[dreg:$0xd] =	wrdreg s25  }
.Ltmp0:
0x16: {  	[dreg:$0xe] =	wrdreg s8;
	s26 =	sadd.s32 s4, s24;
	(pc) =	sbr.rel .LBB2_1-.Ltmp0, $4  }
0x17: {  	s16 =	simm.s32 $0x0;
	s28 =	sadd.s32 s5, s24;
	[dreg:$0xf] =	wrdreg s26  }
0x18: {  	v0 =	vlaneseq.u32;
	s0 =	sadd.s32 $0x3D600, s0;
	s29 =	smax.u32 s7, $0x1;
	[dreg:$0x10] =	wrdreg s28  }
0x19: {  	v1 =	vimm.f32 $0.0e+00;
	vm0 =	vmmov $0xff;
	v0 =	vshrl.u32 v0, $0x3;
	s25 =	simm.s32 $0x8300;
	s8 =	simm.s32 $0x6300;
	[dreg:$0x11] =	wrdreg s0  }
0x1a: {  	v2 =	vor.u32 $0x2, v0;
	v3 =	vor.u32 $0x4, v0;
	v4 =	vor.u32 $0x6, v0;
	[dreg:$0x12] =	wrdreg s29;
	s26 =	simm.s32 $0x9;
	s0 =	simm.s32 $0x180  }
.LBB2_10:
0x1b: {  	s7 =	simm.s32 $0x7  }
0x1c: {  	_ =	swait.ge [sflag:s7], $0x2000  }
0x1d: {  	[sflag:s7] =	ssyncset.done $0x0  }
0x1e: {  	s23 =	simm.s32 $0x8;
	[sflag:s7] =	ssyncadd.s32 $0xFFFFE000  }
0x1f: {  	_ =	swait.ge [sflag:s23], $0x2000  }
0x20: {  	[sflag:s23] =	ssyncset.done $0x0  }
0x21: {  	[sflag:s23] =	ssyncadd.s32 $0xFFFFE000  }
0x22: {  	s24 =	stileid.u32;
	[bflag:$0x0] =	sbarrier.arrive $0xFFFF  }
0x23: {  	s7 =	sshll.u32 s24, $0x6;
	s18 =	rddreg [dreg:$0x3]  }
0x24: {  	s7 =	sor.u32 $0x1C09, s7;
	s17 =	rddreg [dreg:$0x11];
	s16 =	sshrl.u32 s18, $0x3  }
0x25: {  	[hbm:s17], [sflag:s7] =	dma.local [spmem:s16], $0x2780  }
0x26: {  	_ =	swait.ge [sflag:s26], $0x2780  }
0x27: {  	s28 =	rddreg [dreg:$0x13]  }
0x28: {  	s29 =	rddreg [dreg:$0x12];
	s16 =	sadd.s32 $0x1, s28  }
0x29: {  	p0 =	sne.s32 s16, s29  }
.Ltmp1:
0x2a: {  	_ = 	snop;
	(pc) =	sbr.rel @!p0 .LBB2_11-.Ltmp1, $3  }
0x2b: {  	_ =	sdelay $0x1  }
0x2c: {  	[sflag:s26] =	ssyncset.done $0x0  }
0x2d: {  	v1 =	vimm.f32 $0.0e+00;
	[sflag:s26] =	ssyncadd.s32 $0xFFFFD880  }
.LBB2_1:
0x2e: {  	[dreg:$0x13] =	wrdreg s16;
	s29 =	simm.s32 $0x8380  }
0x2f: {  	[tilespmem:s29+$0x0] =	vst v1  }
0x30: {  	s7 =	simm.s32 $0xA380;
	[tilespmem:s29+$0xFFFFFF80] =	vst v1  }
0x31: {  	[tilespmem:s7+$0x0] =	vst v1  }
0x32: {  	[tilespmem:s7+$0xFFFFFF80] =	vst v1  }
0x33: {  	[tilespmem:s29+$0x10] =	vst v1  }
0x34: {  	[tilespmem:s29+$0xFFFFFF90] =	vst v1  }
0x35: {  	[tilespmem:s7+$0x10] =	vst v1  }
0x36: {  	[tilespmem:s7+$0xFFFFFF90] =	vst v1  }
0x37: {  	[tilespmem:s29+$0x20] =	vst v1  }
0x38: {  	[tilespmem:s29+$0xFFFFFFA0] =	vst v1  }
0x39: {  	[tilespmem:s7+$0x20] =	vst v1  }
0x3a: {  	[tilespmem:s7+$0xFFFFFFA0] =	vst v1  }
0x3b: {  	[tilespmem:s29+$0x30] =	vst v1  }
0x3c: {  	[tilespmem:s29+$0xFFFFFFB0] =	vst v1  }
0x3d: {  	[tilespmem:s7+$0x30] =	vst v1  }
0x3e: {  	[tilespmem:s7+$0xFFFFFFB0] =	vst v1  }
0x3f: {  	[tilespmem:s29+$0x40] =	vst v1  }
0x40: {  	[tilespmem:s29+$0xFFFFFFC0] =	vst v1  }
0x41: {  	[tilespmem:s7+$0x40] =	vst v1  }
0x42: {  	[tilespmem:s7+$0xFFFFFFC0] =	vst v1  }
0x43: {  	[tilespmem:s29+$0x50] =	vst v1  }
0x44: {  	[tilespmem:s29+$0xFFFFFFD0] =	vst v1  }
0x45: {  	[tilespmem:s7+$0x50] =	vst v1  }
0x46: {  	[tilespmem:s7+$0xFFFFFFD0] =	vst v1  }
0x47: {  	[tilespmem:s29+$0x60] =	vst v1  }
0x48: {  	[tilespmem:s29+$0xFFFFFFE0] =	vst v1  }
0x49: {  	[tilespmem:s7+$0x60] =	vst v1  }
0x4a: {  	[tilespmem:s7+$0xFFFFFFE0] =	vst v1  }
0x4b: {  	[tilespmem:s29+$0x70] =	vst v1  }
0x4c: {  	[tilespmem:s29+$0xFFFFFFF0] =	vst v1  }
0x4d: {  	[tilespmem:s7+$0x70] =	vst v1  }
0x4e: {  	s16 =	simm.s32 $0x0;
	s17 =	simm.s32 $0x8480;
	[tilespmem:s7+$0xFFFFFFF0] =	vst v1  }
.LBB2_2:
0x4f: {  	[tilespmem:s17+$0x0] =	vst v1;
	s7 =	sadd.s32 $0x100, s7  }
0x50: {  	[tilespmem:s7+$0x0] =	vst v1  }
0x51: {  	[tilespmem:s17+$0x10] =	vst v1  }
0x52: {  	[tilespmem:s7+$0x10] =	vst v1  }
0x53: {  	[tilespmem:s17+$0x20] =	vst v1  }
0x54: {  	[tilespmem:s7+$0x20] =	vst v1  }
0x55: {  	[tilespmem:s17+$0x30] =	vst v1  }
0x56: {  	[tilespmem:s7+$0x30] =	vst v1  }
0x57: {  	[tilespmem:s17+$0x40] =	vst v1  }
0x58: {  	[tilespmem:s7+$0x40] =	vst v1  }
0x59: {  	[tilespmem:s17+$0x50] =	vst v1  }
0x5a: {  	[tilespmem:s7+$0x50] =	vst v1  }
0x5b: {  	[tilespmem:s17+$0x60] =	vst v1  }
0x5c: {  	[tilespmem:s7+$0x60] =	vst v1  }
0x5d: {  	[tilespmem:s17+$0x70] =	vst v1  }
0x5e: {  	[tilespmem:s7+$0x70] =	vst v1  }
0x5f: {  	[tilespmem:s17+$0xFFFFFF80] =	vst v1  }
0x60: {  	[tilespmem:s7+$0xFFFFFF80] =	vst v1  }
0x61: {  	[tilespmem:s17+$0xFFFFFF90] =	vst v1  }
0x62: {  	[tilespmem:s7+$0xFFFFFF90] =	vst v1  }
0x63: {  	[tilespmem:s17+$0xFFFFFFA0] =	vst v1  }
0x64: {  	[tilespmem:s7+$0xFFFFFFA0] =	vst v1  }
0x65: {  	[tilespmem:s17+$0xFFFFFFB0] =	vst v1  }
0x66: {  	[tilespmem:s7+$0xFFFFFFB0] =	vst v1  }
0x67: {  	[tilespmem:s17+$0xFFFFFFC0] =	vst v1  }
0x68: {  	s16 =	sadd.s32 $0x2, s16;
	[tilespmem:s7+$0xFFFFFFC0] =	vst v1  }
0x69: {  	p0 =	slt.u32 s16, $0x3E;
	[tilespmem:s17+$0xFFFFFFD0] =	vst v1  }
.Ltmp2:
0x6a: {  	[tilespmem:s7+$0xFFFFFFD0] =	vst v1;
	(pc) =	sbr.rel @p0 .LBB2_2-.Ltmp2, $4  }
0x6b: {  	[tilespmem:s17+$0xFFFFFFE0] =	vst v1  }
0x6c: {  	[tilespmem:s7+$0xFFFFFFE0] =	vst v1  }
0x6d: {  	[tilespmem:s17+$0xFFFFFFF0] =	vst v1  }
0x6e: {  	s17 =	sadd.s32 $0x100, s17;
	[tilespmem:s7+$0xFFFFFFF0] =	vst v1  }
0x6f: {  	[spmem:s18] =	stream.linear.scatter [tilespmem:s25], [sflag:$0x9], $0x2000, $0x38;
	[tilespmem:$0x1FF00] =	vst v63  }
0x70: {  	_ =	swait.ge [sflag:s26], $0x2000  }
0x71: {  	[sflag:s26] =	ssyncset.done $0x0  }
0x72: {  	s7 =	rddreg [dreg:$0x4];
	[sflag:s26] =	ssyncadd.s32 $0xFFFFE000  }
0x73: {  	[spmem:s7] =	stream.linear.scatter [tilespmem:s25], [sflag:$0x9], $0x2000, $0x38;
	[tilespmem:$0x1FF00] =	vst v63  }
0x74: {  	_ =	swait.ge [sflag:s26], $0x2000  }
0x75: {  	[sflag:s26] =	ssyncset.done $0x0  }
0x76: {  	s18 =	rddreg [dreg:$0x5];
	[sflag:s26] =	ssyncadd.s32 $0xFFFFE000  }
0x77: {  	[spmem:s18] =	stream.linear.scatter [tilespmem:s25], [sflag:$0x9], $0x2000, $0x38;
	[tilespmem:$0x1FF00] =	vst v63  }
0x78: {  	_ =	swait.ge [sflag:s26], $0x2000  }
0x79: {  	[sflag:s26] =	ssyncset.done $0x0  }
0x7a: {  	s19 =	rddreg [dreg:$0x6];
	[sflag:s26] =	ssyncadd.s32 $0xFFFFE000  }
0x7b: {  	[spmem:s19] =	stream.linear.scatter [tilespmem:s25], [sflag:$0x9], $0x2000, $0x38;
	[tilespmem:$0x1FF00] =	vst v63  }
0x7c: {  	_ =	swait.ge [sflag:s26], $0x2000  }
0x7d: {  	[sflag:s26] =	ssyncset.done $0x0  }
0x7e: {  	s20 =	rddreg [dreg:$0x7];
	[sflag:s26] =	ssyncadd.s32 $0xFFFFE000  }
0x7f: {  	[spmem:s20] =	stream.linear.scatter [tilespmem:s25], [sflag:$0x9], $0x2000, $0x38;
	[tilespmem:$0x1FF00] =	vst v63  }
0x80: {  	_ =	swait.ge [sflag:s26], $0x2000  }
0x81: {  	[sflag:s26] =	ssyncset.done $0x0  }
0x82: {  	s23 =	rddreg [dreg:$0x8];
	[sflag:s26] =	ssyncadd.s32 $0xFFFFE000  }
0x83: {  	[spmem:s23] =	stream.linear.scatter [tilespmem:s25], [sflag:$0x9], $0x2000, $0x38;
	[tilespmem:$0x1FF00] =	vst v63  }
0x84: {  	_ =	swait.ge [sflag:s26], $0x2000  }
0x85: {  	[sflag:s26] =	ssyncset.done $0x0  }
0x86: {  	s24 =	rddreg [dreg:$0x9];
	[sflag:s26] =	ssyncadd.s32 $0xFFFFE000  }
0x87: {  	[spmem:s24] =	stream.linear.scatter [tilespmem:s25], [sflag:$0x9], $0x2000, $0x38;
	[tilespmem:$0x1FF00] =	vst v63  }
0x88: {  	_ =	swait.ge [sflag:s26], $0x2000  }
0x89: {  	[sflag:s26] =	ssyncset.done $0x0  }
0x8a: {  	s28 =	rddreg [dreg:$0xa];
	[sflag:s26] =	ssyncadd.s32 $0xFFFFE000  }
0x8b: {  	[spmem:s28] =	stream.linear.scatter [tilespmem:s25], [sflag:$0x9], $0x2000, $0x38;
	[tilespmem:$0x1FF00] =	vst v63  }
0x8c: {  	_ =	swait.ge [sflag:s26], $0x2000  }
0x8d: {  	[sflag:s26] =	ssyncset.done $0x0  }
0x8e: {  	s29 =	rddreg [dreg:$0xb];
	[sflag:s26] =	ssyncadd.s32 $0xFFFFE000  }
0x8f: {  	[spmem:s29] =	stream.linear.scatter [tilespmem:s25], [sflag:$0x9], $0x2000, $0x38;
	[tilespmem:$0x1FF00] =	vst v63  }
0x90: {  	_ =	swait.ge [sflag:s26], $0x2000  }
0x91: {  	[sflag:s26] =	ssyncset.done $0x0  }
0x92: {  	s16 =	rddreg [dreg:$0xc];
	[sflag:s26] =	ssyncadd.s32 $0xFFFFE000  }
0x93: {  	[spmem:s16] =	stream.linear.scatter [tilespmem:s25], [sflag:$0x9], $0x1C00, $0x38;
	[tilespmem:$0x1FF00] =	vst v63  }
0x94: {  	_ =	swait.ge [sflag:s26], $0x1C00  }
0x95: {  	[sflag:s26] =	ssyncset.done $0x0  }
0x96: {  	[sflag:s26] =	ssyncadd.s32 $0xFFFFE400  }
0x97: {  	[bflag:$0x0] =	sbarrier.arrive $0xFFFF  }
0x98: {  	s19 =	simm.s32 $0x0;
	s17 =	rddreg [dreg:$0xd]  }
0x99: {  	[tilespmem:s19], [sflag:$0x1] =	stream.linear.gather [hbm4b:s17+s19], $0x40, $0x38;
	[tilespmem:$0x1FF00] =	vst v63  }
0x9a: {  	s20 =	simm.s32 $0x1;
	s16 =	simm.s32 $0x100;
	s18 =	rddreg [dreg:$0xe]  }
0x9b: {  	[tilespmem:s16], [sflag:$0x1] =	stream.linear.gather [hbm4b:s18+s19], $0x40, $0x38;
	[tilespmem:$0x1FF00] =	vst v63  }
0x9c: {  	_ =	swait.ge [sflag:s20], $0x40  }
0x9d: {  	[sflag:s20] =	ssyncset.done $0x0  }
0x9e: {  	[sflag:s20] =	ssyncadd.s32 $0xFFFFFFC0  }
0x9f: {  	_ =	swait.ge [sflag:s20], $0x40  }
0xa0: {  	[sflag:s20] =	ssyncset.done $0x0  }
0xa1: {  	s23 =	simm.s32 $0x300;
	[sflag:s20] =	ssyncadd.s32 $0xFFFFFFC0  }
0xa2: {  	[tilespmem:s23], [sflag:$0x3] =	stream.indirect.gather [hbm4b:s6+s30], $0x80, s19, s30, $0xb8;
	[tilespmem:$0x1FF00] =	vst v63  }
0xa3: {  	s24 =	simm.s32 $0x2300  }
0xa4: {  	[tilespmem:s24], [sflag:$0x4] =	stream.indirect.gather [hbm4b:s6+s30], $0x80, s16, s30, $0xb8;
	[tilespmem:$0x1FF00] =	vst v63  }
0xa5: {  	s28 =	rddreg [dreg:$0xf]  }
0xa6: {  	[tilespmem:s31], [sflag:$0x2] =	stream.linear.gather [hbm4b:s28+s19], $0x40, $0x38;
	[tilespmem:$0x1FF00] =	vst v63  }
0xa7: {  	s29 =	rddreg [dreg:$0x10]  }
0xa8: {  	[tilespmem:s0], [sflag:$0x2] =	stream.linear.gather [hbm4b:s29+s19], $0x40, $0x38;
	[tilespmem:$0x1FF00] =	vst v63  }
.LBB2_4:
0xa9: {  	_ =	swait.ge [sflag:s1], $0x40  }
0xaa: {  	[sflag:s1] =	ssyncset.done $0x0  }
0xab: {  	[sflag:s1] =	ssyncadd.s32 $0xFFFFFFC0  }
0xac: {  	_ =	swait.ge [sflag:s1], $0x40  }
0xad: {  	[sflag:s1] =	ssyncset.done $0x0  }
0xae: {  	s7 =	simm.s32 $0x4300;
	[sflag:s1] =	ssyncadd.s32 $0xFFFFFFC0  }
0xaf: {  	[tilespmem:s7], [sflag:$0x5] =	stream.indirect.gather [hbm4b:s6+s30], $0x80, s31, s30, $0xb8;
	[tilespmem:$0x1FF00] =	vst v63  }
0xb0: {  	_ = 	snop  }
0xb1: {  	[tilespmem:s8], [sflag:$0x6] =	stream.indirect.gather [hbm4b:s6+s30], $0x80, s0, s30, $0xb8;
	[tilespmem:$0x1FF00] =	vst v63  }
0xb2: {  	_ =	swait.ge [sflag:s9], $0x2000  }
0xb3: {  	[sflag:s9] =	ssyncset.done $0x0  }
0xb4: {  	[sflag:s9] =	ssyncadd.s32 $0xFFFFE000  }
0xb5: {  	_ =	swait.ge [sflag:s10], $0x2000  }
0xb6: {  	p0 =	seq.s32 s19, $0x0;
	[sflag:s10] =	ssyncset.done $0x0  }
0xb7: {  	s7 =	simm.s32 @!p0 $0x7;
	[sflag:s10] =	ssyncadd.s32 $0xFFFFE000  }
0xb8: {  	_ =	swait.ge @!p0 [sflag:s7], $0x2000  }
0xb9: {  	[sflag:s7] =	ssyncset.done @!p0 $0x0  }
0xba: {  	s20 =	simm.s32 $0x500;
	[sflag:s7] =	ssyncadd.s32 @!p0 $0xFFFFE000  }
0xbb: {  	s17 =	simm.s32 $0x2550;
	v5 =	vld [tilespmem:s20+$0x1C0]  }
0xbc: {  	v6 =	vld [tilespmem:s17+$0x180]  }
0xbd: {  	v8 =	vld [tilespmem:s20+$0xFFFFFEC0]  }
0xbe: {  	v9 =	vld [tilespmem:s17+$0xFFFFFE80]  }
0xbf: {  	v10 =	vld [tilespmem:s20+$0xFFFFFF40]  }
0xc0: {  	v11 =	vld [tilespmem:s20+$0xFFFFFFC0]  }
0xc1: {  	v13 =	vld [tilespmem:s17+$0xFFFFFF80];
	v5 =	vadd.f32 v6, v5  }
0xc2: {  	v6 =	vld [tilespmem:s17+$0xFFFFFF00]  }
0xc3: {  	v7 =	vld [tilespmem:s17+$0xFFFFFE00];
	v12 =	vmul.f32 $2.000000030e-01, v5  }
0xc4: {  	v14 =	vld [tilespmem:s20+$0x40]  }
0xc5: {  	v15 =	vld [tilespmem:s17+$0x80];
	v8 =	vadd.f32 v9, v8;
	v5 =	vmax.f32 v5, v12  }
0xc6: {  	v9 =	vld [tilespmem:s17+$0x0];
	v5 =	vmul.f32 $1.442695020e+00, v5  }
0xc7: {  	v11 =	vadd.f32 v13, v11;
	v13 =	vld [tilespmem:s20+$0x140];
	v12 =	vmul.f32 $2.000000030e-01, v8;
	v6 =	vadd.f32 v6, v10  }
0xc8: {  	v10 =	vld [tilespmem:s20+$0xC0];
	(erf) = vpow2.f32 v5  }
0xc9: {  	v8 =	vmax.f32 v8, v12;
	v12 =	vld [tilespmem:s17+$0x100];
	v5 =	vmul.f32 $2.000000030e-01, v6  }
0xca: {  	v16 =	vld [tilespmem:s20+$0xFFFFFE40]  }
0xcb: {  	v9 =	vadd.f32 v9, v14;
	v5 =	vmax.f32 v6, v5;
	v6 =	vmul.f32 $2.000000030e-01, v11  }
0xcc: {  	v8 =	vmul.f32 $1.442695020e+00, v8  }
0xcd: {  	v5 =	vmul.f32 $1.442695020e+00, v5;
	v6 =	vmax.f32 v11, v6;
	v11 =	vmul.f32 $2.000000030e-01, v9  }
0xce: {  	(erf) = vpow2.f32 v8;
	v10 =	vadd.f32 v15, v10;
	v12 =	vadd.f32 v12, v13  }
0xcf: {  	v7 =	vadd.f32 v7, v16;
	v13 =	vld [tilespmem:s20+$0x180];
	v6 =	vmul.f32 $1.442695020e+00, v6;
	(erf) = vpow2.f32 v5  }
0xd0: {  	v8 =	vmax.f32 v9, v11;
	v9 =	vmul.f32 $2.000000030e-01, v10;
	v5 =	vmul.f32 $2.000000030e-01, v12  }
0xd1: {  	v8 =	vmul.f32 $1.442695020e+00, v8;
	(erf) = vpow2.f32 v6;
	v11 =	vpop (erf)  }
0xd2: {  	v6 =	vmax.f32 v10, v9;
	v9 =	vmul.f32 $2.000000030e-01, v7;
	v10 =	vperm.xlane v11, v0  }
0xd3: {  	v5 =	vmax.f32 v12, v5;
	v6 =	vmul.f32 $1.442695020e+00, v6;
	(erf) = vpow2.f32 v8  }
0xd4: {  	v5 =	vmul.f32 $1.442695020e+00, v5;
	v8 =	vmul.f32 v13, v10  }
0xd5: {  	s23 =	simm.s32 $0x8500;
	v7 =	vmax.f32 v7, v9;
	(erf) = vpow2.f32 v6  }
0xd6: {  	v6 =	vmul.f32 $1.442695020e+00, v7;
	v7 =	vld [tilespmem:s20+$0xFFFFFF00];
	(erf) = vpow2.f32 v5;
	[tilespmem:s23+$0x180] =	vst v8  }
0xd7: {  	v5 =	vld [tilespmem:s20+$0x190]  }
0xd8: {  	v13 =	vpop (erf);
	(erf) = vpow2.f32 v6;
	v6 =	vld [tilespmem:s20+$0xFFFFFE80]  }
0xd9: {  	v12 =	vpop (erf)  }
0xda: {  	v9 =	vld [tilespmem:s20+$0xFFFFFF80];
	v10 =	vperm.xlane v11, v2;
	v17 =	vperm.xlane v12, v0  }
0xdb: {  	v14 =	vld [tilespmem:s20+$0x0];
	v15 =	vperm.xlane v13, v0  }
0xdc: {  	v8 =	vpop (erf);
	v7 =	vmul.f32 v7, v17;
	v5 =	vmul.f32 v5, v10  }
0xdd: {  	v6 =	vmul.f32 v6, v15;
	v15 =	vperm.xlane v8, v0;
	v20 =	vpop (erf);
	v10 =	vld [tilespmem:s20+$0x100]  }
0xde: {  	v21 =	vld [tilespmem:s20+$0xFFFFFE00];
	v17 =	vperm.xlane v20, v0;
	v18 =	vpop (erf);
	[tilespmem:s23+$0x190] =	vst v5  }
0xdf: {  	s18 =	simm.s32 $0x2950;
	[tilespmem:s23+$0xFFFFFF00] =	vst v7;
	v19 =	vpop (erf);
	v5 =	vmul.f32 v9, v15;
	v9 =	vld [tilespmem:s20+$0x1A0]  }
0xe0: {  	v25 =	vld [tilespmem:s18+$0xFFFFFE00];
	[tilespmem:s23+$0xFFFFFE80] =	vst v6;
	v7 =	vmul.f32 v14, v17;
	v17 =	vperm.xlane v19, v0  }
0xe1: {  	s24 =	simm.s32 $0x900;
	v15 =	vld [tilespmem:s20+$0xFFFFFE90]  }
0xe2: {  	v29 =	vld [tilespmem:s24+$0xFFFFFEC0];
	[tilespmem:s23+$0x0] =	vst v7;
	v7 =	vmul.f32 v10, v17;
	v10 =	vperm.xlane v11, v3  }
0xe3: {  	v16 =	vld [tilespmem:s20+$0x80]  }
0xe4: {  	v31 =	vld [tilespmem:s18+$0xFFFFFE80];
	[tilespmem:s23+$0x100] =	vst v7;
	v7 =	vmul.f32 v9, v10;
	v9 =	vperm.xlane v13, v2  }
0xe5: {  	v33 =	vld [tilespmem:s18+$0xFFFFFF00]  }
0xe6: {  	v22 =	vld [tilespmem:s20+$0xFFFFFF10];
	v6 =	vperm.xlane v18, v0;
	[tilespmem:s23+$0x1A0] =	vst v7;
	v7 =	vmul.f32 v15, v9  }
0xe7: {  	[tilespmem:s23+$0xFFFFFF80] =	vst v5;
	v15 =	vld [tilespmem:s24+$0x1C0]  }
0xe8: {  	v14 =	vpop (erf);
	v5 =	vmul.f32 v16, v6;
	[tilespmem:s23+$0xFFFFFE90] =	vst v7;
	v7 =	vld [tilespmem:s18+$0x180]  }
0xe9: {  	v37 =	vld [tilespmem:s24+$0x40];
	v6 =	vperm.xlane v14, v0  }
0xea: {  	v17 =	vld [tilespmem:s20+$0x10];
	[tilespmem:s23+$0x80] =	vst v5  }
0xeb: {  	v24 =	vperm.xlane v12, v2;
	v5 =	vmul.f32 v21, v6;
	v6 =	vld [tilespmem:s20+$0x90]  }
0xec: {  	v38 =	vld [tilespmem:s18+$0x0]  }
0xed: {  	v28 =	vperm.xlane v20, v2;
	v22 =	vmul.f32 v22, v24;
	v24 =	vld [tilespmem:s24+$0xFFFFFF40];
	[tilespmem:s23+$0xFFFFFE00] =	vst v5;
	v7 =	vadd.f32 v7, v15  }
0xee: {  	v30 =	vperm.xlane v18, v2;
	v10 =	vld [tilespmem:s20+$0xFFFFFE10]  }
0xef: {  	v34 =	vmul.f32 v17, v28;
	v17 =	vld [tilespmem:s24+$0xFFFFFFC0];
	v28 =	vmul.f32 $2.000000030e-01, v7  }
0xf0: {  	v6 =	vmul.f32 v6, v30;
	v30 =	vld [tilespmem:s18+$0xFFFFFF80]  }
0xf1: {  	v29 =	vadd.f32 v31, v29;
	v9 =	vld [tilespmem:s20+$0x1B0];
	v7 =	vmax.f32 v7, v28  }
0xf2: {  	v46 =	vld [tilespmem:s24+$0xC0];
	v7 =	vmul.f32 $1.442695020e+00, v7  }
0xf3: {  	v39 =	vld [tilespmem:s18+$0x80];
	v47 =	vmul.f32 $2.000000030e-01, v29;
	v27 =	vperm.xlane v14, v2;
	v24 =	vadd.f32 v33, v24  }
0xf4: {  	v31 =	vperm.xlane v11, v4;
	v16 =	vld [tilespmem:s20+$0xFFFFFF90];
	(erf) = vpow2.f32 v7  }
0xf5: {  	v5 =	vld [tilespmem:s20+$0x110];
	v17 =	vadd.f32 v30, v17;
	v7 =	vmul.f32 v10, v27;
	v10 =	vmul.f32 $2.000000030e-01, v24  }
0xf6: {  	v23 =	vperm.xlane v13, v3;
	v31 =	vmul.f32 v9, v31;
	v9 =	vmax.f32 v29, v47;
	v29 =	vld [tilespmem:s18+$0x100]  }
0xf7: {  	v35 =	vperm.xlane v12, v3;
	v27 =	vld [tilespmem:s24+$0x140];
	v10 =	vmax.f32 v24, v10;
	v24 =	vmul.f32 $2.000000030e-01, v17  }
0xf8: {  	v26 =	vperm.xlane v8, v2;
	v36 =	vperm.xlane v8, v3;
	[tilespmem:s23+$0xFFFFFF10] =	vst v22;
	v22 =	vld [tilespmem:s24+$0xFFFFFE40]  }
0xf9: {  	v1 =	vperm.xlane v20, v4;
	v32 =	vperm.xlane v19, v2;
	v17 =	vmax.f32 v17, v24  }
0xfa: {  	v50 =	vld [tilespmem:s24+$0xFFFFFE00];
	v48 =	vadd.f32 v38, v37;
	v9 =	vmul.f32 $1.442695020e+00, v9;
	v17 =	vmul.f32 $1.442695020e+00, v17  }
0xfb: {  	v51 =	vld [tilespmem:s24+$0xFFFFFE80];
	v5 =	vmul.f32 v5, v32;
	v32 =	vadd.f32 v39, v46;
	v10 =	vmul.f32 $1.442695020e+00, v10  }
0xfc: {  	(erf) = vpow2.f32 v9;
	v24 =	vmul.f32 $2.000000030e-01, v48;
	v27 =	vadd.f32 v29, v27;
	v29 =	vld [tilespmem:s24+$0x180]  }
0xfd: {  	v40 =	vld [tilespmem:s24+$0xFFFFFF80];
	v16 =	vmul.f32 v16, v26;
	v22 =	vadd.f32 v25, v22;
	(erf) = vpow2.f32 v10  }
0xfe: {  	v41 =	vld [tilespmem:s24+$0x0];
	v9 =	vmax.f32 v48, v24;
	v24 =	vmul.f32 $2.000000030e-01, v32;
	(erf) = vpow2.f32 v17;
	v17 =	vpop (erf)  }
0xff: {  	v49 =	vld [tilespmem:s20+$0xFFFFFF20];
	v25 =	vmul.f32 $2.000000030e-01, v27;
	v53 =	vperm.xlane v17, v0  }
0x100: {  	[tilespmem:s23+$0xFFFFFF90] =	vst v16;
	v21 =	vld [tilespmem:s20+$0xFFFFFEA0];
	v52 =	vmul.f32 $2.000000030e-01, v22;
	v9 =	vmul.f32 $1.442695020e+00, v9;
	v24 =	vmax.f32 v32, v24  }
0x101: {  	[tilespmem:s23+$0x10] =	vst v34;
	v16 =	vld [tilespmem:s20+$0xFFFFFFA0];
	v24 =	vmul.f32 $1.442695020e+00, v24;
	v25 =	vmax.f32 v27, v25;
	v27 =	vmul.f32 v29, v53  }
0x102: {  	s16 =	simm.s32 $0x8900;
	v42 =	vld [tilespmem:s20+$0x20];
	v22 =	vmax.f32 v22, v52;
	[tilespmem:s23+$0xFFFFFE10] =	vst v7;
	(erf) = vpow2.f32 v9;
	v25 =	vmul.f32 $1.442695020e+00, v25  }
0x103: {  	v22 =	vmul.f32 $1.442695020e+00, v22;
	(erf) = vpow2.f32 v24;
	v24 =	vld [tilespmem:s20+$0xFFFFFE20];
	[tilespmem:s16+$0x180] =	vst v27  }
0x104: {  	[tilespmem:s23+$0x90] =	vst v6;
	v6 =	vmul.f32 v49, v35;
	(erf) = vpow2.f32 v25;
	v25 =	vld [tilespmem:s24+$0x190]  }
0x105: {  	[tilespmem:s23+$0x110] =	vst v5;
	v43 =	vld [tilespmem:s20+$0xA0];
	v21 =	vmul.f32 v21, v23;
	(erf) = vpow2.f32 v22  }
0x106: {  	v26 =	vperm.xlane v14, v3;
	v33 =	vperm.xlane v13, v4;
	v44 =	vld [tilespmem:s20+$0x120]  }
0x107: {  	[tilespmem:s23+$0xFFFFFF20] =	vst v6;
	v5 =	vmul.f32 v16, v36;
	v10 =	vld [tilespmem:s24+$0xFFFFFF00];
	v22 =	vpop (erf);
	v27 =	vperm.xlane v17, v2  }
0x108: {  	v36 =	vld [tilespmem:s20+$0xFFFFFF30];
	[tilespmem:s23+$0xFFFFFEA0] =	vst v21;
	v6 =	vperm.xlane v22, v0;
	v23 =	vpop (erf);
	v24 =	vmul.f32 v24, v26  }
0x109: {  	[tilespmem:s23+$0xFFFFFFA0] =	vst v5;
	v37 =	vld [tilespmem:s20+$0xFFFFFEB0];
	v5 =	vperm.xlane v23, v0;
	v21 =	vpop (erf);
	v25 =	vmul.f32 v25, v27  }
0x10a: {  	v9 =	vld [tilespmem:s24+$0x80];
	v6 =	vmul.f32 v51, v6;
	v27 =	vperm.xlane v21, v0  }
0x10b: {  	v34 =	vperm.xlane v14, v4;
	v15 =	vperm.xlane v20, v3;
	v7 =	vld [tilespmem:s24+$0x100];
	[tilespmem:s23+$0xFFFFFE20] =	vst v24;
	v26 =	vpop (erf)  }
0x10c: {  	v29 =	vld [tilespmem:s20+$0xFFFFFFB0];
	v5 =	vmul.f32 v10, v5;
	[tilespmem:s16+$0xFFFFFE80] =	vst v6;
	v10 =	vperm.xlane v26, v0;
	v24 =	vpop (erf)  }
0x10d: {  	v39 =	vld [tilespmem:s20+$0xFFFFFE30];
	v54 =	vperm.xlane v24, v0;
	[tilespmem:s16+$0x190] =	vst v25;
	v6 =	vmul.f32 v40, v27;
	v25 =	vpop (erf)  }
0x10e: {  	[tilespmem:s16+$0xFFFFFF00] =	vst v5;
	v5 =	vmul.f32 v41, v10;
	v55 =	vld [tilespmem:s24+$0x1A0];
	v10 =	vperm.xlane v25, v0;
	v27 =	vpop (erf)  }
0x10f: {  	v45 =	vld [tilespmem:s24+$0xFFFFFE90];
	[tilespmem:s16+$0xFFFFFF80] =	vst v6;
	v6 =	vmul.f32 v9, v54;
	v9 =	vperm.xlane v27, v0  }
0x110: {  	v30 =	vperm.xlane v19, v3;
	v56 =	vld [tilespmem:s24+$0xFFFFFF10];
	[tilespmem:s16+$0x0] =	vst v5;
	v5 =	vmul.f32 v7, v10  }
0x111: {  	v46 =	vld [tilespmem:s24+$0x10];
	[tilespmem:s16+$0x80] =	vst v6;
	v7 =	vperm.xlane v17, v3;
	v6 =	vmul.f32 v50, v9  }
0x112: {  	v16 =	vperm.xlane v8, v4;
	v42 =	vmul.f32 v42, v15;
	v57 =	vld [tilespmem:s24+$0xFFFFFF90];
	[tilespmem:s16+$0x100] =	vst v5  }
0x113: {  	v28 =	vperm.xlane v18, v3;
	v58 =	vld [tilespmem:s24+$0x90];
	v7 =	vmul.f32 v55, v7;
	[tilespmem:s16+$0xFFFFFE00] =	vst v6  }
0x114: {  	v32 =	vperm.xlane v12, v4;
	v60 =	vld [tilespmem:s24+$0x110];
	[tilespmem:$0x1FFE0] =	vst v1;
	v1 =	vperm.xlane v18, v4  }
0x115: {  	v30 =	vmul.f32 v44, v30;
	v28 =	vmul.f32 v43, v28;
	[tilespmem:s16+$0x1A0] =	vst v7  }
0x116: {  	v33 =	vmul.f32 v37, v33;
	v32 =	vmul.f32 v36, v32;
	v47 =	vld [tilespmem:s24+$0xFFFFFE10];
	[tilespmem:$0x1FFF0] =	vst v1  }
0x117: {  	s17 =	simm.s32 $0xD00;
	v59 =	vperm.xlane v21, v2;
	v10 =	vperm.xlane v22, v2;
	v40 =	vld [tilespmem:s24+$0x1B0]  }
0x118: {  	s7 =	simm.s32 $0x2D50;
	v29 =	vmul.f32 v29, v16;
	v41 =	vperm.xlane v22, v3;
	v53 =	vld [tilespmem:s17+$0x1C0]  }
0x119: {  	v9 =	vperm.xlane v23, v2;
	v6 =	vmul.f32 v45, v10;
	v55 =	vld [tilespmem:s7+$0x180]  }
0x11a: {  	v16 =	vperm.xlane v24, v4;
	v54 =	vperm.xlane v23, v3;
	v43 =	vld [tilespmem:s7+$0xFFFFFF00]  }
0x11b: {  	v61 =	vnsel vm0, $0x0, v12;
	v34 =	vmul.f32 v39, v34;
	v9 =	vmul.f32 v56, v9;
	[tilespmem:s16+$0xFFFFFE90] =	vst v6;
	v62 =	vld [tilespmem:s7+$0xFFFFFF80]  }
0x11c: {  	v51 =	vperm.xlane v25, v2;
	v10 =	vmul.f32 v57, v59;
	[tilespmem:s23+$0xFFFFFF40] =	vst v61;
	v61 =	vld [tilespmem:s7+$0x0]  }
0x11d: {  	v49 =	vperm.xlane v27, v2;
	v35 =	vperm.xlane v27, v3;
	[tilespmem:s16+$0xFFFFFF10] =	vst v9;
	v48 =	vld [tilespmem:s24+$0xFFFFFEA0]  }
0x11e: {  	v12 =	vperm.xlane v27, v4;
	v56 =	vperm.xlane v21, v3;
	[tilespmem:s16+$0xFFFFFF90] =	vst v10;
	v50 =	vld [tilespmem:s24+$0xFFFFFF20]  }
0x11f: {  	v59 =	vnsel vm0, $0x0, v11;
	v11 =	vperm.xlane v25, v3;
	v10 =	vperm.xlane v24, v2;
	v52 =	vld [tilespmem:s24+$0xFFFFFFA0]  }
0x120: {  	v7 =	vperm.xlane v19, v4;
	v45 =	vmul.f32 v60, v51;
	v51 =	vld [tilespmem:s17+$0xFFFFFEC0]  }
0x121: {  	v9 =	vperm.xlane v26, v2;
	v60 =	vld [tilespmem:s17+$0xFFFFFF40];
	v38 =	vmul.f32 v58, v10;
	v15 =	vadd.f32 v55, v53  }
0x122: {  	v13 =	vnsel vm0, $0x0, v13;
	[tilespmem:s23+$0x1B0] =	vst v31;
	v58 =	vld [tilespmem:s7+$0xFFFFFE80];
	v47 =	vmul.f32 v47, v49;
	v49 =	vperm.xlane v17, v4  }
0x123: {  	v8 =	vnsel vm0, $0x0, v8;
	[tilespmem:s23+$0x1C0] =	vst v59;
	v31 =	vmul.f32 v48, v41;
	v41 =	vld [tilespmem:s17+$0xFFFFFFC0];
	v63 =	vmul.f32 $2.000000030e-01, v15  }
0x124: {  	v59 =	vnsel vm0, $0x0, v14;
	[tilespmem:s23+$0xFFFFFEC0] =	vst v13;
	v13 =	vperm.xlane v22, v4;
	v50 =	vmul.f32 v50, v54;
	v54 =	vld [tilespmem:s17+$0x40]  }
0x125: {  	v57 =	vld [tilespmem:s7+$0xFFFFFE00];
	v14 =	vperm.xlane v23, v4;
	[tilespmem:s23+$0xFFFFFFC0] =	vst v8;
	v40 =	vmul.f32 v40, v49;
	v49 =	vmax.f32 v15, v63  }
0x126: {  	v8 =	vperm.xlane v26, v4;
	[tilespmem:s23+$0x20] =	vst v42;
	v53 =	vld [tilespmem:s17+$0xC0];
	v49 =	vmul.f32 $1.442695020e+00, v49  }
0x127: {  	[tilespmem:s23+$0xA0] =	vst v28;
	v46 =	vmul.f32 v46, v9;
	v55 =	vld [tilespmem:s7+$0x80];
	v43 =	vadd.f32 v43, v60;
	v51 =	vadd.f32 v58, v51  }
0x128: {  	[tilespmem:s23+$0x120] =	vst v30;
	v44 =	vmul.f32 v52, v56;
	v56 =	vld [tilespmem:s7+$0x100];
	v39 =	vadd.f32 v62, v41;
	(erf) = vpow2.f32 v49  }
0x129: {  	[tilespmem:s23+$0xFFFFFE30] =	vst v34;
	v63 =	vmul.f32 $2.000000030e-01, v43;
	v41 =	vld [tilespmem:s17+$0x140];
	v62 =	vmul.f32 $2.000000030e-01, v51;
	v60 =	vadd.f32 v61, v54  }
0x12a: {  	[tilespmem:s23+$0xFFFFFE40] =	vst v59;
	v9 =	vperm.xlane v26, v3;
	v58 =	vld [tilespmem:s17+$0xFFFFFE40];
	v59 =	vmul.f32 $2.000000030e-01, v39  }
0x12b: {  	[tilespmem:s23+$0xFFFFFEB0] =	vst v33;
	v61 =	vmax.f32 v51, v62;
	v62 =	vmax.f32 v43, v63;
	v63 =	vmul.f32 $2.000000030e-01, v60  }
0x12c: {  	[tilespmem:s23+$0xFFFFFF30] =	vst v32;
	v52 =	vadd.f32 v55, v53;
	v36 =	vmul.f32 $1.442695020e+00, v61;
	v39 =	vmax.f32 v39, v59  }
0x12d: {  	v28 =	vld [tilespmem:s17+$0x0];
	[tilespmem:s16+$0xFFFFFEA0] =	vst v31;
	v31 =	vmul.f32 $1.442695020e+00, v62;
	v54 =	vmax.f32 v60, v63;
	v39 =	vmul.f32 $1.442695020e+00, v39  }
0x12e: {  	v34 =	vld [tilespmem:s17+$0x100];
	[tilespmem:s23+$0xFFFFFFB0] =	vst v29;
	(erf) = vpow2.f32 v36;
	v55 =	vadd.f32 v56, v41;
	v56 =	vmul.f32 $2.000000030e-01, v52  }
0x12f: {  	[tilespmem:s16+$0x110] =	vst v45;
	v37 =	vadd.f32 v57, v58;
	v57 =	vld [tilespmem:s17+$0x180];
	v36 =	vmul.f32 $1.442695020e+00, v54;
	(erf) = vpow2.f32 v31  }
0x130: {  	v45 =	vld [tilespmem:s20+$0x30];
	[tilespmem:s16+$0x10] =	vst v46;
	v31 =	vmul.f32 $2.000000030e-01, v55;
	(erf) = vpow2.f32 v39  }
0x131: {  	[tilespmem:s16+$0x90] =	vst v38;
	v38 =	vld [tilespmem:s17+$0xFFFFFE80];
	v58 =	vmul.f32 $2.000000030e-01, v37;
	v41 =	vmax.f32 v52, v56;
	(erf) = vpow2.f32 v36;
	v1 =	vpop (erf)  }
0x132: {  	[tilespmem:s16+$0xFFFFFE10] =	vst v47;
	v47 =	vld [tilespmem:s17+$0xFFFFFF80];
	v30 =	vmul.f32 $1.442695020e+00, v41;
	v31 =	vmax.f32 v55, v31;
	v59 =	vperm.xlane v1, v0  }
0x133: {  	v10 =	vperm.xlane v24, v3;
	v48 =	vld [tilespmem:s17+$0x80];
	[tilespmem:s16+$0x1B0] =	vst v40;
	v31 =	vmul.f32 $1.442695020e+00, v31  }
0x134: {  	[tilespmem:s16+$0xFFFFFFA0] =	vst v44;
	v60 =	vmax.f32 v37, v58;
	(erf) = vpow2.f32 v30;
	v30 =	vld [tilespmem:s24+$0xFFFFFE20];
	v61 =	vmul.f32 v57, v59  }
0x135: {  	s29 =	simm.s32 $0x8D00;
	[tilespmem:s16+$0xFFFFFF20] =	vst v50;
	v42 =	vld [tilespmem:s24+$0xFFFFFFB0];
	v62 =	vmul.f32 $1.442695020e+00, v60;
	(erf) = vpow2.f32 v31;
	v31 =	vnsel vm0, $0x0, v17  }
0x136: {  	v23 =	vnsel vm0, $0x0, v23;
	v15 =	vperm.xlane v21, v4;
	v37 =	vld [tilespmem:s24+$0xFFFFFF30];
	v17 =	vperm.xlane v25, v4;
	[tilespmem:s29+$0x180] =	vst v61  }
0x137: {  	[tilespmem:s16+$0xFFFFFF40] =	vst v23;
	(erf) = vpow2.f32 v62;
	v57 =	vperm.xlane v1, v2;
	v29 =	vpop (erf);
	v63 =	vld [tilespmem:s17+$0x190]  }
0x138: {  	v22 =	vnsel vm0, $0x0, v22;
	v53 =	vld [tilespmem:s17+$0xFFFFFF00];
	[tilespmem:s16+$0x1C0] =	vst v31;
	v55 =	vperm.xlane v29, v0;
	v49 =	vperm.xlane v29, v2;
	v31 =	vpop (erf)  }
0x139: {  	v52 =	vnsel vm0, $0x0, v20;
	v36 =	vld [tilespmem:s24+$0xFFFFFEB0];
	[tilespmem:s16+$0xFFFFFEC0] =	vst v22;
	v44 =	vperm.xlane v29, v3;
	v30 =	vmul.f32 v30, v35;
	v32 =	vpop (erf)  }
0x13a: {  	v51 =	vld [tilespmem:s17+$0xFFFFFE00];
	[tilespmem:s23+$0x40] =	vst v52;
	v22 =	vmul.f32 v38, v55;
	v23 =	vperm.xlane v32, v0;
	v33 =	vpop (erf)  }
0x13b: {  	v27 =	vnsel vm0, $0x0, v27;
	v43 =	vld [tilespmem:s24+$0x120];
	v56 =	vperm.xlane v31, v0;
	[tilespmem:s16+$0xFFFFFE20] =	vst v30;
	v20 =	vperm.xlane v33, v0  }
0x13c: {  	v46 =	vld [tilespmem:s24+$0xFFFFFE30];
	[tilespmem:s29+$0xFFFFFE80] =	vst v22;
	v22 =	vnsel vm0, $0x0, v18;
	v18 =	vmul.f32 v47, v23;
	v40 =	vmul.f32 v63, v57  }
0x13d: {  	v58 =	vmul.f32 v53, v56;
	[tilespmem:s16+$0xFFFFFE40] =	vst v27;
	v23 =	vnsel vm0, $0x0, v19;
	v53 =	vld [tilespmem:s17+$0xFFFFFE90];
	v19 =	vmul.f32 v28, v20  }
0x13e: {  	v39 =	vld [tilespmem:s24+$0xA0];
	v30 =	vperm.xlane v31, v2;
	v54 =	vperm.xlane v32, v2;
	v35 =	vpop (erf);
	[tilespmem:s29+$0xFFFFFF80] =	vst v18  }
0x13f: {  	v41 =	vld [tilespmem:s24+$0x20];
	v56 =	vperm.xlane v33, v2;
	v27 =	vperm.xlane v35, v0;
	[tilespmem:s29+$0x0] =	vst v19  }
0x140: {  	v52 =	vperm.xlane v33, v3;
	v59 =	vperm.xlane v35, v2;
	v55 =	vld [tilespmem:s17+$0xFFFFFF90];
	[tilespmem:s29+$0x190] =	vst v40;
	v40 =	vpop (erf)  }
0x141: {  	v18 =	vmul.f32 v48, v27;
	v57 =	vld [tilespmem:s17+$0x10];
	v27 =	vperm.xlane v40, v0;
	v47 =	vpop (erf)  }
0x142: {  	[tilespmem:s29+$0xFFFFFF00] =	vst v58;
	v20 =	vnsel vm0, $0x0, v26;
	v28 =	vld [tilespmem:s17+$0x1A0];
	v53 =	vmul.f32 v53, v49;
	v26 =	vperm.xlane v47, v0  }
0x143: {  	v38 =	vld [tilespmem:s17+$0xFFFFFF10];
	v19 =	vnsel vm0, $0x0, v24;
	[tilespmem:s29+$0x80] =	vst v18;
	v60 =	vperm.xlane v40, v2;
	v24 =	vmul.f32 v34, v27  }
0x144: {  	v48 =	vld [tilespmem:s20+$0xB0];
	v18 =	vnsel vm0, $0x0, v25;
	v58 =	vperm.xlane v47, v2;
	[tilespmem:s29+$0xFFFFFE90] =	vst v53;
	v25 =	vmul.f32 v51, v26  }
0x145: {  	v63 =	vmul.f32 v55, v54;
	v34 =	vld [tilespmem:s17+$0x90];
	v26 =	vperm.xlane v1, v3;
	[tilespmem:s29+$0x100] =	vst v24  }
0x146: {  	v21 =	vnsel vm0, $0x0, v21;
	v53 =	vperm.xlane v31, v3;
	v50 =	vmul.f32 v57, v56;
	[tilespmem:s29+$0xFFFFFE00] =	vst v25;
	v61 =	vld [tilespmem:s17+$0x110]  }
0x147: {  	[tilespmem:s16+$0xFFFFFFC0] =	vst v21;
	v54 =	vperm.xlane v32, v3;
	v21 =	vmul.f32 v28, v26;
	v62 =	vld [tilespmem:s17+$0xFFFFFE10]  }
0x148: {  	v49 =	vld [tilespmem:s20+$0x130];
	v27 =	vnsel vm0, $0x0, v1;
	v51 =	vperm.xlane v35, v3;
	[tilespmem:s29+$0x10] =	vst v50;
	v28 =	vmul.f32 v38, v30  }
0x149: {  	v55 =	vld [tilespmem:s17+$0xFFFFFEA0];
	v24 =	vnsel vm0, $0x0, v29;
	v50 =	vperm.xlane v1, v4;
	v26 =	vnsel vm0, $0x0, v31;
	[tilespmem:s29+$0x1A0] =	vst v21  }
0x14a: {  	v25 =	vnsel vm0, $0x0, v32;
	v38 =	vperm.xlane v47, v3;
	v30 =	vnsel vm0, $0x0, v35;
	[tilespmem:s29+$0xFFFFFF10] =	vst v28;
	v57 =	vld [tilespmem:s17+$0x1B0]  }
0x14b: {  	[tilespmem:s29+$0xFFFFFF90] =	vst v63;
	v21 =	vnsel vm0, $0x0, v33;
	v59 =	vmul.f32 v34, v59;
	v34 =	vnsel vm0, $0x0, v40;
	v56 =	vld [tilespmem:s17+$0xFFFFFF20]  }
0x14c: {  	s28 =	simm.s32 $0x1100;
	s18 =	simm.s32 $0x10;
	s20 =	sshll.u32 s19, $0x7;
	v28 =	vnsel vm0, $0x0, v47;
	v60 =	vmul.f32 v61, v60;
	v61 =	vmul.f32 v62, v58;
	v58 =	vld [tilespmem:s17+$0xFFFFFFA0]  }
.LBB2_5:
0x14d: {  	v62 =	vld [tilespmem:s28+$0x1C0];
	s7 =	sadd.s32 $0x400, s7  }
0x14e: {  	[tilespmem:s29+$0x90] =	vst v59;
	v1 =	vmov v52;
	v52 =	vld [tilespmem:s7+$0x180]  }
0x14f: {  	v63 =	vperm.xlane v40, v3;
	[tilespmem:s29+$0xFFFFFE10] =	vst v61;
	v59 =	vld [tilespmem:s28+$0xFFFFFF40]  }
0x150: {  	v39 =	vmul.f32 v39, v10;
	v10 =	vmov v51;
	v51 =	vld [tilespmem:s7+$0xFFFFFE00]  }
0x151: {  	v43 =	vmul.f32 v43, v11;
	v31 =	vperm.xlane v31, v4;
	[tilespmem:$0x1FFD0] =	vst v1;
	v11 =	vmov v63;
	v63 =	vld [tilespmem:s28+$0xFFFFFEC0]  }
0x152: {  	[tilespmem:s16+$0xA0] =	vst v39;
	v1 =	vld [tilespmem:$0x1FFE0];
	v53 =	vmul.f32 v56, v53  }
0x153: {  	v37 =	vmul.f32 v37, v14;
	[tilespmem:s29+$0x110] =	vst v60;
	v14 =	vmov v31;
	v31 =	vld [tilespmem:s7+$0x80];
	v58 =	vmul.f32 v58, v54  }
0x154: {  	v50 =	vmul.f32 v57, v50;
	v44 =	vmul.f32 v55, v44;
	v57 =	vld [tilespmem:s7+$0xFFFFFE80];
	[tilespmem:s29+$0xFFFFFF20] =	vst v53  }
0x155: {  	v41 =	vmul.f32 v41, v9;
	[tilespmem:s29+$0xFFFFFFA0] =	vst v58;
	v53 =	vld [tilespmem:s7+$0xFFFFFF00]  }
0x156: {  	[tilespmem:s29+$0xFFFFFEA0] =	vst v44;
	v44 =	vld [tilespmem:s28+$0xFFFFFFC0]  }
0x157: {  	v47 =	vperm.xlane v47, v4;
	v29 =	vperm.xlane v29, v4;
	v52 =	vadd.f32 v52, v62;
	[tilespmem:s16+$0x20] =	vst v41;
	v60 =	vld [tilespmem:s7+$0xFFFFFF80]  }
0x158: {  	v33 =	vperm.xlane v33, v4;
	v35 =	vperm.xlane v35, v4;
	v39 =	vld [tilespmem:s28+$0x40]  }
0x159: {  	v40 =	vperm.xlane v40, v4;
	[tilespmem:s16+$0x120] =	vst v43;
	v43 =	vld [tilespmem:s7+$0x0];
	v61 =	vmul.f32 $2.000000030e-01, v52  }
0x15a: {  	v46 =	vmul.f32 v46, v12;
	v36 =	vmul.f32 v36, v13;
	[tilespmem:s29+$0x1C0] =	vst v27;
	v56 =	vld [tilespmem:s28+$0xC0]  }
0x15b: {  	v13 =	vmovc v29;
	v45 =	vmul.f32 v45, v1;
	v1 =	vld [tilespmem:$0x1FFF0];
	v29 =	vadd.f32 v57, v63;
	v6 =	vmax.f32 v52, v61  }
0x15c: {  	v42 =	vmul.f32 v42, v15;
	[tilespmem:s16+$0xFFFFFE30] =	vst v46;
	v61 =	vld [tilespmem:s7+$0x100];
	v52 =	vmul.f32 $1.442695020e+00, v6  }
0x15d: {  	[tilespmem:s23+$0xC0] =	vst v22;
	v62 =	vmul.f32 $2.000000030e-01, v29;
	v63 =	vadd.f32 v53, v59;
	v59 =	vadd.f32 v60, v44;
	v60 =	vld [tilespmem:s28+$0x140]  }
0x15e: {  	[tilespmem:s29+$0x1B0] =	vst v50;
	v57 =	vmul.f32 v49, v7;
	v39 =	vadd.f32 v43, v39;
	(erf) = vpow2.f32 v52  }
0x15f: {  	v9 =	vmovc v33;
	v22 =	vmovc v19;
	[tilespmem:s16+$0xFFFFFF30] =	vst v37;
	v29 =	vmax.f32 v29, v62;
	v62 =	vld [tilespmem:s28+$0xFFFFFE40];
	v58 =	vmul.f32 $2.000000030e-01, v63;
	v41 =	vmul.f32 $2.000000030e-01, v59  }
0x160: {  	v19 =	vmovc v30;
	[tilespmem:s16+$0xFFFFFFB0] =	vst v42;
	v55 =	vld [tilespmem:s28+$0x180];
	v31 =	vadd.f32 v31, v56;
	v46 =	vmul.f32 v48, v1;
	v29 =	vmul.f32 $1.442695020e+00, v29  }
0x161: {  	v30 =	vld [tilespmem:s28+$0xFFFFFF80];
	v1 =	vmovc v16;
	v16 =	vmovc v35;
	v53 =	vmul.f32 $2.000000030e-01, v39;
	v33 =	vmax.f32 v63, v58;
	v35 =	vmax.f32 v59, v41  }
0x162: {  	[tilespmem:s16+$0xFFFFFEB0] =	vst v36;
	v37 =	vld [tilespmem:s17+$0xFFFFFF30];
	(erf) = vpow2.f32 v29;
	v33 =	vmul.f32 $1.442695020e+00, v33;
	v36 =	vadd.f32 v61, v60  }
0x163: {  	v42 =	vld [tilespmem:s17+$0xFFFFFFB0];
	v54 =	vmul.f32 $2.000000030e-01, v31;
	v29 =	vmax.f32 v39, v53;
	v35 =	vmul.f32 $1.442695020e+00, v35  }
0x164: {  	v5 =	vmovc v8;
	[tilespmem:s23+$0x30] =	vst v45;
	v45 =	vld [tilespmem:s28+$0xFFFFFF00];
	v27 =	vadd.f32 v51, v62;
	(erf) = vpow2.f32 v33;
	v56 =	vmul.f32 $2.000000030e-01, v36  }
0x165: {  	v8 =	vmovc v17;
	v17 =	vmovc v40;
	v40 =	vld [tilespmem:s28+$0x0];
	[tilespmem:s23+$0x130] =	vst v57;
	v31 =	vmax.f32 v31, v54;
	v29 =	vmul.f32 $1.442695020e+00, v29;
	(erf) = vpow2.f32 v35  }
0x166: {  	v48 =	vld [tilespmem:s28+$0xFFFFFE00];
	[tilespmem:s23+$0x140] =	vst v23;
	v31 =	vmul.f32 $1.442695020e+00, v31;
	v57 =	vmul.f32 $2.000000030e-01, v27;
	v33 =	vmax.f32 v36, v56  }
0x167: {  	[tilespmem:$0x1FFF0] =	vst v1;
	v49 =	vld [tilespmem:s28+$0x100];
	v50 =	vpop (erf);
	(erf) = vpow2.f32 v29;
	v1 =	vmul.f32 $1.442695020e+00, v33  }
0x168: {  	v59 =	vld [tilespmem:s17+$0xFFFFFE20];
	v27 =	vmax.f32 v27, v57;
	v58 =	vperm.xlane v50, v0;
	(erf) = vpow2.f32 v31  }
0x169: {  	v32 =	vperm.xlane v32, v4;
	v63 =	vld [tilespmem:s28+$0xFFFFFE80];
	v31 =	vmul.f32 $1.442695020e+00, v27  }
0x16a: {  	v43 =	vld [tilespmem:s17+$0x120];
	[tilespmem:s23+$0xB0] =	vst v46;
	(erf) = vpow2.f32 v1;
	v60 =	vmul.f32 v55, v58  }
0x16b: {  	v12 =	vmov v47;
	[tilespmem:$0x1FFE0] =	vst v5;
	s23 =	smov.u32 s16;
	s16 =	smov.u32 s29;
	s29 =	sadd.s32 $0x400, s29;
	v47 =	vld [tilespmem:s28+$0x80];
	v29 =	vpop (erf)  }
0x16c: {  	v41 =	vld [tilespmem:s17+$0x20];
	(erf) = vpow2.f32 v31;
	v61 =	vperm.xlane v29, v0;
	[tilespmem:s29+$0x180] =	vst v60  }
0x16d: {  	v15 =	vmov v32;
	v23 =	vmov v18;
	[tilespmem:s16+$0xFFFFFF40] =	vst v26;
	v1 =	vmul.f32 v59, v38;
	v52 =	vld [tilespmem:s28+$0x190];
	v31 =	vpop (erf)  }
0x16e: {  	v18 =	vmov v34;
	v36 =	vld [tilespmem:s17+$0xFFFFFEB0];
	[tilespmem:s16+$0xFFFFFEC0] =	vst v24;
	v34 =	vmul.f32 v63, v61;
	v5 =	vperm.xlane v31, v0;
	v32 =	vpop (erf)  }
0x16f: {  	v39 =	vld [tilespmem:s17+$0xA0];
	v51 =	vperm.xlane v29, v2;
	[tilespmem:s16+$0xFFFFFE20] =	vst v1;
	v63 =	vperm.xlane v32, v0  }
0x170: {  	v62 =	vnsel vm0, $0x0, v29;
	v60 =	vperm.xlane v50, v2;
	v46 =	vld [tilespmem:s17+$0xFFFFFE30];
	[tilespmem:s29+$0xFFFFFE80] =	vst v34;
	v61 =	vmul.f32 v45, v5;
	v33 =	vpop (erf)  }
0x171: {  	v24 =	vmov v62;
	[tilespmem:s16+$0xFFFFFE40] =	vst v28;
	v56 =	vld [tilespmem:s28+$0xFFFFFE90];
	v62 =	vperm.xlane v33, v0;
	v35 =	vpop (erf);
	v28 =	vmul.f32 v30, v63  }
0x172: {  	v45 =	vld [tilespmem:s24+$0x30];
	v52 =	vmul.f32 v52, v60;
	[tilespmem:s29+$0xFFFFFF00] =	vst v61;
	v63 =	vperm.xlane v35, v0  }
0x173: {  	v44 =	vperm.xlane v29, v3;
	v38 =	vld [tilespmem:s28+$0xFFFFFF10];
	v57 =	vmul.f32 v40, v62;
	v40 =	vpop (erf);
	[tilespmem:s29+$0xFFFFFF80] =	vst v28  }
0x174: {  	[tilespmem:s29+$0x190] =	vst v52;
	v52 =	vmul.f32 v47, v63;
	v59 =	vperm.xlane v40, v0;
	v63 =	vld [tilespmem:s28+$0xFFFFFF90]  }
0x175: {  	v55 =	vperm.xlane v31, v2;
	v54 =	vperm.xlane v32, v2;
	v47 =	vpop (erf);
	v60 =	vld [tilespmem:s28+$0x1A0];
	[tilespmem:s29+$0x0] =	vst v57  }
0x176: {  	v61 =	vperm.xlane v47, v0;
	v1 =	vld [tilespmem:s28+$0x10];
	[tilespmem:s29+$0x80] =	vst v52;
	v49 =	vmul.f32 v49, v59  }
0x177: {  	v53 =	vnsel vm0, $0x0, v32;
	v5 =	vperm.xlane v35, v2;
	[tilespmem:s16+$0xFFFFFFC0] =	vst v25;
	v6 =	vperm.xlane v40, v2;
	v59 =	vld [tilespmem:s28+$0x90]  }
0x178: {  	v25 =	vmov v53;
	v53 =	vperm.xlane v31, v3;
	v52 =	vmul.f32 v48, v61;
	v48 =	vld [tilespmem:s24+$0xB0];
	[tilespmem:s29+$0x100] =	vst v49  }
0x179: {  	v27 =	vnsel vm0, $0x0, v50;
	v51 =	vmul.f32 v56, v51;
	v61 =	vperm.xlane v50, v3;
	v7 =	vld [tilespmem:s28+$0x110]  }
0x17a: {  	s18 =	sadd.s32 $0x8, s18;
	v26 =	vnsel vm0, $0x0, v31;
	v62 =	vperm.xlane v47, v2;
	[tilespmem:s29+$0xFFFFFE00] =	vst v52;
	v52 =	vmul.f32 v38, v55;
	v49 =	vld [tilespmem:s24+$0x130]  }
0x17b: {  	p1 =	slt.u32 s18, $0x38;
	v58 =	vnsel vm0, $0x0, v33;
	v57 =	vperm.xlane v33, v2;
	[tilespmem:s29+$0xFFFFFE90] =	vst v51;
	v56 =	vmul.f32 v60, v61;
	v61 =	vld [tilespmem:s28+$0xFFFFFE10]  }
.Ltmp3:
0x17c: {  	v30 =	vnsel vm0, $0x0, v35;
	v51 =	vperm.xlane v35, v3;
	v55 =	vld [tilespmem:s28+$0xFFFFFEA0];
	v60 =	vmul.f32 v63, v54;
	[tilespmem:s29+$0xFFFFFF10] =	vst v52;
	(pc) =	sbr.rel @p1 .LBB2_5-.Ltmp3, $4  }
0x17d: {  	v34 =	vnsel vm0, $0x0, v40;
	v50 =	vperm.xlane v50, v4;
	v38 =	vperm.xlane v47, v3;
	[tilespmem:s29+$0x1A0] =	vst v56;
	v56 =	vld [tilespmem:s28+$0xFFFFFF20]  }
0x17e: {  	v28 =	vnsel vm0, $0x0, v47;
	s24 =	smov.u32 s17;
	s17 =	smov.u32 s28;
	v54 =	vperm.xlane v32, v3;
	v1 =	vmul.f32 v1, v57;
	[tilespmem:s29+$0xFFFFFF90] =	vst v60;
	v57 =	vld [tilespmem:s28+$0x1B0]  }
0x17f: {  	[tilespmem:s23+$0x40] =	vst v20;
	v20 =	vmovc v21;
	v21 =	vmov v58;
	v52 =	vperm.xlane v33, v3;
	v59 =	vmul.f32 v59, v5;
	v58 =	vld [tilespmem:s17+$0xFFFFFFA0]  }
0x180: {  	[tilespmem:s29+$0x10] =	vst v1;
	s28 =	sadd.s32 $0x400, s28;
	v60 =	vmul.f32 v7, v6;
	v7 =	vmovc v8;
	v8 =	vmov v9;
	v9 =	vld [tilespmem:$0x1FFD0];
	v61 =	vmul.f32 v61, v62  }
0x181: {  	[tilespmem:s29+$0x90] =	vst v59  }
0x182: {  	v5 =	vmul.f32 v55, v44;
	[tilespmem:s29+$0xFFFFFE10] =	vst v61  }
0x183: {  	[tilespmem:s29+$0x110] =	vst v60;
	v6 =	vmul.f32 v56, v53  }
0x184: {  	v1 =	vmul.f32 v57, v50;
	[tilespmem:s29+$0xFFFFFEA0] =	vst v5  }
0x185: {  	[tilespmem:s29+$0xFFFFFF20] =	vst v6;
	v6 =	vmul.f32 v39, v10  }
0x186: {  	[tilespmem:s29+$0x1B0] =	vst v1;
	v1 =	vmul.f32 v58, v54  }
0x187: {  	v5 =	vmul.f32 v41, v9;
	[tilespmem:s16+$0xA0] =	vst v6  }
0x188: {  	v6 =	vmul.f32 v36, v13;
	[tilespmem:s29+$0xFFFFFFA0] =	vst v1  }
0x189: {  	v1 =	vmul.f32 v43, v11;
	[tilespmem:s16+$0x20] =	vst v5  }
0x18a: {  	v5 =	vmul.f32 v46, v12;
	[tilespmem:s16+$0xFFFFFEB0] =	vst v6  }
0x18b: {  	[tilespmem:s16+$0x120] =	vst v1;
	v1 =	vmul.f32 v37, v14  }
0x18c: {  	[tilespmem:s16+$0xFFFFFE30] =	vst v5;
	v5 =	vmul.f32 v42, v15  }
0x18d: {  	v6 =	vld [tilespmem:$0x1FFE0];
	[tilespmem:s16+$0xFFFFFF30] =	vst v1  }
0x18e: {  	v1 =	vld [tilespmem:$0x1FFF0];
	[tilespmem:s16+$0xFFFFFFB0] =	vst v5  }
0x18f: {  	[tilespmem:s23+$0xC0] =	vst v22  }
0x190: {  	[tilespmem:s23+$0x140] =	vst v23  }
0x191: {  	v9 =	vld [tilespmem:s17+$0x120];
	[tilespmem:s29+$0x1C0] =	vst v27  }
0x192: {  	v5 =	vmul.f32 v49, v7;
	v7 =	vld [tilespmem:s17+$0xFFFFFEB0];
	[tilespmem:s29+$0xFFFFFEC0] =	vst v24;
	v6 =	vmul.f32 v45, v6  }
0x193: {  	v10 =	vld [tilespmem:s17+$0xFFFFFF30];
	[tilespmem:s29+$0xFFFFFF40] =	vst v26  }
0x194: {  	[tilespmem:s23+$0x30] =	vst v6;
	v6 =	vld [tilespmem:s17+$0xFFFFFE20]  }
0x195: {  	v12 =	vperm.xlane v40, v3;
	[tilespmem:s23+$0x130] =	vst v5;
	v5 =	vld [tilespmem:s17+$0xA0];
	v1 =	vmul.f32 v48, v1  }
0x196: {  	v11 =	vld [tilespmem:s17+$0xFFFFFFB0];
	[tilespmem:s29+$0xFFFFFFC0] =	vst v25  }
0x197: {  	v9 =	vmul.f32 v9, v12;
	[tilespmem:s23+$0xB0] =	vst v1;
	v1 =	vld [tilespmem:s17+$0x20]  }
0x198: {  	v13 =	vld [tilespmem:s24+$0x30];
	[tilespmem:s16+$0x40] =	vst v20  }
0x199: {  	v15 =	vperm.xlane v29, v4;
	[tilespmem:s29+$0x120] =	vst v9;
	v6 =	vmul.f32 v6, v38  }
0x19a: {  	v12 =	vld [tilespmem:s24+$0xB0];
	[tilespmem:s16+$0xC0] =	vst v19;
	v5 =	vmul.f32 v5, v51  }
0x19b: {  	v7 =	vmul.f32 v7, v15;
	[tilespmem:s29+$0xFFFFFE20] =	vst v6  }
0x19c: {  	[tilespmem:s29+$0xA0] =	vst v5;
	v5 =	vperm.xlane v32, v4;
	v1 =	vmul.f32 v1, v52;
	v6 =	vld [tilespmem:s17+$0xFFFFFE30]  }
0x19d: {  	[tilespmem:s29+$0xFFFFFEB0] =	vst v7  }
0x19e: {  	v5 =	vmul.f32 v11, v5;
	[tilespmem:s29+$0x20] =	vst v1;
	v1 =	vperm.xlane v31, v4  }
0x19f: {  	v14 =	vperm.xlane v47, v4;
	[tilespmem:s29+$0xFFFFFE40] =	vst v28  }
0x1a0: {  	[tilespmem:s29+$0xFFFFFFB0] =	vst v5;
	v5 =	vld [tilespmem:s17+$0x30];
	v1 =	vmul.f32 v10, v1  }
0x1a1: {  	[tilespmem:s29+$0x40] =	vst v21;
	v6 =	vmul.f32 v6, v14;
	v14 =	vld [tilespmem:s24+$0x130]  }
0x1a2: {  	[tilespmem:s29+$0xFFFFFF30] =	vst v1;
	v1 =	vmul.f32 v12, v16  }
0x1a3: {  	[tilespmem:s29+$0xFFFFFE30] =	vst v6;
	v6 =	vmul.f32 v13, v8  }
0x1a4: {  	[tilespmem:s16+$0xB0] =	vst v1;
	v1 =	vld [tilespmem:s17+$0x130]  }
0x1a5: {  	[tilespmem:s16+$0x30] =	vst v6;
	v6 =	vld [tilespmem:s17+$0xB0]  }
0x1a6: {  	[tilespmem:s16+$0x140] =	vst v18;
	v8 =	vperm.xlane v33, v4;
	v7 =	vmul.f32 v14, v17  }
0x1a7: {  	v9 =	vperm.xlane v40, v4;
	[tilespmem:s29+$0x140] =	vst v34  }
0x1a8: {  	v5 =	vmul.f32 v5, v8;
	[tilespmem:s16+$0x130] =	vst v7;
	v7 =	vperm.xlane v35, v4  }
0x1a9: {  	[tilespmem:s29+$0xC0] =	vst v30;
	v1 =	vmul.f32 v1, v9  }
0x1aa: {  	[tilespmem:s29+$0x30] =	vst v5;
	v6 =	vmul.f32 v6, v7  }
0x1ab: {  	[tilespmem:s29+$0x130] =	vst v1  }
0x1ac: {  	[tilespmem:s29+$0xB0] =	vst v6  }
0x1ad: {  	v1 =	vld [tilespmem:$0x100]  }
0x1ae: {  	v5 =	vld [tilespmem:$0x110]  }
0x1af: {  	v6 =	vld [tilespmem:$0x120]  }
0x1b0: {  	v7 =	vld [tilespmem:$0x130];
	_ =	sdelay $0x1  }
0x1b1: {  	[tilespmem:$0x200] =	vst v1  }
0x1b2: {  	p1 =	seq.s32 s19, $0x4E;
	[tilespmem:$0x210] =	vst v5  }
0x1b3: {  	s7 =	sadd.s32 @!p1 s20, s21;
	[tilespmem:$0x220] =	vst v6  }
0x1b4: {  	s7 =	sshrl.u32 @!p1 s7, $0x3;
	[tilespmem:$0x230] =	vst v7  }
0x1b5: {  	[spmem:s2] =	stream.indirect.scatter.add.f32 [tilespmem:s25], [sflag:$0x7], $0x80, s11, s30, $0xb8;
	[tilespmem:$0x1FF00] =	vst v63  }
0x1b6: {  	s17 =	simm.s32 @!p1 $0x0;
	s16 =	sadd.s32 @!p1 s4, s7  }
0x1b7: {  	[tilespmem:s17], [sflag:$0x1] =	stream.linear.gather @!p1 [hbm4b:s16+s17], $0x40, $0x38;
	[tilespmem:$0x1FF00] =	vst v63  }
0x1b8: {  	s7 =	sadd.s32 @!p1 s5, s7;
	s16 =	simm.s32 @!p1 $0x100  }
0x1b9: {  	[tilespmem:s16], [sflag:$0x1] =	stream.linear.gather @!p1 [hbm4b:s7+s17], $0x40, $0x38;
	[tilespmem:$0x1FF00] =	vst v63  }
0x1ba: {  	s7 =	simm.s32 @!p1 $0x1  }
0x1bb: {  	_ =	swait.ge @!p1 [sflag:s7], $0x40  }
0x1bc: {  	[sflag:s7] =	ssyncset.done @!p1 $0x0  }
0x1bd: {  	[sflag:s7] =	ssyncadd.s32 @!p1 $0xFFFFFFC0  }
0x1be: {  	_ =	swait.ge @!p1 [sflag:s7], $0x40  }
0x1bf: {  	[sflag:s7] =	ssyncset.done @!p1 $0x0  }
0x1c0: {  	s18 =	simm.s32 @!p1 $0x300;
	[sflag:s7] =	ssyncadd.s32 @!p1 $0xFFFFFFC0;
	s7 =	simm.s32 @!p1 $0x40  }
0x1c1: {  	[tilespmem:s18], [sflag:$0x3] =	stream.indirect.gather @!p1 [hbm4b:s6+s7], $0x80, s17, s7, $0xb8;
	[tilespmem:$0x1FF00] =	vst v63  }
0x1c2: {  	s17 =	simm.s32 @!p1 $0x2300  }
0x1c3: {  	[tilespmem:s17], [sflag:$0x4] =	stream.indirect.gather @!p1 [hbm4b:s6+s7], $0x80, s16, s7, $0xb8;
	[tilespmem:$0x1FF00] =	vst v63  }
0x1c4: {  	_ =	swait.ge [sflag:s12], $0x2000  }
0x1c5: {  	[sflag:s12] =	ssyncset.done $0x0  }
0x1c6: {  	[sflag:s12] =	ssyncadd.s32 $0xFFFFE000  }
0x1c7: {  	_ =	swait.ge [sflag:s13], $0x2000  }
0x1c8: {  	[sflag:s13] =	ssyncset.done $0x0  }
0x1c9: {  	s7 =	simm.s32 @!p0 $0x8;
	[sflag:s13] =	ssyncadd.s32 $0xFFFFE000  }
0x1ca: {  	_ =	swait.ge @!p0 [sflag:s7], $0x2000  }
0x1cb: {  	[sflag:s7] =	ssyncset.done @!p0 $0x0  }
0x1cc: {  	s29 =	simm.s32 $0x4500;
	[sflag:s7] =	ssyncadd.s32 @!p0 $0xFFFFE000  }
0x1cd: {  	s17 =	simm.s32 $0x6550;
	v1 =	vld [tilespmem:s29+$0x1C0]  }
0x1ce: {  	v5 =	vld [tilespmem:s17+$0x180];
	_ =	sdelay $0x1  }
0x1cf: {  	v7 =	vld [tilespmem:s29+$0xFFFFFEC0]  }
0x1d0: {  	v8 =	vld [tilespmem:s17+$0xFFFFFE80]  }
0x1d1: {  	v9 =	vld [tilespmem:s29+$0xFFFFFF40]  }
0x1d2: {  	v10 =	vld [tilespmem:s29+$0xFFFFFFC0];
	v1 =	vadd.f32 v5, v1  }
0x1d3: {  	v5 =	vld [tilespmem:s17+$0xFFFFFF00]  }
0x1d4: {  	v12 =	vld [tilespmem:s17+$0xFFFFFF80];
	v11 =	vmul.f32 $2.000000030e-01, v1  }
0x1d5: {  	v6 =	vld [tilespmem:s17+$0xFFFFFE00]  }
0x1d6: {  	v13 =	vld [tilespmem:s29+$0x40];
	v1 =	vmax.f32 v1, v11  }
0x1d7: {  	v7 =	vadd.f32 v8, v7;
	v8 =	vld [tilespmem:s17+$0x0];
	v1 =	vmul.f32 $1.442695020e+00, v1  }
0x1d8: {  	v14 =	vld [tilespmem:s17+$0x80];
	v5 =	vadd.f32 v5, v9  }
0x1d9: {  	v10 =	vadd.f32 v12, v10;
	v12 =	vld [tilespmem:s29+$0x140];
	v11 =	vmul.f32 $2.000000030e-01, v7;
	(erf) = vpow2.f32 v1  }
0x1da: {  	v9 =	vld [tilespmem:s29+$0xC0];
	v1 =	vmul.f32 $2.000000030e-01, v5  }
0x1db: {  	v7 =	vmax.f32 v7, v11;
	v11 =	vld [tilespmem:s17+$0x100]  }
0x1dc: {  	v15 =	vld [tilespmem:s29+$0xFFFFFE40];
	v8 =	vadd.f32 v8, v13;
	v1 =	vmax.f32 v5, v1;
	v5 =	vmul.f32 $2.000000030e-01, v10  }
0x1dd: {  	v7 =	vmul.f32 $1.442695020e+00, v7  }
0x1de: {  	v1 =	vmul.f32 $1.442695020e+00, v1;
	v5 =	vmax.f32 v10, v5;
	v10 =	vmul.f32 $2.000000030e-01, v8  }
0x1df: {  	(erf) = vpow2.f32 v7;
	v9 =	vadd.f32 v14, v9;
	v5 =	vmul.f32 $1.442695020e+00, v5  }
0x1e0: {  	(erf) = vpow2.f32 v1;
	v7 =	vmax.f32 v8, v10;
	v10 =	vadd.f32 v11, v12;
	v12 =	vld [tilespmem:s29+$0x180]  }
0x1e1: {  	v6 =	vadd.f32 v6, v15;
	v8 =	vmul.f32 $2.000000030e-01, v9;
	v7 =	vmul.f32 $1.442695020e+00, v7  }
0x1e2: {  	(erf) = vpow2.f32 v5;
	v1 =	vmul.f32 $2.000000030e-01, v10;
	v11 =	vpop (erf)  }
0x1e3: {  	v5 =	vmax.f32 v9, v8;
	v8 =	vmul.f32 $2.000000030e-01, v6;
	v9 =	vperm.xlane v11, v0  }
0x1e4: {  	v5 =	vmul.f32 $1.442695020e+00, v5;
	(erf) = vpow2.f32 v7;
	v1 =	vmax.f32 v10, v1  }
0x1e5: {  	v1 =	vmul.f32 $1.442695020e+00, v1;
	v7 =	vmul.f32 v12, v9  }
0x1e6: {  	s23 =	simm.s32 $0xA500;
	v6 =	vmax.f32 v6, v8;
	(erf) = vpow2.f32 v5  }
0x1e7: {  	v5 =	vmul.f32 $1.442695020e+00, v6;
	v6 =	vld [tilespmem:s29+$0xFFFFFF00];
	(erf) = vpow2.f32 v1;
	[tilespmem:s23+$0x180] =	vst v7  }
0x1e8: {  	v1 =	vld [tilespmem:s29+$0x190]  }
0x1e9: {  	v13 =	vpop (erf);
	(erf) = vpow2.f32 v5;
	v5 =	vld [tilespmem:s29+$0xFFFFFE80]  }
0x1ea: {  	v12 =	vpop (erf)  }
0x1eb: {  	v9 =	vperm.xlane v11, v2;
	v7 =	vld [tilespmem:s29+$0xFFFFFF80];
	v16 =	vperm.xlane v12, v0  }
0x1ec: {  	v10 =	vld [tilespmem:s29+$0x0];
	v14 =	vperm.xlane v13, v0  }
0x1ed: {  	v17 =	vld [tilespmem:s29+$0xFFFFFE00];
	v8 =	vpop (erf);
	v6 =	vmul.f32 v6, v16;
	v1 =	vmul.f32 v1, v9  }
0x1ee: {  	s18 =	simm.s32 $0x6950;
	v20 =	vpop (erf);
	v5 =	vmul.f32 v5, v14;
	v14 =	vperm.xlane v8, v0;
	v9 =	vld [tilespmem:s29+$0x100]  }
0x1ef: {  	v24 =	vld [tilespmem:s18+$0xFFFFFE00];
	v16 =	vperm.xlane v20, v0;
	v18 =	vpop (erf);
	[tilespmem:s23+$0x190] =	vst v1  }
0x1f0: {  	[tilespmem:s23+$0xFFFFFF00] =	vst v6;
	v1 =	vmul.f32 v7, v14;
	v19 =	vpop (erf);
	v7 =	vld [tilespmem:s29+$0x1A0]  }
0x1f1: {  	v15 =	vld [tilespmem:s29+$0x80];
	[tilespmem:s23+$0xFFFFFE80] =	vst v5;
	v6 =	vmul.f32 v10, v16;
	v10 =	vperm.xlane v19, v0  }
0x1f2: {  	s24 =	simm.s32 $0x4900;
	v21 =	vld [tilespmem:s29+$0xFFFFFE90]  }
0x1f3: {  	v27 =	vld [tilespmem:s24+$0xFFFFFEC0];
	[tilespmem:s23+$0x0] =	vst v6;
	v6 =	vmul.f32 v9, v10;
	v9 =	vperm.xlane v11, v3  }
0x1f4: {  	v30 =	vld [tilespmem:s18+$0xFFFFFE80];
	v5 =	vperm.xlane v18, v0  }
0x1f5: {  	v60 =	vld [tilespmem:s18+$0xFFFFFF00];
	v14 =	vpop (erf);
	[tilespmem:s23+$0x100] =	vst v6;
	v6 =	vmul.f32 v7, v9;
	v7 =	vperm.xlane v13, v2  }
0x1f6: {  	v61 =	vld [tilespmem:s24+$0xFFFFFFC0];
	[tilespmem:s23+$0xFFFFFF80] =	vst v1;
	v1 =	vmul.f32 v15, v5;
	v5 =	vperm.xlane v14, v0  }
0x1f7: {  	v16 =	vld [tilespmem:s29+$0xFFFFFF10];
	[tilespmem:s23+$0x1A0] =	vst v6;
	v6 =	vmul.f32 v21, v7  }
0x1f8: {  	[tilespmem:s23+$0x80] =	vst v1;
	v1 =	vmul.f32 v17, v5;
	v17 =	vld [tilespmem:s24+$0x1C0]  }
0x1f9: {  	[tilespmem:s23+$0xFFFFFE90] =	vst v6;
	v6 =	vld [tilespmem:s18+$0x180]  }
0x1fa: {  	v42 =	vld [tilespmem:s24+$0x40]  }
0x1fb: {  	v10 =	vld [tilespmem:s29+$0x10]  }
0x1fc: {  	v23 =	vperm.xlane v12, v2;
	v5 =	vld [tilespmem:s29+$0x90]  }
0x1fd: {  	[tilespmem:s23+$0xFFFFFE00] =	vst v1;
	v1 =	vld [tilespmem:s29+$0x110]  }
0x1fe: {  	v28 =	vperm.xlane v20, v2;
	v16 =	vmul.f32 v16, v23;
	v23 =	vld [tilespmem:s24+$0xFFFFFF40];
	v6 =	vadd.f32 v6, v17  }
0x1ff: {  	v29 =	vperm.xlane v18, v2;
	v31 =	vperm.xlane v19, v2;
	v9 =	vld [tilespmem:s29+$0xFFFFFE10]  }
0x200: {  	v27 =	vadd.f32 v30, v27;
	v10 =	vmul.f32 v10, v28;
	v7 =	vld [tilespmem:s29+$0x1B0];
	v28 =	vmul.f32 $2.000000030e-01, v6  }
0x201: {  	v5 =	vmul.f32 v5, v29;
	v29 =	vld [tilespmem:s18+$0xFFFFFF80]  }
0x202: {  	v43 =	vld [tilespmem:s18+$0x0];
	v45 =	vmul.f32 $2.000000030e-01, v27;
	v1 =	vmul.f32 v1, v31;
	v6 =	vmax.f32 v6, v28  }
0x203: {  	v15 =	vld [tilespmem:s29+$0xFFFFFF90];
	v31 =	vperm.xlane v11, v4;
	v6 =	vmul.f32 $1.442695020e+00, v6  }
0x204: {  	v44 =	vld [tilespmem:s24+$0xC0];
	v25 =	vperm.xlane v8, v2;
	v26 =	vperm.xlane v14, v2;
	v23 =	vadd.f32 v60, v23  }
0x205: {  	v46 =	vld [tilespmem:s18+$0x80];
	v31 =	vmul.f32 v7, v31;
	v7 =	vmax.f32 v27, v45;
	(erf) = vpow2.f32 v6  }
0x206: {  	v27 =	vld [tilespmem:s18+$0x100];
	v6 =	vmul.f32 v9, v26;
	v9 =	vmul.f32 $2.000000030e-01, v23;
	v26 =	vadd.f32 v29, v61  }
0x207: {  	v47 =	vadd.f32 v43, v42;
	v22 =	vperm.xlane v13, v3;
	v7 =	vmul.f32 $1.442695020e+00, v7;
	v29 =	vld [tilespmem:s24+$0x140]  }
0x208: {  	[tilespmem:s23+$0xFFFFFF10] =	vst v16;
	v16 =	vld [tilespmem:s24+$0xFFFFFE40];
	v17 =	vmul.f32 v15, v25;
	v9 =	vmax.f32 v23, v9;
	v23 =	vmul.f32 $2.000000030e-01, v26  }
0x209: {  	v62 =	vperm.xlane v12, v3;
	(erf) = vpow2.f32 v7  }
0x20a: {  	v50 =	vld [tilespmem:s24+$0xFFFFFE00];
	[tilespmem:s23+$0xFFFFFF90] =	vst v17;
	v17 =	vmax.f32 v26, v23;
	v23 =	vmul.f32 $2.000000030e-01, v47;
	v26 =	vadd.f32 v46, v44  }
0x20b: {  	v51 =	vld [tilespmem:s24+$0xFFFFFE80];
	v9 =	vmul.f32 $1.442695020e+00, v9;
	v17 =	vmul.f32 $1.442695020e+00, v17  }
0x20c: {  	v52 =	vld [tilespmem:s24+$0xFFFFFF80];
	v27 =	vadd.f32 v27, v29;
	v7 =	vmax.f32 v47, v23;
	v23 =	vmul.f32 $2.000000030e-01, v26  }
0x20d: {  	v16 =	vadd.f32 v24, v16;
	v29 =	vld [tilespmem:s24+$0x180];
	(erf) = vpow2.f32 v9;
	v7 =	vmul.f32 $1.442695020e+00, v7  }
0x20e: {  	v48 =	vld [tilespmem:s29+$0xFFFFFF20];
	v24 =	vmul.f32 $2.000000030e-01, v27;
	(erf) = vpow2.f32 v17;
	v23 =	vmax.f32 v26, v23  }
0x20f: {  	v21 =	vld [tilespmem:s29+$0xFFFFFEA0];
	v26 =	vmul.f32 $2.000000030e-01, v16;
	v17 =	vpop (erf);
	v23 =	vmul.f32 $1.442695020e+00, v23  }
0x210: {  	v54 =	vld [tilespmem:s24+$0x0];
	[tilespmem:s23+$0x10] =	vst v10;
	v24 =	vmax.f32 v27, v24;
	(erf) = vpow2.f32 v7;
	v53 =	vperm.xlane v17, v0  }
0x211: {  	v43 =	vld [tilespmem:s29+$0x20];
	v16 =	vmax.f32 v16, v26;
	v24 =	vmul.f32 $1.442695020e+00, v24;
	(erf) = vpow2.f32 v23  }
0x212: {  	v49 =	vld [tilespmem:s29+$0xFFFFFFA0];
	[tilespmem:s23+$0xFFFFFE10] =	vst v6;
	v16 =	vmul.f32 $1.442695020e+00, v16;
	v26 =	vmul.f32 v29, v53  }
0x213: {  	s16 =	simm.s32 $0xA900;
	[tilespmem:s23+$0x90] =	vst v5;
	v5 =	vmul.f32 v48, v62;
	v27 =	vld [tilespmem:s29+$0xFFFFFE20];
	(erf) = vpow2.f32 v24  }
0x214: {  	v38 =	vld [tilespmem:s29+$0xA0];
	v21 =	vmul.f32 v21, v22;
	(erf) = vpow2.f32 v16;
	[tilespmem:s16+$0x180] =	vst v26  }
0x215: {  	v63 =	vperm.xlane v8, v3;
	[tilespmem:s23+$0xFFFFFF20] =	vst v5;
	v22 =	vpop (erf);
	v10 =	vld [tilespmem:s24+$0x190]  }
0x216: {  	v25 =	vperm.xlane v14, v3;
	v36 =	vld [tilespmem:s29+$0xFFFFFF30];
	[tilespmem:s23+$0xFFFFFEA0] =	vst v21;
	v5 =	vperm.xlane v22, v0  }
0x217: {  	[tilespmem:s23+$0x110] =	vst v1;
	v37 =	vld [tilespmem:s29+$0xFFFFFEB0];
	v1 =	vmul.f32 v49, v63;
	v24 =	vperm.xlane v17, v2;
	v23 =	vpop (erf)  }
0x218: {  	v9 =	vld [tilespmem:s24+$0xFFFFFF00];
	v5 =	vmul.f32 v51, v5;
	v25 =	vmul.f32 v27, v25;
	v21 =	vpop (erf)  }
0x219: {  	[tilespmem:s23+$0xFFFFFFA0] =	vst v1;
	v7 =	vld [tilespmem:s24+$0x80];
	v27 =	vperm.xlane v21, v0  }
0x21a: {  	v6 =	vld [tilespmem:s24+$0x100];
	[tilespmem:s16+$0xFFFFFE80] =	vst v5;
	v26 =	vpop (erf);
	v10 =	vmul.f32 v10, v24  }
0x21b: {  	v44 =	vld [tilespmem:s29+$0x120];
	v1 =	vperm.xlane v23, v0;
	[tilespmem:s23+$0xFFFFFE20] =	vst v25;
	v24 =	vpop (erf)  }
0x21c: {  	v29 =	vld [tilespmem:s29+$0xFFFFFFB0];
	v5 =	vmul.f32 v52, v27;
	v25 =	vpop (erf);
	[tilespmem:s16+$0x190] =	vst v10;
	v10 =	vperm.xlane v24, v0  }
0x21d: {  	v56 =	vld [tilespmem:s24+$0xFFFFFE90];
	v1 =	vmul.f32 v9, v1;
	v9 =	vperm.xlane v26, v0;
	v27 =	vpop (erf)  }
0x21e: {  	[tilespmem:s16+$0xFFFFFF80] =	vst v5;
	v55 =	vld [tilespmem:s24+$0x1A0];
	v5 =	vmul.f32 v7, v10;
	v7 =	vperm.xlane v27, v0  }
0x21f: {  	v40 =	vld [tilespmem:s29+$0xFFFFFE30];
	[tilespmem:s16+$0xFFFFFF00] =	vst v1;
	v1 =	vmul.f32 v54, v9;
	v9 =	vperm.xlane v25, v0  }
0x220: {  	v33 =	vperm.xlane v13, v4;
	v57 =	vld [tilespmem:s24+$0xFFFFFF10];
	[tilespmem:s16+$0x80] =	vst v5;
	v5 =	vmul.f32 v50, v7  }
0x221: {  	[tilespmem:s16+$0x0] =	vst v1;
	v10 =	vld [tilespmem:s24+$0xFFFFFF90];
	v1 =	vmul.f32 v6, v9;
	v6 =	vperm.xlane v17, v3  }
0x222: {  	v32 =	vperm.xlane v12, v4;
	v58 =	vld [tilespmem:s24+$0x10];
	[tilespmem:s16+$0xFFFFFE00] =	vst v5;
	v5 =	vperm.xlane v20, v4  }
0x223: {  	v30 =	vperm.xlane v19, v3;
	[tilespmem:s16+$0x100] =	vst v1;
	v59 =	vld [tilespmem:s24+$0x90];
	v1 =	vmul.f32 v55, v6  }
0x224: {  	v34 =	vperm.xlane v14, v4;
	v15 =	vperm.xlane v20, v3;
	v41 =	vld [tilespmem:s24+$0x110];
	[tilespmem:$0x1FFB0] =	vst v5  }
0x225: {  	v28 =	vperm.xlane v18, v3;
	[tilespmem:s16+$0x1A0] =	vst v1;
	v1 =	vperm.xlane v18, v4  }
0x226: {  	v43 =	vmul.f32 v43, v15;
	v7 =	vperm.xlane v23, v2  }
0x227: {  	v32 =	vmul.f32 v36, v32;
	v28 =	vmul.f32 v38, v28;
	v46 =	vld [tilespmem:s24+$0xFFFFFE10];
	[tilespmem:$0x1FFC0] =	vst v1  }
0x228: {  	s17 =	simm.s32 $0x4D00;
	v16 =	vperm.xlane v8, v4;
	v60 =	vmul.f32 v57, v7;
	v42 =	vld [tilespmem:s24+$0x1B0]  }
0x229: {  	s7 =	simm.s32 $0x6D50;
	v33 =	vmul.f32 v37, v33;
	v30 =	vmul.f32 v44, v30;
	v63 =	vld [tilespmem:s17+$0x1C0]  }
0x22a: {  	v47 =	vperm.xlane v22, v3;
	v29 =	vmul.f32 v29, v16;
	[tilespmem:s16+$0xFFFFFF10] =	vst v60;
	v60 =	vld [tilespmem:s7+$0x180]  }
0x22b: {  	v54 =	vperm.xlane v23, v3;
	v16 =	vperm.xlane v24, v4;
	v51 =	vld [tilespmem:s17+$0xFFFFFEC0]  }
0x22c: {  	v62 =	vperm.xlane v25, v2;
	v34 =	vmul.f32 v40, v34;
	v57 =	vld [tilespmem:s7+$0xFFFFFE80]  }
0x22d: {  	v61 =	vperm.xlane v27, v2;
	v9 =	vperm.xlane v22, v2;
	v38 =	vld [tilespmem:s7+$0xFFFFFF00]  }
0x22e: {  	v35 =	vperm.xlane v27, v3;
	v41 =	vmul.f32 v41, v62;
	v62 =	vnsel vm0, $0x0, v11;
	v39 =	vld [tilespmem:s17+$0xFFFFFFC0]  }
0x22f: {  	v9 =	vmul.f32 v56, v9;
	v6 =	vperm.xlane v21, v2;
	[tilespmem:s23+$0x1C0] =	vst v62;
	v62 =	vld [tilespmem:s17+$0x40]  }
0x230: {  	v7 =	vperm.xlane v19, v4;
	v55 =	vperm.xlane v21, v3;
	v49 =	vld [tilespmem:s17+$0xC0]  }
0x231: {  	v13 =	vnsel vm0, $0x0, v13;
	v11 =	vperm.xlane v25, v3;
	v1 =	vmul.f32 v10, v6;
	[tilespmem:s16+$0xFFFFFE90] =	vst v9;
	v40 =	vld [tilespmem:s17+$0x140]  }
0x232: {  	v8 =	vnsel vm0, $0x0, v8;
	v10 =	vperm.xlane v24, v3;
	v9 =	vperm.xlane v26, v2;
	[tilespmem:s23+$0xFFFFFEC0] =	vst v13;
	v48 =	vld [tilespmem:s24+$0xFFFFFEA0]  }
0x233: {  	v13 =	vperm.xlane v22, v4;
	v50 =	vld [tilespmem:s24+$0xFFFFFF20];
	[tilespmem:s16+$0xFFFFFF90] =	vst v1;
	v1 =	vperm.xlane v24, v2;
	v15 =	vadd.f32 v60, v63  }
0x234: {  	[tilespmem:s23+$0xFFFFFFC0] =	vst v8;
	v8 =	vperm.xlane v26, v4;
	v52 =	vld [tilespmem:s24+$0xFFFFFFA0];
	v45 =	vmul.f32 v58, v9  }
0x235: {  	v1 =	vmul.f32 v59, v1;
	v59 =	vld [tilespmem:s17+$0xFFFFFF40];
	v60 =	vmul.f32 $2.000000030e-01, v15  }
0x236: {  	[tilespmem:s23+$0x1B0] =	vst v31;
	v46 =	vmul.f32 v46, v61;
	v61 =	vperm.xlane v17, v4;
	v58 =	vld [tilespmem:s7+$0xFFFFFF80];
	v63 =	vnsel vm0, $0x0, v12  }
0x237: {  	v9 =	vperm.xlane v26, v3;
	v31 =	vmul.f32 v48, v47;
	[tilespmem:s23+$0xFFFFFF40] =	vst v63;
	v63 =	vld [tilespmem:s7+$0x0];
	v48 =	vmax.f32 v15, v60  }
0x238: {  	v42 =	vmul.f32 v42, v61;
	v51 =	vadd.f32 v57, v51;
	v57 =	vld [tilespmem:s7+$0x100];
	v48 =	vmul.f32 $1.442695020e+00, v48  }
0x239: {  	[tilespmem:s16+$0x110] =	vst v41;
	v12 =	vperm.xlane v27, v4;
	v50 =	vmul.f32 v50, v54;
	v54 =	vld [tilespmem:s7+$0x80]  }
0x23a: {  	[tilespmem:s16+$0x90] =	vst v1;
	v1 =	vmul.f32 $2.000000030e-01, v51;
	v38 =	vadd.f32 v38, v59;
	(erf) = vpow2.f32 v48  }
0x23b: {  	v56 =	vld [tilespmem:s7+$0xFFFFFE00];
	[tilespmem:s23+$0x20] =	vst v43;
	v61 =	vnsel vm0, $0x0, v14;
	v44 =	vmul.f32 v52, v55;
	v39 =	vadd.f32 v58, v39  }
0x23c: {  	[tilespmem:s23+$0xA0] =	vst v28;
	v58 =	vld [tilespmem:s17+$0xFFFFFE40];
	v1 =	vmax.f32 v51, v1;
	v55 =	vmul.f32 $2.000000030e-01, v38;
	v60 =	vadd.f32 v63, v62  }
0x23d: {  	[tilespmem:s23+$0x120] =	vst v30;
	v59 =	vmul.f32 $2.000000030e-01, v39;
	v1 =	vmul.f32 $1.442695020e+00, v1;
	v40 =	vadd.f32 v57, v40  }
0x23e: {  	[tilespmem:s23+$0xFFFFFE40] =	vst v61;
	v52 =	vadd.f32 v54, v49;
	v61 =	vmax.f32 v38, v55;
	v62 =	vmul.f32 $2.000000030e-01, v60  }
0x23f: {  	v53 =	vld [tilespmem:s17+$0xFFFFFF00];
	[tilespmem:s16+$0xFFFFFEA0] =	vst v31;
	v39 =	vmax.f32 v39, v59;
	v31 =	vmul.f32 $1.442695020e+00, v61;
	(erf) = vpow2.f32 v1  }
0x240: {  	v28 =	vld [tilespmem:s17+$0x0];
	[tilespmem:s23+$0xFFFFFE30] =	vst v34;
	v39 =	vmul.f32 $1.442695020e+00, v39;
	v54 =	vmul.f32 $2.000000030e-01, v52;
	v1 =	vmax.f32 v60, v62  }
0x241: {  	[tilespmem:s23+$0xFFFFFEB0] =	vst v33;
	v37 =	vadd.f32 v56, v58;
	v55 =	vld [tilespmem:s17+$0x180];
	(erf) = vpow2.f32 v31;
	v1 =	vmul.f32 $1.442695020e+00, v1  }
0x242: {  	v43 =	vld [tilespmem:s24+$0x120];
	[tilespmem:s16+$0x10] =	vst v45;
	v31 =	vmul.f32 $2.000000030e-01, v40;
	(erf) = vpow2.f32 v39  }
0x243: {  	v45 =	vld [tilespmem:s29+$0x30];
	[tilespmem:s16+$0xFFFFFF20] =	vst v50;
	v57 =	vmul.f32 $2.000000030e-01, v37;
	(erf) = vpow2.f32 v1;
	v50 =	vpop (erf)  }
0x244: {  	v41 =	vld [tilespmem:s24+$0x20];
	[tilespmem:s16+$0xFFFFFFA0] =	vst v44;
	v36 =	vmax.f32 v52, v54;
	v31 =	vmax.f32 v40, v31;
	v59 =	vperm.xlane v50, v0  }
0x245: {  	[tilespmem:s16+$0x1B0] =	vst v42;
	v42 =	vld [tilespmem:s24+$0xFFFFFFB0];
	v30 =	vmul.f32 $1.442695020e+00, v36;
	v1 =	vmul.f32 $1.442695020e+00, v31;
	v31 =	vmax.f32 v37, v57  }
0x246: {  	[tilespmem:s16+$0xFFFFFE10] =	vst v46;
	v63 =	vld [tilespmem:s17+$0xFFFFFE80];
	v31 =	vmul.f32 $1.442695020e+00, v31;
	v61 =	vmul.f32 v55, v59  }
0x247: {  	s18 =	simm.s32 $0xAD00;
	[tilespmem:s23+$0xFFFFFFB0] =	vst v29;
	v14 =	vperm.xlane v23, v4;
	(erf) = vpow2.f32 v30;
	v30 =	vld [tilespmem:s24+$0xFFFFFE20]  }
0x248: {  	v15 =	vperm.xlane v21, v4;
	v38 =	vld [tilespmem:s17+$0xFFFFFE00];
	(erf) = vpow2.f32 v1;
	v1 =	vnsel vm0, $0x0, v17;
	v29 =	vpop (erf);
	[tilespmem:s18+$0x180] =	vst v61  }
0x249: {  	v17 =	vperm.xlane v25, v4;
	[tilespmem:s16+$0x1C0] =	vst v1;
	v1 =	vperm.xlane v29, v0;
	v62 =	vld [tilespmem:s17+$0x190]  }
0x24a: {  	[tilespmem:s23+$0xFFFFFF30] =	vst v32;
	v22 =	vnsel vm0, $0x0, v22;
	v56 =	vld [tilespmem:s17+$0xFFFFFF80];
	(erf) = vpow2.f32 v31;
	v49 =	vperm.xlane v29, v2;
	v31 =	vpop (erf)  }
0x24b: {  	v23 =	vnsel vm0, $0x0, v23;
	v36 =	vld [tilespmem:s24+$0xFFFFFEB0];
	[tilespmem:s16+$0xFFFFFEC0] =	vst v22;
	v1 =	vmul.f32 v63, v1;
	v22 =	vperm.xlane v31, v0;
	v32 =	vpop (erf)  }
0x24c: {  	v27 =	vnsel vm0, $0x0, v27;
	v37 =	vld [tilespmem:s24+$0xFFFFFF30];
	[tilespmem:s16+$0xFFFFFF40] =	vst v23;
	v63 =	vperm.xlane v50, v2;
	v30 =	vmul.f32 v30, v35;
	v33 =	vpop (erf)  }
0x24d: {  	v51 =	vnsel vm0, $0x0, v20;
	v58 =	vld [tilespmem:s17+$0x80];
	v23 =	vperm.xlane v32, v0;
	[tilespmem:s18+$0xFFFFFE80] =	vst v1;
	v20 =	vperm.xlane v33, v0  }
0x24e: {  	[tilespmem:s16+$0xFFFFFE20] =	vst v30;
	v30 =	vmul.f32 v53, v22;
	v52 =	vld [tilespmem:s17+$0xFFFFFE90];
	v22 =	vnsel vm0, $0x0, v18;
	v40 =	vmul.f32 v62, v63  }
0x24f: {  	v18 =	vmul.f32 v56, v23;
	v23 =	vnsel vm0, $0x0, v19;
	v46 =	vld [tilespmem:s24+$0xFFFFFE30];
	[tilespmem:s16+$0xFFFFFE40] =	vst v27;
	v19 =	vmul.f32 v28, v20  }
0x250: {  	v60 =	vld [tilespmem:s17+$0x100];
	v44 =	vperm.xlane v29, v3;
	v1 =	vperm.xlane v31, v2;
	v35 =	vpop (erf);
	[tilespmem:s18+$0xFFFFFF00] =	vst v30  }
0x251: {  	v48 =	vld [tilespmem:s29+$0xB0];
	v53 =	vperm.xlane v32, v2;
	v27 =	vperm.xlane v35, v0;
	[tilespmem:s18+$0x0] =	vst v19  }
0x252: {  	v55 =	vperm.xlane v33, v2;
	v30 =	vld [tilespmem:s17+$0xFFFFFF10];
	v57 =	vperm.xlane v35, v2;
	[tilespmem:s18+$0x190] =	vst v40;
	v40 =	vpop (erf)  }
0x253: {  	[tilespmem:s18+$0xFFFFFF80] =	vst v18;
	v18 =	vmul.f32 v58, v27;
	v56 =	vld [tilespmem:s17+$0x10];
	v27 =	vperm.xlane v40, v0;
	v47 =	vpop (erf)  }
0x254: {  	[tilespmem:s23+$0x40] =	vst v51;
	v20 =	vnsel vm0, $0x0, v26;
	v54 =	vld [tilespmem:s17+$0xFFFFFF90];
	v52 =	vmul.f32 v52, v49;
	v26 =	vperm.xlane v47, v0  }
0x255: {  	v51 =	vperm.xlane v35, v3;
	v19 =	vnsel vm0, $0x0, v24;
	v28 =	vld [tilespmem:s17+$0x1A0];
	[tilespmem:s18+$0x80] =	vst v18;
	v24 =	vmul.f32 v60, v27  }
0x256: {  	v18 =	vnsel vm0, $0x0, v25;
	[tilespmem:s18+$0xFFFFFE90] =	vst v52;
	v52 =	vperm.xlane v33, v3;
	v34 =	vld [tilespmem:s17+$0x90];
	v25 =	vmul.f32 v38, v26  }
0x257: {  	v39 =	vld [tilespmem:s24+$0xA0];
	v1 =	vmul.f32 v30, v1;
	v58 =	vperm.xlane v47, v2;
	[tilespmem:s18+$0x100] =	vst v24  }
0x258: {  	v21 =	vnsel vm0, $0x0, v21;
	v63 =	vmul.f32 v56, v55;
	v26 =	vperm.xlane v50, v3;
	[tilespmem:s18+$0xFFFFFE00] =	vst v25;
	v61 =	vld [tilespmem:s17+$0x110]  }
0x259: {  	v30 =	vnsel vm0, $0x0, v35;
	v60 =	vperm.xlane v40, v2;
	v38 =	vperm.xlane v47, v3;
	v62 =	vld [tilespmem:s17+$0xFFFFFE10]  }
0x25a: {  	[tilespmem:s16+$0xFFFFFFC0] =	vst v21;
	v49 =	vld [tilespmem:s29+$0x130];
	v27 =	vnsel vm0, $0x0, v50;
	v50 =	vperm.xlane v50, v4;
	v21 =	vmul.f32 v28, v26  }
0x25b: {  	v55 =	vld [tilespmem:s17+$0xFFFFFEA0];
	[tilespmem:s18+$0xFFFFFF10] =	vst v1;
	v24 =	vnsel vm0, $0x0, v29;
	v59 =	vmul.f32 v34, v57;
	v28 =	vmul.f32 v54, v53  }
0x25c: {  	v56 =	vld [tilespmem:s17+$0xFFFFFF20];
	v34 =	vnsel vm0, $0x0, v40;
	v26 =	vnsel vm0, $0x0, v31;
	v25 =	vnsel vm0, $0x0, v32;
	[tilespmem:s18+$0x1A0] =	vst v21  }
0x25d: {  	v53 =	vperm.xlane v31, v3;
	v54 =	vperm.xlane v32, v3;
	v21 =	vnsel vm0, $0x0, v33;
	[tilespmem:s18+$0xFFFFFF90] =	vst v28;
	v57 =	vld [tilespmem:s17+$0x1B0]  }
0x25e: {  	s28 =	simm.s32 $0x5100;
	s29 =	simm.s32 $0x10;
	[tilespmem:s18+$0x10] =	vst v63;
	v28 =	vnsel vm0, $0x0, v47;
	v60 =	vmul.f32 v61, v60;
	v61 =	vmul.f32 v62, v58;
	v58 =	vld [tilespmem:s17+$0xFFFFFFA0]  }
.LBB2_7:
0x25f: {  	v1 =	vld [tilespmem:s28+$0x1C0]  }
0x260: {  	s7 =	sadd.s32 $0x400, s7;
	v62 =	vld [tilespmem:s28+$0xFFFFFEC0]  }
0x261: {  	v63 =	vperm.xlane v40, v3;
	v5 =	vmov v52;
	v52 =	vld [tilespmem:s7+$0x180];
	[tilespmem:s18+$0xFFFFFE10] =	vst v61  }
0x262: {  	v39 =	vmul.f32 v39, v10;
	v10 =	vmov v51;
	v51 =	vld [tilespmem:s7+$0xFFFFFE00]  }
0x263: {  	v43 =	vmul.f32 v43, v11;
	[tilespmem:s18+$0x90] =	vst v59;
	v11 =	vmov v63;
	v63 =	vld [tilespmem:s7+$0xFFFFFE80];
	v53 =	vmul.f32 v56, v53  }
0x264: {  	[tilespmem:$0x1FFA0] =	vst v5;
	v5 =	vld [tilespmem:$0x1FFB0];
	v50 =	vmul.f32 v57, v50;
	v57 =	vmul.f32 v58, v54  }
0x265: {  	v44 =	vmul.f32 v55, v44;
	v58 =	vld [tilespmem:s28+$0xFFFFFF40];
	[tilespmem:s18+$0xFFFFFF20] =	vst v53  }
0x266: {  	v41 =	vmul.f32 v41, v9;
	[tilespmem:s18+$0xFFFFFFA0] =	vst v57;
	v53 =	vld [tilespmem:s7+$0xFFFFFF00]  }
0x267: {  	[tilespmem:s18+$0xFFFFFEA0] =	vst v44;
	v44 =	vld [tilespmem:s28+$0xFFFFFFC0]  }
0x268: {  	v29 =	vperm.xlane v29, v4;
	v31 =	vperm.xlane v31, v4;
	v1 =	vadd.f32 v52, v1;
	[tilespmem:s16+$0x20] =	vst v41;
	v59 =	vld [tilespmem:s7+$0xFFFFFF80]  }
0x269: {  	v33 =	vperm.xlane v33, v4;
	v35 =	vperm.xlane v35, v4;
	[tilespmem:s18+$0x110] =	vst v60;
	v61 =	vld [tilespmem:s28+$0x40]  }
0x26a: {  	v36 =	vmul.f32 v36, v13;
	[tilespmem:s16+$0xA0] =	vst v39;
	v13 =	vmovc v29;
	v29 =	vadd.f32 v63, v62;
	v62 =	vld [tilespmem:s7+$0x0];
	v60 =	vmul.f32 $2.000000030e-01, v1  }
0x26b: {  	v40 =	vperm.xlane v40, v4;
	v37 =	vmul.f32 v37, v14;
	v14 =	vmov v31;
	v31 =	vld [tilespmem:s7+$0x80]  }
0x26c: {  	v46 =	vmul.f32 v46, v12;
	v42 =	vmul.f32 v42, v15;
	[tilespmem:s18+$0x1C0] =	vst v27;
	v54 =	vld [tilespmem:s28+$0xC0];
	v1 =	vmax.f32 v1, v60  }
0x26d: {  	[tilespmem:s16+$0x120] =	vst v43;
	v45 =	vmul.f32 v45, v5;
	v5 =	vld [tilespmem:$0x1FFC0];
	v1 =	vmul.f32 $1.442695020e+00, v1  }
0x26e: {  	[tilespmem:s16+$0xFFFFFE30] =	vst v46;
	v52 =	vmul.f32 $2.000000030e-01, v29;
	v53 =	vadd.f32 v53, v58;
	v57 =	vadd.f32 v59, v44;
	v58 =	vld [tilespmem:s28+$0x140]  }
0x26f: {  	v55 =	vmul.f32 v49, v7;
	[tilespmem:s23+$0xC0] =	vst v22;
	v59 =	vld [tilespmem:s28+$0xFFFFFE40];
	v39 =	vadd.f32 v62, v61;
	(erf) = vpow2.f32 v1  }
0x270: {  	[tilespmem:s16+$0xFFFFFEB0] =	vst v36;
	v1 =	vmax.f32 v29, v52;
	v29 =	vld [tilespmem:s7+$0x100];
	v56 =	vmul.f32 $2.000000030e-01, v53;
	v60 =	vmul.f32 $2.000000030e-01, v57  }
0x271: {  	v9 =	vmovc v33;
	v22 =	vmovc v19;
	v19 =	vmov v30;
	[tilespmem:s16+$0xFFFFFF30] =	vst v37;
	v1 =	vmul.f32 $1.442695020e+00, v1;
	v62 =	vmul.f32 $2.000000030e-01, v39  }
0x272: {  	[tilespmem:s16+$0xFFFFFFB0] =	vst v42;
	v36 =	vld [tilespmem:s17+$0xFFFFFEB0];
	v31 =	vadd.f32 v31, v54;
	v63 =	vmul.f32 v48, v5;
	v33 =	vmax.f32 v53, v56  }
0x273: {  	v37 =	vld [tilespmem:s17+$0xFFFFFF30];
	v5 =	vmovc v16;
	v16 =	vmovc v35;
	v35 =	vmax.f32 v57, v60;
	(erf) = vpow2.f32 v1;
	v30 =	vmax.f32 v39, v62  }
0x274: {  	[tilespmem:s18+$0x1B0] =	vst v50;
	v42 =	vld [tilespmem:s17+$0xFFFFFFB0];
	v53 =	vmul.f32 $2.000000030e-01, v31;
	v33 =	vmul.f32 $1.442695020e+00, v33;
	v27 =	vadd.f32 v51, v59  }
0x275: {  	[tilespmem:s23+$0x30] =	vst v45;
	v54 =	vld [tilespmem:s28+$0x180];
	v35 =	vmul.f32 $1.442695020e+00, v35;
	v30 =	vmul.f32 $1.442695020e+00, v30;
	v29 =	vadd.f32 v29, v58  }
0x276: {  	v6 =	vmovc v8;
	v8 =	vmovc v17;
	v17 =	vmov v40;
	v40 =	vld [tilespmem:s28+$0x0];
	(erf) = vpow2.f32 v33;
	v56 =	vmul.f32 $2.000000030e-01, v27  }
0x277: {  	v41 =	vld [tilespmem:s17+$0x20];
	[tilespmem:s23+$0x130] =	vst v55;
	v31 =	vmax.f32 v31, v53;
	v55 =	vmul.f32 $2.000000030e-01, v29;
	(erf) = vpow2.f32 v35  }
0x278: {  	v45 =	vld [tilespmem:s24+$0x30];
	v31 =	vmul.f32 $1.442695020e+00, v31;
	v50 =	vpop (erf);
	(erf) = vpow2.f32 v30  }
0x279: {  	v48 =	vld [tilespmem:s28+$0xFFFFFE00];
	v29 =	vmax.f32 v29, v55;
	v57 =	vperm.xlane v50, v0  }
0x27a: {  	[tilespmem:$0x1FFC0] =	vst v5;
	v27 =	vmax.f32 v27, v56;
	v30 =	vld [tilespmem:s17+$0xFFFFFE20];
	v5 =	vmul.f32 $1.442695020e+00, v29;
	(erf) = vpow2.f32 v31  }
0x27b: {  	v61 =	vld [tilespmem:s28+$0xFFFFFE80];
	[tilespmem:s23+$0x140] =	vst v23;
	v31 =	vmul.f32 $1.442695020e+00, v27;
	v33 =	vmul.f32 v54, v57  }
0x27c: {  	v32 =	vperm.xlane v32, v4;
	[tilespmem:s23+$0xB0] =	vst v63;
	v63 =	vld [tilespmem:s28+$0xFFFFFF00];
	s23 =	smov.u32 s16;
	s16 =	smov.u32 s18;
	s18 =	sadd.s32 $0x400, s18;
	(erf) = vpow2.f32 v5  }
0x27d: {  	v1 =	vld [tilespmem:s28+$0xFFFFFF80];
	v29 =	vpop (erf);
	(erf) = vpow2.f32 v31;
	[tilespmem:s18+$0x180] =	vst v33  }
0x27e: {  	[tilespmem:$0x1FFB0] =	vst v6;
	v58 =	vperm.xlane v29, v0;
	v35 =	vld [tilespmem:s28+$0x190]  }
0x27f: {  	v47 =	vperm.xlane v47, v4;
	v49 =	vld [tilespmem:s28+$0x100];
	[tilespmem:s16+$0xFFFFFEC0] =	vst v24;
	v30 =	vmul.f32 v30, v38;
	v31 =	vpop (erf)  }
0x280: {  	v15 =	vmov v32;
	v43 =	vld [tilespmem:s17+$0x120];
	[tilespmem:s16+$0xFFFFFF40] =	vst v26;
	v5 =	vmul.f32 v61, v58;
	v60 =	vperm.xlane v31, v0;
	v32 =	vpop (erf)  }
0x281: {  	v12 =	vmov v47;
	v47 =	vld [tilespmem:s28+$0x80];
	v62 =	vperm.xlane v50, v2;
	[tilespmem:s16+$0xFFFFFE20] =	vst v30;
	v61 =	vperm.xlane v32, v0;
	v33 =	vpop (erf)  }
0x282: {  	v39 =	vld [tilespmem:s17+$0xA0];
	[tilespmem:s18+$0xFFFFFE80] =	vst v5;
	v30 =	vmul.f32 v63, v60;
	v63 =	vperm.xlane v33, v0  }
0x283: {  	v46 =	vld [tilespmem:s17+$0xFFFFFE30];
	[tilespmem:s16+$0xFFFFFE40] =	vst v28;
	v1 =	vmul.f32 v1, v61;
	v53 =	vmul.f32 v35, v62;
	v35 =	vpop (erf)  }
0x284: {  	v51 =	vperm.xlane v29, v2;
	v55 =	vld [tilespmem:s28+$0xFFFFFE90];
	[tilespmem:s18+$0xFFFFFF00] =	vst v30;
	v28 =	vperm.xlane v35, v0  }
0x285: {  	v44 =	vperm.xlane v29, v3;
	v38 =	vld [tilespmem:s28+$0xFFFFFF10];
	v58 =	vmul.f32 v40, v63;
	v40 =	vpop (erf);
	[tilespmem:s18+$0xFFFFFF80] =	vst v1  }
0x286: {  	v59 =	vnsel vm0, $0x0, v29;
	[tilespmem:s18+$0x190] =	vst v53;
	v53 =	vperm.xlane v40, v0;
	v62 =	vld [tilespmem:s28+$0xFFFFFF90];
	v1 =	vmul.f32 v47, v28;
	v47 =	vpop (erf)  }
0x287: {  	v24 =	vmov v59;
	v54 =	vperm.xlane v31, v2;
	v59 =	vld [tilespmem:s28+$0x1A0];
	[tilespmem:s18+$0x0] =	vst v58;
	v60 =	vperm.xlane v47, v0  }
0x288: {  	v52 =	vnsel vm0, $0x0, v32;
	v57 =	vperm.xlane v32, v2;
	v63 =	vld [tilespmem:s28+$0x10];
	[tilespmem:s18+$0x80] =	vst v1;
	v1 =	vmul.f32 v49, v53  }
0x289: {  	[tilespmem:s16+$0xFFFFFFC0] =	vst v25;
	v25 =	vmov v52;
	v52 =	vperm.xlane v35, v2;
	v49 =	vmul.f32 v48, v60;
	v60 =	vld [tilespmem:s28+$0x90]  }
0x28a: {  	v5 =	vperm.xlane v40, v2;
	v58 =	vperm.xlane v33, v2;
	v48 =	vld [tilespmem:s24+$0xB0];
	[tilespmem:s18+$0x100] =	vst v1  }
0x28b: {  	v27 =	vnsel vm0, $0x0, v50;
	v61 =	vperm.xlane v47, v2;
	[tilespmem:s23+$0x40] =	vst v20;
	v1 =	vmul.f32 v55, v51;
	v6 =	vld [tilespmem:s28+$0x110]  }
0x28c: {  	s29 =	sadd.s32 $0x8, s29;
	v26 =	vnsel vm0, $0x0, v31;
	v53 =	vperm.xlane v50, v3;
	v51 =	vmul.f32 v38, v54;
	[tilespmem:s18+$0xFFFFFE00] =	vst v49;
	v49 =	vld [tilespmem:s24+$0x130]  }
0x28d: {  	p0 =	slt.u32 s29, $0x38;
	v56 =	vnsel vm0, $0x0, v33;
	v50 =	vperm.xlane v50, v4;
	v62 =	vmul.f32 v62, v57;
	v7 =	vld [tilespmem:s28+$0xFFFFFE10];
	[tilespmem:s18+$0xFFFFFE90] =	vst v1  }
.Ltmp4:
0x28e: {  	v23 =	vmovc v18;
	v30 =	vnsel vm0, $0x0, v35;
	v38 =	vperm.xlane v47, v3;
	v59 =	vmul.f32 v59, v53;
	[tilespmem:s18+$0xFFFFFF10] =	vst v51;
	v55 =	vld [tilespmem:s28+$0xFFFFFEA0];
	(pc) =	sbr.rel @p0 .LBB2_7-.Ltmp4, $4  }
0x28f: {  	v20 =	vmovc v21;
	v21 =	vmov v56;
	v54 =	vperm.xlane v32, v3;
	s24 =	smov.u32 s17;
	s17 =	smov.u32 s28;
	v53 =	vperm.xlane v31, v3;
	[tilespmem:s18+$0xFFFFFF90] =	vst v62;
	v56 =	vld [tilespmem:s28+$0xFFFFFF20]  }
0x290: {  	v18 =	vmovc v34;
	v34 =	vnsel vm0, $0x0, v40;
	v63 =	vmul.f32 v63, v58;
	v51 =	vperm.xlane v35, v3;
	[tilespmem:s18+$0x1A0] =	vst v59;
	v58 =	vld [tilespmem:s17+$0xFFFFFFA0]  }
0x291: {  	v28 =	vnsel vm0, $0x0, v47;
	v59 =	vmul.f32 v60, v52;
	v57 =	vld [tilespmem:s28+$0x1B0];
	v52 =	vperm.xlane v33, v3  }
0x292: {  	[tilespmem:s18+$0x10] =	vst v63;
	s28 =	sadd.s32 $0x400, s28;
	v60 =	vmul.f32 v6, v5;
	v61 =	vmul.f32 v7, v61;
	v7 =	vmovc v8;
	v8 =	vmov v9;
	v9 =	vld [tilespmem:$0x1FFA0]  }
0x293: {  	[tilespmem:s18+$0x90] =	vst v59  }
0x294: {  	v5 =	vmul.f32 v55, v44;
	[tilespmem:s18+$0xFFFFFE10] =	vst v61  }
0x295: {  	[tilespmem:s18+$0x110] =	vst v60;
	v6 =	vmul.f32 v56, v53  }
0x296: {  	[tilespmem:s18+$0xFFFFFEA0] =	vst v5;
	v1 =	vmul.f32 v57, v50  }
0x297: {  	[tilespmem:s18+$0xFFFFFF20] =	vst v6;
	v6 =	vmul.f32 v39, v10  }
0x298: {  	v5 =	vmul.f32 v41, v9;
	[tilespmem:s18+$0x1B0] =	vst v1  }
0x299: {  	v1 =	vmul.f32 v58, v54;
	[tilespmem:s16+$0xA0] =	vst v6  }
0x29a: {  	v6 =	vmul.f32 v36, v13;
	[tilespmem:s16+$0x20] =	vst v5  }
0x29b: {  	[tilespmem:s18+$0xFFFFFFA0] =	vst v1;
	v1 =	vmul.f32 v43, v11  }
0x29c: {  	v5 =	vmul.f32 v46, v12;
	[tilespmem:s16+$0xFFFFFEB0] =	vst v6  }
0x29d: {  	[tilespmem:s16+$0x120] =	vst v1;
	v1 =	vmul.f32 v37, v14  }
0x29e: {  	[tilespmem:s16+$0xFFFFFE30] =	vst v5;
	v5 =	vmul.f32 v42, v15  }
0x29f: {  	v6 =	vld [tilespmem:$0x1FFB0];
	[tilespmem:s16+$0xFFFFFF30] =	vst v1  }
0x2a0: {  	v1 =	vld [tilespmem:$0x1FFC0];
	[tilespmem:s16+$0xFFFFFFB0] =	vst v5  }
0x2a1: {  	[tilespmem:s23+$0xC0] =	vst v22  }
0x2a2: {  	[tilespmem:s23+$0x140] =	vst v23  }
0x2a3: {  	v53 =	vld [tilespmem:s17+$0x120];
	[tilespmem:s18+$0x1C0] =	vst v27  }
0x2a4: {  	v5 =	vmul.f32 v49, v7;
	v7 =	vld [tilespmem:s17+$0xFFFFFEB0];
	[tilespmem:s18+$0xFFFFFEC0] =	vst v24;
	v6 =	vmul.f32 v45, v6  }
0x2a5: {  	v54 =	vld [tilespmem:s17+$0xFFFFFF30];
	[tilespmem:s18+$0xFFFFFF40] =	vst v26  }
0x2a6: {  	[tilespmem:s23+$0x30] =	vst v6;
	v6 =	vld [tilespmem:s17+$0xFFFFFE20]  }
0x2a7: {  	v56 =	vperm.xlane v40, v3;
	v55 =	vld [tilespmem:s17+$0xFFFFFFB0];
	[tilespmem:s18+$0xFFFFFFC0] =	vst v25;
	v1 =	vmul.f32 v48, v1  }
0x2a8: {  	[tilespmem:s23+$0x130] =	vst v5;
	v5 =	vld [tilespmem:s17+$0xA0]  }
0x2a9: {  	v9 =	vmul.f32 v53, v56;
	[tilespmem:s23+$0xB0] =	vst v1;
	v1 =	vld [tilespmem:s17+$0x20]  }
0x2aa: {  	v59 =	vperm.xlane v29, v4;
	v57 =	vld [tilespmem:s24+$0x30];
	[tilespmem:s16+$0x40] =	vst v20  }
0x2ab: {  	v61 =	vld [tilespmem:s24+$0x130];
	[tilespmem:s18+$0x120] =	vst v9;
	v6 =	vmul.f32 v6, v38  }
0x2ac: {  	v60 =	vld [tilespmem:s24+$0xB0];
	[tilespmem:s16+$0xC0] =	vst v19;
	v7 =	vmul.f32 v7, v59  }
0x2ad: {  	v5 =	vmul.f32 v5, v51;
	[tilespmem:s18+$0xFFFFFE20] =	vst v6  }
0x2ae: {  	[tilespmem:s18+$0xFFFFFEB0] =	vst v7;
	v1 =	vmul.f32 v1, v52;
	v6 =	vld [tilespmem:s17+$0xFFFFFE30]  }
0x2af: {  	[tilespmem:s18+$0xA0] =	vst v5;
	v5 =	vperm.xlane v32, v4  }
0x2b0: {  	v7 =	vmul.f32 v61, v17;
	[tilespmem:s18+$0x20] =	vst v1;
	v1 =	vperm.xlane v31, v4  }
0x2b1: {  	v58 =	vperm.xlane v47, v4;
	[tilespmem:s16+$0x140] =	vst v18;
	v5 =	vmul.f32 v55, v5  }
0x2b2: {  	[tilespmem:s16+$0x130] =	vst v7;
	v1 =	vmul.f32 v54, v1  }
0x2b3: {  	[tilespmem:s18+$0xFFFFFFB0] =	vst v5;
	v6 =	vmul.f32 v6, v58  }
0x2b4: {  	v5 =	vld [tilespmem:s17+$0x30];
	[tilespmem:s18+$0xFFFFFF30] =	vst v1;
	v1 =	vmul.f32 v60, v16  }
0x2b5: {  	[tilespmem:s18+$0xFFFFFE30] =	vst v6;
	v6 =	vmul.f32 v57, v8  }
0x2b6: {  	[tilespmem:s16+$0xB0] =	vst v1;
	v1 =	vld [tilespmem:s17+$0x130]  }
0x2b7: {  	v62 =	vperm.xlane v33, v4;
	[tilespmem:s16+$0x30] =	vst v6;
	v6 =	vld [tilespmem:s17+$0xB0]  }
0x2b8: {  	[tilespmem:s18+$0xFFFFFE40] =	vst v28  }
0x2b9: {  	v63 =	vperm.xlane v40, v4;
	[tilespmem:s18+$0x40] =	vst v21;
	v5 =	vmul.f32 v5, v62  }
0x2ba: {  	v7 =	vperm.xlane v35, v4;
	[tilespmem:s18+$0x140] =	vst v34  }
0x2bb: {  	[tilespmem:s18+$0x30] =	vst v5;
	v1 =	vmul.f32 v1, v63  }
0x2bc: {  	[tilespmem:s18+$0xC0] =	vst v30;
	v6 =	vmul.f32 v6, v7  }
0x2bd: {  	[tilespmem:s18+$0x130] =	vst v1  }
0x2be: {  	[tilespmem:s18+$0xB0] =	vst v6  }
0x2bf: {  	v1 =	vld [tilespmem:$0x180]  }
0x2c0: {  	v5 =	vld [tilespmem:$0x190]  }
0x2c1: {  	v6 =	vld [tilespmem:$0x1A0]  }
0x2c2: {  	v7 =	vld [tilespmem:$0x1B0];
	_ =	sdelay $0x1  }
.Ltmp5:
0x2c3: {  	[tilespmem:$0x280] =	vst v1;
	(pc) =	sbr.rel @p1 .LBB2_10-.Ltmp5, $4  }
0x2c4: {  	[tilespmem:$0x290] =	vst v5  }
0x2c5: {  	[tilespmem:$0x2A0] =	vst v6  }
0x2c6: {  	[tilespmem:$0x2B0] =	vst v7  }
0x2c7: {  	[spmem:s2] =	stream.indirect.scatter.add.f32 [tilespmem:s15], [sflag:$0x8], $0x80, s14, s30, $0xb8;
	[tilespmem:$0x1FF00] =	vst v63  }
0x2c8: {  	s7 =	sadd.s32 s20, s22  }
.Ltmp6:
0x2c9: {  	s7 =	sshrl.u32 s7, $0x3;
	(pc) =	sbr.rel .LBB2_4-.Ltmp6, $4  }
0x2ca: {  	s16 =	sadd.s32 s4, s7  }
0x2cb: {  	[tilespmem:s31], [sflag:$0x2] =	stream.linear.gather [hbm4b:s16+s3], $0x40, $0x38;
	[tilespmem:$0x1FF00] =	vst v63  }
0x2cc: {  	s19 =	sadd.s32 $0x1, s19;
	s7 =	sadd.s32 s5, s7  }
0x2cd: {  	[tilespmem:s0], [sflag:$0x2] =	stream.linear.gather [hbm4b:s7+s3], $0x40, $0x38;
	[tilespmem:$0x1FF00] =	vst v63  }
.LBB2_11:
0x2ce: {  	_ =	sfence.sel $0x180000  }
0x2cf: {  	[bflag:$0x0] =	sbarrier.arrive $0xFFFF  }
0x2d0: {  	_ =	strace $0x90000047  }
0x2d1: {  	s0 =	stileid.u32;
	[bflag:$0x2] =	sbarrier.arrive $0xFFFF  }
0x2d2: {  	p0 =	sne.s32 s0, $0x0;
	s0 =	rddreg [dreg:$0x2]  }
0x2d3: {  	s0 =	sadd.s32 @!p0 $0x100000, s0  }
0x2d4: {  	[sflag:s0] =	ssyncadd.tile.s32 @!p0 $0x1;
	_ =	shalt  }
.Lfunc_end2:
_tile_overlayer_lowered:
.L_overlay_start_2:
0x2d5: {  	(tag) =	ssettag $0x2  }
0x2d6: {  	s0 =	rddreg [dreg:$0x0];
	s2 =	stileid.u32  }
0x2d7: {  	s1 =	rddreg [dreg:$0x1];
	p0 =	sne.s32 s2, $0x0  }
0x2d8: {  	s3 =	rddreg [dreg:$0x2];
	[bflag:$0x3] =	sbarrier.arrive $0xFFFF;
	s2 =	simm.s32 @!p0 $0x1C09  }
0x2d9: {  	[timem:s3], [sflag:s2] =	dma.local @!p0 [hbm:s0], s1  }
0x2da: {  	s0 =	simm.s32 @!p0 $0x9  }
0x2db: {  	_ =	swait.ge @!p0 [sflag:s0], s1  }
0x2dc: {  	s1 =	ssub.s32 @!p0 $0x0, s1;
	[sflag:s0] =	ssyncset.done @!p0 $0x0  }
0x2dd: {  	[sflag:s0] =	ssyncadd.s32 @!p0 s1  }
0x2de: {  	[bflag:$0x3] =	sbarrier.arrive $0xFFFF  }
0x2df: {  	_ =	shalt  }

</sc_bundles>
